<compile_context>
chip_gen: v7x
topology: tpu7x:2x2x1
jax: 0.10.2.dev20260603
libtpu: 0.0.44.dev20260713+nightly
codegen_flags: <defaults>
</compile_context>

<pallas_src>
import functools

import jax
import jax.numpy as jnp
from jax import lax
from jax.experimental import pallas as pl
from jax.experimental.pallas import tpu as pltpu
from jax.experimental.pallas import tpu_sc as plsc

N = 10000
NP = 10240
E = 160000
EP = 163840
D_IN = 256
HID = 512
OUT = 4
G = 16
C_IN = 16

NSL = 4
SL = 128
RPT = NP // 16
CH = 128
NCH = (EP // 16) // CH
DEG_NCH = (EP // 32) // CH

def _deg_body(dst_hbm, out_hbm, idx_v, ones_v, zrow_v, shared):
    c = lax.axis_index("c")
    s = lax.axis_index("s")
    w = s * 2 + c
    for j in range(CH // 16):
        ones_v[pl.ds(j * 16, 16)] = jnp.ones((16,), jnp.float32)
    for j in range(RPT // 16):
        zrow_v[pl.ds(j * 16, 16)] = jnp.zeros((16,), jnp.float32)
    pltpu.sync_copy(zrow_v, shared.at[pl.ds(s * RPT, RPT)])
    pltpu.sync_copy(dst_hbm.at[w], idx_v)
    plsc.subcore_barrier()

    def body(k, carry):
        pltpu.sync_copy(ones_v, shared.at[idx_v.at[k]], add=True)
        return carry

    lax.fori_loop(0, DEG_NCH, body, 0)
    plsc.subcore_barrier()
    pltpu.sync_copy(shared.at[pl.ds(s * RPT, RPT)],
                    out_hbm.at[pl.ds(c * NP + s * RPT, RPT)])


def _agg_body(hs_hbm, src_hbm, dst_hbm, out_hbm,
              gidx0, gidx1, didx0, didx1, rows0, rows1, shared,
              gsem0, gsem1, isem0, isem1):
    c = lax.axis_index("c")
    s = lax.axis_index("s")
    gidx = (gidx0, gidx1)
    didx = (didx0, didx1)
    rows = (rows0, rows1)
    gsems = (gsem0, gsem1)
    isems = (isem0, isem1)
    ebase = s * (EP // 16)

    def start_idx(k, b):
        pltpu.async_copy(src_hbm.at[pl.ds(ebase + k * CH, CH)], gidx[b],
                         isems[b])
        pltpu.async_copy(dst_hbm.at[pl.ds(ebase + k * CH, CH)], didx[b],
                         isems[b])

    def wait_idx(b):
        pltpu.make_async_copy(src_hbm.at[pl.ds(0, CH)], gidx[b],
                              isems[b]).wait()
        pltpu.make_async_copy(dst_hbm.at[pl.ds(0, CH)], didx[b],
                              isems[b]).wait()

    def start_gather(b, off):
        for j in range(CH // 16):
            gidx[b][pl.ds(j * 16, 16)] += off
        pltpu.async_copy(hs_hbm.at[gidx[b]], rows[b], gsems[b])

    def wait_gather(b):
        pltpu.make_async_copy(hs_hbm.at[pl.ds(0, CH)], rows[b],
                              gsems[b]).wait()

    for p in range(2):
        sl = p * 2 + c
        off = sl * NP
        def zbody(i, carry):
            for j in range(SL // 16):
                rows0[i, pl.ds(j * 16, 16)] = jnp.zeros((16,), jnp.float32)
            return carry
        lax.fori_loop(0, CH, zbody, 0)
        for j in range(RPT // CH):
            pltpu.sync_copy(rows0, shared.at[pl.ds(s * RPT + j * CH, CH)])
        plsc.subcore_barrier()

        start_idx(0, 0)
        start_idx(1, 1)
        wait_idx(0)
        start_gather(0, off)

        def pair(t, carry):
            for b in range(2):
                k = 2 * t + b
                b2 = 1 - b
                if b == 0:
                    wait_idx(b2)
                    start_gather(b2, off)
                else:
                    @pl.when(t < NCH // 2 - 1)
                    def _():
                        wait_idx(b2)
                        start_gather(b2, off)
                wait_gather(b)
                pltpu.sync_copy(rows[b], shared.at[didx[b]], add=True)
                @pl.when(k + 2 < NCH)
                def _():
                    start_idx(k + 2, b)
            return carry

        lax.fori_loop(0, NCH // 2, pair, 0)
        plsc.subcore_barrier()
        pltpu.sync_copy(shared.at[pl.ds(s * RPT, RPT)],
                        out_hbm.at[pl.ds(sl * NP + s * RPT, RPT)])
        plsc.subcore_barrier()


@functools.lru_cache(maxsize=None)
def _build_sc_kernels():
    mesh = plsc.VectorSubcoreMesh(core_axis_name="c", subcore_axis_name="s")
    deg_k = pl.kernel(
        _deg_body,
        mesh=mesh,
        out_type=jax.ShapeDtypeStruct((2 * NP,), jnp.float32),
        scratch_types=[
            pltpu.VMEM((DEG_NCH, CH), jnp.int32),
            pltpu.VMEM((CH,), jnp.float32),
            pltpu.VMEM((RPT,), jnp.float32),
            pltpu.VMEM_SHARED((NP,), jnp.float32),
        ],
    )
    agg_k = pl.kernel(
        _agg_body,
        mesh=mesh,
        out_type=jax.ShapeDtypeStruct((NSL * NP, SL), jnp.float32),
        scratch_types=[
            pltpu.VMEM((CH,), jnp.int32),
            pltpu.VMEM((CH,), jnp.int32),
            pltpu.VMEM((CH,), jnp.int32),
            pltpu.VMEM((CH,), jnp.int32),
            pltpu.VMEM((CH, SL), jnp.float32),
            pltpu.VMEM((CH, SL), jnp.float32),
            pltpu.VMEM_SHARED((NP, SL), jnp.float32),
            pltpu.SemaphoreType.DMA,
            pltpu.SemaphoreType.DMA,
            pltpu.SemaphoreType.DMA,
            pltpu.SemaphoreType.DMA,
        ],
    )
    return deg_k, agg_k


def _deg_sc(dstp):
    return _build_sc_kernels()[0](dstp)


def _agg_sc(hs_flat, srcp, dstp):
    return _build_sc_kernels()[1](hs_flat, srcp, dstp)


_RB = 512
_NRB = NP // _RB
_RB4 = 400


def _mm1_body(x_ref, w_ref, deg_ref, hs_ref, dinv_ref):
    d = lax.rsqrt(1.0 + deg_ref[:, 0:1] + deg_ref[:, 1:2])
    dinv_ref[...] = d
    acc = jnp.dot(x_ref[...].astype(jnp.bfloat16),
                  w_ref[...].astype(jnp.bfloat16),
                  preferred_element_type=jnp.float32)
    acc = d * acc
    for j in range(NSL):
        hs_ref[j] = acc[:, j * SL:(j + 1) * SL]


def _mm1(xp, w1, deg_t):
    return pl.pallas_call(
        _mm1_body,
        grid=(_NRB,),
        in_specs=[
            pl.BlockSpec((_RB, D_IN), lambda i: (i, 0)),
            pl.BlockSpec((D_IN, HID), lambda i: (0, 0)),
            pl.BlockSpec((_RB, 2), lambda i: (i, 0)),
        ],
        out_specs=[
            pl.BlockSpec((NSL, _RB, SL), lambda i: (0, i, 0)),
            pl.BlockSpec((_RB, 1), lambda i: (i, 0)),
        ],
        out_shape=[
            jax.ShapeDtypeStruct((NSL, NP, SL), jnp.float32),
            jax.ShapeDtypeStruct((NP, 1), jnp.float32),
        ],
    )(xp, w1, deg_t)


def _mm2_body(s_ref, hs_ref, dinv_ref, b_ref, w_ref, out_ref):
    k = pl.program_id(1)
    d = dinv_ref[...]
    h = jax.nn.relu(d * (s_ref[0] + hs_ref[0]) + b_ref[0]).astype(jnp.bfloat16)
    @pl.when(k == 0)
    def _():
        out_ref[...] = jnp.zeros_like(out_ref)
    wk = w_ref[...].astype(jnp.bfloat16)
    for j in range(NSL):
        out_ref[j] += jnp.dot(h, wk[:, j * SL:(j + 1) * SL],
                              preferred_element_type=jnp.float32)
    @pl.when(k == NSL - 1)
    def _():
        out_ref[...] *= d[None]


def _mm2(s1, hs1, dinv, b1r, w2):
    return pl.pallas_call(
        _mm2_body,
        grid=(_NRB, NSL),
        in_specs=[
            pl.BlockSpec((1, _RB, SL), lambda i, k: (k, i, 0)),
            pl.BlockSpec((1, _RB, SL), lambda i, k: (k, i, 0)),
            pl.BlockSpec((_RB, 1), lambda i, k: (i, 0)),
            pl.BlockSpec((1, 1, SL), lambda i, k: (k, 0, 0)),
            pl.BlockSpec((SL, HID), lambda i, k: (k, 0)),
        ],
        out_specs=pl.BlockSpec((NSL, _RB, SL), lambda i, k: (0, i, 0)),
        out_shape=jax.ShapeDtypeStruct((NSL, NP, SL), jnp.float32),
    )(s1, hs1, dinv, b1r, w2)


def _mm4_body(s_ref, hs_ref, dinv_ref, b_ref, wt_ref, cl_ref, we_ref,
              be_ref, wb_ref, bc1_ref, batch_ref, wc2_ref, bc2_ref, out_ref):
    d = dinv_ref[...]
    z1 = jnp.zeros((_RB4, HID), jnp.float32)
    for k in range(NSL):
        h = jax.nn.relu(d * (s_ref[k] + hs_ref[k]) + b_ref[k])
        z1 += jnp.dot(h.astype(jnp.bfloat16),
                      wt_ref[pl.ds(k * SL, SL), :].astype(jnp.bfloat16),
                      preferred_element_type=jnp.float32)
    ce = jnp.dot(cl_ref[...], we_ref[...],
                 preferred_element_type=jnp.float32) + be_ref[...]
    go = jnp.dot(ce.astype(jnp.bfloat16), wb_ref[...].astype(jnp.bfloat16),
                 preferred_element_type=jnp.float32) + bc1_ref[...]
    iota = lax.broadcasted_iota(jnp.int32, (_RB4, G), 1)
    onehot = (batch_ref[...] == iota).astype(jnp.float32)
    z1 += jnp.dot(onehot, go, preferred_element_type=jnp.float32)
    z1 = jax.nn.relu(z1)
    out_ref[...] = jnp.dot(z1.astype(jnp.bfloat16),
                           wc2_ref[...].astype(jnp.bfloat16),
                           preferred_element_type=jnp.float32) + bc2_ref[...]


def _mm4(s2, hs2, dinv, b2r, wc1_top, climber, we, be_r, wc1_bot, bc1_r,
         batch_c, wc2, bc2_r):
    return pl.pallas_call(
        _mm4_body,
        grid=(N // _RB4,),
        in_specs=[
            pl.BlockSpec((NSL, _RB4, SL), lambda i: (0, i, 0)),
            pl.BlockSpec((NSL, _RB4, SL), lambda i: (0, i, 0)),
            pl.BlockSpec((_RB4, 1), lambda i: (i, 0)),
            pl.BlockSpec((NSL, 1, SL), lambda i: (0, 0, 0)),
            pl.BlockSpec((HID, HID), lambda i: (0, 0)),
            pl.BlockSpec((G, C_IN), lambda i: (0, 0)),
            pl.BlockSpec((C_IN, HID), lambda i: (0, 0)),
            pl.BlockSpec((1, HID), lambda i: (0, 0)),
            pl.BlockSpec((HID, HID), lambda i: (0, 0)),
            pl.BlockSpec((1, HID), lambda i: (0, 0)),
            pl.BlockSpec((_RB4, 1), lambda i: (i, 0)),
            pl.BlockSpec((HID, OUT), lambda i: (0, 0)),
            pl.BlockSpec((1, OUT), lambda i: (0, 0)),
        ],
        out_specs=pl.BlockSpec((_RB4, OUT), lambda i: (i, 0)),
        out_shape=jax.ShapeDtypeStruct((N, OUT), jnp.float32),
    )(s2, hs2, dinv, b2r, wc1_top, climber, we, be_r, wc1_bot, bc1_r,
      batch_c, wc2, bc2_r)


def kernel(x, edge_index, batch, climber, W1, b1, W2, b2, We, be,
           Wc1, bc1, Wc2, bc2):
    npad = EP - E
    pad_iota = jnp.arange(npad, dtype=jnp.int32) % 16
    srcp = jnp.concatenate([edge_index[0], pad_iota])
    dstp = jnp.concatenate([edge_index[1], N + pad_iota])
    dst32 = dstp.reshape(32, DEG_NCH, CH)

    deg_flat = _deg_sc(dst32)
    deg_t = deg_flat.reshape(2, NP).T

    xp = jnp.pad(x, ((0, NP - N), (0, 0)))
    hs1, dinv = _mm1(xp, W1, deg_t)

    s1 = _agg_sc(hs1.reshape(NSL * NP, SL), srcp, dstp).reshape(NSL, NP, SL)

    b1r = b1.reshape(NSL, 1, SL)
    hs2 = _mm2(s1, hs1, dinv, b1r, W2)

    s2 = _agg_sc(hs2.reshape(NSL * NP, SL), srcp, dstp).reshape(NSL, NP, SL)

    b2r = b2.reshape(NSL, 1, SL)
    out = _mm4(s2, hs2, dinv, b2r, Wc1[:HID], climber, We,
               be.reshape(1, HID), Wc1[HID:], bc1.reshape(1, HID),
               batch.reshape(N, 1), Wc2, bc2.reshape(1, OUT))
    return out

# --- scband reference (transcript-rebuilt; emitter-appended) ---
"""Pipeline reference for scband-reachability-gnn-14817637171410 (READ-ONLY COPY).

The authoritative reference and input builder live on the scoring server;
editing this copy changes nothing except your own understanding.
"""

import jax, jax.numpy as jnp
import numpy as np

N = 10000
E = 160000
D_IN = 256
HID = 512
OUT = 4
C_IN = 16
G = 16


def setup_inputs(seed: int = 0) -> dict:
    key = jax.random.key(seed)
    ks = jax.random.split(key, 16)
    x = jax.random.normal(ks[0], (N, D_IN), dtype=jnp.float32)
    edge_index = jax.random.randint(ks[1], (2, E), 0, N, dtype=jnp.int32)
    batch = jnp.sort(jax.random.randint(ks[2], (N,), 0, G, dtype=jnp.int32))
    climber = jax.random.normal(ks[3], (G, C_IN), dtype=jnp.float32)
    # learned parameters (glorot-ish scaling)
    W1 = jax.random.normal(ks[4], (D_IN, HID), dtype=jnp.float32) / np.sqrt(D_IN)
    b1 = jnp.zeros((HID,), dtype=jnp.float32)
    W2 = jax.random.normal(ks[5], (HID, HID), dtype=jnp.float32) / np.sqrt(HID)
    b2 = jnp.zeros((HID,), dtype=jnp.float32)
    We = jax.random.normal(ks[6], (C_IN, HID), dtype=jnp.float32) / np.sqrt(C_IN)
    be = jnp.zeros((HID,), dtype=jnp.float32)
    Wc1 = jax.random.normal(ks[7], (2 * HID, HID), dtype=jnp.float32) / np.sqrt(2 * HID)
    bc1 = jnp.zeros((HID,), dtype=jnp.float32)
    Wc2 = jax.random.normal(ks[8], (HID, OUT), dtype=jnp.float32) / np.sqrt(HID)
    bc2 = jnp.zeros((OUT,), dtype=jnp.float32)
    return {"x": x, "edge_index": edge_index, "batch": batch, "climber": climber,
            "W1": W1, "b1": b1, "W2": W2, "b2": b2, "We": We, "be": be,
            "Wc1": Wc1, "bc1": bc1, "Wc2": Wc2, "bc2": bc2}


def _gcn_conv(x, src, dst, W, b):
    # PyG GCNConv: x @ W, symmetric normalization with self-loops, scatter-add, + bias
    n = x.shape[0]
    h = x @ W
    deg = jnp.zeros((n,), dtype=h.dtype).at[dst].add(1.0)
    dinv = jnp.where(deg > 0, jax.lax.rsqrt(deg), 0.0)
    norm = dinv[src] * dinv[dst]
    out = jnp.zeros_like(h).at[dst].add(norm[:, None] * h[src, :])
    return out + b


def reference(x, edge_index, batch, climber, W1, b1, W2, b2, We, be, Wc1, bc1, Wc2, bc2):
    n = x.shape[0]
    loop = jnp.arange(n, dtype=edge_index.dtype)
    src = jnp.concatenate([edge_index[0], loop])
    dst = jnp.concatenate([edge_index[1], loop])
    h = jax.nn.relu(_gcn_conv(x, src, dst, W1, b1))
    h = jax.nn.relu(_gcn_conv(h, src, dst, W2, b2))
    climber_embed = climber @ We + be
    climber_per_node = climber_embed[batch]
    z = jnp.concatenate([h, climber_per_node], axis=1)
    z = jax.nn.relu(z @ Wc1 + bc1)
    return z @ Wc2 + bc2

if __name__ == "__main__":
    import jax
    _d = setup_inputs()
    print(jax.jit(kernel)(*tuple(_d.values())))

</pallas_src>

<mosaic_0001>
#map = affine_map<(d0, d1) -> (0, 0)>
#map1 = affine_map<(d0, d1) -> (0)>
module attributes {stable_mosaic.version = 14 : i64} {
  func.func @_agg_body(%arg0: i32, %arg1: i32, %arg2: memref<40960x128xf32, #tpu.memory_space<hbm>>, %arg3: memref<163840xi32, #tpu.memory_space<hbm>>, %arg4: memref<163840xi32, #tpu.memory_space<hbm>>, %arg5: memref<40960x128xf32, #tpu.memory_space<hbm>>, %arg6: memref<128xi32, #tpu.memory_space<vmem>>, %arg7: memref<128xi32, #tpu.memory_space<vmem>>, %arg8: memref<128xi32, #tpu.memory_space<vmem>>, %arg9: memref<128xi32, #tpu.memory_space<vmem>>, %arg10: memref<128x128xf32, #tpu.memory_space<vmem>>, %arg11: memref<128x128xf32, #tpu.memory_space<vmem>>, %arg12: memref<10240x128xf32, #tpu.memory_space<vmem_shared>>, %arg13: memref<!tpu.dma_semaphore, #tpu.memory_space<semaphore_mem>>, %arg14: memref<!tpu.dma_semaphore, #tpu.memory_space<semaphore_mem>>, %arg15: memref<!tpu.dma_semaphore, #tpu.memory_space<semaphore_mem>>, %arg16: memref<!tpu.dma_semaphore, #tpu.memory_space<semaphore_mem>>) attributes {dimension_semantics = [#tpu.dimension_semantics<core_parallel>, #tpu.dimension_semantics<subcore_parallel>], iteration_bounds = array<i64: 2, 16>, scalar_prefetch = 0 : i64, scratch_operands = 11 : i64, tpu.core_type = #tpu.core_type<sc_vector_subcore>, window_params = [{transform_indices = #map}, {transform_indices = #map1}, {transform_indices = #map1}, {transform_indices = #map}]} {
    %mul3A = arith.constant 10240 : i32
    %mul3A_0 = arith.muli %arg1, %mul3A : i32
    %add3A = arith.constant 0 : i32
    %add3A_1 = arith.addi %add3A, %arg0 : i32
    %mul3A_2 = arith.constant 10240 : i32
    %mul3A_3 = arith.muli %add3A_1, %mul3A_2 : i32
    %scan3A = arith.constant 0 : i32
    %scan3A_4 = arith.constant 0 : i32
    %scan3A_5 = arith.constant 128 : i32
    %scan3A_6 = arith.addi %scan3A_4, %scan3A_5 : i32
    %scan3A_7 = arith.constant 1 : i32
    scf.for %scan3A_284 = %scan3A_4 to %scan3A_6 step %scan3A_7  : i32 {
      %broadcast_in_dim3A = arith.constant 0.000000e+00 : f32
      %broadcast_in_dim3A_285 = vector.broadcast %broadcast_in_dim3A : f32 to vector<16xf32>
      %swap3A_286 = arith.index_cast %scan3A_284 : i32 to index
      %swap3A_287 = arith.constant 0 : index
      %swap3A_288 = tpu.vector_load %arg10[%swap3A_286, %swap3A_287] {strides = array<i32>} : memref<128x128xf32, #tpu.memory_space<vmem>>, vector<1x16xf32>,
      %swap3A_289 = vector.shape_cast %swap3A_288 : vector<1x16xf32> to vector<16xf32>
      %swap3A_290 = vector.shape_cast %broadcast_in_dim3A_285 : vector<16xf32> to vector<1x16xf32>
      tpu.vector_store %arg10[%swap3A_286, %swap3A_287], %swap3A_290 {strides = array<i32>} : memref<128x128xf32, #tpu.memory_space<vmem>>, vector<1x16xf32>,
      %broadcast_in_dim3A_291 = arith.constant 0.000000e+00 : f32
      %broadcast_in_dim3A_292 = vector.broadcast %broadcast_in_dim3A_291 : f32 to vector<16xf32>
      %swap3A_293 = arith.index_cast %scan3A_284 : i32 to index
      %swap3A_294 = arith.constant 16 : index
      %swap3A_295 = tpu.vector_load %arg10[%swap3A_293, %swap3A_294] {strides = array<i32>} : memref<128x128xf32, #tpu.memory_space<vmem>>, vector<1x16xf32>,
      %swap3A_296 = vector.shape_cast %swap3A_295 : vector<1x16xf32> to vector<16xf32>
      %swap3A_297 = vector.shape_cast %broadcast_in_dim3A_292 : vector<16xf32> to vector<1x16xf32>
      tpu.vector_store %arg10[%swap3A_293, %swap3A_294], %swap3A_297 {strides = array<i32>} : memref<128x128xf32, #tpu.memory_space<vmem>>, vector<1x16xf32>,
      %broadcast_in_dim3A_298 = arith.constant 0.000000e+00 : f32
      %broadcast_in_dim3A_299 = vector.broadcast %broadcast_in_dim3A_298 : f32 to vector<16xf32>
      %swap3A_300 = arith.index_cast %scan3A_284 : i32 to index
      %swap3A_301 = arith.constant 32 : index
      %swap3A_302 = tpu.vector_load %arg10[%swap3A_300, %swap3A_301] {strides = array<i32>} : memref<128x128xf32, #tpu.memory_space<vmem>>, vector<1x16xf32>,
      %swap3A_303 = vector.shape_cast %swap3A_302 : vector<1x16xf32> to vector<16xf32>
      %swap3A_304 = vector.shape_cast %broadcast_in_dim3A_299 : vector<16xf32> to vector<1x16xf32>
      tpu.vector_store %arg10[%swap3A_300, %swap3A_301], %swap3A_304 {strides = array<i32>} : memref<128x128xf32, #tpu.memory_space<vmem>>, vector<1x16xf32>,
      %broadcast_in_dim3A_305 = arith.constant 0.000000e+00 : f32
      %broadcast_in_dim3A_306 = vector.broadcast %broadcast_in_dim3A_305 : f32 to vector<16xf32>
      %swap3A_307 = arith.index_cast %scan3A_284 : i32 to index
      %swap3A_308 = arith.constant 48 : index
      %swap3A_309 = tpu.vector_load %arg10[%swap3A_307, %swap3A_308] {strides = array<i32>} : memref<128x128xf32, #tpu.memory_space<vmem>>, vector<1x16xf32>,
      %swap3A_310 = vector.shape_cast %swap3A_309 : vector<1x16xf32> to vector<16xf32>
      %swap3A_311 = vector.shape_cast %broadcast_in_dim3A_306 : vector<16xf32> to vector<1x16xf32>
      tpu.vector_store %arg10[%swap3A_307, %swap3A_308], %swap3A_311 {strides = array<i32>} : memref<128x128xf32, #tpu.memory_space<vmem>>, vector<1x16xf32>,
      %broadcast_in_dim3A_312 = arith.constant 0.000000e+00 : f32
      %broadcast_in_dim3A_313 = vector.broadcast %broadcast_in_dim3A_312 : f32 to vector<16xf32>
      %swap3A_314 = arith.index_cast %scan3A_284 : i32 to index
      %swap3A_315 = arith.constant 64 : index
      %swap3A_316 = tpu.vector_load %arg10[%swap3A_314, %swap3A_315] {strides = array<i32>} : memref<128x128xf32, #tpu.memory_space<vmem>>, vector<1x16xf32>,
      %swap3A_317 = vector.shape_cast %swap3A_316 : vector<1x16xf32> to vector<16xf32>
      %swap3A_318 = vector.shape_cast %broadcast_in_dim3A_313 : vector<16xf32> to vector<1x16xf32>
      tpu.vector_store %arg10[%swap3A_314, %swap3A_315], %swap3A_318 {strides = array<i32>} : memref<128x128xf32, #tpu.memory_space<vmem>>, vector<1x16xf32>,
      %broadcast_in_dim3A_319 = arith.constant 0.000000e+00 : f32
      %broadcast_in_dim3A_320 = vector.broadcast %broadcast_in_dim3A_319 : f32 to vector<16xf32>
      %swap3A_321 = arith.index_cast %scan3A_284 : i32 to index
      %swap3A_322 = arith.constant 80 : index
      %swap3A_323 = tpu.vector_load %arg10[%swap3A_321, %swap3A_322] {strides = array<i32>} : memref<128x128xf32, #tpu.memory_space<vmem>>, vector<1x16xf32>,
      %swap3A_324 = vector.shape_cast %swap3A_323 : vector<1x16xf32> to vector<16xf32>
      %swap3A_325 = vector.shape_cast %broadcast_in_dim3A_320 : vector<16xf32> to vector<1x16xf32>
      tpu.vector_store %arg10[%swap3A_321, %swap3A_322], %swap3A_325 {strides = array<i32>} : memref<128x128xf32, #tpu.memory_space<vmem>>, vector<1x16xf32>,
      %broadcast_in_dim3A_326 = arith.constant 0.000000e+00 : f32
      %broadcast_in_dim3A_327 = vector.broadcast %broadcast_in_dim3A_326 : f32 to vector<16xf32>
      %swap3A_328 = arith.index_cast %scan3A_284 : i32 to index
      %swap3A_329 = arith.constant 96 : index
      %swap3A_330 = tpu.vector_load %arg10[%swap3A_328, %swap3A_329] {strides = array<i32>} : memref<128x128xf32, #tpu.memory_space<vmem>>, vector<1x16xf32>,
      %swap3A_331 = vector.shape_cast %swap3A_330 : vector<1x16xf32> to vector<16xf32>
      %swap3A_332 = vector.shape_cast %broadcast_in_dim3A_327 : vector<16xf32> to vector<1x16xf32>
      tpu.vector_store %arg10[%swap3A_328, %swap3A_329], %swap3A_332 {strides = array<i32>} : memref<128x128xf32, #tpu.memory_space<vmem>>, vector<1x16xf32>,
      %broadcast_in_dim3A_333 = arith.constant 0.000000e+00 : f32
      %broadcast_in_dim3A_334 = vector.broadcast %broadcast_in_dim3A_333 : f32 to vector<16xf32>
      %swap3A_335 = arith.index_cast %scan3A_284 : i32 to index
      %swap3A_336 = arith.constant 112 : index
      %swap3A_337 = tpu.vector_load %arg10[%swap3A_335, %swap3A_336] {strides = array<i32>} : memref<128x128xf32, #tpu.memory_space<vmem>>, vector<1x16xf32>,
      %swap3A_338 = vector.shape_cast %swap3A_337 : vector<1x16xf32> to vector<16xf32>
      %swap3A_339 = vector.shape_cast %broadcast_in_dim3A_334 : vector<16xf32> to vector<1x16xf32>
      tpu.vector_store %arg10[%swap3A_335, %swap3A_336], %swap3A_339 {strides = array<i32>} : memref<128x128xf32, #tpu.memory_space<vmem>>, vector<1x16xf32>,
    }
    %scan3A_8 = arith.constant 128 : i32
    %mul3A_9 = arith.constant 640 : i32
    %mul3A_10 = arith.muli %arg1, %mul3A_9 : i32
    %add3A_11 = arith.constant 0 : i32
    %add3A_12 = arith.addi %mul3A_10, %add3A_11 : i32
    "tpu.region"() ({
      %run_scoped3A = tpu.sem_alloc : memref<!tpu.dma_semaphore, #tpu.memory_space<semaphore_mem>>
      %dma_start3A_284 = arith.constant 0 : i32
      %dma_start3A_285 = tpu.memref_slice %arg12[%add3A_12, %dma_start3A_284] : memref<10240x128xf32, #tpu.memory_space<vmem_shared>> -> memref<128x128xf32, #tpu.memory_space<vmem_shared>>
      %dma_start3A_286 = arith.constant 0 : i32
      %dma_start3A_287 = tpu.memref_slice %arg12[%add3A_12, %dma_start3A_286] : memref<10240x128xf32, #tpu.memory_space<vmem_shared>> -> memref<128x128xf32, #tpu.memory_space<vmem_shared>>
      tpu.enqueue_dma source(%arg10 : memref<128x128xf32, #tpu.memory_space<vmem>>) target(%dma_start3A_287 : memref<128x128xf32, #tpu.memory_space<vmem_shared>>) target_semaphore(%run_scoped3A : memref<!tpu.dma_semaphore, #tpu.memory_space<semaphore_mem>>)
      %dma_wait3A_288 = arith.constant 0 : i32
      %dma_wait3A_289 = tpu.memref_slice %arg12[%add3A_12, %dma_wait3A_288] : memref<10240x128xf32, #tpu.memory_space<vmem_shared>> -> memref<128x128xf32, #tpu.memory_space<vmem_shared>>
      %dma_wait3A_290 = arith.constant 0 : i32
      %dma_wait3A_291 = tpu.memref_slice %arg12[%add3A_12, %dma_wait3A_290] : memref<10240x128xf32, #tpu.memory_space<vmem_shared>> -> memref<128x128xf32, #tpu.memory_space<vmem_shared>>
      tpu.wait_dma2 semaphore(%run_scoped3A : memref<!tpu.dma_semaphore, #tpu.memory_space<semaphore_mem>>) src(%arg10 : memref<128x128xf32, #tpu.memory_space<vmem>>) dst(%dma_wait3A_291 : memref<128x128xf32, #tpu.memory_space<vmem_shared>>)
      tpu.yield
    }) : () -> ()
    %mul3A_13 = arith.constant 640 : i32
    %mul3A_14 = arith.muli %arg1, %mul3A_13 : i32
    %add3A_15 = arith.constant 128 : i32
    %add3A_16 = arith.addi %mul3A_14, %add3A_15 : i32
    "tpu.region"() ({
      %run_scoped3A = tpu.sem_alloc : memref<!tpu.dma_semaphore, #tpu.memory_space<semaphore_mem>>
      %dma_start3A_284 = arith.constant 0 : i32
      %dma_start3A_285 = tpu.memref_slice %arg12[%add3A_16, %dma_start3A_284] : memref<10240x128xf32, #tpu.memory_space<vmem_shared>> -> memref<128x128xf32, #tpu.memory_space<vmem_shared>>
      %dma_start3A_286 = arith.constant 0 : i32
      %dma_start3A_287 = tpu.memref_slice %arg12[%add3A_16, %dma_start3A_286] : memref<10240x128xf32, #tpu.memory_space<vmem_shared>> -> memref<128x128xf32, #tpu.memory_space<vmem_shared>>
      tpu.enqueue_dma source(%arg10 : memref<128x128xf32, #tpu.memory_space<vmem>>) target(%dma_start3A_287 : memref<128x128xf32, #tpu.memory_space<vmem_shared>>) target_semaphore(%run_scoped3A : memref<!tpu.dma_semaphore, #tpu.memory_space<semaphore_mem>>)
      %dma_wait3A_288 = arith.constant 0 : i32
      %dma_wait3A_289 = tpu.memref_slice %arg12[%add3A_16, %dma_wait3A_288] : memref<10240x128xf32, #tpu.memory_space<vmem_shared>> -> memref<128x128xf32, #tpu.memory_space<vmem_shared>>
      %dma_wait3A_290 = arith.constant 0 : i32
      %dma_wait3A_291 = tpu.memref_slice %arg12[%add3A_16, %dma_wait3A_290] : memref<10240x128xf32, #tpu.memory_space<vmem_shared>> -> memref<128x128xf32, #tpu.memory_space<vmem_shared>>
      tpu.wait_dma2 semaphore(%run_scoped3A : memref<!tpu.dma_semaphore, #tpu.memory_space<semaphore_mem>>) src(%arg10 : memref<128x128xf32, #tpu.memory_space<vmem>>) dst(%dma_wait3A_291 : memref<128x128xf32, #tpu.memory_space<vmem_shared>>)
      tpu.yield
    }) : () -> ()
    %mul3A_17 = arith.constant 640 : i32
    %mul3A_18 = arith.muli %arg1, %mul3A_17 : i32
    %add3A_19 = arith.constant 256 : i32
    %add3A_20 = arith.addi %mul3A_18, %add3A_19 : i32
    "tpu.region"() ({
      %run_scoped3A = tpu.sem_alloc : memref<!tpu.dma_semaphore, #tpu.memory_space<semaphore_mem>>
      %dma_start3A_284 = arith.constant 0 : i32
      %dma_start3A_285 = tpu.memref_slice %arg12[%add3A_20, %dma_start3A_284] : memref<10240x128xf32, #tpu.memory_space<vmem_shared>> -> memref<128x128xf32, #tpu.memory_space<vmem_shared>>
      %dma_start3A_286 = arith.constant 0 : i32
      %dma_start3A_287 = tpu.memref_slice %arg12[%add3A_20, %dma_start3A_286] : memref<10240x128xf32, #tpu.memory_space<vmem_shared>> -> memref<128x128xf32, #tpu.memory_space<vmem_shared>>
      tpu.enqueue_dma source(%arg10 : memref<128x128xf32, #tpu.memory_space<vmem>>) target(%dma_start3A_287 : memref<128x128xf32, #tpu.memory_space<vmem_shared>>) target_semaphore(%run_scoped3A : memref<!tpu.dma_semaphore, #tpu.memory_space<semaphore_mem>>)
      %dma_wait3A_288 = arith.constant 0 : i32
      %dma_wait3A_289 = tpu.memref_slice %arg12[%add3A_20, %dma_wait3A_288] : memref<10240x128xf32, #tpu.memory_space<vmem_shared>> -> memref<128x128xf32, #tpu.memory_space<vmem_shared>>
      %dma_wait3A_290 = arith.constant 0 : i32
      %dma_wait3A_291 = tpu.memref_slice %arg12[%add3A_20, %dma_wait3A_290] : memref<10240x128xf32, #tpu.memory_space<vmem_shared>> -> memref<128x128xf32, #tpu.memory_space<vmem_shared>>
      tpu.wait_dma2 semaphore(%run_scoped3A : memref<!tpu.dma_semaphore, #tpu.memory_space<semaphore_mem>>) src(%arg10 : memref<128x128xf32, #tpu.memory_space<vmem>>) dst(%dma_wait3A_291 : memref<128x128xf32, #tpu.memory_space<vmem_shared>>)
      tpu.yield
    }) : () -> ()
    %mul3A_21 = arith.constant 640 : i32
    %mul3A_22 = arith.muli %arg1, %mul3A_21 : i32
    %add3A_23 = arith.constant 384 : i32
    %add3A_24 = arith.addi %mul3A_22, %add3A_23 : i32
    "tpu.region"() ({
      %run_scoped3A = tpu.sem_alloc : memref<!tpu.dma_semaphore, #tpu.memory_space<semaphore_mem>>
      %dma_start3A_284 = arith.constant 0 : i32
      %dma_start3A_285 = tpu.memref_slice %arg12[%add3A_24, %dma_start3A_284] : memref<10240x128xf32, #tpu.memory_space<vmem_shared>> -> memref<128x128xf32, #tpu.memory_space<vmem_shared>>
      %dma_start3A_286 = arith.constant 0 : i32
      %dma_start3A_287 = tpu.memref_slice %arg12[%add3A_24, %dma_start3A_286] : memref<10240x128xf32, #tpu.memory_space<vmem_shared>> -> memref<128x128xf32, #tpu.memory_space<vmem_shared>>
      tpu.enqueue_dma source(%arg10 : memref<128x128xf32, #tpu.memory_space<vmem>>) target(%dma_start3A_287 : memref<128x128xf32, #tpu.memory_space<vmem_shared>>) target_semaphore(%run_scoped3A : memref<!tpu.dma_semaphore, #tpu.memory_space<semaphore_mem>>)
      %dma_wait3A_288 = arith.constant 0 : i32
      %dma_wait3A_289 = tpu.memref_slice %arg12[%add3A_24, %dma_wait3A_288] : memref<10240x128xf32, #tpu.memory_space<vmem_shared>> -> memref<128x128xf32, #tpu.memory_space<vmem_shared>>
      %dma_wait3A_290 = arith.constant 0 : i32
      %dma_wait3A_291 = tpu.memref_slice %arg12[%add3A_24, %dma_wait3A_290] : memref<10240x128xf32, #tpu.memory_space<vmem_shared>> -> memref<128x128xf32, #tpu.memory_space<vmem_shared>>
      tpu.wait_dma2 semaphore(%run_scoped3A : memref<!tpu.dma_semaphore, #tpu.memory_space<semaphore_mem>>) src(%arg10 : memref<128x128xf32, #tpu.memory_space<vmem>>) dst(%dma_wait3A_291 : memref<128x128xf32, #tpu.memory_space<vmem_shared>>)
      tpu.yield
    }) : () -> ()
    %mul3A_25 = arith.constant 640 : i32
    %mul3A_26 = arith.muli %arg1, %mul3A_25 : i32
    %add3A_27 = arith.constant 512 : i32
    %add3A_28 = arith.addi %mul3A_26, %add3A_27 : i32
    "tpu.region"() ({
      %run_scoped3A = tpu.sem_alloc : memref<!tpu.dma_semaphore, #tpu.memory_space<semaphore_mem>>
      %dma_start3A_284 = arith.constant 0 : i32
      %dma_start3A_285 = tpu.memref_slice %arg12[%add3A_28, %dma_start3A_284] : memref<10240x128xf32, #tpu.memory_space<vmem_shared>> -> memref<128x128xf32, #tpu.memory_space<vmem_shared>>
      %dma_start3A_286 = arith.constant 0 : i32
      %dma_start3A_287 = tpu.memref_slice %arg12[%add3A_28, %dma_start3A_286] : memref<10240x128xf32, #tpu.memory_space<vmem_shared>> -> memref<128x128xf32, #tpu.memory_space<vmem_shared>>
      tpu.enqueue_dma source(%arg10 : memref<128x128xf32, #tpu.memory_space<vmem>>) target(%dma_start3A_287 : memref<128x128xf32, #tpu.memory_space<vmem_shared>>) target_semaphore(%run_scoped3A : memref<!tpu.dma_semaphore, #tpu.memory_space<semaphore_mem>>)
      %dma_wait3A_288 = arith.constant 0 : i32
      %dma_wait3A_289 = tpu.memref_slice %arg12[%add3A_28, %dma_wait3A_288] : memref<10240x128xf32, #tpu.memory_space<vmem_shared>> -> memref<128x128xf32, #tpu.memory_space<vmem_shared>>
      %dma_wait3A_290 = arith.constant 0 : i32
      %dma_wait3A_291 = tpu.memref_slice %arg12[%add3A_28, %dma_wait3A_290] : memref<10240x128xf32, #tpu.memory_space<vmem_shared>> -> memref<128x128xf32, #tpu.memory_space<vmem_shared>>
      tpu.wait_dma2 semaphore(%run_scoped3A : memref<!tpu.dma_semaphore, #tpu.memory_space<semaphore_mem>>) src(%arg10 : memref<128x128xf32, #tpu.memory_space<vmem>>) dst(%dma_wait3A_291 : memref<128x128xf32, #tpu.memory_space<vmem_shared>>)
      tpu.yield
    }) : () -> ()
    %barrier3A = arith.constant 0 : index
    tpu.barrier barrier_id(%barrier3A)
    %add3A_29 = arith.constant 0 : i32
    %add3A_30 = arith.addi %mul3A_0, %add3A_29 : i32
    %dma_start3A = tpu.memref_slice %arg3[%add3A_30] : memref<163840xi32, #tpu.memory_space<hbm>> -> memref<128xi32, #tpu.memory_space<hbm>>
    %dma_start3A_31 = tpu.memref_slice %arg3[%add3A_30] : memref<163840xi32, #tpu.memory_space<hbm>> -> memref<128xi32, #tpu.memory_space<hbm>>
    tpu.enqueue_dma source(%dma_start3A_31 : memref<128xi32, #tpu.memory_space<hbm>>) target(%arg6 : memref<128xi32, #tpu.memory_space<vmem>>) target_semaphore(%arg15 : memref<!tpu.dma_semaphore, #tpu.memory_space<semaphore_mem>>)
    %add3A_32 = arith.constant 0 : i32
    %add3A_33 = arith.addi %mul3A_0, %add3A_32 : i32
    %dma_start3A_34 = tpu.memref_slice %arg4[%add3A_33] : memref<163840xi32, #tpu.memory_space<hbm>> -> memref<128xi32, #tpu.memory_space<hbm>>
    %dma_start3A_35 = tpu.memref_slice %arg4[%add3A_33] : memref<163840xi32, #tpu.memory_space<hbm>> -> memref<128xi32, #tpu.memory_space<hbm>>
    tpu.enqueue_dma source(%dma_start3A_35 : memref<128xi32, #tpu.memory_space<hbm>>) target(%arg8 : memref<128xi32, #tpu.memory_space<vmem>>) target_semaphore(%arg15 : memref<!tpu.dma_semaphore, #tpu.memory_space<semaphore_mem>>)
    %add3A_36 = arith.constant 128 : i32
    %add3A_37 = arith.addi %mul3A_0, %add3A_36 : i32
    %dma_start3A_38 = tpu.memref_slice %arg3[%add3A_37] : memref<163840xi32, #tpu.memory_space<hbm>> -> memref<128xi32, #tpu.memory_space<hbm>>
    %dma_start3A_39 = tpu.memref_slice %arg3[%add3A_37] : memref<163840xi32, #tpu.memory_space<hbm>> -> memref<128xi32, #tpu.memory_space<hbm>>
    tpu.enqueue_dma source(%dma_start3A_39 : memref<128xi32, #tpu.memory_space<hbm>>) target(%arg7 : memref<128xi32, #tpu.memory_space<vmem>>) target_semaphore(%arg16 : memref<!tpu.dma_semaphore, #tpu.memory_space<semaphore_mem>>)
    %add3A_40 = arith.constant 128 : i32
    %add3A_41 = arith.addi %mul3A_0, %add3A_40 : i32
    %dma_start3A_42 = tpu.memref_slice %arg4[%add3A_41] : memref<163840xi32, #tpu.memory_space<hbm>> -> memref<128xi32, #tpu.memory_space<hbm>>
    %dma_start3A_43 = tpu.memref_slice %arg4[%add3A_41] : memref<163840xi32, #tpu.memory_space<hbm>> -> memref<128xi32, #tpu.memory_space<hbm>>
    tpu.enqueue_dma source(%dma_start3A_43 : memref<128xi32, #tpu.memory_space<hbm>>) target(%arg9 : memref<128xi32, #tpu.memory_space<vmem>>) target_semaphore(%arg16 : memref<!tpu.dma_semaphore, #tpu.memory_space<semaphore_mem>>)
    %dma_wait3A = arith.constant 0 : i32
    %dma_wait3A_44 = tpu.memref_slice %arg3[%dma_wait3A] : memref<163840xi32, #tpu.memory_space<hbm>> -> memref<128xi32, #tpu.memory_space<hbm>>
    %dma_wait3A_45 = arith.constant 0 : i32
    %dma_wait3A_46 = tpu.memref_slice %arg3[%dma_wait3A_45] : memref<163840xi32, #tpu.memory_space<hbm>> -> memref<128xi32, #tpu.memory_space<hbm>>
    tpu.wait_dma2 semaphore(%arg15 : memref<!tpu.dma_semaphore, #tpu.memory_space<semaphore_mem>>) src(%dma_wait3A_46 : memref<128xi32, #tpu.memory_space<hbm>>) dst(%arg6 : memref<128xi32, #tpu.memory_space<vmem>>)
    %dma_wait3A_47 = arith.constant 0 : i32
    %dma_wait3A_48 = tpu.memref_slice %arg4[%dma_wait3A_47] : memref<163840xi32, #tpu.memory_space<hbm>> -> memref<128xi32, #tpu.memory_space<hbm>>
    %dma_wait3A_49 = arith.constant 0 : i32
    %dma_wait3A_50 = tpu.memref_slice %arg4[%dma_wait3A_49] : memref<163840xi32, #tpu.memory_space<hbm>> -> memref<128xi32, #tpu.memory_space<hbm>>
    tpu.wait_dma2 semaphore(%arg15 : memref<!tpu.dma_semaphore, #tpu.memory_space<semaphore_mem>>) src(%dma_wait3A_50 : memref<128xi32, #tpu.memory_space<hbm>>) dst(%arg8 : memref<128xi32, #tpu.memory_space<vmem>>)
    %get3A = arith.constant 0 : index
    %get3A_51 = tpu.vector_load %arg6[%get3A] {strides = array<i32>} : memref<128xi32, #tpu.memory_space<vmem>>, vector<16xi32>,
    %get3A_52 = vector.shape_cast %get3A_51 : vector<16xi32> to vector<16xi32>
    %add3A_53 = vector.broadcast %mul3A_3 : i32 to vector<16xi32>
    %add3A_54 = arith.addi %get3A_52, %add3A_53 : vector<16xi32>
    %swap3A = arith.constant 0 : index
    %swap3A_55 = tpu.vector_load %arg6[%swap3A] {strides = array<i32>} : memref<128xi32, #tpu.memory_space<vmem>>, vector<16xi32>,
    %swap3A_56 = vector.shape_cast %swap3A_55 : vector<16xi32> to vector<16xi32>
    %swap3A_57 = vector.shape_cast %add3A_54 : vector<16xi32> to vector<16xi32>
    tpu.vector_store %arg6[%swap3A], %swap3A_57 {strides = array<i32>} : memref<128xi32, #tpu.memory_space<vmem>>, vector<16xi32>,
    %get3A_58 = arith.constant 16 : index
    %get3A_59 = tpu.vector_load %arg6[%get3A_58] {strides = array<i32>} : memref<128xi32, #tpu.memory_space<vmem>>, vector<16xi32>,
    %get3A_60 = vector.shape_cast %get3A_59 : vector<16xi32> to vector<16xi32>
    %add3A_61 = vector.broadcast %mul3A_3 : i32 to vector<16xi32>
    %add3A_62 = arith.addi %get3A_60, %add3A_61 : vector<16xi32>
    %swap3A_63 = arith.constant 16 : index
    %swap3A_64 = tpu.vector_load %arg6[%swap3A_63] {strides = array<i32>} : memref<128xi32, #tpu.memory_space<vmem>>, vector<16xi32>,
    %swap3A_65 = vector.shape_cast %swap3A_64 : vector<16xi32> to vector<16xi32>
    %swap3A_66 = vector.shape_cast %add3A_62 : vector<16xi32> to vector<16xi32>
    tpu.vector_store %arg6[%swap3A_63], %swap3A_66 {strides = array<i32>} : memref<128xi32, #tpu.memory_space<vmem>>, vector<16xi32>,
    %get3A_67 = arith.constant 32 : index
    %get3A_68 = tpu.vector_load %arg6[%get3A_67] {strides = array<i32>} : memref<128xi32, #tpu.memory_space<vmem>>, vector<16xi32>,
    %get3A_69 = vector.shape_cast %get3A_68 : vector<16xi32> to vector<16xi32>
    %add3A_70 = vector.broadcast %mul3A_3 : i32 to vector<16xi32>
    %add3A_71 = arith.addi %get3A_69, %add3A_70 : vector<16xi32>
    %swap3A_72 = arith.constant 32 : index
    %swap3A_73 = tpu.vector_load %arg6[%swap3A_72] {strides = array<i32>} : memref<128xi32, #tpu.memory_space<vmem>>, vector<16xi32>,
    %swap3A_74 = vector.shape_cast %swap3A_73 : vector<16xi32> to vector<16xi32>
    %swap3A_75 = vector.shape_cast %add3A_71 : vector<16xi32> to vector<16xi32>
    tpu.vector_store %arg6[%swap3A_72], %swap3A_75 {strides = array<i32>} : memref<128xi32, #tpu.memory_space<vmem>>, vector<16xi32>,
    %get3A_76 = arith.constant 48 : index
    %get3A_77 = tpu.vector_load %arg6[%get3A_76] {strides = array<i32>} : memref<128xi32, #tpu.memory_space<vmem>>, vector<16xi32>,
    %get3A_78 = vector.shape_cast %get3A_77 : vector<16xi32> to vector<16xi32>
    %add3A_79 = vector.broadcast %mul3A_3 : i32 to vector<16xi32>
    %add3A_80 = arith.addi %get3A_78, %add3A_79 : vector<16xi32>
    %swap3A_81 = arith.constant 48 : index
    %swap3A_82 = tpu.vector_load %arg6[%swap3A_81] {strides = array<i32>} : memref<128xi32, #tpu.memory_space<vmem>>, vector<16xi32>,
    %swap3A_83 = vector.shape_cast %swap3A_82 : vector<16xi32> to vector<16xi32>
    %swap3A_84 = vector.shape_cast %add3A_80 : vector<16xi32> to vector<16xi32>
    tpu.vector_store %arg6[%swap3A_81], %swap3A_84 {strides = array<i32>} : memref<128xi32, #tpu.memory_space<vmem>>, vector<16xi32>,
    %get3A_85 = arith.constant 64 : index
    %get3A_86 = tpu.vector_load %arg6[%get3A_85] {strides = array<i32>} : memref<128xi32, #tpu.memory_space<vmem>>, vector<16xi32>,
    %get3A_87 = vector.shape_cast %get3A_86 : vector<16xi32> to vector<16xi32>
    %add3A_88 = vector.broadcast %mul3A_3 : i32 to vector<16xi32>
    %add3A_89 = arith.addi %get3A_87, %add3A_88 : vector<16xi32>
    %swap3A_90 = arith.constant 64 : index
    %swap3A_91 = tpu.vector_load %arg6[%swap3A_90] {strides = array<i32>} : memref<128xi32, #tpu.memory_space<vmem>>, vector<16xi32>,
    %swap3A_92 = vector.shape_cast %swap3A_91 : vector<16xi32> to vector<16xi32>
    %swap3A_93 = vector.shape_cast %add3A_89 : vector<16xi32> to vector<16xi32>
    tpu.vector_store %arg6[%swap3A_90], %swap3A_93 {strides = array<i32>} : memref<128xi32, #tpu.memory_space<vmem>>, vector<16xi32>,
    %get3A_94 = arith.constant 80 : index
    %get3A_95 = tpu.vector_load %arg6[%get3A_94] {strides = array<i32>} : memref<128xi32, #tpu.memory_space<vmem>>, vector<16xi32>,
    %get3A_96 = vector.shape_cast %get3A_95 : vector<16xi32> to vector<16xi32>
    %add3A_97 = vector.broadcast %mul3A_3 : i32 to vector<16xi32>
    %add3A_98 = arith.addi %get3A_96, %add3A_97 : vector<16xi32>
    %swap3A_99 = arith.constant 80 : index
    %swap3A_100 = tpu.vector_load %arg6[%swap3A_99] {strides = array<i32>} : memref<128xi32, #tpu.memory_space<vmem>>, vector<16xi32>,
    %swap3A_101 = vector.shape_cast %swap3A_100 : vector<16xi32> to vector<16xi32>
    %swap3A_102 = vector.shape_cast %add3A_98 : vector<16xi32> to vector<16xi32>
    tpu.vector_store %arg6[%swap3A_99], %swap3A_102 {strides = array<i32>} : memref<128xi32, #tpu.memory_space<vmem>>, vector<16xi32>,
    %get3A_103 = arith.constant 96 : index
    %get3A_104 = tpu.vector_load %arg6[%get3A_103] {strides = array<i32>} : memref<128xi32, #tpu.memory_space<vmem>>, vector<16xi32>,
    %get3A_105 = vector.shape_cast %get3A_104 : vector<16xi32> to vector<16xi32>
    %add3A_106 = vector.broadcast %mul3A_3 : i32 to vector<16xi32>
    %add3A_107 = arith.addi %get3A_105, %add3A_106 : vector<16xi32>
    %swap3A_108 = arith.constant 96 : index
    %swap3A_109 = tpu.vector_load %arg6[%swap3A_108] {strides = array<i32>} : memref<128xi32, #tpu.memory_space<vmem>>, vector<16xi32>,
    %swap3A_110 = vector.shape_cast %swap3A_109 : vector<16xi32> to vector<16xi32>
    %swap3A_111 = vector.shape_cast %add3A_107 : vector<16xi32> to vector<16xi32>
    tpu.vector_store %arg6[%swap3A_108], %swap3A_111 {strides = array<i32>} : memref<128xi32, #tpu.memory_space<vmem>>, vector<16xi32>,
    %get3A_112 = arith.constant 112 : index
    %get3A_113 = tpu.vector_load %arg6[%get3A_112] {strides = array<i32>} : memref<128xi32, #tpu.memory_space<vmem>>, vector<16xi32>,
    %get3A_114 = vector.shape_cast %get3A_113 : vector<16xi32> to vector<16xi32>
    %add3A_115 = vector.broadcast %mul3A_3 : i32 to vector<16xi32>
    %add3A_116 = arith.addi %get3A_114, %add3A_115 : vector<16xi32>
    %swap3A_117 = arith.constant 112 : index
    %swap3A_118 = tpu.vector_load %arg6[%swap3A_117] {strides = array<i32>} : memref<128xi32, #tpu.memory_space<vmem>>, vector<16xi32>,
    %swap3A_119 = vector.shape_cast %swap3A_118 : vector<16xi32> to vector<16xi32>
    %swap3A_120 = vector.shape_cast %add3A_116 : vector<16xi32> to vector<16xi32>
    tpu.vector_store %arg6[%swap3A_117], %swap3A_120 {strides = array<i32>} : memref<128xi32, #tpu.memory_space<vmem>>, vector<16xi32>,
    %dma_start3A_121 = arith.constant 0 : i32
    %dma_start3A_122 = arith.constant 0 : i32
    %dma_start3A_123 = tpu.memref_slice %arg2[%dma_start3A_121, %dma_start3A_122] : memref<40960x128xf32, #tpu.memory_space<hbm>> -> memref<40960x128xf32, #tpu.memory_space<hbm>>
    tpu.enqueue_indirect_dma source(%dma_start3A_123 : memref<40960x128xf32, #tpu.memory_space<hbm>>) target(%arg10 : memref<128x128xf32, #tpu.memory_space<vmem>>) offsets(%arg6 : memref<128xi32, #tpu.memory_space<vmem>>) semaphore(%arg13 : memref<!tpu.dma_semaphore, #tpu.memory_space<semaphore_mem>>)
    %scan3A_124 = arith.constant 0 : i32
    %scan3A_125 = arith.constant 0 : i32
    %scan3A_126 = arith.constant 40 : i32
    %scan3A_127 = arith.addi %scan3A_125, %scan3A_126 : i32
    %scan3A_128 = arith.constant 1 : i32
    scf.for %scan3A_284 = %scan3A_125 to %scan3A_127 step %scan3A_128  : i32 {
      %mul3A_285 = arith.constant 2 : i32
      %mul3A_286 = arith.muli %mul3A_285, %scan3A_284 : i32
      %add3A_287 = arith.constant 0 : i32
      %add3A_288 = arith.addi %mul3A_286, %add3A_287 : i32
      %dma_wait3A_289 = arith.constant 0 : i32
      %dma_wait3A_290 = tpu.memref_slice %arg3[%dma_wait3A_289] : memref<163840xi32, #tpu.memory_space<hbm>> -> memref<128xi32, #tpu.memory_space<hbm>>
      %dma_wait3A_291 = arith.constant 0 : i32
      %dma_wait3A_292 = tpu.memref_slice %arg3[%dma_wait3A_291] : memref<163840xi32, #tpu.memory_space<hbm>> -> memref<128xi32, #tpu.memory_space<hbm>>
      tpu.wait_dma2 semaphore(%arg16 : memref<!tpu.dma_semaphore, #tpu.memory_space<semaphore_mem>>) src(%dma_wait3A_292 : memref<128xi32, #tpu.memory_space<hbm>>) dst(%arg7 : memref<128xi32, #tpu.memory_space<vmem>>)
      %dma_wait3A_293 = arith.constant 0 : i32
      %dma_wait3A_294 = tpu.memref_slice %arg4[%dma_wait3A_293] : memref<163840xi32, #tpu.memory_space<hbm>> -> memref<128xi32, #tpu.memory_space<hbm>>
      %dma_wait3A_295 = arith.constant 0 : i32
      %dma_wait3A_296 = tpu.memref_slice %arg4[%dma_wait3A_295] : memref<163840xi32, #tpu.memory_space<hbm>> -> memref<128xi32, #tpu.memory_space<hbm>>
      tpu.wait_dma2 semaphore(%arg16 : memref<!tpu.dma_semaphore, #tpu.memory_space<semaphore_mem>>) src(%dma_wait3A_296 : memref<128xi32, #tpu.memory_space<hbm>>) dst(%arg9 : memref<128xi32, #tpu.memory_space<vmem>>)
      %get3A_297 = arith.constant 0 : index
      %get3A_298 = tpu.vector_load %arg7[%get3A_297] {strides = array<i32>} : memref<128xi32, #tpu.memory_space<vmem>>, vector<16xi32>,
      %get3A_299 = vector.shape_cast %get3A_298 : vector<16xi32> to vector<16xi32>
      %add3A_300 = vector.broadcast %mul3A_3 : i32 to vector<16xi32>
      %add3A_301 = arith.addi %get3A_299, %add3A_300 : vector<16xi32>
      %swap3A_302 = arith.constant 0 : index
      %swap3A_303 = tpu.vector_load %arg7[%swap3A_302] {strides = array<i32>} : memref<128xi32, #tpu.memory_space<vmem>>, vector<16xi32>,
      %swap3A_304 = vector.shape_cast %swap3A_303 : vector<16xi32> to vector<16xi32>
      %swap3A_305 = vector.shape_cast %add3A_301 : vector<16xi32> to vector<16xi32>
      tpu.vector_store %arg7[%swap3A_302], %swap3A_305 {strides = array<i32>} : memref<128xi32, #tpu.memory_space<vmem>>, vector<16xi32>,
      %get3A_306 = arith.constant 16 : index
      %get3A_307 = tpu.vector_load %arg7[%get3A_306] {strides = array<i32>} : memref<128xi32, #tpu.memory_space<vmem>>, vector<16xi32>,
      %get3A_308 = vector.shape_cast %get3A_307 : vector<16xi32> to vector<16xi32>
      %add3A_309 = vector.broadcast %mul3A_3 : i32 to vector<16xi32>
      %add3A_310 = arith.addi %get3A_308, %add3A_309 : vector<16xi32>
      %swap3A_311 = arith.constant 16 : index
      %swap3A_312 = tpu.vector_load %arg7[%swap3A_311] {strides = array<i32>} : memref<128xi32, #tpu.memory_space<vmem>>, vector<16xi32>,
      %swap3A_313 = vector.shape_cast %swap3A_312 : vector<16xi32> to vector<16xi32>
      %swap3A_314 = vector.shape_cast %add3A_310 : vector<16xi32> to vector<16xi32>
      tpu.vector_store %arg7[%swap3A_311], %swap3A_314 {strides = array<i32>} : memref<128xi32, #tpu.memory_space<vmem>>, vector<16xi32>,
      %get3A_315 = arith.constant 32 : index
      %get3A_316 = tpu.vector_load %arg7[%get3A_315] {strides = array<i32>} : memref<128xi32, #tpu.memory_space<vmem>>, vector<16xi32>,
      %get3A_317 = vector.shape_cast %get3A_316 : vector<16xi32> to vector<16xi32>
      %add3A_318 = vector.broadcast %mul3A_3 : i32 to vector<16xi32>
      %add3A_319 = arith.addi %get3A_317, %add3A_318 : vector<16xi32>
      %swap3A_320 = arith.constant 32 : index
      %swap3A_321 = tpu.vector_load %arg7[%swap3A_320] {strides = array<i32>} : memref<128xi32, #tpu.memory_space<vmem>>, vector<16xi32>,
      %swap3A_322 = vector.shape_cast %swap3A_321 : vector<16xi32> to vector<16xi32>
      %swap3A_323 = vector.shape_cast %add3A_319 : vector<16xi32> to vector<16xi32>
      tpu.vector_store %arg7[%swap3A_320], %swap3A_323 {strides = array<i32>} : memref<128xi32, #tpu.memory_space<vmem>>, vector<16xi32>,
      %get3A_324 = arith.constant 48 : index
      %get3A_325 = tpu.vector_load %arg7[%get3A_324] {strides = array<i32>} : memref<128xi32, #tpu.memory_space<vmem>>, vector<16xi32>,
      %get3A_326 = vector.shape_cast %get3A_325 : vector<16xi32> to vector<16xi32>
      %add3A_327 = vector.broadcast %mul3A_3 : i32 to vector<16xi32>
      %add3A_328 = arith.addi %get3A_326, %add3A_327 : vector<16xi32>
      %swap3A_329 = arith.constant 48 : index
      %swap3A_330 = tpu.vector_load %arg7[%swap3A_329] {strides = array<i32>} : memref<128xi32, #tpu.memory_space<vmem>>, vector<16xi32>,
      %swap3A_331 = vector.shape_cast %swap3A_330 : vector<16xi32> to vector<16xi32>
      %swap3A_332 = vector.shape_cast %add3A_328 : vector<16xi32> to vector<16xi32>
      tpu.vector_store %arg7[%swap3A_329], %swap3A_332 {strides = array<i32>} : memref<128xi32, #tpu.memory_space<vmem>>, vector<16xi32>,
      %get3A_333 = arith.constant 64 : index
      %get3A_334 = tpu.vector_load %arg7[%get3A_333] {strides = array<i32>} : memref<128xi32, #tpu.memory_space<vmem>>, vector<16xi32>,
      %get3A_335 = vector.shape_cast %get3A_334 : vector<16xi32> to vector<16xi32>
      %add3A_336 = vector.broadcast %mul3A_3 : i32 to vector<16xi32>
      %add3A_337 = arith.addi %get3A_335, %add3A_336 : vector<16xi32>
      %swap3A_338 = arith.constant 64 : index
      %swap3A_339 = tpu.vector_load %arg7[%swap3A_338] {strides = array<i32>} : memref<128xi32, #tpu.memory_space<vmem>>, vector<16xi32>,
      %swap3A_340 = vector.shape_cast %swap3A_339 : vector<16xi32> to vector<16xi32>
      %swap3A_341 = vector.shape_cast %add3A_337 : vector<16xi32> to vector<16xi32>
      tpu.vector_store %arg7[%swap3A_338], %swap3A_341 {strides = array<i32>} : memref<128xi32, #tpu.memory_space<vmem>>, vector<16xi32>,
      %get3A_342 = arith.constant 80 : index
      %get3A_343 = tpu.vector_load %arg7[%get3A_342] {strides = array<i32>} : memref<128xi32, #tpu.memory_space<vmem>>, vector<16xi32>,
      %get3A_344 = vector.shape_cast %get3A_343 : vector<16xi32> to vector<16xi32>
      %add3A_345 = vector.broadcast %mul3A_3 : i32 to vector<16xi32>
      %add3A_346 = arith.addi %get3A_344, %add3A_345 : vector<16xi32>
      %swap3A_347 = arith.constant 80 : index
      %swap3A_348 = tpu.vector_load %arg7[%swap3A_347] {strides = array<i32>} : memref<128xi32, #tpu.memory_space<vmem>>, vector<16xi32>,
      %swap3A_349 = vector.shape_cast %swap3A_348 : vector<16xi32> to vector<16xi32>
      %swap3A_350 = vector.shape_cast %add3A_346 : vector<16xi32> to vector<16xi32>
      tpu.vector_store %arg7[%swap3A_347], %swap3A_350 {strides = array<i32>} : memref<128xi32, #tpu.memory_space<vmem>>, vector<16xi32>,
      %get3A_351 = arith.constant 96 : index
      %get3A_352 = tpu.vector_load %arg7[%get3A_351] {strides = array<i32>} : memref<128xi32, #tpu.memory_space<vmem>>, vector<16xi32>,
      %get3A_353 = vector.shape_cast %get3A_352 : vector<16xi32> to vector<16xi32>
      %add3A_354 = vector.broadcast %mul3A_3 : i32 to vector<16xi32>
      %add3A_355 = arith.addi %get3A_353, %add3A_354 : vector<16xi32>
      %swap3A_356 = arith.constant 96 : index
      %swap3A_357 = tpu.vector_load %arg7[%swap3A_356] {strides = array<i32>} : memref<128xi32, #tpu.memory_space<vmem>>, vector<16xi32>,
      %swap3A_358 = vector.shape_cast %swap3A_357 : vector<16xi32> to vector<16xi32>
      %swap3A_359 = vector.shape_cast %add3A_355 : vector<16xi32> to vector<16xi32>
      tpu.vector_store %arg7[%swap3A_356], %swap3A_359 {strides = array<i32>} : memref<128xi32, #tpu.memory_space<vmem>>, vector<16xi32>,
      %get3A_360 = arith.constant 112 : index
      %get3A_361 = tpu.vector_load %arg7[%get3A_360] {strides = array<i32>} : memref<128xi32, #tpu.memory_space<vmem>>, vector<16xi32>,
      %get3A_362 = vector.shape_cast %get3A_361 : vector<16xi32> to vector<16xi32>
      %add3A_363 = vector.broadcast %mul3A_3 : i32 to vector<16xi32>
      %add3A_364 = arith.addi %get3A_362, %add3A_363 : vector<16xi32>
      %swap3A_365 = arith.constant 112 : index
      %swap3A_366 = tpu.vector_load %arg7[%swap3A_365] {strides = array<i32>} : memref<128xi32, #tpu.memory_space<vmem>>, vector<16xi32>,
      %swap3A_367 = vector.shape_cast %swap3A_366 : vector<16xi32> to vector<16xi32>
      %swap3A_368 = vector.shape_cast %add3A_364 : vector<16xi32> to vector<16xi32>
      tpu.vector_store %arg7[%swap3A_365], %swap3A_368 {strides = array<i32>} : memref<128xi32, #tpu.memory_space<vmem>>, vector<16xi32>,
      %dma_start3A_369 = arith.constant 0 : i32
      %dma_start3A_370 = arith.constant 0 : i32
      %dma_start3A_371 = tpu.memref_slice %arg2[%dma_start3A_369, %dma_start3A_370] : memref<40960x128xf32, #tpu.memory_space<hbm>> -> memref<40960x128xf32, #tpu.memory_space<hbm>>
      tpu.enqueue_indirect_dma source(%dma_start3A_371 : memref<40960x128xf32, #tpu.memory_space<hbm>>) target(%arg11 : memref<128x128xf32, #tpu.memory_space<vmem>>) offsets(%arg7 : memref<128xi32, #tpu.memory_space<vmem>>) semaphore(%arg14 : memref<!tpu.dma_semaphore, #tpu.memory_space<semaphore_mem>>)
      %dma_wait3A_372 = arith.constant 0 : i32
      %dma_wait3A_373 = arith.constant 0 : i32
      %dma_wait3A_374 = tpu.memref_slice %arg2[%dma_wait3A_372, %dma_wait3A_373] : memref<40960x128xf32, #tpu.memory_space<hbm>> -> memref<128x128xf32, #tpu.memory_space<hbm>>
      %dma_wait3A_375 = arith.constant 0 : i32
      %dma_wait3A_376 = arith.constant 0 : i32
      %dma_wait3A_377 = tpu.memref_slice %arg2[%dma_wait3A_375, %dma_wait3A_376] : memref<40960x128xf32, #tpu.memory_space<hbm>> -> memref<128x128xf32, #tpu.memory_space<hbm>>
      tpu.wait_dma2 semaphore(%arg13 : memref<!tpu.dma_semaphore, #tpu.memory_space<semaphore_mem>>) src(%dma_wait3A_377 : memref<128x128xf32, #tpu.memory_space<hbm>>) dst(%arg10 : memref<128x128xf32, #tpu.memory_space<vmem>>)
      "tpu.region"() ({
        %run_scoped3A = tpu.sem_alloc : memref<!tpu.dma_semaphore, #tpu.memory_space<semaphore_mem>>
        %dma_start3A_404 = arith.constant 0 : i32
        %dma_start3A_405 = arith.constant 0 : i32
        %dma_start3A_406 = tpu.memref_slice %arg12[%dma_start3A_404, %dma_start3A_405] : memref<10240x128xf32, #tpu.memory_space<vmem_shared>> -> memref<10240x128xf32, #tpu.memory_space<vmem_shared>>
        tpu.enqueue_indirect_dma source(%arg10 : memref<128x128xf32, #tpu.memory_space<vmem>>) target(%dma_start3A_406 : memref<10240x128xf32, #tpu.memory_space<vmem_shared>>) offsets(%arg8 : memref<128xi32, #tpu.memory_space<vmem>>) semaphore(%run_scoped3A : memref<!tpu.dma_semaphore, #tpu.memory_space<semaphore_mem>>) {add = true}
        %dma_wait3A_407 = arith.constant 0 : i32
        %dma_wait3A_408 = arith.constant 0 : i32
        %dma_wait3A_409 = tpu.memref_slice %arg12[%dma_wait3A_407, %dma_wait3A_408] : memref<10240x128xf32, #tpu.memory_space<vmem_shared>> -> memref<10240x128xf32, #tpu.memory_space<vmem_shared>>
        tpu.wait_indirect_dma semaphore(%run_scoped3A : memref<!tpu.dma_semaphore, #tpu.memory_space<semaphore_mem>>) src(%arg10 : memref<128x128xf32, #tpu.memory_space<vmem>>) dst(%dma_wait3A_409 : memref<10240x128xf32, #tpu.memory_space<vmem_shared>>)
        tpu.yield
      }) : () -> ()
      %add3A_378 = arith.constant 2 : i32
      %add3A_379 = arith.addi %add3A_288, %add3A_378 : i32
      %lt3A = arith.constant 80 : i32
      %lt3A_380 = arith.cmpi slt, %add3A_379, %lt3A : i32
      %convert_element_type3A = arith.extui %lt3A_380 : i1 to i32
      %cond3A = arith.constant 0 : i32
      %cond3A_381 = arith.cmpi ne, %convert_element_type3A, %cond3A : i32
      scf.if %cond3A_381 {
        %add3A_404 = arith.constant 2 : i32
        %add3A_405 = arith.addi %add3A_288, %add3A_404 : i32
        %mul3A_406 = arith.constant 128 : i32
        %mul3A_407 = arith.muli %add3A_405, %mul3A_406 : i32
        %add3A_408 = arith.addi %mul3A_0, %mul3A_407 : i32
        %dma_start3A_409 = tpu.memref_slice %arg3[%add3A_408] : memref<163840xi32, #tpu.memory_space<hbm>> -> memref<128xi32, #tpu.memory_space<hbm>>
        %dma_start3A_410 = tpu.memref_slice %arg3[%add3A_408] : memref<163840xi32, #tpu.memory_space<hbm>> -> memref<128xi32, #tpu.memory_space<hbm>>
        tpu.enqueue_dma source(%dma_start3A_410 : memref<128xi32, #tpu.memory_space<hbm>>) target(%arg6 : memref<128xi32, #tpu.memory_space<vmem>>) target_semaphore(%arg15 : memref<!tpu.dma_semaphore, #tpu.memory_space<semaphore_mem>>)
        %mul3A_411 = arith.constant 128 : i32
        %mul3A_412 = arith.muli %add3A_405, %mul3A_411 : i32
        %add3A_413 = arith.addi %mul3A_0, %mul3A_412 : i32
        %dma_start3A_414 = tpu.memref_slice %arg4[%add3A_413] : memref<163840xi32, #tpu.memory_space<hbm>> -> memref<128xi32, #tpu.memory_space<hbm>>
        %dma_start3A_415 = tpu.memref_slice %arg4[%add3A_413] : memref<163840xi32, #tpu.memory_space<hbm>> -> memref<128xi32, #tpu.memory_space<hbm>>
        tpu.enqueue_dma source(%dma_start3A_415 : memref<128xi32, #tpu.memory_space<hbm>>) target(%arg8 : memref<128xi32, #tpu.memory_space<vmem>>) target_semaphore(%arg15 : memref<!tpu.dma_semaphore, #tpu.memory_space<semaphore_mem>>)
      } else {
      }
      %mul3A_382 = arith.constant 2 : i32
      %mul3A_383 = arith.muli %mul3A_382, %scan3A_284 : i32
      %add3A_384 = arith.constant 1 : i32
      %add3A_385 = arith.addi %mul3A_383, %add3A_384 : i32
      %lt3A_386 = arith.constant 39 : i32
      %lt3A_387 = arith.cmpi slt, %scan3A_284, %lt3A_386 : i32
      %convert_element_type3A_388 = arith.extui %lt3A_387 : i1 to i32
      %cond3A_389 = arith.constant 0 : i32
      %cond3A_390 = arith.cmpi ne, %convert_element_type3A_388, %cond3A_389 : i32
      scf.if %cond3A_390 {
        %dma_wait3A_404 = arith.constant 0 : i32
        %dma_wait3A_405 = tpu.memref_slice %arg3[%dma_wait3A_404] : memref<163840xi32, #tpu.memory_space<hbm>> -> memref<128xi32, #tpu.memory_space<hbm>>
        %dma_wait3A_406 = arith.constant 0 : i32
        %dma_wait3A_407 = tpu.memref_slice %arg3[%dma_wait3A_406] : memref<163840xi32, #tpu.memory_space<hbm>> -> memref<128xi32, #tpu.memory_space<hbm>>
        tpu.wait_dma2 semaphore(%arg15 : memref<!tpu.dma_semaphore, #tpu.memory_space<semaphore_mem>>) src(%dma_wait3A_407 : memref<128xi32, #tpu.memory_space<hbm>>) dst(%arg6 : memref<128xi32, #tpu.memory_space<vmem>>)
        %dma_wait3A_408 = arith.constant 0 : i32
        %dma_wait3A_409 = tpu.memref_slice %arg4[%dma_wait3A_408] : memref<163840xi32, #tpu.memory_space<hbm>> -> memref<128xi32, #tpu.memory_space<hbm>>
        %dma_wait3A_410 = arith.constant 0 : i32
        %dma_wait3A_411 = tpu.memref_slice %arg4[%dma_wait3A_410] : memref<163840xi32, #tpu.memory_space<hbm>> -> memref<128xi32, #tpu.memory_space<hbm>>
        tpu.wait_dma2 semaphore(%arg15 : memref<!tpu.dma_semaphore, #tpu.memory_space<semaphore_mem>>) src(%dma_wait3A_411 : memref<128xi32, #tpu.memory_space<hbm>>) dst(%arg8 : memref<128xi32, #tpu.memory_space<vmem>>)
        %get3A_412 = arith.constant 0 : index
        %get3A_413 = tpu.vector_load %arg6[%get3A_412] {strides = array<i32>} : memref<128xi32, #tpu.memory_space<vmem>>, vector<16xi32>,
        %get3A_414 = vector.shape_cast %get3A_413 : vector<16xi32> to vector<16xi32>
        %add3A_415 = vector.broadcast %mul3A_3 : i32 to vector<16xi32>
        %add3A_416 = arith.addi %get3A_414, %add3A_415 : vector<16xi32>
        %swap3A_417 = arith.constant 0 : index
        %swap3A_418 = tpu.vector_load %arg6[%swap3A_417] {strides = array<i32>} : memref<128xi32, #tpu.memory_space<vmem>>, vector<16xi32>,
        %swap3A_419 = vector.shape_cast %swap3A_418 : vector<16xi32> to vector<16xi32>
        %swap3A_420 = vector.shape_cast %add3A_416 : vector<16xi32> to vector<16xi32>
        tpu.vector_store %arg6[%swap3A_417], %swap3A_420 {strides = array<i32>} : memref<128xi32, #tpu.memory_space<vmem>>, vector<16xi32>,
        %get3A_421 = arith.constant 16 : index
        %get3A_422 = tpu.vector_load %arg6[%get3A_421] {strides = array<i32>} : memref<128xi32, #tpu.memory_space<vmem>>, vector<16xi32>,
        %get3A_423 = vector.shape_cast %get3A_422 : vector<16xi32> to vector<16xi32>
        %add3A_424 = vector.broadcast %mul3A_3 : i32 to vector<16xi32>
        %add3A_425 = arith.addi %get3A_423, %add3A_424 : vector<16xi32>
        %swap3A_426 = arith.constant 16 : index
        %swap3A_427 = tpu.vector_load %arg6[%swap3A_426] {strides = array<i32>} : memref<128xi32, #tpu.memory_space<vmem>>, vector<16xi32>,
        %swap3A_428 = vector.shape_cast %swap3A_427 : vector<16xi32> to vector<16xi32>
        %swap3A_429 = vector.shape_cast %add3A_425 : vector<16xi32> to vector<16xi32>
        tpu.vector_store %arg6[%swap3A_426], %swap3A_429 {strides = array<i32>} : memref<128xi32, #tpu.memory_space<vmem>>, vector<16xi32>,
        %get3A_430 = arith.constant 32 : index
        %get3A_431 = tpu.vector_load %arg6[%get3A_430] {strides = array<i32>} : memref<128xi32, #tpu.memory_space<vmem>>, vector<16xi32>,
        %get3A_432 = vector.shape_cast %get3A_431 : vector<16xi32> to vector<16xi32>
        %add3A_433 = vector.broadcast %mul3A_3 : i32 to vector<16xi32>
        %add3A_434 = arith.addi %get3A_432, %add3A_433 : vector<16xi32>
        %swap3A_435 = arith.constant 32 : index
        %swap3A_436 = tpu.vector_load %arg6[%swap3A_435] {strides = array<i32>} : memref<128xi32, #tpu.memory_space<vmem>>, vector<16xi32>,
        %swap3A_437 = vector.shape_cast %swap3A_436 : vector<16xi32> to vector<16xi32>
        %swap3A_438 = vector.shape_cast %add3A_434 : vector<16xi32> to vector<16xi32>
        tpu.vector_store %arg6[%swap3A_435], %swap3A_438 {strides = array<i32>} : memref<128xi32, #tpu.memory_space<vmem>>, vector<16xi32>,
        %get3A_439 = arith.constant 48 : index
        %get3A_440 = tpu.vector_load %arg6[%get3A_439] {strides = array<i32>} : memref<128xi32, #tpu.memory_space<vmem>>, vector<16xi32>,
        %get3A_441 = vector.shape_cast %get3A_440 : vector<16xi32> to vector<16xi32>
        %add3A_442 = vector.broadcast %mul3A_3 : i32 to vector<16xi32>
        %add3A_443 = arith.addi %get3A_441, %add3A_442 : vector<16xi32>
        %swap3A_444 = arith.constant 48 : index
        %swap3A_445 = tpu.vector_load %arg6[%swap3A_444] {strides = array<i32>} : memref<128xi32, #tpu.memory_space<vmem>>, vector<16xi32>,
        %swap3A_446 = vector.shape_cast %swap3A_445 : vector<16xi32> to vector<16xi32>
        %swap3A_447 = vector.shape_cast %add3A_443 : vector<16xi32> to vector<16xi32>
        tpu.vector_store %arg6[%swap3A_444], %swap3A_447 {strides = array<i32>} : memref<128xi32, #tpu.memory_space<vmem>>, vector<16xi32>,
        %get3A_448 = arith.constant 64 : index
        %get3A_449 = tpu.vector_load %arg6[%get3A_448] {strides = array<i32>} : memref<128xi32, #tpu.memory_space<vmem>>, vector<16xi32>,
        %get3A_450 = vector.shape_cast %get3A_449 : vector<16xi32> to vector<16xi32>
        %add3A_451 = vector.broadcast %mul3A_3 : i32 to vector<16xi32>
        %add3A_452 = arith.addi %get3A_450, %add3A_451 : vector<16xi32>
        %swap3A_453 = arith.constant 64 : index
        %swap3A_454 = tpu.vector_load %arg6[%swap3A_453] {strides = array<i32>} : memref<128xi32, #tpu.memory_space<vmem>>, vector<16xi32>,
        %swap3A_455 = vector.shape_cast %swap3A_454 : vector<16xi32> to vector<16xi32>
        %swap3A_456 = vector.shape_cast %add3A_452 : vector<16xi32> to vector<16xi32>
        tpu.vector_store %arg6[%swap3A_453], %swap3A_456 {strides = array<i32>} : memref<128xi32, #tpu.memory_space<vmem>>, vector<16xi32>,
        %get3A_457 = arith.constant 80 : index
        %get3A_458 = tpu.vector_load %arg6[%get3A_457] {strides = array<i32>} : memref<128xi32, #tpu.memory_space<vmem>>, vector<16xi32>,
        %get3A_459 = vector.shape_cast %get3A_458 : vector<16xi32> to vector<16xi32>
        %add3A_460 = vector.broadcast %mul3A_3 : i32 to vector<16xi32>
        %add3A_461 = arith.addi %get3A_459, %add3A_460 : vector<16xi32>
        %swap3A_462 = arith.constant 80 : index
        %swap3A_463 = tpu.vector_load %arg6[%swap3A_462] {strides = array<i32>} : memref<128xi32, #tpu.memory_space<vmem>>, vector<16xi32>,
        %swap3A_464 = vector.shape_cast %swap3A_463 : vector<16xi32> to vector<16xi32>
        %swap3A_465 = vector.shape_cast %add3A_461 : vector<16xi32> to vector<16xi32>
        tpu.vector_store %arg6[%swap3A_462], %swap3A_465 {strides = array<i32>} : memref<128xi32, #tpu.memory_space<vmem>>, vector<16xi32>,
        %get3A_466 = arith.constant 96 : index
        %get3A_467 = tpu.vector_load %arg6[%get3A_466] {strides = array<i32>} : memref<128xi32, #tpu.memory_space<vmem>>, vector<16xi32>,
        %get3A_468 = vector.shape_cast %get3A_467 : vector<16xi32> to vector<16xi32>
        %add3A_469 = vector.broadcast %mul3A_3 : i32 to vector<16xi32>
        %add3A_470 = arith.addi %get3A_468, %add3A_469 : vector<16xi32>
        %swap3A_471 = arith.constant 96 : index
        %swap3A_472 = tpu.vector_load %arg6[%swap3A_471] {strides = array<i32>} : memref<128xi32, #tpu.memory_space<vmem>>, vector<16xi32>,
        %swap3A_473 = vector.shape_cast %swap3A_472 : vector<16xi32> to vector<16xi32>
        %swap3A_474 = vector.shape_cast %add3A_470 : vector<16xi32> to vector<16xi32>
        tpu.vector_store %arg6[%swap3A_471], %swap3A_474 {strides = array<i32>} : memref<128xi32, #tpu.memory_space<vmem>>, vector<16xi32>,
        %get3A_475 = arith.constant 112 : index
        %get3A_476 = tpu.vector_load %arg6[%get3A_475] {strides = array<i32>} : memref<128xi32, #tpu.memory_space<vmem>>, vector<16xi32>,
        %get3A_477 = vector.shape_cast %get3A_476 : vector<16xi32> to vector<16xi32>
        %add3A_478 = vector.broadcast %mul3A_3 : i32 to vector<16xi32>
        %add3A_479 = arith.addi %get3A_477, %add3A_478 : vector<16xi32>
        %swap3A_480 = arith.constant 112 : index
        %swap3A_481 = tpu.vector_load %arg6[%swap3A_480] {strides = array<i32>} : memref<128xi32, #tpu.memory_space<vmem>>, vector<16xi32>,
        %swap3A_482 = vector.shape_cast %swap3A_481 : vector<16xi32> to vector<16xi32>
        %swap3A_483 = vector.shape_cast %add3A_479 : vector<16xi32> to vector<16xi32>
        tpu.vector_store %arg6[%swap3A_480], %swap3A_483 {strides = array<i32>} : memref<128xi32, #tpu.memory_space<vmem>>, vector<16xi32>,
        %dma_start3A_484 = arith.constant 0 : i32
        %dma_start3A_485 = arith.constant 0 : i32
        %dma_start3A_486 = tpu.memref_slice %arg2[%dma_start3A_484, %dma_start3A_485] : memref<40960x128xf32, #tpu.memory_space<hbm>> -> memref<40960x128xf32, #tpu.memory_space<hbm>>
        tpu.enqueue_indirect_dma source(%dma_start3A_486 : memref<40960x128xf32, #tpu.memory_space<hbm>>) target(%arg10 : memref<128x128xf32, #tpu.memory_space<vmem>>) offsets(%arg6 : memref<128xi32, #tpu.memory_space<vmem>>) semaphore(%arg13 : memref<!tpu.dma_semaphore, #tpu.memory_space<semaphore_mem>>)
      } else {
      }
      %dma_wait3A_391 = arith.constant 0 : i32
      %dma_wait3A_392 = arith.constant 0 : i32
      %dma_wait3A_393 = tpu.memref_slice %arg2[%dma_wait3A_391, %dma_wait3A_392] : memref<40960x128xf32, #tpu.memory_space<hbm>> -> memref<128x128xf32, #tpu.memory_space<hbm>>
      %dma_wait3A_394 = arith.constant 0 : i32
      %dma_wait3A_395 = arith.constant 0 : i32
      %dma_wait3A_396 = tpu.memref_slice %arg2[%dma_wait3A_394, %dma_wait3A_395] : memref<40960x128xf32, #tpu.memory_space<hbm>> -> memref<128x128xf32, #tpu.memory_space<hbm>>
      tpu.wait_dma2 semaphore(%arg14 : memref<!tpu.dma_semaphore, #tpu.memory_space<semaphore_mem>>) src(%dma_wait3A_396 : memref<128x128xf32, #tpu.memory_space<hbm>>) dst(%arg11 : memref<128x128xf32, #tpu.memory_space<vmem>>)
      "tpu.region"() ({
        %run_scoped3A = tpu.sem_alloc : memref<!tpu.dma_semaphore, #tpu.memory_space<semaphore_mem>>
        %dma_start3A_404 = arith.constant 0 : i32
        %dma_start3A_405 = arith.constant 0 : i32
        %dma_start3A_406 = tpu.memref_slice %arg12[%dma_start3A_404, %dma_start3A_405] : memref<10240x128xf32, #tpu.memory_space<vmem_shared>> -> memref<10240x128xf32, #tpu.memory_space<vmem_shared>>
        tpu.enqueue_indirect_dma source(%arg11 : memref<128x128xf32, #tpu.memory_space<vmem>>) target(%dma_start3A_406 : memref<10240x128xf32, #tpu.memory_space<vmem_shared>>) offsets(%arg9 : memref<128xi32, #tpu.memory_space<vmem>>) semaphore(%run_scoped3A : memref<!tpu.dma_semaphore, #tpu.memory_space<semaphore_mem>>) {add = true}
        %dma_wait3A_407 = arith.constant 0 : i32
        %dma_wait3A_408 = arith.constant 0 : i32
        %dma_wait3A_409 = tpu.memref_slice %arg12[%dma_wait3A_407, %dma_wait3A_408] : memref<10240x128xf32, #tpu.memory_space<vmem_shared>> -> memref<10240x128xf32, #tpu.memory_space<vmem_shared>>
        tpu.wait_indirect_dma semaphore(%run_scoped3A : memref<!tpu.dma_semaphore, #tpu.memory_space<semaphore_mem>>) src(%arg11 : memref<128x128xf32, #tpu.memory_space<vmem>>) dst(%dma_wait3A_409 : memref<10240x128xf32, #tpu.memory_space<vmem_shared>>)
        tpu.yield
      }) : () -> ()
      %add3A_397 = arith.constant 2 : i32
      %add3A_398 = arith.addi %add3A_385, %add3A_397 : i32
      %lt3A_399 = arith.constant 80 : i32
      %lt3A_400 = arith.cmpi slt, %add3A_398, %lt3A_399 : i32
      %convert_element_type3A_401 = arith.extui %lt3A_400 : i1 to i32
      %cond3A_402 = arith.constant 0 : i32
      %cond3A_403 = arith.cmpi ne, %convert_element_type3A_401, %cond3A_402 : i32
      scf.if %cond3A_403 {
        %add3A_404 = arith.constant 2 : i32
        %add3A_405 = arith.addi %add3A_385, %add3A_404 : i32
        %mul3A_406 = arith.constant 128 : i32
        %mul3A_407 = arith.muli %add3A_405, %mul3A_406 : i32
        %add3A_408 = arith.addi %mul3A_0, %mul3A_407 : i32
        %dma_start3A_409 = tpu.memref_slice %arg3[%add3A_408] : memref<163840xi32, #tpu.memory_space<hbm>> -> memref<128xi32, #tpu.memory_space<hbm>>
        %dma_start3A_410 = tpu.memref_slice %arg3[%add3A_408] : memref<163840xi32, #tpu.memory_space<hbm>> -> memref<128xi32, #tpu.memory_space<hbm>>
        tpu.enqueue_dma source(%dma_start3A_410 : memref<128xi32, #tpu.memory_space<hbm>>) target(%arg7 : memref<128xi32, #tpu.memory_space<vmem>>) target_semaphore(%arg16 : memref<!tpu.dma_semaphore, #tpu.memory_space<semaphore_mem>>)
        %mul3A_411 = arith.constant 128 : i32
        %mul3A_412 = arith.muli %add3A_405, %mul3A_411 : i32
        %add3A_413 = arith.addi %mul3A_0, %mul3A_412 : i32
        %dma_start3A_414 = tpu.memref_slice %arg4[%add3A_413] : memref<163840xi32, #tpu.memory_space<hbm>> -> memref<128xi32, #tpu.memory_space<hbm>>
        %dma_start3A_415 = tpu.memref_slice %arg4[%add3A_413] : memref<163840xi32, #tpu.memory_space<hbm>> -> memref<128xi32, #tpu.memory_space<hbm>>
        tpu.enqueue_dma source(%dma_start3A_415 : memref<128xi32, #tpu.memory_space<hbm>>) target(%arg9 : memref<128xi32, #tpu.memory_space<vmem>>) target_semaphore(%arg16 : memref<!tpu.dma_semaphore, #tpu.memory_space<semaphore_mem>>)
      } else {
      }
    }
    %scan3A_129 = arith.constant 40 : i32
    %barrier3A_130 = arith.constant 0 : index
    tpu.barrier barrier_id(%barrier3A_130)
    %mul3A_131 = arith.constant 640 : i32
    %mul3A_132 = arith.muli %arg1, %mul3A_131 : i32
    %mul3A_133 = arith.constant 10240 : i32
    %mul3A_134 = arith.muli %add3A_1, %mul3A_133 : i32
    %mul3A_135 = arith.constant 640 : i32
    %mul3A_136 = arith.muli %arg1, %mul3A_135 : i32
    %add3A_137 = arith.addi %mul3A_134, %mul3A_136 : i32
    "tpu.region"() ({
      %run_scoped3A = tpu.sem_alloc : memref<!tpu.dma_semaphore, #tpu.memory_space<semaphore_mem>>
      %dma_start3A_284 = arith.constant 0 : i32
      %dma_start3A_285 = tpu.memref_slice %arg5[%add3A_137, %dma_start3A_284] : memref<40960x128xf32, #tpu.memory_space<hbm>> -> memref<640x128xf32, #tpu.memory_space<hbm>>
      %dma_start3A_286 = arith.constant 0 : i32
      %dma_start3A_287 = tpu.memref_slice %arg12[%mul3A_132, %dma_start3A_286] : memref<10240x128xf32, #tpu.memory_space<vmem_shared>> -> memref<640x128xf32, #tpu.memory_space<vmem_shared>>
      tpu.enqueue_dma source(%dma_start3A_287 : memref<640x128xf32, #tpu.memory_space<vmem_shared>>) target(%dma_start3A_285 : memref<640x128xf32, #tpu.memory_space<hbm>>) target_semaphore(%run_scoped3A : memref<!tpu.dma_semaphore, #tpu.memory_space<semaphore_mem>>)
      %dma_wait3A_288 = arith.constant 0 : i32
      %dma_wait3A_289 = tpu.memref_slice %arg5[%add3A_137, %dma_wait3A_288] : memref<40960x128xf32, #tpu.memory_space<hbm>> -> memref<640x128xf32, #tpu.memory_space<hbm>>
      %dma_wait3A_290 = arith.constant 0 : i32
      %dma_wait3A_291 = tpu.memref_slice %arg12[%mul3A_132, %dma_wait3A_290] : memref<10240x128xf32, #tpu.memory_space<vmem_shared>> -> memref<640x128xf32, #tpu.memory_space<vmem_shared>>
      tpu.wait_dma2 semaphore(%run_scoped3A : memref<!tpu.dma_semaphore, #tpu.memory_space<semaphore_mem>>) src(%dma_wait3A_291 : memref<640x128xf32, #tpu.memory_space<vmem_shared>>) dst(%dma_wait3A_289 : memref<640x128xf32, #tpu.memory_space<hbm>>)
      tpu.yield
    }) : () -> ()
    %barrier3A_138 = arith.constant 0 : index
    tpu.barrier barrier_id(%barrier3A_138)
    %add3A_139 = arith.constant 2 : i32
    %add3A_140 = arith.addi %add3A_139, %arg0 : i32
    %mul3A_141 = arith.constant 10240 : i32
    %mul3A_142 = arith.muli %add3A_140, %mul3A_141 : i32
    %scan3A_143 = arith.constant 0 : i32
    %scan3A_144 = arith.constant 0 : i32
    %scan3A_145 = arith.constant 128 : i32
    %scan3A_146 = arith.addi %scan3A_144, %scan3A_145 : i32
    %scan3A_147 = arith.constant 1 : i32
    scf.for %scan3A_284 = %scan3A_144 to %scan3A_146 step %scan3A_147  : i32 {
      %broadcast_in_dim3A = arith.constant 0.000000e+00 : f32
      %broadcast_in_dim3A_285 = vector.broadcast %broadcast_in_dim3A : f32 to vector<16xf32>
      %swap3A_286 = arith.index_cast %scan3A_284 : i32 to index
      %swap3A_287 = arith.constant 0 : index
      %swap3A_288 = tpu.vector_load %arg10[%swap3A_286, %swap3A_287] {strides = array<i32>} : memref<128x128xf32, #tpu.memory_space<vmem>>, vector<1x16xf32>,
      %swap3A_289 = vector.shape_cast %swap3A_288 : vector<1x16xf32> to vector<16xf32>
      %swap3A_290 = vector.shape_cast %broadcast_in_dim3A_285 : vector<16xf32> to vector<1x16xf32>
      tpu.vector_store %arg10[%swap3A_286, %swap3A_287], %swap3A_290 {strides = array<i32>} : memref<128x128xf32, #tpu.memory_space<vmem>>, vector<1x16xf32>,
      %broadcast_in_dim3A_291 = arith.constant 0.000000e+00 : f32
      %broadcast_in_dim3A_292 = vector.broadcast %broadcast_in_dim3A_291 : f32 to vector<16xf32>
      %swap3A_293 = arith.index_cast %scan3A_284 : i32 to index
      %swap3A_294 = arith.constant 16 : index
      %swap3A_295 = tpu.vector_load %arg10[%swap3A_293, %swap3A_294] {strides = array<i32>} : memref<128x128xf32, #tpu.memory_space<vmem>>, vector<1x16xf32>,
      %swap3A_296 = vector.shape_cast %swap3A_295 : vector<1x16xf32> to vector<16xf32>
      %swap3A_297 = vector.shape_cast %broadcast_in_dim3A_292 : vector<16xf32> to vector<1x16xf32>
      tpu.vector_store %arg10[%swap3A_293, %swap3A_294], %swap3A_297 {strides = array<i32>} : memref<128x128xf32, #tpu.memory_space<vmem>>, vector<1x16xf32>,
      %broadcast_in_dim3A_298 = arith.constant 0.000000e+00 : f32
      %broadcast_in_dim3A_299 = vector.broadcast %broadcast_in_dim3A_298 : f32 to vector<16xf32>
      %swap3A_300 = arith.index_cast %scan3A_284 : i32 to index
      %swap3A_301 = arith.constant 32 : index
      %swap3A_302 = tpu.vector_load %arg10[%swap3A_300, %swap3A_301] {strides = array<i32>} : memref<128x128xf32, #tpu.memory_space<vmem>>, vector<1x16xf32>,
      %swap3A_303 = vector.shape_cast %swap3A_302 : vector<1x16xf32> to vector<16xf32>
      %swap3A_304 = vector.shape_cast %broadcast_in_dim3A_299 : vector<16xf32> to vector<1x16xf32>
      tpu.vector_store %arg10[%swap3A_300, %swap3A_301], %swap3A_304 {strides = array<i32>} : memref<128x128xf32, #tpu.memory_space<vmem>>, vector<1x16xf32>,
      %broadcast_in_dim3A_305 = arith.constant 0.000000e+00 : f32
      %broadcast_in_dim3A_306 = vector.broadcast %broadcast_in_dim3A_305 : f32 to vector<16xf32>
      %swap3A_307 = arith.index_cast %scan3A_284 : i32 to index
      %swap3A_308 = arith.constant 48 : index
      %swap3A_309 = tpu.vector_load %arg10[%swap3A_307, %swap3A_308] {strides = array<i32>} : memref<128x128xf32, #tpu.memory_space<vmem>>, vector<1x16xf32>,
      %swap3A_310 = vector.shape_cast %swap3A_309 : vector<1x16xf32> to vector<16xf32>
      %swap3A_311 = vector.shape_cast %broadcast_in_dim3A_306 : vector<16xf32> to vector<1x16xf32>
      tpu.vector_store %arg10[%swap3A_307, %swap3A_308], %swap3A_311 {strides = array<i32>} : memref<128x128xf32, #tpu.memory_space<vmem>>, vector<1x16xf32>,
      %broadcast_in_dim3A_312 = arith.constant 0.000000e+00 : f32
      %broadcast_in_dim3A_313 = vector.broadcast %broadcast_in_dim3A_312 : f32 to vector<16xf32>
      %swap3A_314 = arith.index_cast %scan3A_284 : i32 to index
      %swap3A_315 = arith.constant 64 : index
      %swap3A_316 = tpu.vector_load %arg10[%swap3A_314, %swap3A_315] {strides = array<i32>} : memref<128x128xf32, #tpu.memory_space<vmem>>, vector<1x16xf32>,
      %swap3A_317 = vector.shape_cast %swap3A_316 : vector<1x16xf32> to vector<16xf32>
      %swap3A_318 = vector.shape_cast %broadcast_in_dim3A_313 : vector<16xf32> to vector<1x16xf32>
      tpu.vector_store %arg10[%swap3A_314, %swap3A_315], %swap3A_318 {strides = array<i32>} : memref<128x128xf32, #tpu.memory_space<vmem>>, vector<1x16xf32>,
      %broadcast_in_dim3A_319 = arith.constant 0.000000e+00 : f32
      %broadcast_in_dim3A_320 = vector.broadcast %broadcast_in_dim3A_319 : f32 to vector<16xf32>
      %swap3A_321 = arith.index_cast %scan3A_284 : i32 to index
      %swap3A_322 = arith.constant 80 : index
      %swap3A_323 = tpu.vector_load %arg10[%swap3A_321, %swap3A_322] {strides = array<i32>} : memref<128x128xf32, #tpu.memory_space<vmem>>, vector<1x16xf32>,
      %swap3A_324 = vector.shape_cast %swap3A_323 : vector<1x16xf32> to vector<16xf32>
      %swap3A_325 = vector.shape_cast %broadcast_in_dim3A_320 : vector<16xf32> to vector<1x16xf32>
      tpu.vector_store %arg10[%swap3A_321, %swap3A_322], %swap3A_325 {strides = array<i32>} : memref<128x128xf32, #tpu.memory_space<vmem>>, vector<1x16xf32>,
      %broadcast_in_dim3A_326 = arith.constant 0.000000e+00 : f32
      %broadcast_in_dim3A_327 = vector.broadcast %broadcast_in_dim3A_326 : f32 to vector<16xf32>
      %swap3A_328 = arith.index_cast %scan3A_284 : i32 to index
      %swap3A_329 = arith.constant 96 : index
      %swap3A_330 = tpu.vector_load %arg10[%swap3A_328, %swap3A_329] {strides = array<i32>} : memref<128x128xf32, #tpu.memory_space<vmem>>, vector<1x16xf32>,
      %swap3A_331 = vector.shape_cast %swap3A_330 : vector<1x16xf32> to vector<16xf32>
      %swap3A_332 = vector.shape_cast %broadcast_in_dim3A_327 : vector<16xf32> to vector<1x16xf32>
      tpu.vector_store %arg10[%swap3A_328, %swap3A_329], %swap3A_332 {strides = array<i32>} : memref<128x128xf32, #tpu.memory_space<vmem>>, vector<1x16xf32>,
      %broadcast_in_dim3A_333 = arith.constant 0.000000e+00 : f32
      %broadcast_in_dim3A_334 = vector.broadcast %broadcast_in_dim3A_333 : f32 to vector<16xf32>
      %swap3A_335 = arith.index_cast %scan3A_284 : i32 to index
      %swap3A_336 = arith.constant 112 : index
      %swap3A_337 = tpu.vector_load %arg10[%swap3A_335, %swap3A_336] {strides = array<i32>} : memref<128x128xf32, #tpu.memory_space<vmem>>, vector<1x16xf32>,
      %swap3A_338 = vector.shape_cast %swap3A_337 : vector<1x16xf32> to vector<16xf32>
      %swap3A_339 = vector.shape_cast %broadcast_in_dim3A_334 : vector<16xf32> to vector<1x16xf32>
      tpu.vector_store %arg10[%swap3A_335, %swap3A_336], %swap3A_339 {strides = array<i32>} : memref<128x128xf32, #tpu.memory_space<vmem>>, vector<1x16xf32>,
    }
    %scan3A_148 = arith.constant 128 : i32
    %mul3A_149 = arith.constant 640 : i32
    %mul3A_150 = arith.muli %arg1, %mul3A_149 : i32
    %add3A_151 = arith.constant 0 : i32
    %add3A_152 = arith.addi %mul3A_150, %add3A_151 : i32
    "tpu.region"() ({
      %run_scoped3A = tpu.sem_alloc : memref<!tpu.dma_semaphore, #tpu.memory_space<semaphore_mem>>
      %dma_start3A_284 = arith.constant 0 : i32
      %dma_start3A_285 = tpu.memref_slice %arg12[%add3A_152, %dma_start3A_284] : memref<10240x128xf32, #tpu.memory_space<vmem_shared>> -> memref<128x128xf32, #tpu.memory_space<vmem_shared>>
      %dma_start3A_286 = arith.constant 0 : i32
      %dma_start3A_287 = tpu.memref_slice %arg12[%add3A_152, %dma_start3A_286] : memref<10240x128xf32, #tpu.memory_space<vmem_shared>> -> memref<128x128xf32, #tpu.memory_space<vmem_shared>>
      tpu.enqueue_dma source(%arg10 : memref<128x128xf32, #tpu.memory_space<vmem>>) target(%dma_start3A_287 : memref<128x128xf32, #tpu.memory_space<vmem_shared>>) target_semaphore(%run_scoped3A : memref<!tpu.dma_semaphore, #tpu.memory_space<semaphore_mem>>)
      %dma_wait3A_288 = arith.constant 0 : i32
      %dma_wait3A_289 = tpu.memref_slice %arg12[%add3A_152, %dma_wait3A_288] : memref<10240x128xf32, #tpu.memory_space<vmem_shared>> -> memref<128x128xf32, #tpu.memory_space<vmem_shared>>
      %dma_wait3A_290 = arith.constant 0 : i32
      %dma_wait3A_291 = tpu.memref_slice %arg12[%add3A_152, %dma_wait3A_290] : memref<10240x128xf32, #tpu.memory_space<vmem_shared>> -> memref<128x128xf32, #tpu.memory_space<vmem_shared>>
      tpu.wait_dma2 semaphore(%run_scoped3A : memref<!tpu.dma_semaphore, #tpu.memory_space<semaphore_mem>>) src(%arg10 : memref<128x128xf32, #tpu.memory_space<vmem>>) dst(%dma_wait3A_291 : memref<128x128xf32, #tpu.memory_space<vmem_shared>>)
      tpu.yield
    }) : () -> ()
    %mul3A_153 = arith.constant 640 : i32
    %mul3A_154 = arith.muli %arg1, %mul3A_153 : i32
    %add3A_155 = arith.constant 128 : i32
    %add3A_156 = arith.addi %mul3A_154, %add3A_155 : i32
    "tpu.region"() ({
      %run_scoped3A = tpu.sem_alloc : memref<!tpu.dma_semaphore, #tpu.memory_space<semaphore_mem>>
      %dma_start3A_284 = arith.constant 0 : i32
      %dma_start3A_285 = tpu.memref_slice %arg12[%add3A_156, %dma_start3A_284] : memref<10240x128xf32, #tpu.memory_space<vmem_shared>> -> memref<128x128xf32, #tpu.memory_space<vmem_shared>>
      %dma_start3A_286 = arith.constant 0 : i32
      %dma_start3A_287 = tpu.memref_slice %arg12[%add3A_156, %dma_start3A_286] : memref<10240x128xf32, #tpu.memory_space<vmem_shared>> -> memref<128x128xf32, #tpu.memory_space<vmem_shared>>
      tpu.enqueue_dma source(%arg10 : memref<128x128xf32, #tpu.memory_space<vmem>>) target(%dma_start3A_287 : memref<128x128xf32, #tpu.memory_space<vmem_shared>>) target_semaphore(%run_scoped3A : memref<!tpu.dma_semaphore, #tpu.memory_space<semaphore_mem>>)
      %dma_wait3A_288 = arith.constant 0 : i32
      %dma_wait3A_289 = tpu.memref_slice %arg12[%add3A_156, %dma_wait3A_288] : memref<10240x128xf32, #tpu.memory_space<vmem_shared>> -> memref<128x128xf32, #tpu.memory_space<vmem_shared>>
      %dma_wait3A_290 = arith.constant 0 : i32
      %dma_wait3A_291 = tpu.memref_slice %arg12[%add3A_156, %dma_wait3A_290] : memref<10240x128xf32, #tpu.memory_space<vmem_shared>> -> memref<128x128xf32, #tpu.memory_space<vmem_shared>>
      tpu.wait_dma2 semaphore(%run_scoped3A : memref<!tpu.dma_semaphore, #tpu.memory_space<semaphore_mem>>) src(%arg10 : memref<128x128xf32, #tpu.memory_space<vmem>>) dst(%dma_wait3A_291 : memref<128x128xf32, #tpu.memory_space<vmem_shared>>)
      tpu.yield
    }) : () -> ()
    %mul3A_157 = arith.constant 640 : i32
    %mul3A_158 = arith.muli %arg1, %mul3A_157 : i32
    %add3A_159 = arith.constant 256 : i32
    %add3A_160 = arith.addi %mul3A_158, %add3A_159 : i32
    "tpu.region"() ({
      %run_scoped3A = tpu.sem_alloc : memref<!tpu.dma_semaphore, #tpu.memory_space<semaphore_mem>>
      %dma_start3A_284 = arith.constant 0 : i32
      %dma_start3A_285 = tpu.memref_slice %arg12[%add3A_160, %dma_start3A_284] : memref<10240x128xf32, #tpu.memory_space<vmem_shared>> -> memref<128x128xf32, #tpu.memory_space<vmem_shared>>
      %dma_start3A_286 = arith.constant 0 : i32
      %dma_start3A_287 = tpu.memref_slice %arg12[%add3A_160, %dma_start3A_286] : memref<10240x128xf32, #tpu.memory_space<vmem_shared>> -> memref<128x128xf32, #tpu.memory_space<vmem_shared>>
      tpu.enqueue_dma source(%arg10 : memref<128x128xf32, #tpu.memory_space<vmem>>) target(%dma_start3A_287 : memref<128x128xf32, #tpu.memory_space<vmem_shared>>) target_semaphore(%run_scoped3A : memref<!tpu.dma_semaphore, #tpu.memory_space<semaphore_mem>>)
      %dma_wait3A_288 = arith.constant 0 : i32
      %dma_wait3A_289 = tpu.memref_slice %arg12[%add3A_160, %dma_wait3A_288] : memref<10240x128xf32, #tpu.memory_space<vmem_shared>> -> memref<128x128xf32, #tpu.memory_space<vmem_shared>>
      %dma_wait3A_290 = arith.constant 0 : i32
      %dma_wait3A_291 = tpu.memref_slice %arg12[%add3A_160, %dma_wait3A_290] : memref<10240x128xf32, #tpu.memory_space<vmem_shared>> -> memref<128x128xf32, #tpu.memory_space<vmem_shared>>
      tpu.wait_dma2 semaphore(%run_scoped3A : memref<!tpu.dma_semaphore, #tpu.memory_space<semaphore_mem>>) src(%arg10 : memref<128x128xf32, #tpu.memory_space<vmem>>) dst(%dma_wait3A_291 : memref<128x128xf32, #tpu.memory_space<vmem_shared>>)
      tpu.yield
    }) : () -> ()
    %mul3A_161 = arith.constant 640 : i32
    %mul3A_162 = arith.muli %arg1, %mul3A_161 : i32
    %add3A_163 = arith.constant 384 : i32
    %add3A_164 = arith.addi %mul3A_162, %add3A_163 : i32
    "tpu.region"() ({
      %run_scoped3A = tpu.sem_alloc : memref<!tpu.dma_semaphore, #tpu.memory_space<semaphore_mem>>
      %dma_start3A_284 = arith.constant 0 : i32
      %dma_start3A_285 = tpu.memref_slice %arg12[%add3A_164, %dma_start3A_284] : memref<10240x128xf32, #tpu.memory_space<vmem_shared>> -> memref<128x128xf32, #tpu.memory_space<vmem_shared>>
      %dma_start3A_286 = arith.constant 0 : i32
      %dma_start3A_287 = tpu.memref_slice %arg12[%add3A_164, %dma_start3A_286] : memref<10240x128xf32, #tpu.memory_space<vmem_shared>> -> memref<128x128xf32, #tpu.memory_space<vmem_shared>>
      tpu.enqueue_dma source(%arg10 : memref<128x128xf32, #tpu.memory_space<vmem>>) target(%dma_start3A_287 : memref<128x128xf32, #tpu.memory_space<vmem_shared>>) target_semaphore(%run_scoped3A : memref<!tpu.dma_semaphore, #tpu.memory_space<semaphore_mem>>)
      %dma_wait3A_288 = arith.constant 0 : i32
      %dma_wait3A_289 = tpu.memref_slice %arg12[%add3A_164, %dma_wait3A_288] : memref<10240x128xf32, #tpu.memory_space<vmem_shared>> -> memref<128x128xf32, #tpu.memory_space<vmem_shared>>
      %dma_wait3A_290 = arith.constant 0 : i32
      %dma_wait3A_291 = tpu.memref_slice %arg12[%add3A_164, %dma_wait3A_290] : memref<10240x128xf32, #tpu.memory_space<vmem_shared>> -> memref<128x128xf32, #tpu.memory_space<vmem_shared>>
      tpu.wait_dma2 semaphore(%run_scoped3A : memref<!tpu.dma_semaphore, #tpu.memory_space<semaphore_mem>>) src(%arg10 : memref<128x128xf32, #tpu.memory_space<vmem>>) dst(%dma_wait3A_291 : memref<128x128xf32, #tpu.memory_space<vmem_shared>>)
      tpu.yield
    }) : () -> ()
    %mul3A_165 = arith.constant 640 : i32
    %mul3A_166 = arith.muli %arg1, %mul3A_165 : i32
    %add3A_167 = arith.constant 512 : i32
    %add3A_168 = arith.addi %mul3A_166, %add3A_167 : i32
    "tpu.region"() ({
      %run_scoped3A = tpu.sem_alloc : memref<!tpu.dma_semaphore, #tpu.memory_space<semaphore_mem>>
      %dma_start3A_284 = arith.constant 0 : i32
      %dma_start3A_285 = tpu.memref_slice %arg12[%add3A_168, %dma_start3A_284] : memref<10240x128xf32, #tpu.memory_space<vmem_shared>> -> memref<128x128xf32, #tpu.memory_space<vmem_shared>>
      %dma_start3A_286 = arith.constant 0 : i32
      %dma_start3A_287 = tpu.memref_slice %arg12[%add3A_168, %dma_start3A_286] : memref<10240x128xf32, #tpu.memory_space<vmem_shared>> -> memref<128x128xf32, #tpu.memory_space<vmem_shared>>
      tpu.enqueue_dma source(%arg10 : memref<128x128xf32, #tpu.memory_space<vmem>>) target(%dma_start3A_287 : memref<128x128xf32, #tpu.memory_space<vmem_shared>>) target_semaphore(%run_scoped3A : memref<!tpu.dma_semaphore, #tpu.memory_space<semaphore_mem>>)
      %dma_wait3A_288 = arith.constant 0 : i32
      %dma_wait3A_289 = tpu.memref_slice %arg12[%add3A_168, %dma_wait3A_288] : memref<10240x128xf32, #tpu.memory_space<vmem_shared>> -> memref<128x128xf32, #tpu.memory_space<vmem_shared>>
      %dma_wait3A_290 = arith.constant 0 : i32
      %dma_wait3A_291 = tpu.memref_slice %arg12[%add3A_168, %dma_wait3A_290] : memref<10240x128xf32, #tpu.memory_space<vmem_shared>> -> memref<128x128xf32, #tpu.memory_space<vmem_shared>>
      tpu.wait_dma2 semaphore(%run_scoped3A : memref<!tpu.dma_semaphore, #tpu.memory_space<semaphore_mem>>) src(%arg10 : memref<128x128xf32, #tpu.memory_space<vmem>>) dst(%dma_wait3A_291 : memref<128x128xf32, #tpu.memory_space<vmem_shared>>)
      tpu.yield
    }) : () -> ()
    %barrier3A_169 = arith.constant 0 : index
    tpu.barrier barrier_id(%barrier3A_169)
    %add3A_170 = arith.constant 0 : i32
    %add3A_171 = arith.addi %mul3A_0, %add3A_170 : i32
    %dma_start3A_172 = tpu.memref_slice %arg3[%add3A_171] : memref<163840xi32, #tpu.memory_space<hbm>> -> memref<128xi32, #tpu.memory_space<hbm>>
    %dma_start3A_173 = tpu.memref_slice %arg3[%add3A_171] : memref<163840xi32, #tpu.memory_space<hbm>> -> memref<128xi32, #tpu.memory_space<hbm>>
    tpu.enqueue_dma source(%dma_start3A_173 : memref<128xi32, #tpu.memory_space<hbm>>) target(%arg6 : memref<128xi32, #tpu.memory_space<vmem>>) target_semaphore(%arg15 : memref<!tpu.dma_semaphore, #tpu.memory_space<semaphore_mem>>)
    %add3A_174 = arith.constant 0 : i32
    %add3A_175 = arith.addi %mul3A_0, %add3A_174 : i32
    %dma_start3A_176 = tpu.memref_slice %arg4[%add3A_175] : memref<163840xi32, #tpu.memory_space<hbm>> -> memref<128xi32, #tpu.memory_space<hbm>>
    %dma_start3A_177 = tpu.memref_slice %arg4[%add3A_175] : memref<163840xi32, #tpu.memory_space<hbm>> -> memref<128xi32, #tpu.memory_space<hbm>>
    tpu.enqueue_dma source(%dma_start3A_177 : memref<128xi32, #tpu.memory_space<hbm>>) target(%arg8 : memref<128xi32, #tpu.memory_space<vmem>>) target_semaphore(%arg15 : memref<!tpu.dma_semaphore, #tpu.memory_space<semaphore_mem>>)
    %add3A_178 = arith.constant 128 : i32
    %add3A_179 = arith.addi %mul3A_0, %add3A_178 : i32
    %dma_start3A_180 = tpu.memref_slice %arg3[%add3A_179] : memref<163840xi32, #tpu.memory_space<hbm>> -> memref<128xi32, #tpu.memory_space<hbm>>
    %dma_start3A_181 = tpu.memref_slice %arg3[%add3A_179] : memref<163840xi32, #tpu.memory_space<hbm>> -> memref<128xi32, #tpu.memory_space<hbm>>
    tpu.enqueue_dma source(%dma_start3A_181 : memref<128xi32, #tpu.memory_space<hbm>>) target(%arg7 : memref<128xi32, #tpu.memory_space<vmem>>) target_semaphore(%arg16 : memref<!tpu.dma_semaphore, #tpu.memory_space<semaphore_mem>>)
    %add3A_182 = arith.constant 128 : i32
    %add3A_183 = arith.addi %mul3A_0, %add3A_182 : i32
    %dma_start3A_184 = tpu.memref_slice %arg4[%add3A_183] : memref<163840xi32, #tpu.memory_space<hbm>> -> memref<128xi32, #tpu.memory_space<hbm>>
    %dma_start3A_185 = tpu.memref_slice %arg4[%add3A_183] : memref<163840xi32, #tpu.memory_space<hbm>> -> memref<128xi32, #tpu.memory_space<hbm>>
    tpu.enqueue_dma source(%dma_start3A_185 : memref<128xi32, #tpu.memory_space<hbm>>) target(%arg9 : memref<128xi32, #tpu.memory_space<vmem>>) target_semaphore(%arg16 : memref<!tpu.dma_semaphore, #tpu.memory_space<semaphore_mem>>)
    %dma_wait3A_186 = arith.constant 0 : i32
    %dma_wait3A_187 = tpu.memref_slice %arg3[%dma_wait3A_186] : memref<163840xi32, #tpu.memory_space<hbm>> -> memref<128xi32, #tpu.memory_space<hbm>>
    %dma_wait3A_188 = arith.constant 0 : i32
    %dma_wait3A_189 = tpu.memref_slice %arg3[%dma_wait3A_188] : memref<163840xi32, #tpu.memory_space<hbm>> -> memref<128xi32, #tpu.memory_space<hbm>>
    tpu.wait_dma2 semaphore(%arg15 : memref<!tpu.dma_semaphore, #tpu.memory_space<semaphore_mem>>) src(%dma_wait3A_189 : memref<128xi32, #tpu.memory_space<hbm>>) dst(%arg6 : memref<128xi32, #tpu.memory_space<vmem>>)
    %dma_wait3A_190 = arith.constant 0 : i32
    %dma_wait3A_191 = tpu.memref_slice %arg4[%dma_wait3A_190] : memref<163840xi32, #tpu.memory_space<hbm>> -> memref<128xi32, #tpu.memory_space<hbm>>
    %dma_wait3A_192 = arith.constant 0 : i32
    %dma_wait3A_193 = tpu.memref_slice %arg4[%dma_wait3A_192] : memref<163840xi32, #tpu.memory_space<hbm>> -> memref<128xi32, #tpu.memory_space<hbm>>
    tpu.wait_dma2 semaphore(%arg15 : memref<!tpu.dma_semaphore, #tpu.memory_space<semaphore_mem>>) src(%dma_wait3A_193 : memref<128xi32, #tpu.memory_space<hbm>>) dst(%arg8 : memref<128xi32, #tpu.memory_space<vmem>>)
    %get3A_194 = arith.constant 0 : index
    %get3A_195 = tpu.vector_load %arg6[%get3A_194] {strides = array<i32>} : memref<128xi32, #tpu.memory_space<vmem>>, vector<16xi32>,
    %get3A_196 = vector.shape_cast %get3A_195 : vector<16xi32> to vector<16xi32>
    %add3A_197 = vector.broadcast %mul3A_142 : i32 to vector<16xi32>
    %add3A_198 = arith.addi %get3A_196, %add3A_197 : vector<16xi32>
    %swap3A_199 = arith.constant 0 : index
    %swap3A_200 = tpu.vector_load %arg6[%swap3A_199] {strides = array<i32>} : memref<128xi32, #tpu.memory_space<vmem>>, vector<16xi32>,
    %swap3A_201 = vector.shape_cast %swap3A_200 : vector<16xi32> to vector<16xi32>
    %swap3A_202 = vector.shape_cast %add3A_198 : vector<16xi32> to vector<16xi32>
    tpu.vector_store %arg6[%swap3A_199], %swap3A_202 {strides = array<i32>} : memref<128xi32, #tpu.memory_space<vmem>>, vector<16xi32>,
    %get3A_203 = arith.constant 16 : index
    %get3A_204 = tpu.vector_load %arg6[%get3A_203] {strides = array<i32>} : memref<128xi32, #tpu.memory_space<vmem>>, vector<16xi32>,
    %get3A_205 = vector.shape_cast %get3A_204 : vector<16xi32> to vector<16xi32>
    %add3A_206 = vector.broadcast %mul3A_142 : i32 to vector<16xi32>
    %add3A_207 = arith.addi %get3A_205, %add3A_206 : vector<16xi32>
    %swap3A_208 = arith.constant 16 : index
    %swap3A_209 = tpu.vector_load %arg6[%swap3A_208] {strides = array<i32>} : memref<128xi32, #tpu.memory_space<vmem>>, vector<16xi32>,
    %swap3A_210 = vector.shape_cast %swap3A_209 : vector<16xi32> to vector<16xi32>
    %swap3A_211 = vector.shape_cast %add3A_207 : vector<16xi32> to vector<16xi32>
    tpu.vector_store %arg6[%swap3A_208], %swap3A_211 {strides = array<i32>} : memref<128xi32, #tpu.memory_space<vmem>>, vector<16xi32>,
    %get3A_212 = arith.constant 32 : index
    %get3A_213 = tpu.vector_load %arg6[%get3A_212] {strides = array<i32>} : memref<128xi32, #tpu.memory_space<vmem>>, vector<16xi32>,
    %get3A_214 = vector.shape_cast %get3A_213 : vector<16xi32> to vector<16xi32>
    %add3A_215 = vector.broadcast %mul3A_142 : i32 to vector<16xi32>
    %add3A_216 = arith.addi %get3A_214, %add3A_215 : vector<16xi32>
    %swap3A_217 = arith.constant 32 : index
    %swap3A_218 = tpu.vector_load %arg6[%swap3A_217] {strides = array<i32>} : memref<128xi32, #tpu.memory_space<vmem>>, vector<16xi32>,
    %swap3A_219 = vector.shape_cast %swap3A_218 : vector<16xi32> to vector<16xi32>
    %swap3A_220 = vector.shape_cast %add3A_216 : vector<16xi32> to vector<16xi32>
    tpu.vector_store %arg6[%swap3A_217], %swap3A_220 {strides = array<i32>} : memref<128xi32, #tpu.memory_space<vmem>>, vector<16xi32>,
    %get3A_221 = arith.constant 48 : index
    %get3A_222 = tpu.vector_load %arg6[%get3A_221] {strides = array<i32>} : memref<128xi32, #tpu.memory_space<vmem>>, vector<16xi32>,
    %get3A_223 = vector.shape_cast %get3A_222 : vector<16xi32> to vector<16xi32>
    %add3A_224 = vector.broadcast %mul3A_142 : i32 to vector<16xi32>
    %add3A_225 = arith.addi %get3A_223, %add3A_224 : vector<16xi32>
    %swap3A_226 = arith.constant 48 : index
    %swap3A_227 = tpu.vector_load %arg6[%swap3A_226] {strides = array<i32>} : memref<128xi32, #tpu.memory_space<vmem>>, vector<16xi32>,
    %swap3A_228 = vector.shape_cast %swap3A_227 : vector<16xi32> to vector<16xi32>
    %swap3A_229 = vector.shape_cast %add3A_225 : vector<16xi32> to vector<16xi32>
    tpu.vector_store %arg6[%swap3A_226], %swap3A_229 {strides = array<i32>} : memref<128xi32, #tpu.memory_space<vmem>>, vector<16xi32>,
    %get3A_230 = arith.constant 64 : index
    %get3A_231 = tpu.vector_load %arg6[%get3A_230] {strides = array<i32>} : memref<128xi32, #tpu.memory_space<vmem>>, vector<16xi32>,
    %get3A_232 = vector.shape_cast %get3A_231 : vector<16xi32> to vector<16xi32>
    %add3A_233 = vector.broadcast %mul3A_142 : i32 to vector<16xi32>
    %add3A_234 = arith.addi %get3A_232, %add3A_233 : vector<16xi32>
    %swap3A_235 = arith.constant 64 : index
    %swap3A_236 = tpu.vector_load %arg6[%swap3A_235] {strides = array<i32>} : memref<128xi32, #tpu.memory_space<vmem>>, vector<16xi32>,
    %swap3A_237 = vector.shape_cast %swap3A_236 : vector<16xi32> to vector<16xi32>
    %swap3A_238 = vector.shape_cast %add3A_234 : vector<16xi32> to vector<16xi32>
    tpu.vector_store %arg6[%swap3A_235], %swap3A_238 {strides = array<i32>} : memref<128xi32, #tpu.memory_space<vmem>>, vector<16xi32>,
    %get3A_239 = arith.constant 80 : index
    %get3A_240 = tpu.vector_load %arg6[%get3A_239] {strides = array<i32>} : memref<128xi32, #tpu.memory_space<vmem>>, vector<16xi32>,
    %get3A_241 = vector.shape_cast %get3A_240 : vector<16xi32> to vector<16xi32>
    %add3A_242 = vector.broadcast %mul3A_142 : i32 to vector<16xi32>
    %add3A_243 = arith.addi %get3A_241, %add3A_242 : vector<16xi32>
    %swap3A_244 = arith.constant 80 : index
    %swap3A_245 = tpu.vector_load %arg6[%swap3A_244] {strides = array<i32>} : memref<128xi32, #tpu.memory_space<vmem>>, vector<16xi32>,
    %swap3A_246 = vector.shape_cast %swap3A_245 : vector<16xi32> to vector<16xi32>
    %swap3A_247 = vector.shape_cast %add3A_243 : vector<16xi32> to vector<16xi32>
    tpu.vector_store %arg6[%swap3A_244], %swap3A_247 {strides = array<i32>} : memref<128xi32, #tpu.memory_space<vmem>>, vector<16xi32>,
    %get3A_248 = arith.constant 96 : index
    %get3A_249 = tpu.vector_load %arg6[%get3A_248] {strides = array<i32>} : memref<128xi32, #tpu.memory_space<vmem>>, vector<16xi32>,
    %get3A_250 = vector.shape_cast %get3A_249 : vector<16xi32> to vector<16xi32>
    %add3A_251 = vector.broadcast %mul3A_142 : i32 to vector<16xi32>
    %add3A_252 = arith.addi %get3A_250, %add3A_251 : vector<16xi32>
    %swap3A_253 = arith.constant 96 : index
    %swap3A_254 = tpu.vector_load %arg6[%swap3A_253] {strides = array<i32>} : memref<128xi32, #tpu.memory_space<vmem>>, vector<16xi32>,
    %swap3A_255 = vector.shape_cast %swap3A_254 : vector<16xi32> to vector<16xi32>
    %swap3A_256 = vector.shape_cast %add3A_252 : vector<16xi32> to vector<16xi32>
    tpu.vector_store %arg6[%swap3A_253], %swap3A_256 {strides = array<i32>} : memref<128xi32, #tpu.memory_space<vmem>>, vector<16xi32>,
    %get3A_257 = arith.constant 112 : index
    %get3A_258 = tpu.vector_load %arg6[%get3A_257] {strides = array<i32>} : memref<128xi32, #tpu.memory_space<vmem>>, vector<16xi32>,
    %get3A_259 = vector.shape_cast %get3A_258 : vector<16xi32> to vector<16xi32>
    %add3A_260 = vector.broadcast %mul3A_142 : i32 to vector<16xi32>
    %add3A_261 = arith.addi %get3A_259, %add3A_260 : vector<16xi32>
    %swap3A_262 = arith.constant 112 : index
    %swap3A_263 = tpu.vector_load %arg6[%swap3A_262] {strides = array<i32>} : memref<128xi32, #tpu.memory_space<vmem>>, vector<16xi32>,
    %swap3A_264 = vector.shape_cast %swap3A_263 : vector<16xi32> to vector<16xi32>
    %swap3A_265 = vector.shape_cast %add3A_261 : vector<16xi32> to vector<16xi32>
    tpu.vector_store %arg6[%swap3A_262], %swap3A_265 {strides = array<i32>} : memref<128xi32, #tpu.memory_space<vmem>>, vector<16xi32>,
    %dma_start3A_266 = arith.constant 0 : i32
    %dma_start3A_267 = arith.constant 0 : i32
    %dma_start3A_268 = tpu.memref_slice %arg2[%dma_start3A_266, %dma_start3A_267] : memref<40960x128xf32, #tpu.memory_space<hbm>> -> memref<40960x128xf32, #tpu.memory_space<hbm>>
    tpu.enqueue_indirect_dma source(%dma_start3A_268 : memref<40960x128xf32, #tpu.memory_space<hbm>>) target(%arg10 : memref<128x128xf32, #tpu.memory_space<vmem>>) offsets(%arg6 : memref<128xi32, #tpu.memory_space<vmem>>) semaphore(%arg13 : memref<!tpu.dma_semaphore, #tpu.memory_space<semaphore_mem>>)
    %scan3A_269 = arith.constant 0 : i32
    %scan3A_270 = arith.constant 0 : i32
    %scan3A_271 = arith.constant 40 : i32
    %scan3A_272 = arith.addi %scan3A_270, %scan3A_271 : i32
    %scan3A_273 = arith.constant 1 : i32
    scf.for %scan3A_284 = %scan3A_270 to %scan3A_272 step %scan3A_273  : i32 {
      %mul3A_285 = arith.constant 2 : i32
      %mul3A_286 = arith.muli %mul3A_285, %scan3A_284 : i32
      %add3A_287 = arith.constant 0 : i32
      %add3A_288 = arith.addi %mul3A_286, %add3A_287 : i32
      %dma_wait3A_289 = arith.constant 0 : i32
      %dma_wait3A_290 = tpu.memref_slice %arg3[%dma_wait3A_289] : memref<163840xi32, #tpu.memory_space<hbm>> -> memref<128xi32, #tpu.memory_space<hbm>>
      %dma_wait3A_291 = arith.constant 0 : i32
      %dma_wait3A_292 = tpu.memref_slice %arg3[%dma_wait3A_291] : memref<163840xi32, #tpu.memory_space<hbm>> -> memref<128xi32, #tpu.memory_space<hbm>>
      tpu.wait_dma2 semaphore(%arg16 : memref<!tpu.dma_semaphore, #tpu.memory_space<semaphore_mem>>) src(%dma_wait3A_292 : memref<128xi32, #tpu.memory_space<hbm>>) dst(%arg7 : memref<128xi32, #tpu.memory_space<vmem>>)
      %dma_wait3A_293 = arith.constant 0 : i32
      %dma_wait3A_294 = tpu.memref_slice %arg4[%dma_wait3A_293] : memref<163840xi32, #tpu.memory_space<hbm>> -> memref<128xi32, #tpu.memory_space<hbm>>
      %dma_wait3A_295 = arith.constant 0 : i32
      %dma_wait3A_296 = tpu.memref_slice %arg4[%dma_wait3A_295] : memref<163840xi32, #tpu.memory_space<hbm>> -> memref<128xi32, #tpu.memory_space<hbm>>
      tpu.wait_dma2 semaphore(%arg16 : memref<!tpu.dma_semaphore, #tpu.memory_space<semaphore_mem>>) src(%dma_wait3A_296 : memref<128xi32, #tpu.memory_space<hbm>>) dst(%arg9 : memref<128xi32, #tpu.memory_space<vmem>>)
      %get3A_297 = arith.constant 0 : index
      %get3A_298 = tpu.vector_load %arg7[%get3A_297] {strides = array<i32>} : memref<128xi32, #tpu.memory_space<vmem>>, vector<16xi32>,
      %get3A_299 = vector.shape_cast %get3A_298 : vector<16xi32> to vector<16xi32>
      %add3A_300 = vector.broadcast %mul3A_142 : i32 to vector<16xi32>
      %add3A_301 = arith.addi %get3A_299, %add3A_300 : vector<16xi32>
      %swap3A_302 = arith.constant 0 : index
      %swap3A_303 = tpu.vector_load %arg7[%swap3A_302] {strides = array<i32>} : memref<128xi32, #tpu.memory_space<vmem>>, vector<16xi32>,
      %swap3A_304 = vector.shape_cast %swap3A_303 : vector<16xi32> to vector<16xi32>
      %swap3A_305 = vector.shape_cast %add3A_301 : vector<16xi32> to vector<16xi32>
      tpu.vector_store %arg7[%swap3A_302], %swap3A_305 {strides = array<i32>} : memref<128xi32, #tpu.memory_space<vmem>>, vector<16xi32>,
      %get3A_306 = arith.constant 16 : index
      %get3A_307 = tpu.vector_load %arg7[%get3A_306] {strides = array<i32>} : memref<128xi32, #tpu.memory_space<vmem>>, vector<16xi32>,
      %get3A_308 = vector.shape_cast %get3A_307 : vector<16xi32> to vector<16xi32>
      %add3A_309 = vector.broadcast %mul3A_142 : i32 to vector<16xi32>
      %add3A_310 = arith.addi %get3A_308, %add3A_309 : vector<16xi32>
      %swap3A_311 = arith.constant 16 : index
      %swap3A_312 = tpu.vector_load %arg7[%swap3A_311] {strides = array<i32>} : memref<128xi32, #tpu.memory_space<vmem>>, vector<16xi32>,
      %swap3A_313 = vector.shape_cast %swap3A_312 : vector<16xi32> to vector<16xi32>
      %swap3A_314 = vector.shape_cast %add3A_310 : vector<16xi32> to vector<16xi32>
      tpu.vector_store %arg7[%swap3A_311], %swap3A_314 {strides = array<i32>} : memref<128xi32, #tpu.memory_space<vmem>>, vector<16xi32>,
      %get3A_315 = arith.constant 32 : index
      %get3A_316 = tpu.vector_load %arg7[%get3A_315] {strides = array<i32>} : memref<128xi32, #tpu.memory_space<vmem>>, vector<16xi32>,
      %get3A_317 = vector.shape_cast %get3A_316 : vector<16xi32> to vector<16xi32>
      %add3A_318 = vector.broadcast %mul3A_142 : i32 to vector<16xi32>
      %add3A_319 = arith.addi %get3A_317, %add3A_318 : vector<16xi32>
      %swap3A_320 = arith.constant 32 : index
      %swap3A_321 = tpu.vector_load %arg7[%swap3A_320] {strides = array<i32>} : memref<128xi32, #tpu.memory_space<vmem>>, vector<16xi32>,
      %swap3A_322 = vector.shape_cast %swap3A_321 : vector<16xi32> to vector<16xi32>
      %swap3A_323 = vector.shape_cast %add3A_319 : vector<16xi32> to vector<16xi32>
      tpu.vector_store %arg7[%swap3A_320], %swap3A_323 {strides = array<i32>} : memref<128xi32, #tpu.memory_space<vmem>>, vector<16xi32>,
      %get3A_324 = arith.constant 48 : index
      %get3A_325 = tpu.vector_load %arg7[%get3A_324] {strides = array<i32>} : memref<128xi32, #tpu.memory_space<vmem>>, vector<16xi32>,
      %get3A_326 = vector.shape_cast %get3A_325 : vector<16xi32> to vector<16xi32>
      %add3A_327 = vector.broadcast %mul3A_142 : i32 to vector<16xi32>
      %add3A_328 = arith.addi %get3A_326, %add3A_327 : vector<16xi32>
      %swap3A_329 = arith.constant 48 : index
      %swap3A_330 = tpu.vector_load %arg7[%swap3A_329] {strides = array<i32>} : memref<128xi32, #tpu.memory_space<vmem>>, vector<16xi32>,
      %swap3A_331 = vector.shape_cast %swap3A_330 : vector<16xi32> to vector<16xi32>
      %swap3A_332 = vector.shape_cast %add3A_328 : vector<16xi32> to vector<16xi32>
      tpu.vector_store %arg7[%swap3A_329], %swap3A_332 {strides = array<i32>} : memref<128xi32, #tpu.memory_space<vmem>>, vector<16xi32>,
      %get3A_333 = arith.constant 64 : index
      %get3A_334 = tpu.vector_load %arg7[%get3A_333] {strides = array<i32>} : memref<128xi32, #tpu.memory_space<vmem>>, vector<16xi32>,
      %get3A_335 = vector.shape_cast %get3A_334 : vector<16xi32> to vector<16xi32>
      %add3A_336 = vector.broadcast %mul3A_142 : i32 to vector<16xi32>
      %add3A_337 = arith.addi %get3A_335, %add3A_336 : vector<16xi32>
      %swap3A_338 = arith.constant 64 : index
      %swap3A_339 = tpu.vector_load %arg7[%swap3A_338] {strides = array<i32>} : memref<128xi32, #tpu.memory_space<vmem>>, vector<16xi32>,
      %swap3A_340 = vector.shape_cast %swap3A_339 : vector<16xi32> to vector<16xi32>
      %swap3A_341 = vector.shape_cast %add3A_337 : vector<16xi32> to vector<16xi32>
      tpu.vector_store %arg7[%swap3A_338], %swap3A_341 {strides = array<i32>} : memref<128xi32, #tpu.memory_space<vmem>>, vector<16xi32>,
      %get3A_342 = arith.constant 80 : index
      %get3A_343 = tpu.vector_load %arg7[%get3A_342] {strides = array<i32>} : memref<128xi32, #tpu.memory_space<vmem>>, vector<16xi32>,
      %get3A_344 = vector.shape_cast %get3A_343 : vector<16xi32> to vector<16xi32>
      %add3A_345 = vector.broadcast %mul3A_142 : i32 to vector<16xi32>
      %add3A_346 = arith.addi %get3A_344, %add3A_345 : vector<16xi32>
      %swap3A_347 = arith.constant 80 : index
      %swap3A_348 = tpu.vector_load %arg7[%swap3A_347] {strides = array<i32>} : memref<128xi32, #tpu.memory_space<vmem>>, vector<16xi32>,
      %swap3A_349 = vector.shape_cast %swap3A_348 : vector<16xi32> to vector<16xi32>
      %swap3A_350 = vector.shape_cast %add3A_346 : vector<16xi32> to vector<16xi32>
      tpu.vector_store %arg7[%swap3A_347], %swap3A_350 {strides = array<i32>} : memref<128xi32, #tpu.memory_space<vmem>>, vector<16xi32>,
      %get3A_351 = arith.constant 96 : index
      %get3A_352 = tpu.vector_load %arg7[%get3A_351] {strides = array<i32>} : memref<128xi32, #tpu.memory_space<vmem>>, vector<16xi32>,
      %get3A_353 = vector.shape_cast %get3A_352 : vector<16xi32> to vector<16xi32>
      %add3A_354 = vector.broadcast %mul3A_142 : i32 to vector<16xi32>
      %add3A_355 = arith.addi %get3A_353, %add3A_354 : vector<16xi32>
      %swap3A_356 = arith.constant 96 : index
      %swap3A_357 = tpu.vector_load %arg7[%swap3A_356] {strides = array<i32>} : memref<128xi32, #tpu.memory_space<vmem>>, vector<16xi32>,
      %swap3A_358 = vector.shape_cast %swap3A_357 : vector<16xi32> to vector<16xi32>
      %swap3A_359 = vector.shape_cast %add3A_355 : vector<16xi32> to vector<16xi32>
      tpu.vector_store %arg7[%swap3A_356], %swap3A_359 {strides = array<i32>} : memref<128xi32, #tpu.memory_space<vmem>>, vector<16xi32>,
      %get3A_360 = arith.constant 112 : index
      %get3A_361 = tpu.vector_load %arg7[%get3A_360] {strides = array<i32>} : memref<128xi32, #tpu.memory_space<vmem>>, vector<16xi32>,
      %get3A_362 = vector.shape_cast %get3A_361 : vector<16xi32> to vector<16xi32>
      %add3A_363 = vector.broadcast %mul3A_142 : i32 to vector<16xi32>
      %add3A_364 = arith.addi %get3A_362, %add3A_363 : vector<16xi32>
      %swap3A_365 = arith.constant 112 : index
      %swap3A_366 = tpu.vector_load %arg7[%swap3A_365] {strides = array<i32>} : memref<128xi32, #tpu.memory_space<vmem>>, vector<16xi32>,
      %swap3A_367 = vector.shape_cast %swap3A_366 : vector<16xi32> to vector<16xi32>
      %swap3A_368 = vector.shape_cast %add3A_364 : vector<16xi32> to vector<16xi32>
      tpu.vector_store %arg7[%swap3A_365], %swap3A_368 {strides = array<i32>} : memref<128xi32, #tpu.memory_space<vmem>>, vector<16xi32>,
      %dma_start3A_369 = arith.constant 0 : i32
      %dma_start3A_370 = arith.constant 0 : i32
      %dma_start3A_371 = tpu.memref_slice %arg2[%dma_start3A_369, %dma_start3A_370] : memref<40960x128xf32, #tpu.memory_space<hbm>> -> memref<40960x128xf32, #tpu.memory_space<hbm>>
      tpu.enqueue_indirect_dma source(%dma_start3A_371 : memref<40960x128xf32, #tpu.memory_space<hbm>>) target(%arg11 : memref<128x128xf32, #tpu.memory_space<vmem>>) offsets(%arg7 : memref<128xi32, #tpu.memory_space<vmem>>) semaphore(%arg14 : memref<!tpu.dma_semaphore, #tpu.memory_space<semaphore_mem>>)
      %dma_wait3A_372 = arith.constant 0 : i32
      %dma_wait3A_373 = arith.constant 0 : i32
      %dma_wait3A_374 = tpu.memref_slice %arg2[%dma_wait3A_372, %dma_wait3A_373] : memref<40960x128xf32, #tpu.memory_space<hbm>> -> memref<128x128xf32, #tpu.memory_space<hbm>>
      %dma_wait3A_375 = arith.constant 0 : i32
      %dma_wait3A_376 = arith.constant 0 : i32
      %dma_wait3A_377 = tpu.memref_slice %arg2[%dma_wait3A_375, %dma_wait3A_376] : memref<40960x128xf32, #tpu.memory_space<hbm>> -> memref<128x128xf32, #tpu.memory_space<hbm>>
      tpu.wait_dma2 semaphore(%arg13 : memref<!tpu.dma_semaphore, #tpu.memory_space<semaphore_mem>>) src(%dma_wait3A_377 : memref<128x128xf32, #tpu.memory_space<hbm>>) dst(%arg10 : memref<128x128xf32, #tpu.memory_space<vmem>>)
      "tpu.region"() ({
        %run_scoped3A = tpu.sem_alloc : memref<!tpu.dma_semaphore, #tpu.memory_space<semaphore_mem>>
        %dma_start3A_404 = arith.constant 0 : i32
        %dma_start3A_405 = arith.constant 0 : i32
        %dma_start3A_406 = tpu.memref_slice %arg12[%dma_start3A_404, %dma_start3A_405] : memref<10240x128xf32, #tpu.memory_space<vmem_shared>> -> memref<10240x128xf32, #tpu.memory_space<vmem_shared>>
        tpu.enqueue_indirect_dma source(%arg10 : memref<128x128xf32, #tpu.memory_space<vmem>>) target(%dma_start3A_406 : memref<10240x128xf32, #tpu.memory_space<vmem_shared>>) offsets(%arg8 : memref<128xi32, #tpu.memory_space<vmem>>) semaphore(%run_scoped3A : memref<!tpu.dma_semaphore, #tpu.memory_space<semaphore_mem>>) {add = true}
        %dma_wait3A_407 = arith.constant 0 : i32
        %dma_wait3A_408 = arith.constant 0 : i32
        %dma_wait3A_409 = tpu.memref_slice %arg12[%dma_wait3A_407, %dma_wait3A_408] : memref<10240x128xf32, #tpu.memory_space<vmem_shared>> -> memref<10240x128xf32, #tpu.memory_space<vmem_shared>>
        tpu.wait_indirect_dma semaphore(%run_scoped3A : memref<!tpu.dma_semaphore, #tpu.memory_space<semaphore_mem>>) src(%arg10 : memref<128x128xf32, #tpu.memory_space<vmem>>) dst(%dma_wait3A_409 : memref<10240x128xf32, #tpu.memory_space<vmem_shared>>)
        tpu.yield
      }) : () -> ()
      %add3A_378 = arith.constant 2 : i32
      %add3A_379 = arith.addi %add3A_288, %add3A_378 : i32
      %lt3A = arith.constant 80 : i32
      %lt3A_380 = arith.cmpi slt, %add3A_379, %lt3A : i32
      %convert_element_type3A = arith.extui %lt3A_380 : i1 to i32
      %cond3A = arith.constant 0 : i32
      %cond3A_381 = arith.cmpi ne, %convert_element_type3A, %cond3A : i32
      scf.if %cond3A_381 {
        %add3A_404 = arith.constant 2 : i32
        %add3A_405 = arith.addi %add3A_288, %add3A_404 : i32
        %mul3A_406 = arith.constant 128 : i32
        %mul3A_407 = arith.muli %add3A_405, %mul3A_406 : i32
        %add3A_408 = arith.addi %mul3A_0, %mul3A_407 : i32
        %dma_start3A_409 = tpu.memref_slice %arg3[%add3A_408] : memref<163840xi32, #tpu.memory_space<hbm>> -> memref<128xi32, #tpu.memory_space<hbm>>
        %dma_start3A_410 = tpu.memref_slice %arg3[%add3A_408] : memref<163840xi32, #tpu.memory_space<hbm>> -> memref<128xi32, #tpu.memory_space<hbm>>
        tpu.enqueue_dma source(%dma_start3A_410 : memref<128xi32, #tpu.memory_space<hbm>>) target(%arg6 : memref<128xi32, #tpu.memory_space<vmem>>) target_semaphore(%arg15 : memref<!tpu.dma_semaphore, #tpu.memory_space<semaphore_mem>>)
        %mul3A_411 = arith.constant 128 : i32
        %mul3A_412 = arith.muli %add3A_405, %mul3A_411 : i32
        %add3A_413 = arith.addi %mul3A_0, %mul3A_412 : i32
        %dma_start3A_414 = tpu.memref_slice %arg4[%add3A_413] : memref<163840xi32, #tpu.memory_space<hbm>> -> memref<128xi32, #tpu.memory_space<hbm>>
        %dma_start3A_415 = tpu.memref_slice %arg4[%add3A_413] : memref<163840xi32, #tpu.memory_space<hbm>> -> memref<128xi32, #tpu.memory_space<hbm>>
        tpu.enqueue_dma source(%dma_start3A_415 : memref<128xi32, #tpu.memory_space<hbm>>) target(%arg8 : memref<128xi32, #tpu.memory_space<vmem>>) target_semaphore(%arg15 : memref<!tpu.dma_semaphore, #tpu.memory_space<semaphore_mem>>)
      } else {
      }
      %mul3A_382 = arith.constant 2 : i32
      %mul3A_383 = arith.muli %mul3A_382, %scan3A_284 : i32
      %add3A_384 = arith.constant 1 : i32
      %add3A_385 = arith.addi %mul3A_383, %add3A_384 : i32
      %lt3A_386 = arith.constant 39 : i32
      %lt3A_387 = arith.cmpi slt, %scan3A_284, %lt3A_386 : i32
      %convert_element_type3A_388 = arith.extui %lt3A_387 : i1 to i32
      %cond3A_389 = arith.constant 0 : i32
      %cond3A_390 = arith.cmpi ne, %convert_element_type3A_388, %cond3A_389 : i32
      scf.if %cond3A_390 {
        %dma_wait3A_404 = arith.constant 0 : i32
        %dma_wait3A_405 = tpu.memref_slice %arg3[%dma_wait3A_404] : memref<163840xi32, #tpu.memory_space<hbm>> -> memref<128xi32, #tpu.memory_space<hbm>>
        %dma_wait3A_406 = arith.constant 0 : i32
        %dma_wait3A_407 = tpu.memref_slice %arg3[%dma_wait3A_406] : memref<163840xi32, #tpu.memory_space<hbm>> -> memref<128xi32, #tpu.memory_space<hbm>>
        tpu.wait_dma2 semaphore(%arg15 : memref<!tpu.dma_semaphore, #tpu.memory_space<semaphore_mem>>) src(%dma_wait3A_407 : memref<128xi32, #tpu.memory_space<hbm>>) dst(%arg6 : memref<128xi32, #tpu.memory_space<vmem>>)
        %dma_wait3A_408 = arith.constant 0 : i32
        %dma_wait3A_409 = tpu.memref_slice %arg4[%dma_wait3A_408] : memref<163840xi32, #tpu.memory_space<hbm>> -> memref<128xi32, #tpu.memory_space<hbm>>
        %dma_wait3A_410 = arith.constant 0 : i32
        %dma_wait3A_411 = tpu.memref_slice %arg4[%dma_wait3A_410] : memref<163840xi32, #tpu.memory_space<hbm>> -> memref<128xi32, #tpu.memory_space<hbm>>
        tpu.wait_dma2 semaphore(%arg15 : memref<!tpu.dma_semaphore, #tpu.memory_space<semaphore_mem>>) src(%dma_wait3A_411 : memref<128xi32, #tpu.memory_space<hbm>>) dst(%arg8 : memref<128xi32, #tpu.memory_space<vmem>>)
        %get3A_412 = arith.constant 0 : index
        %get3A_413 = tpu.vector_load %arg6[%get3A_412] {strides = array<i32>} : memref<128xi32, #tpu.memory_space<vmem>>, vector<16xi32>,
        %get3A_414 = vector.shape_cast %get3A_413 : vector<16xi32> to vector<16xi32>
        %add3A_415 = vector.broadcast %mul3A_142 : i32 to vector<16xi32>
        %add3A_416 = arith.addi %get3A_414, %add3A_415 : vector<16xi32>
        %swap3A_417 = arith.constant 0 : index
        %swap3A_418 = tpu.vector_load %arg6[%swap3A_417] {strides = array<i32>} : memref<128xi32, #tpu.memory_space<vmem>>, vector<16xi32>,
        %swap3A_419 = vector.shape_cast %swap3A_418 : vector<16xi32> to vector<16xi32>
        %swap3A_420 = vector.shape_cast %add3A_416 : vector<16xi32> to vector<16xi32>
        tpu.vector_store %arg6[%swap3A_417], %swap3A_420 {strides = array<i32>} : memref<128xi32, #tpu.memory_space<vmem>>, vector<16xi32>,
        %get3A_421 = arith.constant 16 : index
        %get3A_422 = tpu.vector_load %arg6[%get3A_421] {strides = array<i32>} : memref<128xi32, #tpu.memory_space<vmem>>, vector<16xi32>,
        %get3A_423 = vector.shape_cast %get3A_422 : vector<16xi32> to vector<16xi32>
        %add3A_424 = vector.broadcast %mul3A_142 : i32 to vector<16xi32>
        %add3A_425 = arith.addi %get3A_423, %add3A_424 : vector<16xi32>
        %swap3A_426 = arith.constant 16 : index
        %swap3A_427 = tpu.vector_load %arg6[%swap3A_426] {strides = array<i32>} : memref<128xi32, #tpu.memory_space<vmem>>, vector<16xi32>,
        %swap3A_428 = vector.shape_cast %swap3A_427 : vector<16xi32> to vector<16xi32>
        %swap3A_429 = vector.shape_cast %add3A_425 : vector<16xi32> to vector<16xi32>
        tpu.vector_store %arg6[%swap3A_426], %swap3A_429 {strides = array<i32>} : memref<128xi32, #tpu.memory_space<vmem>>, vector<16xi32>,
        %get3A_430 = arith.constant 32 : index
        %get3A_431 = tpu.vector_load %arg6[%get3A_430] {strides = array<i32>} : memref<128xi32, #tpu.memory_space<vmem>>, vector<16xi32>,
        %get3A_432 = vector.shape_cast %get3A_431 : vector<16xi32> to vector<16xi32>
        %add3A_433 = vector.broadcast %mul3A_142 : i32 to vector<16xi32>
        %add3A_434 = arith.addi %get3A_432, %add3A_433 : vector<16xi32>
        %swap3A_435 = arith.constant 32 : index
        %swap3A_436 = tpu.vector_load %arg6[%swap3A_435] {strides = array<i32>} : memref<128xi32, #tpu.memory_space<vmem>>, vector<16xi32>,
        %swap3A_437 = vector.shape_cast %swap3A_436 : vector<16xi32> to vector<16xi32>
        %swap3A_438 = vector.shape_cast %add3A_434 : vector<16xi32> to vector<16xi32>
        tpu.vector_store %arg6[%swap3A_435], %swap3A_438 {strides = array<i32>} : memref<128xi32, #tpu.memory_space<vmem>>, vector<16xi32>,
        %get3A_439 = arith.constant 48 : index
        %get3A_440 = tpu.vector_load %arg6[%get3A_439] {strides = array<i32>} : memref<128xi32, #tpu.memory_space<vmem>>, vector<16xi32>,
        %get3A_441 = vector.shape_cast %get3A_440 : vector<16xi32> to vector<16xi32>
        %add3A_442 = vector.broadcast %mul3A_142 : i32 to vector<16xi32>
        %add3A_443 = arith.addi %get3A_441, %add3A_442 : vector<16xi32>
        %swap3A_444 = arith.constant 48 : index
        %swap3A_445 = tpu.vector_load %arg6[%swap3A_444] {strides = array<i32>} : memref<128xi32, #tpu.memory_space<vmem>>, vector<16xi32>,
        %swap3A_446 = vector.shape_cast %swap3A_445 : vector<16xi32> to vector<16xi32>
        %swap3A_447 = vector.shape_cast %add3A_443 : vector<16xi32> to vector<16xi32>
        tpu.vector_store %arg6[%swap3A_444], %swap3A_447 {strides = array<i32>} : memref<128xi32, #tpu.memory_space<vmem>>, vector<16xi32>,
        %get3A_448 = arith.constant 64 : index
        %get3A_449 = tpu.vector_load %arg6[%get3A_448] {strides = array<i32>} : memref<128xi32, #tpu.memory_space<vmem>>, vector<16xi32>,
        %get3A_450 = vector.shape_cast %get3A_449 : vector<16xi32> to vector<16xi32>
        %add3A_451 = vector.broadcast %mul3A_142 : i32 to vector<16xi32>
        %add3A_452 = arith.addi %get3A_450, %add3A_451 : vector<16xi32>
        %swap3A_453 = arith.constant 64 : index
        %swap3A_454 = tpu.vector_load %arg6[%swap3A_453] {strides = array<i32>} : memref<128xi32, #tpu.memory_space<vmem>>, vector<16xi32>,
        %swap3A_455 = vector.shape_cast %swap3A_454 : vector<16xi32> to vector<16xi32>
        %swap3A_456 = vector.shape_cast %add3A_452 : vector<16xi32> to vector<16xi32>
        tpu.vector_store %arg6[%swap3A_453], %swap3A_456 {strides = array<i32>} : memref<128xi32, #tpu.memory_space<vmem>>, vector<16xi32>,
        %get3A_457 = arith.constant 80 : index
        %get3A_458 = tpu.vector_load %arg6[%get3A_457] {strides = array<i32>} : memref<128xi32, #tpu.memory_space<vmem>>, vector<16xi32>,
        %get3A_459 = vector.shape_cast %get3A_458 : vector<16xi32> to vector<16xi32>
        %add3A_460 = vector.broadcast %mul3A_142 : i32 to vector<16xi32>
        %add3A_461 = arith.addi %get3A_459, %add3A_460 : vector<16xi32>
        %swap3A_462 = arith.constant 80 : index
        %swap3A_463 = tpu.vector_load %arg6[%swap3A_462] {strides = array<i32>} : memref<128xi32, #tpu.memory_space<vmem>>, vector<16xi32>,
        %swap3A_464 = vector.shape_cast %swap3A_463 : vector<16xi32> to vector<16xi32>
        %swap3A_465 = vector.shape_cast %add3A_461 : vector<16xi32> to vector<16xi32>
        tpu.vector_store %arg6[%swap3A_462], %swap3A_465 {strides = array<i32>} : memref<128xi32, #tpu.memory_space<vmem>>, vector<16xi32>,
        %get3A_466 = arith.constant 96 : index
        %get3A_467 = tpu.vector_load %arg6[%get3A_466] {strides = array<i32>} : memref<128xi32, #tpu.memory_space<vmem>>, vector<16xi32>,
        %get3A_468 = vector.shape_cast %get3A_467 : vector<16xi32> to vector<16xi32>
        %add3A_469 = vector.broadcast %mul3A_142 : i32 to vector<16xi32>
        %add3A_470 = arith.addi %get3A_468, %add3A_469 : vector<16xi32>
        %swap3A_471 = arith.constant 96 : index
        %swap3A_472 = tpu.vector_load %arg6[%swap3A_471] {strides = array<i32>} : memref<128xi32, #tpu.memory_space<vmem>>, vector<16xi32>,
        %swap3A_473 = vector.shape_cast %swap3A_472 : vector<16xi32> to vector<16xi32>
        %swap3A_474 = vector.shape_cast %add3A_470 : vector<16xi32> to vector<16xi32>
        tpu.vector_store %arg6[%swap3A_471], %swap3A_474 {strides = array<i32>} : memref<128xi32, #tpu.memory_space<vmem>>, vector<16xi32>,
        %get3A_475 = arith.constant 112 : index
        %get3A_476 = tpu.vector_load %arg6[%get3A_475] {strides = array<i32>} : memref<128xi32, #tpu.memory_space<vmem>>, vector<16xi32>,
        %get3A_477 = vector.shape_cast %get3A_476 : vector<16xi32> to vector<16xi32>
        %add3A_478 = vector.broadcast %mul3A_142 : i32 to vector<16xi32>
        %add3A_479 = arith.addi %get3A_477, %add3A_478 : vector<16xi32>
        %swap3A_480 = arith.constant 112 : index
        %swap3A_481 = tpu.vector_load %arg6[%swap3A_480] {strides = array<i32>} : memref<128xi32, #tpu.memory_space<vmem>>, vector<16xi32>,
        %swap3A_482 = vector.shape_cast %swap3A_481 : vector<16xi32> to vector<16xi32>
        %swap3A_483 = vector.shape_cast %add3A_479 : vector<16xi32> to vector<16xi32>
        tpu.vector_store %arg6[%swap3A_480], %swap3A_483 {strides = array<i32>} : memref<128xi32, #tpu.memory_space<vmem>>, vector<16xi32>,
        %dma_start3A_484 = arith.constant 0 : i32
        %dma_start3A_485 = arith.constant 0 : i32
        %dma_start3A_486 = tpu.memref_slice %arg2[%dma_start3A_484, %dma_start3A_485] : memref<40960x128xf32, #tpu.memory_space<hbm>> -> memref<40960x128xf32, #tpu.memory_space<hbm>>
        tpu.enqueue_indirect_dma source(%dma_start3A_486 : memref<40960x128xf32, #tpu.memory_space<hbm>>) target(%arg10 : memref<128x128xf32, #tpu.memory_space<vmem>>) offsets(%arg6 : memref<128xi32, #tpu.memory_space<vmem>>) semaphore(%arg13 : memref<!tpu.dma_semaphore, #tpu.memory_space<semaphore_mem>>)
      } else {
      }
      %dma_wait3A_391 = arith.constant 0 : i32
      %dma_wait3A_392 = arith.constant 0 : i32
      %dma_wait3A_393 = tpu.memref_slice %arg2[%dma_wait3A_391, %dma_wait3A_392] : memref<40960x128xf32, #tpu.memory_space<hbm>> -> memref<128x128xf32, #tpu.memory_space<hbm>>
      %dma_wait3A_394 = arith.constant 0 : i32
      %dma_wait3A_395 = arith.constant 0 : i32
      %dma_wait3A_396 = tpu.memref_slice %arg2[%dma_wait3A_394, %dma_wait3A_395] : memref<40960x128xf32, #tpu.memory_space<hbm>> -> memref<128x128xf32, #tpu.memory_space<hbm>>
      tpu.wait_dma2 semaphore(%arg14 : memref<!tpu.dma_semaphore, #tpu.memory_space<semaphore_mem>>) src(%dma_wait3A_396 : memref<128x128xf32, #tpu.memory_space<hbm>>) dst(%arg11 : memref<128x128xf32, #tpu.memory_space<vmem>>)
      "tpu.region"() ({
        %run_scoped3A = tpu.sem_alloc : memref<!tpu.dma_semaphore, #tpu.memory_space<semaphore_mem>>
        %dma_start3A_404 = arith.constant 0 : i32
        %dma_start3A_405 = arith.constant 0 : i32
        %dma_start3A_406 = tpu.memref_slice %arg12[%dma_start3A_404, %dma_start3A_405] : memref<10240x128xf32, #tpu.memory_space<vmem_shared>> -> memref<10240x128xf32, #tpu.memory_space<vmem_shared>>
        tpu.enqueue_indirect_dma source(%arg11 : memref<128x128xf32, #tpu.memory_space<vmem>>) target(%dma_start3A_406 : memref<10240x128xf32, #tpu.memory_space<vmem_shared>>) offsets(%arg9 : memref<128xi32, #tpu.memory_space<vmem>>) semaphore(%run_scoped3A : memref<!tpu.dma_semaphore, #tpu.memory_space<semaphore_mem>>) {add = true}
        %dma_wait3A_407 = arith.constant 0 : i32
        %dma_wait3A_408 = arith.constant 0 : i32
        %dma_wait3A_409 = tpu.memref_slice %arg12[%dma_wait3A_407, %dma_wait3A_408] : memref<10240x128xf32, #tpu.memory_space<vmem_shared>> -> memref<10240x128xf32, #tpu.memory_space<vmem_shared>>
        tpu.wait_indirect_dma semaphore(%run_scoped3A : memref<!tpu.dma_semaphore, #tpu.memory_space<semaphore_mem>>) src(%arg11 : memref<128x128xf32, #tpu.memory_space<vmem>>) dst(%dma_wait3A_409 : memref<10240x128xf32, #tpu.memory_space<vmem_shared>>)
        tpu.yield
      }) : () -> ()
      %add3A_397 = arith.constant 2 : i32
      %add3A_398 = arith.addi %add3A_385, %add3A_397 : i32
      %lt3A_399 = arith.constant 80 : i32
      %lt3A_400 = arith.cmpi slt, %add3A_398, %lt3A_399 : i32
      %convert_element_type3A_401 = arith.extui %lt3A_400 : i1 to i32
      %cond3A_402 = arith.constant 0 : i32
      %cond3A_403 = arith.cmpi ne, %convert_element_type3A_401, %cond3A_402 : i32
      scf.if %cond3A_403 {
        %add3A_404 = arith.constant 2 : i32
        %add3A_405 = arith.addi %add3A_385, %add3A_404 : i32
        %mul3A_406 = arith.constant 128 : i32
        %mul3A_407 = arith.muli %add3A_405, %mul3A_406 : i32
        %add3A_408 = arith.addi %mul3A_0, %mul3A_407 : i32
        %dma_start3A_409 = tpu.memref_slice %arg3[%add3A_408] : memref<163840xi32, #tpu.memory_space<hbm>> -> memref<128xi32, #tpu.memory_space<hbm>>
        %dma_start3A_410 = tpu.memref_slice %arg3[%add3A_408] : memref<163840xi32, #tpu.memory_space<hbm>> -> memref<128xi32, #tpu.memory_space<hbm>>
        tpu.enqueue_dma source(%dma_start3A_410 : memref<128xi32, #tpu.memory_space<hbm>>) target(%arg7 : memref<128xi32, #tpu.memory_space<vmem>>) target_semaphore(%arg16 : memref<!tpu.dma_semaphore, #tpu.memory_space<semaphore_mem>>)
        %mul3A_411 = arith.constant 128 : i32
        %mul3A_412 = arith.muli %add3A_405, %mul3A_411 : i32
        %add3A_413 = arith.addi %mul3A_0, %mul3A_412 : i32
        %dma_start3A_414 = tpu.memref_slice %arg4[%add3A_413] : memref<163840xi32, #tpu.memory_space<hbm>> -> memref<128xi32, #tpu.memory_space<hbm>>
        %dma_start3A_415 = tpu.memref_slice %arg4[%add3A_413] : memref<163840xi32, #tpu.memory_space<hbm>> -> memref<128xi32, #tpu.memory_space<hbm>>
        tpu.enqueue_dma source(%dma_start3A_415 : memref<128xi32, #tpu.memory_space<hbm>>) target(%arg9 : memref<128xi32, #tpu.memory_space<vmem>>) target_semaphore(%arg16 : memref<!tpu.dma_semaphore, #tpu.memory_space<semaphore_mem>>)
      } else {
      }
    }
    %scan3A_274 = arith.constant 40 : i32
    %barrier3A_275 = arith.constant 0 : index
    tpu.barrier barrier_id(%barrier3A_275)
    %mul3A_276 = arith.constant 640 : i32
    %mul3A_277 = arith.muli %arg1, %mul3A_276 : i32
    %mul3A_278 = arith.constant 10240 : i32
    %mul3A_279 = arith.muli %add3A_140, %mul3A_278 : i32
    %mul3A_280 = arith.constant 640 : i32
    %mul3A_281 = arith.muli %arg1, %mul3A_280 : i32
    %add3A_282 = arith.addi %mul3A_279, %mul3A_281 : i32
    "tpu.region"() ({
      %run_scoped3A = tpu.sem_alloc : memref<!tpu.dma_semaphore, #tpu.memory_space<semaphore_mem>>
      %dma_start3A_284 = arith.constant 0 : i32
      %dma_start3A_285 = tpu.memref_slice %arg5[%add3A_282, %dma_start3A_284] : memref<40960x128xf32, #tpu.memory_space<hbm>> -> memref<640x128xf32, #tpu.memory_space<hbm>>
      %dma_start3A_286 = arith.constant 0 : i32
      %dma_start3A_287 = tpu.memref_slice %arg12[%mul3A_277, %dma_start3A_286] : memref<10240x128xf32, #tpu.memory_space<vmem_shared>> -> memref<640x128xf32, #tpu.memory_space<vmem_shared>>
      tpu.enqueue_dma source(%dma_start3A_287 : memref<640x128xf32, #tpu.memory_space<vmem_shared>>) target(%dma_start3A_285 : memref<640x128xf32, #tpu.memory_space<hbm>>) target_semaphore(%run_scoped3A : memref<!tpu.dma_semaphore, #tpu.memory_space<semaphore_mem>>)
      %dma_wait3A_288 = arith.constant 0 : i32
      %dma_wait3A_289 = tpu.memref_slice %arg5[%add3A_282, %dma_wait3A_288] : memref<40960x128xf32, #tpu.memory_space<hbm>> -> memref<640x128xf32, #tpu.memory_space<hbm>>
      %dma_wait3A_290 = arith.constant 0 : i32
      %dma_wait3A_291 = tpu.memref_slice %arg12[%mul3A_277, %dma_wait3A_290] : memref<10240x128xf32, #tpu.memory_space<vmem_shared>> -> memref<640x128xf32, #tpu.memory_space<vmem_shared>>
      tpu.wait_dma2 semaphore(%run_scoped3A : memref<!tpu.dma_semaphore, #tpu.memory_space<semaphore_mem>>) src(%dma_wait3A_291 : memref<640x128xf32, #tpu.memory_space<vmem_shared>>) dst(%dma_wait3A_289 : memref<640x128xf32, #tpu.memory_space<hbm>>)
      tpu.yield
    }) : () -> ()
    %barrier3A_283 = arith.constant 0 : index
    tpu.barrier barrier_id(%barrier3A_283)
    return
  }
}

#map = affine_map<(d0, d1) -> (0, 0, 0)>
#map1 = affine_map<(d0, d1) -> (0)>
module attributes {stable_mosaic.version = 14 : i64} {
  func.func @_deg_body(%arg0: i32, %arg1: i32, %arg2: memref<32x40x128xi32, #tpu.memory_space<hbm>>, %arg3: memref<20480xf32, #tpu.memory_space<hbm>>, %arg4: memref<40x128xi32, #tpu.memory_space<vmem>>, %arg5: memref<128xf32, #tpu.memory_space<vmem>>, %arg6: memref<640xf32, #tpu.memory_space<vmem>>, %arg7: memref<10240xf32, #tpu.memory_space<vmem_shared>>) attributes {dimension_semantics = [#tpu.dimension_semantics<core_parallel>, #tpu.dimension_semantics<subcore_parallel>], iteration_bounds = array<i64: 2, 16>, scalar_prefetch = 0 : i64, scratch_operands = 4 : i64, tpu.core_type = #tpu.core_type<sc_vector_subcore>, window_params = [{transform_indices = #map}, {transform_indices = #map1}]} {
    %mul3A = arith.constant 2 : i32
    %mul3A_0 = arith.muli %arg1, %mul3A : i32
    %add3A = arith.addi %mul3A_0, %arg0 : i32
    %broadcast_in_dim3A = arith.constant 1.000000e+00 : f32
    %broadcast_in_dim3A_1 = vector.broadcast %broadcast_in_dim3A : f32 to vector<16xf32>
    %swap3A = arith.constant 0 : index
    %swap3A_2 = tpu.vector_load %arg5[%swap3A] {strides = array<i32>} : memref<128xf32, #tpu.memory_space<vmem>>, vector<16xf32>,
    %swap3A_3 = vector.shape_cast %swap3A_2 : vector<16xf32> to vector<16xf32>
    %swap3A_4 = vector.shape_cast %broadcast_in_dim3A_1 : vector<16xf32> to vector<16xf32>
    tpu.vector_store %arg5[%swap3A], %swap3A_4 {strides = array<i32>} : memref<128xf32, #tpu.memory_space<vmem>>, vector<16xf32>,
    %broadcast_in_dim3A_5 = arith.constant 1.000000e+00 : f32
    %broadcast_in_dim3A_6 = vector.broadcast %broadcast_in_dim3A_5 : f32 to vector<16xf32>
    %swap3A_7 = arith.constant 16 : index
    %swap3A_8 = tpu.vector_load %arg5[%swap3A_7] {strides = array<i32>} : memref<128xf32, #tpu.memory_space<vmem>>, vector<16xf32>,
    %swap3A_9 = vector.shape_cast %swap3A_8 : vector<16xf32> to vector<16xf32>
    %swap3A_10 = vector.shape_cast %broadcast_in_dim3A_6 : vector<16xf32> to vector<16xf32>
    tpu.vector_store %arg5[%swap3A_7], %swap3A_10 {strides = array<i32>} : memref<128xf32, #tpu.memory_space<vmem>>, vector<16xf32>,
    %broadcast_in_dim3A_11 = arith.constant 1.000000e+00 : f32
    %broadcast_in_dim3A_12 = vector.broadcast %broadcast_in_dim3A_11 : f32 to vector<16xf32>
    %swap3A_13 = arith.constant 32 : index
    %swap3A_14 = tpu.vector_load %arg5[%swap3A_13] {strides = array<i32>} : memref<128xf32, #tpu.memory_space<vmem>>, vector<16xf32>,
    %swap3A_15 = vector.shape_cast %swap3A_14 : vector<16xf32> to vector<16xf32>
    %swap3A_16 = vector.shape_cast %broadcast_in_dim3A_12 : vector<16xf32> to vector<16xf32>
    tpu.vector_store %arg5[%swap3A_13], %swap3A_16 {strides = array<i32>} : memref<128xf32, #tpu.memory_space<vmem>>, vector<16xf32>,
    %broadcast_in_dim3A_17 = arith.constant 1.000000e+00 : f32
    %broadcast_in_dim3A_18 = vector.broadcast %broadcast_in_dim3A_17 : f32 to vector<16xf32>
    %swap3A_19 = arith.constant 48 : index
    %swap3A_20 = tpu.vector_load %arg5[%swap3A_19] {strides = array<i32>} : memref<128xf32, #tpu.memory_space<vmem>>, vector<16xf32>,
    %swap3A_21 = vector.shape_cast %swap3A_20 : vector<16xf32> to vector<16xf32>
    %swap3A_22 = vector.shape_cast %broadcast_in_dim3A_18 : vector<16xf32> to vector<16xf32>
    tpu.vector_store %arg5[%swap3A_19], %swap3A_22 {strides = array<i32>} : memref<128xf32, #tpu.memory_space<vmem>>, vector<16xf32>,
    %broadcast_in_dim3A_23 = arith.constant 1.000000e+00 : f32
    %broadcast_in_dim3A_24 = vector.broadcast %broadcast_in_dim3A_23 : f32 to vector<16xf32>
    %swap3A_25 = arith.constant 64 : index
    %swap3A_26 = tpu.vector_load %arg5[%swap3A_25] {strides = array<i32>} : memref<128xf32, #tpu.memory_space<vmem>>, vector<16xf32>,
    %swap3A_27 = vector.shape_cast %swap3A_26 : vector<16xf32> to vector<16xf32>
    %swap3A_28 = vector.shape_cast %broadcast_in_dim3A_24 : vector<16xf32> to vector<16xf32>
    tpu.vector_store %arg5[%swap3A_25], %swap3A_28 {strides = array<i32>} : memref<128xf32, #tpu.memory_space<vmem>>, vector<16xf32>,
    %broadcast_in_dim3A_29 = arith.constant 1.000000e+00 : f32
    %broadcast_in_dim3A_30 = vector.broadcast %broadcast_in_dim3A_29 : f32 to vector<16xf32>
    %swap3A_31 = arith.constant 80 : index
    %swap3A_32 = tpu.vector_load %arg5[%swap3A_31] {strides = array<i32>} : memref<128xf32, #tpu.memory_space<vmem>>, vector<16xf32>,
    %swap3A_33 = vector.shape_cast %swap3A_32 : vector<16xf32> to vector<16xf32>
    %swap3A_34 = vector.shape_cast %broadcast_in_dim3A_30 : vector<16xf32> to vector<16xf32>
    tpu.vector_store %arg5[%swap3A_31], %swap3A_34 {strides = array<i32>} : memref<128xf32, #tpu.memory_space<vmem>>, vector<16xf32>,
    %broadcast_in_dim3A_35 = arith.constant 1.000000e+00 : f32
    %broadcast_in_dim3A_36 = vector.broadcast %broadcast_in_dim3A_35 : f32 to vector<16xf32>
    %swap3A_37 = arith.constant 96 : index
    %swap3A_38 = tpu.vector_load %arg5[%swap3A_37] {strides = array<i32>} : memref<128xf32, #tpu.memory_space<vmem>>, vector<16xf32>,
    %swap3A_39 = vector.shape_cast %swap3A_38 : vector<16xf32> to vector<16xf32>
    %swap3A_40 = vector.shape_cast %broadcast_in_dim3A_36 : vector<16xf32> to vector<16xf32>
    tpu.vector_store %arg5[%swap3A_37], %swap3A_40 {strides = array<i32>} : memref<128xf32, #tpu.memory_space<vmem>>, vector<16xf32>,
    %broadcast_in_dim3A_41 = arith.constant 1.000000e+00 : f32
    %broadcast_in_dim3A_42 = vector.broadcast %broadcast_in_dim3A_41 : f32 to vector<16xf32>
    %swap3A_43 = arith.constant 112 : index
    %swap3A_44 = tpu.vector_load %arg5[%swap3A_43] {strides = array<i32>} : memref<128xf32, #tpu.memory_space<vmem>>, vector<16xf32>,
    %swap3A_45 = vector.shape_cast %swap3A_44 : vector<16xf32> to vector<16xf32>
    %swap3A_46 = vector.shape_cast %broadcast_in_dim3A_42 : vector<16xf32> to vector<16xf32>
    tpu.vector_store %arg5[%swap3A_43], %swap3A_46 {strides = array<i32>} : memref<128xf32, #tpu.memory_space<vmem>>, vector<16xf32>,
    %broadcast_in_dim3A_47 = arith.constant 0.000000e+00 : f32
    %broadcast_in_dim3A_48 = vector.broadcast %broadcast_in_dim3A_47 : f32 to vector<16xf32>
    %swap3A_49 = arith.constant 0 : index
    %swap3A_50 = tpu.vector_load %arg6[%swap3A_49] {strides = array<i32>} : memref<640xf32, #tpu.memory_space<vmem>>, vector<16xf32>,
    %swap3A_51 = vector.shape_cast %swap3A_50 : vector<16xf32> to vector<16xf32>
    %swap3A_52 = vector.shape_cast %broadcast_in_dim3A_48 : vector<16xf32> to vector<16xf32>
    tpu.vector_store %arg6[%swap3A_49], %swap3A_52 {strides = array<i32>} : memref<640xf32, #tpu.memory_space<vmem>>, vector<16xf32>,
    %broadcast_in_dim3A_53 = arith.constant 0.000000e+00 : f32
    %broadcast_in_dim3A_54 = vector.broadcast %broadcast_in_dim3A_53 : f32 to vector<16xf32>
    %swap3A_55 = arith.constant 16 : index
    %swap3A_56 = tpu.vector_load %arg6[%swap3A_55] {strides = array<i32>} : memref<640xf32, #tpu.memory_space<vmem>>, vector<16xf32>,
    %swap3A_57 = vector.shape_cast %swap3A_56 : vector<16xf32> to vector<16xf32>
    %swap3A_58 = vector.shape_cast %broadcast_in_dim3A_54 : vector<16xf32> to vector<16xf32>
    tpu.vector_store %arg6[%swap3A_55], %swap3A_58 {strides = array<i32>} : memref<640xf32, #tpu.memory_space<vmem>>, vector<16xf32>,
    %broadcast_in_dim3A_59 = arith.constant 0.000000e+00 : f32
    %broadcast_in_dim3A_60 = vector.broadcast %broadcast_in_dim3A_59 : f32 to vector<16xf32>
    %swap3A_61 = arith.constant 32 : index
    %swap3A_62 = tpu.vector_load %arg6[%swap3A_61] {strides = array<i32>} : memref<640xf32, #tpu.memory_space<vmem>>, vector<16xf32>,
    %swap3A_63 = vector.shape_cast %swap3A_62 : vector<16xf32> to vector<16xf32>
    %swap3A_64 = vector.shape_cast %broadcast_in_dim3A_60 : vector<16xf32> to vector<16xf32>
    tpu.vector_store %arg6[%swap3A_61], %swap3A_64 {strides = array<i32>} : memref<640xf32, #tpu.memory_space<vmem>>, vector<16xf32>,
    %broadcast_in_dim3A_65 = arith.constant 0.000000e+00 : f32
    %broadcast_in_dim3A_66 = vector.broadcast %broadcast_in_dim3A_65 : f32 to vector<16xf32>
    %swap3A_67 = arith.constant 48 : index
    %swap3A_68 = tpu.vector_load %arg6[%swap3A_67] {strides = array<i32>} : memref<640xf32, #tpu.memory_space<vmem>>, vector<16xf32>,
    %swap3A_69 = vector.shape_cast %swap3A_68 : vector<16xf32> to vector<16xf32>
    %swap3A_70 = vector.shape_cast %broadcast_in_dim3A_66 : vector<16xf32> to vector<16xf32>
    tpu.vector_store %arg6[%swap3A_67], %swap3A_70 {strides = array<i32>} : memref<640xf32, #tpu.memory_space<vmem>>, vector<16xf32>,
    %broadcast_in_dim3A_71 = arith.constant 0.000000e+00 : f32
    %broadcast_in_dim3A_72 = vector.broadcast %broadcast_in_dim3A_71 : f32 to vector<16xf32>
    %swap3A_73 = arith.constant 64 : index
    %swap3A_74 = tpu.vector_load %arg6[%swap3A_73] {strides = array<i32>} : memref<640xf32, #tpu.memory_space<vmem>>, vector<16xf32>,
    %swap3A_75 = vector.shape_cast %swap3A_74 : vector<16xf32> to vector<16xf32>
    %swap3A_76 = vector.shape_cast %broadcast_in_dim3A_72 : vector<16xf32> to vector<16xf32>
    tpu.vector_store %arg6[%swap3A_73], %swap3A_76 {strides = array<i32>} : memref<640xf32, #tpu.memory_space<vmem>>, vector<16xf32>,
    %broadcast_in_dim3A_77 = arith.constant 0.000000e+00 : f32
    %broadcast_in_dim3A_78 = vector.broadcast %broadcast_in_dim3A_77 : f32 to vector<16xf32>
    %swap3A_79 = arith.constant 80 : index
    %swap3A_80 = tpu.vector_load %arg6[%swap3A_79] {strides = array<i32>} : memref<640xf32, #tpu.memory_space<vmem>>, vector<16xf32>,
    %swap3A_81 = vector.shape_cast %swap3A_80 : vector<16xf32> to vector<16xf32>
    %swap3A_82 = vector.shape_cast %broadcast_in_dim3A_78 : vector<16xf32> to vector<16xf32>
    tpu.vector_store %arg6[%swap3A_79], %swap3A_82 {strides = array<i32>} : memref<640xf32, #tpu.memory_space<vmem>>, vector<16xf32>,
    %broadcast_in_dim3A_83 = arith.constant 0.000000e+00 : f32
    %broadcast_in_dim3A_84 = vector.broadcast %broadcast_in_dim3A_83 : f32 to vector<16xf32>
    %swap3A_85 = arith.constant 96 : index
    %swap3A_86 = tpu.vector_load %arg6[%swap3A_85] {strides = array<i32>} : memref<640xf32, #tpu.memory_space<vmem>>, vector<16xf32>,
    %swap3A_87 = vector.shape_cast %swap3A_86 : vector<16xf32> to vector<16xf32>
    %swap3A_88 = vector.shape_cast %broadcast_in_dim3A_84 : vector<16xf32> to vector<16xf32>
    tpu.vector_store %arg6[%swap3A_85], %swap3A_88 {strides = array<i32>} : memref<640xf32, #tpu.memory_space<vmem>>, vector<16xf32>,
    %broadcast_in_dim3A_89 = arith.constant 0.000000e+00 : f32
    %broadcast_in_dim3A_90 = vector.broadcast %broadcast_in_dim3A_89 : f32 to vector<16xf32>
    %swap3A_91 = arith.constant 112 : index
    %swap3A_92 = tpu.vector_load %arg6[%swap3A_91] {strides = array<i32>} : memref<640xf32, #tpu.memory_space<vmem>>, vector<16xf32>,
    %swap3A_93 = vector.shape_cast %swap3A_92 : vector<16xf32> to vector<16xf32>
    %swap3A_94 = vector.shape_cast %broadcast_in_dim3A_90 : vector<16xf32> to vector<16xf32>
    tpu.vector_store %arg6[%swap3A_91], %swap3A_94 {strides = array<i32>} : memref<640xf32, #tpu.memory_space<vmem>>, vector<16xf32>,
    %broadcast_in_dim3A_95 = arith.constant 0.000000e+00 : f32
    %broadcast_in_dim3A_96 = vector.broadcast %broadcast_in_dim3A_95 : f32 to vector<16xf32>
    %swap3A_97 = arith.constant 128 : index
    %swap3A_98 = tpu.vector_load %arg6[%swap3A_97] {strides = array<i32>} : memref<640xf32, #tpu.memory_space<vmem>>, vector<16xf32>,
    %swap3A_99 = vector.shape_cast %swap3A_98 : vector<16xf32> to vector<16xf32>
    %swap3A_100 = vector.shape_cast %broadcast_in_dim3A_96 : vector<16xf32> to vector<16xf32>
    tpu.vector_store %arg6[%swap3A_97], %swap3A_100 {strides = array<i32>} : memref<640xf32, #tpu.memory_space<vmem>>, vector<16xf32>,
    %broadcast_in_dim3A_101 = arith.constant 0.000000e+00 : f32
    %broadcast_in_dim3A_102 = vector.broadcast %broadcast_in_dim3A_101 : f32 to vector<16xf32>
    %swap3A_103 = arith.constant 144 : index
    %swap3A_104 = tpu.vector_load %arg6[%swap3A_103] {strides = array<i32>} : memref<640xf32, #tpu.memory_space<vmem>>, vector<16xf32>,
    %swap3A_105 = vector.shape_cast %swap3A_104 : vector<16xf32> to vector<16xf32>
    %swap3A_106 = vector.shape_cast %broadcast_in_dim3A_102 : vector<16xf32> to vector<16xf32>
    tpu.vector_store %arg6[%swap3A_103], %swap3A_106 {strides = array<i32>} : memref<640xf32, #tpu.memory_space<vmem>>, vector<16xf32>,
    %broadcast_in_dim3A_107 = arith.constant 0.000000e+00 : f32
    %broadcast_in_dim3A_108 = vector.broadcast %broadcast_in_dim3A_107 : f32 to vector<16xf32>
    %swap3A_109 = arith.constant 160 : index
    %swap3A_110 = tpu.vector_load %arg6[%swap3A_109] {strides = array<i32>} : memref<640xf32, #tpu.memory_space<vmem>>, vector<16xf32>,
    %swap3A_111 = vector.shape_cast %swap3A_110 : vector<16xf32> to vector<16xf32>
    %swap3A_112 = vector.shape_cast %broadcast_in_dim3A_108 : vector<16xf32> to vector<16xf32>
    tpu.vector_store %arg6[%swap3A_109], %swap3A_112 {strides = array<i32>} : memref<640xf32, #tpu.memory_space<vmem>>, vector<16xf32>,
    %broadcast_in_dim3A_113 = arith.constant 0.000000e+00 : f32
    %broadcast_in_dim3A_114 = vector.broadcast %broadcast_in_dim3A_113 : f32 to vector<16xf32>
    %swap3A_115 = arith.constant 176 : index
    %swap3A_116 = tpu.vector_load %arg6[%swap3A_115] {strides = array<i32>} : memref<640xf32, #tpu.memory_space<vmem>>, vector<16xf32>,
    %swap3A_117 = vector.shape_cast %swap3A_116 : vector<16xf32> to vector<16xf32>
    %swap3A_118 = vector.shape_cast %broadcast_in_dim3A_114 : vector<16xf32> to vector<16xf32>
    tpu.vector_store %arg6[%swap3A_115], %swap3A_118 {strides = array<i32>} : memref<640xf32, #tpu.memory_space<vmem>>, vector<16xf32>,
    %broadcast_in_dim3A_119 = arith.constant 0.000000e+00 : f32
    %broadcast_in_dim3A_120 = vector.broadcast %broadcast_in_dim3A_119 : f32 to vector<16xf32>
    %swap3A_121 = arith.constant 192 : index
    %swap3A_122 = tpu.vector_load %arg6[%swap3A_121] {strides = array<i32>} : memref<640xf32, #tpu.memory_space<vmem>>, vector<16xf32>,
    %swap3A_123 = vector.shape_cast %swap3A_122 : vector<16xf32> to vector<16xf32>
    %swap3A_124 = vector.shape_cast %broadcast_in_dim3A_120 : vector<16xf32> to vector<16xf32>
    tpu.vector_store %arg6[%swap3A_121], %swap3A_124 {strides = array<i32>} : memref<640xf32, #tpu.memory_space<vmem>>, vector<16xf32>,
    %broadcast_in_dim3A_125 = arith.constant 0.000000e+00 : f32
    %broadcast_in_dim3A_126 = vector.broadcast %broadcast_in_dim3A_125 : f32 to vector<16xf32>
    %swap3A_127 = arith.constant 208 : index
    %swap3A_128 = tpu.vector_load %arg6[%swap3A_127] {strides = array<i32>} : memref<640xf32, #tpu.memory_space<vmem>>, vector<16xf32>,
    %swap3A_129 = vector.shape_cast %swap3A_128 : vector<16xf32> to vector<16xf32>
    %swap3A_130 = vector.shape_cast %broadcast_in_dim3A_126 : vector<16xf32> to vector<16xf32>
    tpu.vector_store %arg6[%swap3A_127], %swap3A_130 {strides = array<i32>} : memref<640xf32, #tpu.memory_space<vmem>>, vector<16xf32>,
    %broadcast_in_dim3A_131 = arith.constant 0.000000e+00 : f32
    %broadcast_in_dim3A_132 = vector.broadcast %broadcast_in_dim3A_131 : f32 to vector<16xf32>
    %swap3A_133 = arith.constant 224 : index
    %swap3A_134 = tpu.vector_load %arg6[%swap3A_133] {strides = array<i32>} : memref<640xf32, #tpu.memory_space<vmem>>, vector<16xf32>,
    %swap3A_135 = vector.shape_cast %swap3A_134 : vector<16xf32> to vector<16xf32>
    %swap3A_136 = vector.shape_cast %broadcast_in_dim3A_132 : vector<16xf32> to vector<16xf32>
    tpu.vector_store %arg6[%swap3A_133], %swap3A_136 {strides = array<i32>} : memref<640xf32, #tpu.memory_space<vmem>>, vector<16xf32>,
    %broadcast_in_dim3A_137 = arith.constant 0.000000e+00 : f32
    %broadcast_in_dim3A_138 = vector.broadcast %broadcast_in_dim3A_137 : f32 to vector<16xf32>
    %swap3A_139 = arith.constant 240 : index
    %swap3A_140 = tpu.vector_load %arg6[%swap3A_139] {strides = array<i32>} : memref<640xf32, #tpu.memory_space<vmem>>, vector<16xf32>,
    %swap3A_141 = vector.shape_cast %swap3A_140 : vector<16xf32> to vector<16xf32>
    %swap3A_142 = vector.shape_cast %broadcast_in_dim3A_138 : vector<16xf32> to vector<16xf32>
    tpu.vector_store %arg6[%swap3A_139], %swap3A_142 {strides = array<i32>} : memref<640xf32, #tpu.memory_space<vmem>>, vector<16xf32>,
    %broadcast_in_dim3A_143 = arith.constant 0.000000e+00 : f32
    %broadcast_in_dim3A_144 = vector.broadcast %broadcast_in_dim3A_143 : f32 to vector<16xf32>
    %swap3A_145 = arith.constant 256 : index
    %swap3A_146 = tpu.vector_load %arg6[%swap3A_145] {strides = array<i32>} : memref<640xf32, #tpu.memory_space<vmem>>, vector<16xf32>,
    %swap3A_147 = vector.shape_cast %swap3A_146 : vector<16xf32> to vector<16xf32>
    %swap3A_148 = vector.shape_cast %broadcast_in_dim3A_144 : vector<16xf32> to vector<16xf32>
    tpu.vector_store %arg6[%swap3A_145], %swap3A_148 {strides = array<i32>} : memref<640xf32, #tpu.memory_space<vmem>>, vector<16xf32>,
    %broadcast_in_dim3A_149 = arith.constant 0.000000e+00 : f32
    %broadcast_in_dim3A_150 = vector.broadcast %broadcast_in_dim3A_149 : f32 to vector<16xf32>
    %swap3A_151 = arith.constant 272 : index
    %swap3A_152 = tpu.vector_load %arg6[%swap3A_151] {strides = array<i32>} : memref<640xf32, #tpu.memory_space<vmem>>, vector<16xf32>,
    %swap3A_153 = vector.shape_cast %swap3A_152 : vector<16xf32> to vector<16xf32>
    %swap3A_154 = vector.shape_cast %broadcast_in_dim3A_150 : vector<16xf32> to vector<16xf32>
    tpu.vector_store %arg6[%swap3A_151], %swap3A_154 {strides = array<i32>} : memref<640xf32, #tpu.memory_space<vmem>>, vector<16xf32>,
    %broadcast_in_dim3A_155 = arith.constant 0.000000e+00 : f32
    %broadcast_in_dim3A_156 = vector.broadcast %broadcast_in_dim3A_155 : f32 to vector<16xf32>
    %swap3A_157 = arith.constant 288 : index
    %swap3A_158 = tpu.vector_load %arg6[%swap3A_157] {strides = array<i32>} : memref<640xf32, #tpu.memory_space<vmem>>, vector<16xf32>,
    %swap3A_159 = vector.shape_cast %swap3A_158 : vector<16xf32> to vector<16xf32>
    %swap3A_160 = vector.shape_cast %broadcast_in_dim3A_156 : vector<16xf32> to vector<16xf32>
    tpu.vector_store %arg6[%swap3A_157], %swap3A_160 {strides = array<i32>} : memref<640xf32, #tpu.memory_space<vmem>>, vector<16xf32>,
    %broadcast_in_dim3A_161 = arith.constant 0.000000e+00 : f32
    %broadcast_in_dim3A_162 = vector.broadcast %broadcast_in_dim3A_161 : f32 to vector<16xf32>
    %swap3A_163 = arith.constant 304 : index
    %swap3A_164 = tpu.vector_load %arg6[%swap3A_163] {strides = array<i32>} : memref<640xf32, #tpu.memory_space<vmem>>, vector<16xf32>,
    %swap3A_165 = vector.shape_cast %swap3A_164 : vector<16xf32> to vector<16xf32>
    %swap3A_166 = vector.shape_cast %broadcast_in_dim3A_162 : vector<16xf32> to vector<16xf32>
    tpu.vector_store %arg6[%swap3A_163], %swap3A_166 {strides = array<i32>} : memref<640xf32, #tpu.memory_space<vmem>>, vector<16xf32>,
    %broadcast_in_dim3A_167 = arith.constant 0.000000e+00 : f32
    %broadcast_in_dim3A_168 = vector.broadcast %broadcast_in_dim3A_167 : f32 to vector<16xf32>
    %swap3A_169 = arith.constant 320 : index
    %swap3A_170 = tpu.vector_load %arg6[%swap3A_169] {strides = array<i32>} : memref<640xf32, #tpu.memory_space<vmem>>, vector<16xf32>,
    %swap3A_171 = vector.shape_cast %swap3A_170 : vector<16xf32> to vector<16xf32>
    %swap3A_172 = vector.shape_cast %broadcast_in_dim3A_168 : vector<16xf32> to vector<16xf32>
    tpu.vector_store %arg6[%swap3A_169], %swap3A_172 {strides = array<i32>} : memref<640xf32, #tpu.memory_space<vmem>>, vector<16xf32>,
    %broadcast_in_dim3A_173 = arith.constant 0.000000e+00 : f32
    %broadcast_in_dim3A_174 = vector.broadcast %broadcast_in_dim3A_173 : f32 to vector<16xf32>
    %swap3A_175 = arith.constant 336 : index
    %swap3A_176 = tpu.vector_load %arg6[%swap3A_175] {strides = array<i32>} : memref<640xf32, #tpu.memory_space<vmem>>, vector<16xf32>,
    %swap3A_177 = vector.shape_cast %swap3A_176 : vector<16xf32> to vector<16xf32>
    %swap3A_178 = vector.shape_cast %broadcast_in_dim3A_174 : vector<16xf32> to vector<16xf32>
    tpu.vector_store %arg6[%swap3A_175], %swap3A_178 {strides = array<i32>} : memref<640xf32, #tpu.memory_space<vmem>>, vector<16xf32>,
    %broadcast_in_dim3A_179 = arith.constant 0.000000e+00 : f32
    %broadcast_in_dim3A_180 = vector.broadcast %broadcast_in_dim3A_179 : f32 to vector<16xf32>
    %swap3A_181 = arith.constant 352 : index
    %swap3A_182 = tpu.vector_load %arg6[%swap3A_181] {strides = array<i32>} : memref<640xf32, #tpu.memory_space<vmem>>, vector<16xf32>,
    %swap3A_183 = vector.shape_cast %swap3A_182 : vector<16xf32> to vector<16xf32>
    %swap3A_184 = vector.shape_cast %broadcast_in_dim3A_180 : vector<16xf32> to vector<16xf32>
    tpu.vector_store %arg6[%swap3A_181], %swap3A_184 {strides = array<i32>} : memref<640xf32, #tpu.memory_space<vmem>>, vector<16xf32>,
    %broadcast_in_dim3A_185 = arith.constant 0.000000e+00 : f32
    %broadcast_in_dim3A_186 = vector.broadcast %broadcast_in_dim3A_185 : f32 to vector<16xf32>
    %swap3A_187 = arith.constant 368 : index
    %swap3A_188 = tpu.vector_load %arg6[%swap3A_187] {strides = array<i32>} : memref<640xf32, #tpu.memory_space<vmem>>, vector<16xf32>,
    %swap3A_189 = vector.shape_cast %swap3A_188 : vector<16xf32> to vector<16xf32>
    %swap3A_190 = vector.shape_cast %broadcast_in_dim3A_186 : vector<16xf32> to vector<16xf32>
    tpu.vector_store %arg6[%swap3A_187], %swap3A_190 {strides = array<i32>} : memref<640xf32, #tpu.memory_space<vmem>>, vector<16xf32>,
    %broadcast_in_dim3A_191 = arith.constant 0.000000e+00 : f32
    %broadcast_in_dim3A_192 = vector.broadcast %broadcast_in_dim3A_191 : f32 to vector<16xf32>
    %swap3A_193 = arith.constant 384 : index
    %swap3A_194 = tpu.vector_load %arg6[%swap3A_193] {strides = array<i32>} : memref<640xf32, #tpu.memory_space<vmem>>, vector<16xf32>,
    %swap3A_195 = vector.shape_cast %swap3A_194 : vector<16xf32> to vector<16xf32>
    %swap3A_196 = vector.shape_cast %broadcast_in_dim3A_192 : vector<16xf32> to vector<16xf32>
    tpu.vector_store %arg6[%swap3A_193], %swap3A_196 {strides = array<i32>} : memref<640xf32, #tpu.memory_space<vmem>>, vector<16xf32>,
    %broadcast_in_dim3A_197 = arith.constant 0.000000e+00 : f32
    %broadcast_in_dim3A_198 = vector.broadcast %broadcast_in_dim3A_197 : f32 to vector<16xf32>
    %swap3A_199 = arith.constant 400 : index
    %swap3A_200 = tpu.vector_load %arg6[%swap3A_199] {strides = array<i32>} : memref<640xf32, #tpu.memory_space<vmem>>, vector<16xf32>,
    %swap3A_201 = vector.shape_cast %swap3A_200 : vector<16xf32> to vector<16xf32>
    %swap3A_202 = vector.shape_cast %broadcast_in_dim3A_198 : vector<16xf32> to vector<16xf32>
    tpu.vector_store %arg6[%swap3A_199], %swap3A_202 {strides = array<i32>} : memref<640xf32, #tpu.memory_space<vmem>>, vector<16xf32>,
    %broadcast_in_dim3A_203 = arith.constant 0.000000e+00 : f32
    %broadcast_in_dim3A_204 = vector.broadcast %broadcast_in_dim3A_203 : f32 to vector<16xf32>
    %swap3A_205 = arith.constant 416 : index
    %swap3A_206 = tpu.vector_load %arg6[%swap3A_205] {strides = array<i32>} : memref<640xf32, #tpu.memory_space<vmem>>, vector<16xf32>,
    %swap3A_207 = vector.shape_cast %swap3A_206 : vector<16xf32> to vector<16xf32>
    %swap3A_208 = vector.shape_cast %broadcast_in_dim3A_204 : vector<16xf32> to vector<16xf32>
    tpu.vector_store %arg6[%swap3A_205], %swap3A_208 {strides = array<i32>} : memref<640xf32, #tpu.memory_space<vmem>>, vector<16xf32>,
    %broadcast_in_dim3A_209 = arith.constant 0.000000e+00 : f32
    %broadcast_in_dim3A_210 = vector.broadcast %broadcast_in_dim3A_209 : f32 to vector<16xf32>
    %swap3A_211 = arith.constant 432 : index
    %swap3A_212 = tpu.vector_load %arg6[%swap3A_211] {strides = array<i32>} : memref<640xf32, #tpu.memory_space<vmem>>, vector<16xf32>,
    %swap3A_213 = vector.shape_cast %swap3A_212 : vector<16xf32> to vector<16xf32>
    %swap3A_214 = vector.shape_cast %broadcast_in_dim3A_210 : vector<16xf32> to vector<16xf32>
    tpu.vector_store %arg6[%swap3A_211], %swap3A_214 {strides = array<i32>} : memref<640xf32, #tpu.memory_space<vmem>>, vector<16xf32>,
    %broadcast_in_dim3A_215 = arith.constant 0.000000e+00 : f32
    %broadcast_in_dim3A_216 = vector.broadcast %broadcast_in_dim3A_215 : f32 to vector<16xf32>
    %swap3A_217 = arith.constant 448 : index
    %swap3A_218 = tpu.vector_load %arg6[%swap3A_217] {strides = array<i32>} : memref<640xf32, #tpu.memory_space<vmem>>, vector<16xf32>,
    %swap3A_219 = vector.shape_cast %swap3A_218 : vector<16xf32> to vector<16xf32>
    %swap3A_220 = vector.shape_cast %broadcast_in_dim3A_216 : vector<16xf32> to vector<16xf32>
    tpu.vector_store %arg6[%swap3A_217], %swap3A_220 {strides = array<i32>} : memref<640xf32, #tpu.memory_space<vmem>>, vector<16xf32>,
    %broadcast_in_dim3A_221 = arith.constant 0.000000e+00 : f32
    %broadcast_in_dim3A_222 = vector.broadcast %broadcast_in_dim3A_221 : f32 to vector<16xf32>
    %swap3A_223 = arith.constant 464 : index
    %swap3A_224 = tpu.vector_load %arg6[%swap3A_223] {strides = array<i32>} : memref<640xf32, #tpu.memory_space<vmem>>, vector<16xf32>,
    %swap3A_225 = vector.shape_cast %swap3A_224 : vector<16xf32> to vector<16xf32>
    %swap3A_226 = vector.shape_cast %broadcast_in_dim3A_222 : vector<16xf32> to vector<16xf32>
    tpu.vector_store %arg6[%swap3A_223], %swap3A_226 {strides = array<i32>} : memref<640xf32, #tpu.memory_space<vmem>>, vector<16xf32>,
    %broadcast_in_dim3A_227 = arith.constant 0.000000e+00 : f32
    %broadcast_in_dim3A_228 = vector.broadcast %broadcast_in_dim3A_227 : f32 to vector<16xf32>
    %swap3A_229 = arith.constant 480 : index
    %swap3A_230 = tpu.vector_load %arg6[%swap3A_229] {strides = array<i32>} : memref<640xf32, #tpu.memory_space<vmem>>, vector<16xf32>,
    %swap3A_231 = vector.shape_cast %swap3A_230 : vector<16xf32> to vector<16xf32>
    %swap3A_232 = vector.shape_cast %broadcast_in_dim3A_228 : vector<16xf32> to vector<16xf32>
    tpu.vector_store %arg6[%swap3A_229], %swap3A_232 {strides = array<i32>} : memref<640xf32, #tpu.memory_space<vmem>>, vector<16xf32>,
    %broadcast_in_dim3A_233 = arith.constant 0.000000e+00 : f32
    %broadcast_in_dim3A_234 = vector.broadcast %broadcast_in_dim3A_233 : f32 to vector<16xf32>
    %swap3A_235 = arith.constant 496 : index
    %swap3A_236 = tpu.vector_load %arg6[%swap3A_235] {strides = array<i32>} : memref<640xf32, #tpu.memory_space<vmem>>, vector<16xf32>,
    %swap3A_237 = vector.shape_cast %swap3A_236 : vector<16xf32> to vector<16xf32>
    %swap3A_238 = vector.shape_cast %broadcast_in_dim3A_234 : vector<16xf32> to vector<16xf32>
    tpu.vector_store %arg6[%swap3A_235], %swap3A_238 {strides = array<i32>} : memref<640xf32, #tpu.memory_space<vmem>>, vector<16xf32>,
    %broadcast_in_dim3A_239 = arith.constant 0.000000e+00 : f32
    %broadcast_in_dim3A_240 = vector.broadcast %broadcast_in_dim3A_239 : f32 to vector<16xf32>
    %swap3A_241 = arith.constant 512 : index
    %swap3A_242 = tpu.vector_load %arg6[%swap3A_241] {strides = array<i32>} : memref<640xf32, #tpu.memory_space<vmem>>, vector<16xf32>,
    %swap3A_243 = vector.shape_cast %swap3A_242 : vector<16xf32> to vector<16xf32>
    %swap3A_244 = vector.shape_cast %broadcast_in_dim3A_240 : vector<16xf32> to vector<16xf32>
    tpu.vector_store %arg6[%swap3A_241], %swap3A_244 {strides = array<i32>} : memref<640xf32, #tpu.memory_space<vmem>>, vector<16xf32>,
    %broadcast_in_dim3A_245 = arith.constant 0.000000e+00 : f32
    %broadcast_in_dim3A_246 = vector.broadcast %broadcast_in_dim3A_245 : f32 to vector<16xf32>
    %swap3A_247 = arith.constant 528 : index
    %swap3A_248 = tpu.vector_load %arg6[%swap3A_247] {strides = array<i32>} : memref<640xf32, #tpu.memory_space<vmem>>, vector<16xf32>,
    %swap3A_249 = vector.shape_cast %swap3A_248 : vector<16xf32> to vector<16xf32>
    %swap3A_250 = vector.shape_cast %broadcast_in_dim3A_246 : vector<16xf32> to vector<16xf32>
    tpu.vector_store %arg6[%swap3A_247], %swap3A_250 {strides = array<i32>} : memref<640xf32, #tpu.memory_space<vmem>>, vector<16xf32>,
    %broadcast_in_dim3A_251 = arith.constant 0.000000e+00 : f32
    %broadcast_in_dim3A_252 = vector.broadcast %broadcast_in_dim3A_251 : f32 to vector<16xf32>
    %swap3A_253 = arith.constant 544 : index
    %swap3A_254 = tpu.vector_load %arg6[%swap3A_253] {strides = array<i32>} : memref<640xf32, #tpu.memory_space<vmem>>, vector<16xf32>,
    %swap3A_255 = vector.shape_cast %swap3A_254 : vector<16xf32> to vector<16xf32>
    %swap3A_256 = vector.shape_cast %broadcast_in_dim3A_252 : vector<16xf32> to vector<16xf32>
    tpu.vector_store %arg6[%swap3A_253], %swap3A_256 {strides = array<i32>} : memref<640xf32, #tpu.memory_space<vmem>>, vector<16xf32>,
    %broadcast_in_dim3A_257 = arith.constant 0.000000e+00 : f32
    %broadcast_in_dim3A_258 = vector.broadcast %broadcast_in_dim3A_257 : f32 to vector<16xf32>
    %swap3A_259 = arith.constant 560 : index
    %swap3A_260 = tpu.vector_load %arg6[%swap3A_259] {strides = array<i32>} : memref<640xf32, #tpu.memory_space<vmem>>, vector<16xf32>,
    %swap3A_261 = vector.shape_cast %swap3A_260 : vector<16xf32> to vector<16xf32>
    %swap3A_262 = vector.shape_cast %broadcast_in_dim3A_258 : vector<16xf32> to vector<16xf32>
    tpu.vector_store %arg6[%swap3A_259], %swap3A_262 {strides = array<i32>} : memref<640xf32, #tpu.memory_space<vmem>>, vector<16xf32>,
    %broadcast_in_dim3A_263 = arith.constant 0.000000e+00 : f32
    %broadcast_in_dim3A_264 = vector.broadcast %broadcast_in_dim3A_263 : f32 to vector<16xf32>
    %swap3A_265 = arith.constant 576 : index
    %swap3A_266 = tpu.vector_load %arg6[%swap3A_265] {strides = array<i32>} : memref<640xf32, #tpu.memory_space<vmem>>, vector<16xf32>,
    %swap3A_267 = vector.shape_cast %swap3A_266 : vector<16xf32> to vector<16xf32>
    %swap3A_268 = vector.shape_cast %broadcast_in_dim3A_264 : vector<16xf32> to vector<16xf32>
    tpu.vector_store %arg6[%swap3A_265], %swap3A_268 {strides = array<i32>} : memref<640xf32, #tpu.memory_space<vmem>>, vector<16xf32>,
    %broadcast_in_dim3A_269 = arith.constant 0.000000e+00 : f32
    %broadcast_in_dim3A_270 = vector.broadcast %broadcast_in_dim3A_269 : f32 to vector<16xf32>
    %swap3A_271 = arith.constant 592 : index
    %swap3A_272 = tpu.vector_load %arg6[%swap3A_271] {strides = array<i32>} : memref<640xf32, #tpu.memory_space<vmem>>, vector<16xf32>,
    %swap3A_273 = vector.shape_cast %swap3A_272 : vector<16xf32> to vector<16xf32>
    %swap3A_274 = vector.shape_cast %broadcast_in_dim3A_270 : vector<16xf32> to vector<16xf32>
    tpu.vector_store %arg6[%swap3A_271], %swap3A_274 {strides = array<i32>} : memref<640xf32, #tpu.memory_space<vmem>>, vector<16xf32>,
    %broadcast_in_dim3A_275 = arith.constant 0.000000e+00 : f32
    %broadcast_in_dim3A_276 = vector.broadcast %broadcast_in_dim3A_275 : f32 to vector<16xf32>
    %swap3A_277 = arith.constant 608 : index
    %swap3A_278 = tpu.vector_load %arg6[%swap3A_277] {strides = array<i32>} : memref<640xf32, #tpu.memory_space<vmem>>, vector<16xf32>,
    %swap3A_279 = vector.shape_cast %swap3A_278 : vector<16xf32> to vector<16xf32>
    %swap3A_280 = vector.shape_cast %broadcast_in_dim3A_276 : vector<16xf32> to vector<16xf32>
    tpu.vector_store %arg6[%swap3A_277], %swap3A_280 {strides = array<i32>} : memref<640xf32, #tpu.memory_space<vmem>>, vector<16xf32>,
    %broadcast_in_dim3A_281 = arith.constant 0.000000e+00 : f32
    %broadcast_in_dim3A_282 = vector.broadcast %broadcast_in_dim3A_281 : f32 to vector<16xf32>
    %swap3A_283 = arith.constant 624 : index
    %swap3A_284 = tpu.vector_load %arg6[%swap3A_283] {strides = array<i32>} : memref<640xf32, #tpu.memory_space<vmem>>, vector<16xf32>,
    %swap3A_285 = vector.shape_cast %swap3A_284 : vector<16xf32> to vector<16xf32>
    %swap3A_286 = vector.shape_cast %broadcast_in_dim3A_282 : vector<16xf32> to vector<16xf32>
    tpu.vector_store %arg6[%swap3A_283], %swap3A_286 {strides = array<i32>} : memref<640xf32, #tpu.memory_space<vmem>>, vector<16xf32>,
    %mul3A_287 = arith.constant 640 : i32
    %mul3A_288 = arith.muli %arg1, %mul3A_287 : i32
    "tpu.region"() ({
      %run_scoped3A = tpu.sem_alloc : memref<!tpu.dma_semaphore, #tpu.memory_space<semaphore_mem>>
      %dma_start3A = tpu.memref_slice %arg7[%mul3A_288] : memref<10240xf32, #tpu.memory_space<vmem_shared>> -> memref<640xf32, #tpu.memory_space<vmem_shared>>
      %dma_start3A_302 = tpu.memref_slice %arg7[%mul3A_288] : memref<10240xf32, #tpu.memory_space<vmem_shared>> -> memref<640xf32, #tpu.memory_space<vmem_shared>>
      tpu.enqueue_dma source(%arg6 : memref<640xf32, #tpu.memory_space<vmem>>) target(%dma_start3A_302 : memref<640xf32, #tpu.memory_space<vmem_shared>>) target_semaphore(%run_scoped3A : memref<!tpu.dma_semaphore, #tpu.memory_space<semaphore_mem>>)
      %dma_wait3A = tpu.memref_slice %arg7[%mul3A_288] : memref<10240xf32, #tpu.memory_space<vmem_shared>> -> memref<640xf32, #tpu.memory_space<vmem_shared>>
      %dma_wait3A_303 = tpu.memref_slice %arg7[%mul3A_288] : memref<10240xf32, #tpu.memory_space<vmem_shared>> -> memref<640xf32, #tpu.memory_space<vmem_shared>>
      tpu.wait_dma2 semaphore(%run_scoped3A : memref<!tpu.dma_semaphore, #tpu.memory_space<semaphore_mem>>) src(%arg6 : memref<640xf32, #tpu.memory_space<vmem>>) dst(%dma_wait3A_303 : memref<640xf32, #tpu.memory_space<vmem_shared>>)
      tpu.yield
    }) : () -> ()
    "tpu.region"() ({
      %run_scoped3A = tpu.sem_alloc : memref<!tpu.dma_semaphore, #tpu.memory_space<semaphore_mem>>
      %dma_start3A = arith.constant 0 : i32
      %dma_start3A_302 = arith.constant 0 : i32
      %dma_start3A_303 = tpu.memref_slice %arg2[%add3A, %dma_start3A, %dma_start3A_302] : memref<32x40x128xi32, #tpu.memory_space<hbm>> -> memref<1x40x128xi32, #tpu.memory_space<hbm>>
      %dma_start3A_304 = tpu.memref_squeeze %dma_start3A_303 : memref<1x40x128xi32, #tpu.memory_space<hbm>> -> memref<40x128xi32, #tpu.memory_space<hbm>>
      %dma_start3A_305 = arith.constant 0 : i32
      %dma_start3A_306 = arith.constant 0 : i32
      %dma_start3A_307 = tpu.memref_slice %arg2[%add3A, %dma_start3A_305, %dma_start3A_306] : memref<32x40x128xi32, #tpu.memory_space<hbm>> -> memref<1x40x128xi32, #tpu.memory_space<hbm>>
      %dma_start3A_308 = tpu.memref_squeeze %dma_start3A_307 : memref<1x40x128xi32, #tpu.memory_space<hbm>> -> memref<40x128xi32, #tpu.memory_space<hbm>>
      tpu.enqueue_dma source(%dma_start3A_308 : memref<40x128xi32, #tpu.memory_space<hbm>>) target(%arg4 : memref<40x128xi32, #tpu.memory_space<vmem>>) target_semaphore(%run_scoped3A : memref<!tpu.dma_semaphore, #tpu.memory_space<semaphore_mem>>)
      %dma_wait3A = arith.constant 0 : i32
      %dma_wait3A_309 = arith.constant 0 : i32
      %dma_wait3A_310 = tpu.memref_slice %arg2[%add3A, %dma_wait3A, %dma_wait3A_309] : memref<32x40x128xi32, #tpu.memory_space<hbm>> -> memref<1x40x128xi32, #tpu.memory_space<hbm>>
      %dma_wait3A_311 = tpu.memref_squeeze %dma_wait3A_310 : memref<1x40x128xi32, #tpu.memory_space<hbm>> -> memref<40x128xi32, #tpu.memory_space<hbm>>
      %dma_wait3A_312 = arith.constant 0 : i32
      %dma_wait3A_313 = arith.constant 0 : i32
      %dma_wait3A_314 = tpu.memref_slice %arg2[%add3A, %dma_wait3A_312, %dma_wait3A_313] : memref<32x40x128xi32, #tpu.memory_space<hbm>> -> memref<1x40x128xi32, #tpu.memory_space<hbm>>
      %dma_wait3A_315 = tpu.memref_squeeze %dma_wait3A_314 : memref<1x40x128xi32, #tpu.memory_space<hbm>> -> memref<40x128xi32, #tpu.memory_space<hbm>>
      tpu.wait_dma2 semaphore(%run_scoped3A : memref<!tpu.dma_semaphore, #tpu.memory_space<semaphore_mem>>) src(%dma_wait3A_315 : memref<40x128xi32, #tpu.memory_space<hbm>>) dst(%arg4 : memref<40x128xi32, #tpu.memory_space<vmem>>)
      tpu.yield
    }) : () -> ()
    %barrier3A = arith.constant 0 : index
    tpu.barrier barrier_id(%barrier3A)
    %scan3A = arith.constant 0 : i32
    %scan3A_289 = arith.constant 0 : i32
    %scan3A_290 = arith.constant 40 : i32
    %scan3A_291 = arith.addi %scan3A_289, %scan3A_290 : i32
    %scan3A_292 = arith.constant 1 : i32
    scf.for %scan3A_302 = %scan3A_289 to %scan3A_291 step %scan3A_292  : i32 {
      "tpu.region"() ({
        %run_scoped3A = tpu.sem_alloc : memref<!tpu.dma_semaphore, #tpu.memory_space<semaphore_mem>>
        %dma_start3A = arith.constant 0 : i32
        %dma_start3A_303 = tpu.memref_slice %arg4[%scan3A_302, %dma_start3A] : memref<40x128xi32, #tpu.memory_space<vmem>> -> memref<1x128xi32, #tpu.memory_space<vmem>>
        %dma_start3A_304 = tpu.memref_squeeze %dma_start3A_303 : memref<1x128xi32, #tpu.memory_space<vmem>> -> memref<128xi32, #tpu.memory_space<vmem>>
        %dma_start3A_305 = arith.constant 0 : i32
        %dma_start3A_306 = tpu.memref_slice %arg7[%dma_start3A_305] : memref<10240xf32, #tpu.memory_space<vmem_shared>> -> memref<10240xf32, #tpu.memory_space<vmem_shared>>
        tpu.enqueue_indirect_dma source(%arg5 : memref<128xf32, #tpu.memory_space<vmem>>) target(%dma_start3A_306 : memref<10240xf32, #tpu.memory_space<vmem_shared>>) offsets(%dma_start3A_304 : memref<128xi32, #tpu.memory_space<vmem>>) semaphore(%run_scoped3A : memref<!tpu.dma_semaphore, #tpu.memory_space<semaphore_mem>>) {add = true}
        %dma_wait3A = arith.constant 0 : i32
        %dma_wait3A_307 = tpu.memref_slice %arg4[%scan3A_302, %dma_wait3A] : memref<40x128xi32, #tpu.memory_space<vmem>> -> memref<1x128xi32, #tpu.memory_space<vmem>>
        %dma_wait3A_308 = tpu.memref_squeeze %dma_wait3A_307 : memref<1x128xi32, #tpu.memory_space<vmem>> -> memref<128xi32, #tpu.memory_space<vmem>>
        %dma_wait3A_309 = arith.constant 0 : i32
        %dma_wait3A_310 = tpu.memref_slice %arg7[%dma_wait3A_309] : memref<10240xf32, #tpu.memory_space<vmem_shared>> -> memref<10240xf32, #tpu.memory_space<vmem_shared>>
        tpu.wait_indirect_dma semaphore(%run_scoped3A : memref<!tpu.dma_semaphore, #tpu.memory_space<semaphore_mem>>) src(%arg5 : memref<128xf32, #tpu.memory_space<vmem>>) dst(%dma_wait3A_310 : memref<10240xf32, #tpu.memory_space<vmem_shared>>)
        tpu.yield
      }) : () -> ()
    }
    %scan3A_293 = arith.constant 40 : i32
    %barrier3A_294 = arith.constant 0 : index
    tpu.barrier barrier_id(%barrier3A_294)
    %mul3A_295 = arith.constant 640 : i32
    %mul3A_296 = arith.muli %arg1, %mul3A_295 : i32
    %mul3A_297 = arith.constant 10240 : i32
    %mul3A_298 = arith.muli %arg0, %mul3A_297 : i32
    %mul3A_299 = arith.constant 640 : i32
    %mul3A_300 = arith.muli %arg1, %mul3A_299 : i32
    %add3A_301 = arith.addi %mul3A_298, %mul3A_300 : i32
    "tpu.region"() ({
      %run_scoped3A = tpu.sem_alloc : memref<!tpu.dma_semaphore, #tpu.memory_space<semaphore_mem>>
      %dma_start3A = tpu.memref_slice %arg3[%add3A_301] : memref<20480xf32, #tpu.memory_space<hbm>> -> memref<640xf32, #tpu.memory_space<hbm>>
      %dma_start3A_302 = tpu.memref_slice %arg7[%mul3A_296] : memref<10240xf32, #tpu.memory_space<vmem_shared>> -> memref<640xf32, #tpu.memory_space<vmem_shared>>
      tpu.enqueue_dma source(%dma_start3A_302 : memref<640xf32, #tpu.memory_space<vmem_shared>>) target(%dma_start3A : memref<640xf32, #tpu.memory_space<hbm>>) target_semaphore(%run_scoped3A : memref<!tpu.dma_semaphore, #tpu.memory_space<semaphore_mem>>)
      %dma_wait3A = tpu.memref_slice %arg3[%add3A_301] : memref<20480xf32, #tpu.memory_space<hbm>> -> memref<640xf32, #tpu.memory_space<hbm>>
      %dma_wait3A_303 = tpu.memref_slice %arg7[%mul3A_296] : memref<10240xf32, #tpu.memory_space<vmem_shared>> -> memref<640xf32, #tpu.memory_space<vmem_shared>>
      tpu.wait_dma2 semaphore(%run_scoped3A : memref<!tpu.dma_semaphore, #tpu.memory_space<semaphore_mem>>) src(%dma_wait3A_303 : memref<640xf32, #tpu.memory_space<vmem_shared>>) dst(%dma_wait3A : memref<640xf32, #tpu.memory_space<hbm>>)
      tpu.yield
    }) : () -> ()
    return
  }
}

#map = affine_map<(d0, d1) -> (0, 0)>
#map1 = affine_map<(d0, d1) -> (0)>
module attributes {stable_mosaic.version = 14 : i64} {
  func.func @_agg_body(%arg0: i32, %arg1: i32, %arg2: memref<40960x128xf32, #tpu.memory_space<hbm>>, %arg3: memref<163840xi32, #tpu.memory_space<hbm>>, %arg4: memref<163840xi32, #tpu.memory_space<hbm>>, %arg5: memref<40960x128xf32, #tpu.memory_space<hbm>>, %arg6: memref<128xi32, #tpu.memory_space<vmem>>, %arg7: memref<128xi32, #tpu.memory_space<vmem>>, %arg8: memref<128xi32, #tpu.memory_space<vmem>>, %arg9: memref<128xi32, #tpu.memory_space<vmem>>, %arg10: memref<128x128xf32, #tpu.memory_space<vmem>>, %arg11: memref<128x128xf32, #tpu.memory_space<vmem>>, %arg12: memref<10240x128xf32, #tpu.memory_space<vmem_shared>>, %arg13: memref<!tpu.dma_semaphore, #tpu.memory_space<semaphore_mem>>, %arg14: memref<!tpu.dma_semaphore, #tpu.memory_space<semaphore_mem>>, %arg15: memref<!tpu.dma_semaphore, #tpu.memory_space<semaphore_mem>>, %arg16: memref<!tpu.dma_semaphore, #tpu.memory_space<semaphore_mem>>) attributes {dimension_semantics = [#tpu.dimension_semantics<core_parallel>, #tpu.dimension_semantics<subcore_parallel>], iteration_bounds = array<i64: 2, 16>, scalar_prefetch = 0 : i64, scratch_operands = 11 : i64, tpu.core_type = #tpu.core_type<sc_vector_subcore>, window_params = [{transform_indices = #map}, {transform_indices = #map1}, {transform_indices = #map1}, {transform_indices = #map}]} {
    %mul3A = arith.constant 10240 : i32
    %mul3A_0 = arith.muli %arg1, %mul3A : i32
    %add3A = arith.constant 0 : i32
    %add3A_1 = arith.addi %add3A, %arg0 : i32
    %mul3A_2 = arith.constant 10240 : i32
    %mul3A_3 = arith.muli %add3A_1, %mul3A_2 : i32
    %scan3A = arith.constant 0 : i32
    %scan3A_4 = arith.constant 0 : i32
    %scan3A_5 = arith.constant 128 : i32
    %scan3A_6 = arith.addi %scan3A_4, %scan3A_5 : i32
    %scan3A_7 = arith.constant 1 : i32
    scf.for %scan3A_284 = %scan3A_4 to %scan3A_6 step %scan3A_7  : i32 {
      %broadcast_in_dim3A = arith.constant 0.000000e+00 : f32
      %broadcast_in_dim3A_285 = vector.broadcast %broadcast_in_dim3A : f32 to vector<16xf32>
      %swap3A_286 = arith.index_cast %scan3A_284 : i32 to index
      %swap3A_287 = arith.constant 0 : index
      %swap3A_288 = tpu.vector_load %arg10[%swap3A_286, %swap3A_287] {strides = array<i32>} : memref<128x128xf32, #tpu.memory_space<vmem>>, vector<1x16xf32>,
      %swap3A_289 = vector.shape_cast %swap3A_288 : vector<1x16xf32> to vector<16xf32>
      %swap3A_290 = vector.shape_cast %broadcast_in_dim3A_285 : vector<16xf32> to vector<1x16xf32>
      tpu.vector_store %arg10[%swap3A_286, %swap3A_287], %swap3A_290 {strides = array<i32>} : memref<128x128xf32, #tpu.memory_space<vmem>>, vector<1x16xf32>,
      %broadcast_in_dim3A_291 = arith.constant 0.000000e+00 : f32
      %broadcast_in_dim3A_292 = vector.broadcast %broadcast_in_dim3A_291 : f32 to vector<16xf32>
      %swap3A_293 = arith.index_cast %scan3A_284 : i32 to index
      %swap3A_294 = arith.constant 16 : index
      %swap3A_295 = tpu.vector_load %arg10[%swap3A_293, %swap3A_294] {strides = array<i32>} : memref<128x128xf32, #tpu.memory_space<vmem>>, vector<1x16xf32>,
      %swap3A_296 = vector.shape_cast %swap3A_295 : vector<1x16xf32> to vector<16xf32>
      %swap3A_297 = vector.shape_cast %broadcast_in_dim3A_292 : vector<16xf32> to vector<1x16xf32>
      tpu.vector_store %arg10[%swap3A_293, %swap3A_294], %swap3A_297 {strides = array<i32>} : memref<128x128xf32, #tpu.memory_space<vmem>>, vector<1x16xf32>,
      %broadcast_in_dim3A_298 = arith.constant 0.000000e+00 : f32
      %broadcast_in_dim3A_299 = vector.broadcast %broadcast_in_dim3A_298 : f32 to vector<16xf32>
      %swap3A_300 = arith.index_cast %scan3A_284 : i32 to index
      %swap3A_301 = arith.constant 32 : index
      %swap3A_302 = tpu.vector_load %arg10[%swap3A_300, %swap3A_301] {strides = array<i32>} : memref<128x128xf32, #tpu.memory_space<vmem>>, vector<1x16xf32>,
      %swap3A_303 = vector.shape_cast %swap3A_302 : vector<1x16xf32> to vector<16xf32>
      %swap3A_304 = vector.shape_cast %broadcast_in_dim3A_299 : vector<16xf32> to vector<1x16xf32>
      tpu.vector_store %arg10[%swap3A_300, %swap3A_301], %swap3A_304 {strides = array<i32>} : memref<128x128xf32, #tpu.memory_space<vmem>>, vector<1x16xf32>,
      %broadcast_in_dim3A_305 = arith.constant 0.000000e+00 : f32
      %broadcast_in_dim3A_306 = vector.broadcast %broadcast_in_dim3A_305 : f32 to vector<16xf32>
      %swap3A_307 = arith.index_cast %scan3A_284 : i32 to index
      %swap3A_308 = arith.constant 48 : index
      %swap3A_309 = tpu.vector_load %arg10[%swap3A_307, %swap3A_308] {strides = array<i32>} : memref<128x128xf32, #tpu.memory_space<vmem>>, vector<1x16xf32>,
      %swap3A_310 = vector.shape_cast %swap3A_309 : vector<1x16xf32> to vector<16xf32>
      %swap3A_311 = vector.shape_cast %broadcast_in_dim3A_306 : vector<16xf32> to vector<1x16xf32>
      tpu.vector_store %arg10[%swap3A_307, %swap3A_308], %swap3A_311 {strides = array<i32>} : memref<128x128xf32, #tpu.memory_space<vmem>>, vector<1x16xf32>,
      %broadcast_in_dim3A_312 = arith.constant 0.000000e+00 : f32
      %broadcast_in_dim3A_313 = vector.broadcast %broadcast_in_dim3A_312 : f32 to vector<16xf32>
      %swap3A_314 = arith.index_cast %scan3A_284 : i32 to index
      %swap3A_315 = arith.constant 64 : index
      %swap3A_316 = tpu.vector_load %arg10[%swap3A_314, %swap3A_315] {strides = array<i32>} : memref<128x128xf32, #tpu.memory_space<vmem>>, vector<1x16xf32>,
      %swap3A_317 = vector.shape_cast %swap3A_316 : vector<1x16xf32> to vector<16xf32>
      %swap3A_318 = vector.shape_cast %broadcast_in_dim3A_313 : vector<16xf32> to vector<1x16xf32>
      tpu.vector_store %arg10[%swap3A_314, %swap3A_315], %swap3A_318 {strides = array<i32>} : memref<128x128xf32, #tpu.memory_space<vmem>>, vector<1x16xf32>,
      %broadcast_in_dim3A_319 = arith.constant 0.000000e+00 : f32
      %broadcast_in_dim3A_320 = vector.broadcast %broadcast_in_dim3A_319 : f32 to vector<16xf32>
      %swap3A_321 = arith.index_cast %scan3A_284 : i32 to index
      %swap3A_322 = arith.constant 80 : index
      %swap3A_323 = tpu.vector_load %arg10[%swap3A_321, %swap3A_322] {strides = array<i32>} : memref<128x128xf32, #tpu.memory_space<vmem>>, vector<1x16xf32>,
      %swap3A_324 = vector.shape_cast %swap3A_323 : vector<1x16xf32> to vector<16xf32>
      %swap3A_325 = vector.shape_cast %broadcast_in_dim3A_320 : vector<16xf32> to vector<1x16xf32>
      tpu.vector_store %arg10[%swap3A_321, %swap3A_322], %swap3A_325 {strides = array<i32>} : memref<128x128xf32, #tpu.memory_space<vmem>>, vector<1x16xf32>,
      %broadcast_in_dim3A_326 = arith.constant 0.000000e+00 : f32
      %broadcast_in_dim3A_327 = vector.broadcast %broadcast_in_dim3A_326 : f32 to vector<16xf32>
      %swap3A_328 = arith.index_cast %scan3A_284 : i32 to index
      %swap3A_329 = arith.constant 96 : index
      %swap3A_330 = tpu.vector_load %arg10[%swap3A_328, %swap3A_329] {strides = array<i32>} : memref<128x128xf32, #tpu.memory_space<vmem>>, vector<1x16xf32>,
      %swap3A_331 = vector.shape_cast %swap3A_330 : vector<1x16xf32> to vector<16xf32>
      %swap3A_332 = vector.shape_cast %broadcast_in_dim3A_327 : vector<16xf32> to vector<1x16xf32>
      tpu.vector_store %arg10[%swap3A_328, %swap3A_329], %swap3A_332 {strides = array<i32>} : memref<128x128xf32, #tpu.memory_space<vmem>>, vector<1x16xf32>,
      %broadcast_in_dim3A_333 = arith.constant 0.000000e+00 : f32
      %broadcast_in_dim3A_334 = vector.broadcast %broadcast_in_dim3A_333 : f32 to vector<16xf32>
      %swap3A_335 = arith.index_cast %scan3A_284 : i32 to index
      %swap3A_336 = arith.constant 112 : index
      %swap3A_337 = tpu.vector_load %arg10[%swap3A_335, %swap3A_336] {strides = array<i32>} : memref<128x128xf32, #tpu.memory_space<vmem>>, vector<1x16xf32>,
      %swap3A_338 = vector.shape_cast %swap3A_337 : vector<1x16xf32> to vector<16xf32>
      %swap3A_339 = vector.shape_cast %broadcast_in_dim3A_334 : vector<16xf32> to vector<1x16xf32>
      tpu.vector_store %arg10[%swap3A_335, %swap3A_336], %swap3A_339 {strides = array<i32>} : memref<128x128xf32, #tpu.memory_space<vmem>>, vector<1x16xf32>,
    }
    %scan3A_8 = arith.constant 128 : i32
    %mul3A_9 = arith.constant 640 : i32
    %mul3A_10 = arith.muli %arg1, %mul3A_9 : i32
    %add3A_11 = arith.constant 0 : i32
    %add3A_12 = arith.addi %mul3A_10, %add3A_11 : i32
    "tpu.region"() ({
      %run_scoped3A = tpu.sem_alloc : memref<!tpu.dma_semaphore, #tpu.memory_space<semaphore_mem>>
      %dma_start3A_284 = arith.constant 0 : i32
      %dma_start3A_285 = tpu.memref_slice %arg12[%add3A_12, %dma_start3A_284] : memref<10240x128xf32, #tpu.memory_space<vmem_shared>> -> memref<128x128xf32, #tpu.memory_space<vmem_shared>>
      %dma_start3A_286 = arith.constant 0 : i32
      %dma_start3A_287 = tpu.memref_slice %arg12[%add3A_12, %dma_start3A_286] : memref<10240x128xf32, #tpu.memory_space<vmem_shared>> -> memref<128x128xf32, #tpu.memory_space<vmem_shared>>
      tpu.enqueue_dma source(%arg10 : memref<128x128xf32, #tpu.memory_space<vmem>>) target(%dma_start3A_287 : memref<128x128xf32, #tpu.memory_space<vmem_shared>>) target_semaphore(%run_scoped3A : memref<!tpu.dma_semaphore, #tpu.memory_space<semaphore_mem>>)
      %dma_wait3A_288 = arith.constant 0 : i32
      %dma_wait3A_289 = tpu.memref_slice %arg12[%add3A_12, %dma_wait3A_288] : memref<10240x128xf32, #tpu.memory_space<vmem_shared>> -> memref<128x128xf32, #tpu.memory_space<vmem_shared>>
      %dma_wait3A_290 = arith.constant 0 : i32
      %dma_wait3A_291 = tpu.memref_slice %arg12[%add3A_12, %dma_wait3A_290] : memref<10240x128xf32, #tpu.memory_space<vmem_shared>> -> memref<128x128xf32, #tpu.memory_space<vmem_shared>>
      tpu.wait_dma2 semaphore(%run_scoped3A : memref<!tpu.dma_semaphore, #tpu.memory_space<semaphore_mem>>) src(%arg10 : memref<128x128xf32, #tpu.memory_space<vmem>>) dst(%dma_wait3A_291 : memref<128x128xf32, #tpu.memory_space<vmem_shared>>)
      tpu.yield
    }) : () -> ()
    %mul3A_13 = arith.constant 640 : i32
    %mul3A_14 = arith.muli %arg1, %mul3A_13 : i32
    %add3A_15 = arith.constant 128 : i32
    %add3A_16 = arith.addi %mul3A_14, %add3A_15 : i32
    "tpu.region"() ({
      %run_scoped3A = tpu.sem_alloc : memref<!tpu.dma_semaphore, #tpu.memory_space<semaphore_mem>>
      %dma_start3A_284 = arith.constant 0 : i32
      %dma_start3A_285 = tpu.memref_slice %arg12[%add3A_16, %dma_start3A_284] : memref<10240x128xf32, #tpu.memory_space<vmem_shared>> -> memref<128x128xf32, #tpu.memory_space<vmem_shared>>
      %dma_start3A_286 = arith.constant 0 : i32
      %dma_start3A_287 = tpu.memref_slice %arg12[%add3A_16, %dma_start3A_286] : memref<10240x128xf32, #tpu.memory_space<vmem_shared>> -> memref<128x128xf32, #tpu.memory_space<vmem_shared>>
      tpu.enqueue_dma source(%arg10 : memref<128x128xf32, #tpu.memory_space<vmem>>) target(%dma_start3A_287 : memref<128x128xf32, #tpu.memory_space<vmem_shared>>) target_semaphore(%run_scoped3A : memref<!tpu.dma_semaphore, #tpu.memory_space<semaphore_mem>>)
      %dma_wait3A_288 = arith.constant 0 : i32
      %dma_wait3A_289 = tpu.memref_slice %arg12[%add3A_16, %dma_wait3A_288] : memref<10240x128xf32, #tpu.memory_space<vmem_shared>> -> memref<128x128xf32, #tpu.memory_space<vmem_shared>>
      %dma_wait3A_290 = arith.constant 0 : i32
      %dma_wait3A_291 = tpu.memref_slice %arg12[%add3A_16, %dma_wait3A_290] : memref<10240x128xf32, #tpu.memory_space<vmem_shared>> -> memref<128x128xf32, #tpu.memory_space<vmem_shared>>
      tpu.wait_dma2 semaphore(%run_scoped3A : memref<!tpu.dma_semaphore, #tpu.memory_space<semaphore_mem>>) src(%arg10 : memref<128x128xf32, #tpu.memory_space<vmem>>) dst(%dma_wait3A_291 : memref<128x128xf32, #tpu.memory_space<vmem_shared>>)
      tpu.yield
    }) : () -> ()
    %mul3A_17 = arith.constant 640 : i32
    %mul3A_18 = arith.muli %arg1, %mul3A_17 : i32
    %add3A_19 = arith.constant 256 : i32
    %add3A_20 = arith.addi %mul3A_18, %add3A_19 : i32
    "tpu.region"() ({
      %run_scoped3A = tpu.sem_alloc : memref<!tpu.dma_semaphore, #tpu.memory_space<semaphore_mem>>
      %dma_start3A_284 = arith.constant 0 : i32
      %dma_start3A_285 = tpu.memref_slice %arg12[%add3A_20, %dma_start3A_284] : memref<10240x128xf32, #tpu.memory_space<vmem_shared>> -> memref<128x128xf32, #tpu.memory_space<vmem_shared>>
      %dma_start3A_286 = arith.constant 0 : i32
      %dma_start3A_287 = tpu.memref_slice %arg12[%add3A_20, %dma_start3A_286] : memref<10240x128xf32, #tpu.memory_space<vmem_shared>> -> memref<128x128xf32, #tpu.memory_space<vmem_shared>>
      tpu.enqueue_dma source(%arg10 : memref<128x128xf32, #tpu.memory_space<vmem>>) target(%dma_start3A_287 : memref<128x128xf32, #tpu.memory_space<vmem_shared>>) target_semaphore(%run_scoped3A : memref<!tpu.dma_semaphore, #tpu.memory_space<semaphore_mem>>)
      %dma_wait3A_288 = arith.constant 0 : i32
      %dma_wait3A_289 = tpu.memref_slice %arg12[%add3A_20, %dma_wait3A_288] : memref<10240x128xf32, #tpu.memory_space<vmem_shared>> -> memref<128x128xf32, #tpu.memory_space<vmem_shared>>
      %dma_wait3A_290 = arith.constant 0 : i32
      %dma_wait3A_291 = tpu.memref_slice %arg12[%add3A_20, %dma_wait3A_290] : memref<10240x128xf32, #tpu.memory_space<vmem_shared>> -> memref<128x128xf32, #tpu.memory_space<vmem_shared>>
      tpu.wait_dma2 semaphore(%run_scoped3A : memref<!tpu.dma_semaphore, #tpu.memory_space<semaphore_mem>>) src(%arg10 : memref<128x128xf32, #tpu.memory_space<vmem>>) dst(%dma_wait3A_291 : memref<128x128xf32, #tpu.memory_space<vmem_shared>>)
      tpu.yield
    }) : () -> ()
    %mul3A_21 = arith.constant 640 : i32
    %mul3A_22 = arith.muli %arg1, %mul3A_21 : i32
    %add3A_23 = arith.constant 384 : i32
    %add3A_24 = arith.addi %mul3A_22, %add3A_23 : i32
    "tpu.region"() ({
      %run_scoped3A = tpu.sem_alloc : memref<!tpu.dma_semaphore, #tpu.memory_space<semaphore_mem>>
      %dma_start3A_284 = arith.constant 0 : i32
      %dma_start3A_285 = tpu.memref_slice %arg12[%add3A_24, %dma_start3A_284] : memref<10240x128xf32, #tpu.memory_space<vmem_shared>> -> memref<128x128xf32, #tpu.memory_space<vmem_shared>>
      %dma_start3A_286 = arith.constant 0 : i32
      %dma_start3A_287 = tpu.memref_slice %arg12[%add3A_24, %dma_start3A_286] : memref<10240x128xf32, #tpu.memory_space<vmem_shared>> -> memref<128x128xf32, #tpu.memory_space<vmem_shared>>
      tpu.enqueue_dma source(%arg10 : memref<128x128xf32, #tpu.memory_space<vmem>>) target(%dma_start3A_287 : memref<128x128xf32, #tpu.memory_space<vmem_shared>>) target_semaphore(%run_scoped3A : memref<!tpu.dma_semaphore, #tpu.memory_space<semaphore_mem>>)
      %dma_wait3A_288 = arith.constant 0 : i32
      %dma_wait3A_289 = tpu.memref_slice %arg12[%add3A_24, %dma_wait3A_288] : memref<10240x128xf32, #tpu.memory_space<vmem_shared>> -> memref<128x128xf32, #tpu.memory_space<vmem_shared>>
      %dma_wait3A_290 = arith.constant 0 : i32
      %dma_wait3A_291 = tpu.memref_slice %arg12[%add3A_24, %dma_wait3A_290] : memref<10240x128xf32, #tpu.memory_space<vmem_shared>> -> memref<128x128xf32, #tpu.memory_space<vmem_shared>>
      tpu.wait_dma2 semaphore(%run_scoped3A : memref<!tpu.dma_semaphore, #tpu.memory_space<semaphore_mem>>) src(%arg10 : memref<128x128xf32, #tpu.memory_space<vmem>>) dst(%dma_wait3A_291 : memref<128x128xf32, #tpu.memory_space<vmem_shared>>)
      tpu.yield
    }) : () -> ()
    %mul3A_25 = arith.constant 640 : i32
    %mul3A_26 = arith.muli %arg1, %mul3A_25 : i32
    %add3A_27 = arith.constant 512 : i32
    %add3A_28 = arith.addi %mul3A_26, %add3A_27 : i32
    "tpu.region"() ({
      %run_scoped3A = tpu.sem_alloc : memref<!tpu.dma_semaphore, #tpu.memory_space<semaphore_mem>>
      %dma_start3A_284 = arith.constant 0 : i32
      %dma_start3A_285 = tpu.memref_slice %arg12[%add3A_28, %dma_start3A_284] : memref<10240x128xf32, #tpu.memory_space<vmem_shared>> -> memref<128x128xf32, #tpu.memory_space<vmem_shared>>
      %dma_start3A_286 = arith.constant 0 : i32
      %dma_start3A_287 = tpu.memref_slice %arg12[%add3A_28, %dma_start3A_286] : memref<10240x128xf32, #tpu.memory_space<vmem_shared>> -> memref<128x128xf32, #tpu.memory_space<vmem_shared>>
      tpu.enqueue_dma source(%arg10 : memref<128x128xf32, #tpu.memory_space<vmem>>) target(%dma_start3A_287 : memref<128x128xf32, #tpu.memory_space<vmem_shared>>) target_semaphore(%run_scoped3A : memref<!tpu.dma_semaphore, #tpu.memory_space<semaphore_mem>>)
      %dma_wait3A_288 = arith.constant 0 : i32
      %dma_wait3A_289 = tpu.memref_slice %arg12[%add3A_28, %dma_wait3A_288] : memref<10240x128xf32, #tpu.memory_space<vmem_shared>> -> memref<128x128xf32, #tpu.memory_space<vmem_shared>>
      %dma_wait3A_290 = arith.constant 0 : i32
      %dma_wait3A_291 = tpu.memref_slice %arg12[%add3A_28, %dma_wait3A_290] : memref<10240x128xf32, #tpu.memory_space<vmem_shared>> -> memref<128x128xf32, #tpu.memory_space<vmem_shared>>
      tpu.wait_dma2 semaphore(%run_scoped3A : memref<!tpu.dma_semaphore, #tpu.memory_space<semaphore_mem>>) src(%arg10 : memref<128x128xf32, #tpu.memory_space<vmem>>) dst(%dma_wait3A_291 : memref<128x128xf32, #tpu.memory_space<vmem_shared>>)
      tpu.yield
    }) : () -> ()
    %barrier3A = arith.constant 0 : index
    tpu.barrier barrier_id(%barrier3A)
    %add3A_29 = arith.constant 0 : i32
    %add3A_30 = arith.addi %mul3A_0, %add3A_29 : i32
    %dma_start3A = tpu.memref_slice %arg3[%add3A_30] : memref<163840xi32, #tpu.memory_space<hbm>> -> memref<128xi32, #tpu.memory_space<hbm>>
    %dma_start3A_31 = tpu.memref_slice %arg3[%add3A_30] : memref<163840xi32, #tpu.memory_space<hbm>> -> memref<128xi32, #tpu.memory_space<hbm>>
    tpu.enqueue_dma source(%dma_start3A_31 : memref<128xi32, #tpu.memory_space<hbm>>) target(%arg6 : memref<128xi32, #tpu.memory_space<vmem>>) target_semaphore(%arg15 : memref<!tpu.dma_semaphore, #tpu.memory_space<semaphore_mem>>)
    %add3A_32 = arith.constant 0 : i32
    %add3A_33 = arith.addi %mul3A_0, %add3A_32 : i32
    %dma_start3A_34 = tpu.memref_slice %arg4[%add3A_33] : memref<163840xi32, #tpu.memory_space<hbm>> -> memref<128xi32, #tpu.memory_space<hbm>>
    %dma_start3A_35 = tpu.memref_slice %arg4[%add3A_33] : memref<163840xi32, #tpu.memory_space<hbm>> -> memref<128xi32, #tpu.memory_space<hbm>>
    tpu.enqueue_dma source(%dma_start3A_35 : memref<128xi32, #tpu.memory_space<hbm>>) target(%arg8 : memref<128xi32, #tpu.memory_space<vmem>>) target_semaphore(%arg15 : memref<!tpu.dma_semaphore, #tpu.memory_space<semaphore_mem>>)
    %add3A_36 = arith.constant 128 : i32
    %add3A_37 = arith.addi %mul3A_0, %add3A_36 : i32
    %dma_start3A_38 = tpu.memref_slice %arg3[%add3A_37] : memref<163840xi32, #tpu.memory_space<hbm>> -> memref<128xi32, #tpu.memory_space<hbm>>
    %dma_start3A_39 = tpu.memref_slice %arg3[%add3A_37] : memref<163840xi32, #tpu.memory_space<hbm>> -> memref<128xi32, #tpu.memory_space<hbm>>
    tpu.enqueue_dma source(%dma_start3A_39 : memref<128xi32, #tpu.memory_space<hbm>>) target(%arg7 : memref<128xi32, #tpu.memory_space<vmem>>) target_semaphore(%arg16 : memref<!tpu.dma_semaphore, #tpu.memory_space<semaphore_mem>>)
    %add3A_40 = arith.constant 128 : i32
    %add3A_41 = arith.addi %mul3A_0, %add3A_40 : i32
    %dma_start3A_42 = tpu.memref_slice %arg4[%add3A_41] : memref<163840xi32, #tpu.memory_space<hbm>> -> memref<128xi32, #tpu.memory_space<hbm>>
    %dma_start3A_43 = tpu.memref_slice %arg4[%add3A_41] : memref<163840xi32, #tpu.memory_space<hbm>> -> memref<128xi32, #tpu.memory_space<hbm>>
    tpu.enqueue_dma source(%dma_start3A_43 : memref<128xi32, #tpu.memory_space<hbm>>) target(%arg9 : memref<128xi32, #tpu.memory_space<vmem>>) target_semaphore(%arg16 : memref<!tpu.dma_semaphore, #tpu.memory_space<semaphore_mem>>)
    %dma_wait3A = arith.constant 0 : i32
    %dma_wait3A_44 = tpu.memref_slice %arg3[%dma_wait3A] : memref<163840xi32, #tpu.memory_space<hbm>> -> memref<128xi32, #tpu.memory_space<hbm>>
    %dma_wait3A_45 = arith.constant 0 : i32
    %dma_wait3A_46 = tpu.memref_slice %arg3[%dma_wait3A_45] : memref<163840xi32, #tpu.memory_space<hbm>> -> memref<128xi32, #tpu.memory_space<hbm>>
    tpu.wait_dma2 semaphore(%arg15 : memref<!tpu.dma_semaphore, #tpu.memory_space<semaphore_mem>>) src(%dma_wait3A_46 : memref<128xi32, #tpu.memory_space<hbm>>) dst(%arg6 : memref<128xi32, #tpu.memory_space<vmem>>)
    %dma_wait3A_47 = arith.constant 0 : i32
    %dma_wait3A_48 = tpu.memref_slice %arg4[%dma_wait3A_47] : memref<163840xi32, #tpu.memory_space<hbm>> -> memref<128xi32, #tpu.memory_space<hbm>>
    %dma_wait3A_49 = arith.constant 0 : i32
    %dma_wait3A_50 = tpu.memref_slice %arg4[%dma_wait3A_49] : memref<163840xi32, #tpu.memory_space<hbm>> -> memref<128xi32, #tpu.memory_space<hbm>>
    tpu.wait_dma2 semaphore(%arg15 : memref<!tpu.dma_semaphore, #tpu.memory_space<semaphore_mem>>) src(%dma_wait3A_50 : memref<128xi32, #tpu.memory_space<hbm>>) dst(%arg8 : memref<128xi32, #tpu.memory_space<vmem>>)
    %get3A = arith.constant 0 : index
    %get3A_51 = tpu.vector_load %arg6[%get3A] {strides = array<i32>} : memref<128xi32, #tpu.memory_space<vmem>>, vector<16xi32>,
    %get3A_52 = vector.shape_cast %get3A_51 : vector<16xi32> to vector<16xi32>
    %add3A_53 = vector.broadcast %mul3A_3 : i32 to vector<16xi32>
    %add3A_54 = arith.addi %get3A_52, %add3A_53 : vector<16xi32>
    %swap3A = arith.constant 0 : index
    %swap3A_55 = tpu.vector_load %arg6[%swap3A] {strides = array<i32>} : memref<128xi32, #tpu.memory_space<vmem>>, vector<16xi32>,
    %swap3A_56 = vector.shape_cast %swap3A_55 : vector<16xi32> to vector<16xi32>
    %swap3A_57 = vector.shape_cast %add3A_54 : vector<16xi32> to vector<16xi32>
    tpu.vector_store %arg6[%swap3A], %swap3A_57 {strides = array<i32>} : memref<128xi32, #tpu.memory_space<vmem>>, vector<16xi32>,
    %get3A_58 = arith.constant 16 : index
    %get3A_59 = tpu.vector_load %arg6[%get3A_58] {strides = array<i32>} : memref<128xi32, #tpu.memory_space<vmem>>, vector<16xi32>,
    %get3A_60 = vector.shape_cast %get3A_59 : vector<16xi32> to vector<16xi32>
    %add3A_61 = vector.broadcast %mul3A_3 : i32 to vector<16xi32>
    %add3A_62 = arith.addi %get3A_60, %add3A_61 : vector<16xi32>
    %swap3A_63 = arith.constant 16 : index
    %swap3A_64 = tpu.vector_load %arg6[%swap3A_63] {strides = array<i32>} : memref<128xi32, #tpu.memory_space<vmem>>, vector<16xi32>,
    %swap3A_65 = vector.shape_cast %swap3A_64 : vector<16xi32> to vector<16xi32>
    %swap3A_66 = vector.shape_cast %add3A_62 : vector<16xi32> to vector<16xi32>
    tpu.vector_store %arg6[%swap3A_63], %swap3A_66 {strides = array<i32>} : memref<128xi32, #tpu.memory_space<vmem>>, vector<16xi32>,
    %get3A_67 = arith.constant 32 : index
    %get3A_68 = tpu.vector_load %arg6[%get3A_67] {strides = array<i32>} : memref<128xi32, #tpu.memory_space<vmem>>, vector<16xi32>,
    %get3A_69 = vector.shape_cast %get3A_68 : vector<16xi32> to vector<16xi32>
    %add3A_70 = vector.broadcast %mul3A_3 : i32 to vector<16xi32>
    %add3A_71 = arith.addi %get3A_69, %add3A_70 : vector<16xi32>
    %swap3A_72 = arith.constant 32 : index
    %swap3A_73 = tpu.vector_load %arg6[%swap3A_72] {strides = array<i32>} : memref<128xi32, #tpu.memory_space<vmem>>, vector<16xi32>,
    %swap3A_74 = vector.shape_cast %swap3A_73 : vector<16xi32> to vector<16xi32>
    %swap3A_75 = vector.shape_cast %add3A_71 : vector<16xi32> to vector<16xi32>
    tpu.vector_store %arg6[%swap3A_72], %swap3A_75 {strides = array<i32>} : memref<128xi32, #tpu.memory_space<vmem>>, vector<16xi32>,
    %get3A_76 = arith.constant 48 : index
    %get3A_77 = tpu.vector_load %arg6[%get3A_76] {strides = array<i32>} : memref<128xi32, #tpu.memory_space<vmem>>, vector<16xi32>,
    %get3A_78 = vector.shape_cast %get3A_77 : vector<16xi32> to vector<16xi32>
    %add3A_79 = vector.broadcast %mul3A_3 : i32 to vector<16xi32>
    %add3A_80 = arith.addi %get3A_78, %add3A_79 : vector<16xi32>
    %swap3A_81 = arith.constant 48 : index
    %swap3A_82 = tpu.vector_load %arg6[%swap3A_81] {strides = array<i32>} : memref<128xi32, #tpu.memory_space<vmem>>, vector<16xi32>,
    %swap3A_83 = vector.shape_cast %swap3A_82 : vector<16xi32> to vector<16xi32>
    %swap3A_84 = vector.shape_cast %add3A_80 : vector<16xi32> to vector<16xi32>
    tpu.vector_store %arg6[%swap3A_81], %swap3A_84 {strides = array<i32>} : memref<128xi32, #tpu.memory_space<vmem>>, vector<16xi32>,
    %get3A_85 = arith.constant 64 : index
    %get3A_86 = tpu.vector_load %arg6[%get3A_85] {strides = array<i32>} : memref<128xi32, #tpu.memory_space<vmem>>, vector<16xi32>,
    %get3A_87 = vector.shape_cast %get3A_86 : vector<16xi32> to vector<16xi32>
    %add3A_88 = vector.broadcast %mul3A_3 : i32 to vector<16xi32>
    %add3A_89 = arith.addi %get3A_87, %add3A_88 : vector<16xi32>
    %swap3A_90 = arith.constant 64 : index
    %swap3A_91 = tpu.vector_load %arg6[%swap3A_90] {strides = array<i32>} : memref<128xi32, #tpu.memory_space<vmem>>, vector<16xi32>,
    %swap3A_92 = vector.shape_cast %swap3A_91 : vector<16xi32> to vector<16xi32>
    %swap3A_93 = vector.shape_cast %add3A_89 : vector<16xi32> to vector<16xi32>
    tpu.vector_store %arg6[%swap3A_90], %swap3A_93 {strides = array<i32>} : memref<128xi32, #tpu.memory_space<vmem>>, vector<16xi32>,
    %get3A_94 = arith.constant 80 : index
    %get3A_95 = tpu.vector_load %arg6[%get3A_94] {strides = array<i32>} : memref<128xi32, #tpu.memory_space<vmem>>, vector<16xi32>,
    %get3A_96 = vector.shape_cast %get3A_95 : vector<16xi32> to vector<16xi32>
    %add3A_97 = vector.broadcast %mul3A_3 : i32 to vector<16xi32>
    %add3A_98 = arith.addi %get3A_96, %add3A_97 : vector<16xi32>
    %swap3A_99 = arith.constant 80 : index
    %swap3A_100 = tpu.vector_load %arg6[%swap3A_99] {strides = array<i32>} : memref<128xi32, #tpu.memory_space<vmem>>, vector<16xi32>,
    %swap3A_101 = vector.shape_cast %swap3A_100 : vector<16xi32> to vector<16xi32>
    %swap3A_102 = vector.shape_cast %add3A_98 : vector<16xi32> to vector<16xi32>
    tpu.vector_store %arg6[%swap3A_99], %swap3A_102 {strides = array<i32>} : memref<128xi32, #tpu.memory_space<vmem>>, vector<16xi32>,
    %get3A_103 = arith.constant 96 : index
    %get3A_104 = tpu.vector_load %arg6[%get3A_103] {strides = array<i32>} : memref<128xi32, #tpu.memory_space<vmem>>, vector<16xi32>,
    %get3A_105 = vector.shape_cast %get3A_104 : vector<16xi32> to vector<16xi32>
    %add3A_106 = vector.broadcast %mul3A_3 : i32 to vector<16xi32>
    %add3A_107 = arith.addi %get3A_105, %add3A_106 : vector<16xi32>
    %swap3A_108 = arith.constant 96 : index
    %swap3A_109 = tpu.vector_load %arg6[%swap3A_108] {strides = array<i32>} : memref<128xi32, #tpu.memory_space<vmem>>, vector<16xi32>,
    %swap3A_110 = vector.shape_cast %swap3A_109 : vector<16xi32> to vector<16xi32>
    %swap3A_111 = vector.shape_cast %add3A_107 : vector<16xi32> to vector<16xi32>
    tpu.vector_store %arg6[%swap3A_108], %swap3A_111 {strides = array<i32>} : memref<128xi32, #tpu.memory_space<vmem>>, vector<16xi32>,
    %get3A_112 = arith.constant 112 : index
    %get3A_113 = tpu.vector_load %arg6[%get3A_112] {strides = array<i32>} : memref<128xi32, #tpu.memory_space<vmem>>, vector<16xi32>,
    %get3A_114 = vector.shape_cast %get3A_113 : vector<16xi32> to vector<16xi32>
    %add3A_115 = vector.broadcast %mul3A_3 : i32 to vector<16xi32>
    %add3A_116 = arith.addi %get3A_114, %add3A_115 : vector<16xi32>
    %swap3A_117 = arith.constant 112 : index
    %swap3A_118 = tpu.vector_load %arg6[%swap3A_117] {strides = array<i32>} : memref<128xi32, #tpu.memory_space<vmem>>, vector<16xi32>,
    %swap3A_119 = vector.shape_cast %swap3A_118 : vector<16xi32> to vector<16xi32>
    %swap3A_120 = vector.shape_cast %add3A_116 : vector<16xi32> to vector<16xi32>
    tpu.vector_store %arg6[%swap3A_117], %swap3A_120 {strides = array<i32>} : memref<128xi32, #tpu.memory_space<vmem>>, vector<16xi32>,
    %dma_start3A_121 = arith.constant 0 : i32
    %dma_start3A_122 = arith.constant 0 : i32
    %dma_start3A_123 = tpu.memref_slice %arg2[%dma_start3A_121, %dma_start3A_122] : memref<40960x128xf32, #tpu.memory_space<hbm>> -> memref<40960x128xf32, #tpu.memory_space<hbm>>
    tpu.enqueue_indirect_dma source(%dma_start3A_123 : memref<40960x128xf32, #tpu.memory_space<hbm>>) target(%arg10 : memref<128x128xf32, #tpu.memory_space<vmem>>) offsets(%arg6 : memref<128xi32, #tpu.memory_space<vmem>>) semaphore(%arg13 : memref<!tpu.dma_semaphore, #tpu.memory_space<semaphore_mem>>)
    %scan3A_124 = arith.constant 0 : i32
    %scan3A_125 = arith.constant 0 : i32
    %scan3A_126 = arith.constant 40 : i32
    %scan3A_127 = arith.addi %scan3A_125, %scan3A_126 : i32
    %scan3A_128 = arith.constant 1 : i32
    scf.for %scan3A_284 = %scan3A_125 to %scan3A_127 step %scan3A_128  : i32 {
      %mul3A_285 = arith.constant 2 : i32
      %mul3A_286 = arith.muli %mul3A_285, %scan3A_284 : i32
      %add3A_287 = arith.constant 0 : i32
      %add3A_288 = arith.addi %mul3A_286, %add3A_287 : i32
      %dma_wait3A_289 = arith.constant 0 : i32
      %dma_wait3A_290 = tpu.memref_slice %arg3[%dma_wait3A_289] : memref<163840xi32, #tpu.memory_space<hbm>> -> memref<128xi32, #tpu.memory_space<hbm>>
      %dma_wait3A_291 = arith.constant 0 : i32
      %dma_wait3A_292 = tpu.memref_slice %arg3[%dma_wait3A_291] : memref<163840xi32, #tpu.memory_space<hbm>> -> memref<128xi32, #tpu.memory_space<hbm>>
      tpu.wait_dma2 semaphore(%arg16 : memref<!tpu.dma_semaphore, #tpu.memory_space<semaphore_mem>>) src(%dma_wait3A_292 : memref<128xi32, #tpu.memory_space<hbm>>) dst(%arg7 : memref<128xi32, #tpu.memory_space<vmem>>)
      %dma_wait3A_293 = arith.constant 0 : i32
      %dma_wait3A_294 = tpu.memref_slice %arg4[%dma_wait3A_293] : memref<163840xi32, #tpu.memory_space<hbm>> -> memref<128xi32, #tpu.memory_space<hbm>>
      %dma_wait3A_295 = arith.constant 0 : i32
      %dma_wait3A_296 = tpu.memref_slice %arg4[%dma_wait3A_295] : memref<163840xi32, #tpu.memory_space<hbm>> -> memref<128xi32, #tpu.memory_space<hbm>>
      tpu.wait_dma2 semaphore(%arg16 : memref<!tpu.dma_semaphore, #tpu.memory_space<semaphore_mem>>) src(%dma_wait3A_296 : memref<128xi32, #tpu.memory_space<hbm>>) dst(%arg9 : memref<128xi32, #tpu.memory_space<vmem>>)
      %get3A_297 = arith.constant 0 : index
      %get3A_298 = tpu.vector_load %arg7[%get3A_297] {strides = array<i32>} : memref<128xi32, #tpu.memory_space<vmem>>, vector<16xi32>,
      %get3A_299 = vector.shape_cast %get3A_298 : vector<16xi32> to vector<16xi32>
      %add3A_300 = vector.broadcast %mul3A_3 : i32 to vector<16xi32>
      %add3A_301 = arith.addi %get3A_299, %add3A_300 : vector<16xi32>
      %swap3A_302 = arith.constant 0 : index
      %swap3A_303 = tpu.vector_load %arg7[%swap3A_302] {strides = array<i32>} : memref<128xi32, #tpu.memory_space<vmem>>, vector<16xi32>,
      %swap3A_304 = vector.shape_cast %swap3A_303 : vector<16xi32> to vector<16xi32>
      %swap3A_305 = vector.shape_cast %add3A_301 : vector<16xi32> to vector<16xi32>
      tpu.vector_store %arg7[%swap3A_302], %swap3A_305 {strides = array<i32>} : memref<128xi32, #tpu.memory_space<vmem>>, vector<16xi32>,
      %get3A_306 = arith.constant 16 : index
      %get3A_307 = tpu.vector_load %arg7[%get3A_306] {strides = array<i32>} : memref<128xi32, #tpu.memory_space<vmem>>, vector<16xi32>,
      %get3A_308 = vector.shape_cast %get3A_307 : vector<16xi32> to vector<16xi32>
      %add3A_309 = vector.broadcast %mul3A_3 : i32 to vector<16xi32>
      %add3A_310 = arith.addi %get3A_308, %add3A_309 : vector<16xi32>
      %swap3A_311 = arith.constant 16 : index
      %swap3A_312 = tpu.vector_load %arg7[%swap3A_311] {strides = array<i32>} : memref<128xi32, #tpu.memory_space<vmem>>, vector<16xi32>,
      %swap3A_313 = vector.shape_cast %swap3A_312 : vector<16xi32> to vector<16xi32>
      %swap3A_314 = vector.shape_cast %add3A_310 : vector<16xi32> to vector<16xi32>
      tpu.vector_store %arg7[%swap3A_311], %swap3A_314 {strides = array<i32>} : memref<128xi32, #tpu.memory_space<vmem>>, vector<16xi32>,
      %get3A_315 = arith.constant 32 : index
      %get3A_316 = tpu.vector_load %arg7[%get3A_315] {strides = array<i32>} : memref<128xi32, #tpu.memory_space<vmem>>, vector<16xi32>,
      %get3A_317 = vector.shape_cast %get3A_316 : vector<16xi32> to vector<16xi32>
      %add3A_318 = vector.broadcast %mul3A_3 : i32 to vector<16xi32>
      %add3A_319 = arith.addi %get3A_317, %add3A_318 : vector<16xi32>
      %swap3A_320 = arith.constant 32 : index
      %swap3A_321 = tpu.vector_load %arg7[%swap3A_320] {strides = array<i32>} : memref<128xi32, #tpu.memory_space<vmem>>, vector<16xi32>,
      %swap3A_322 = vector.shape_cast %swap3A_321 : vector<16xi32> to vector<16xi32>
      %swap3A_323 = vector.shape_cast %add3A_319 : vector<16xi32> to vector<16xi32>
      tpu.vector_store %arg7[%swap3A_320], %swap3A_323 {strides = array<i32>} : memref<128xi32, #tpu.memory_space<vmem>>, vector<16xi32>,
      %get3A_324 = arith.constant 48 : index
      %get3A_325 = tpu.vector_load %arg7[%get3A_324] {strides = array<i32>} : memref<128xi32, #tpu.memory_space<vmem>>, vector<16xi32>,
      %get3A_326 = vector.shape_cast %get3A_325 : vector<16xi32> to vector<16xi32>
      %add3A_327 = vector.broadcast %mul3A_3 : i32 to vector<16xi32>
      %add3A_328 = arith.addi %get3A_326, %add3A_327 : vector<16xi32>
      %swap3A_329 = arith.constant 48 : index
      %swap3A_330 = tpu.vector_load %arg7[%swap3A_329] {strides = array<i32>} : memref<128xi32, #tpu.memory_space<vmem>>, vector<16xi32>,
      %swap3A_331 = vector.shape_cast %swap3A_330 : vector<16xi32> to vector<16xi32>
      %swap3A_332 = vector.shape_cast %add3A_328 : vector<16xi32> to vector<16xi32>
      tpu.vector_store %arg7[%swap3A_329], %swap3A_332 {strides = array<i32>} : memref<128xi32, #tpu.memory_space<vmem>>, vector<16xi32>,
      %get3A_333 = arith.constant 64 : index
      %get3A_334 = tpu.vector_load %arg7[%get3A_333] {strides = array<i32>} : memref<128xi32, #tpu.memory_space<vmem>>, vector<16xi32>,
      %get3A_335 = vector.shape_cast %get3A_334 : vector<16xi32> to vector<16xi32>
      %add3A_336 = vector.broadcast %mul3A_3 : i32 to vector<16xi32>
      %add3A_337 = arith.addi %get3A_335, %add3A_336 : vector<16xi32>
      %swap3A_338 = arith.constant 64 : index
      %swap3A_339 = tpu.vector_load %arg7[%swap3A_338] {strides = array<i32>} : memref<128xi32, #tpu.memory_space<vmem>>, vector<16xi32>,
      %swap3A_340 = vector.shape_cast %swap3A_339 : vector<16xi32> to vector<16xi32>
      %swap3A_341 = vector.shape_cast %add3A_337 : vector<16xi32> to vector<16xi32>
      tpu.vector_store %arg7[%swap3A_338], %swap3A_341 {strides = array<i32>} : memref<128xi32, #tpu.memory_space<vmem>>, vector<16xi32>,
      %get3A_342 = arith.constant 80 : index
      %get3A_343 = tpu.vector_load %arg7[%get3A_342] {strides = array<i32>} : memref<128xi32, #tpu.memory_space<vmem>>, vector<16xi32>,
      %get3A_344 = vector.shape_cast %get3A_343 : vector<16xi32> to vector<16xi32>
      %add3A_345 = vector.broadcast %mul3A_3 : i32 to vector<16xi32>
      %add3A_346 = arith.addi %get3A_344, %add3A_345 : vector<16xi32>
      %swap3A_347 = arith.constant 80 : index
      %swap3A_348 = tpu.vector_load %arg7[%swap3A_347] {strides = array<i32>} : memref<128xi32, #tpu.memory_space<vmem>>, vector<16xi32>,
      %swap3A_349 = vector.shape_cast %swap3A_348 : vector<16xi32> to vector<16xi32>
      %swap3A_350 = vector.shape_cast %add3A_346 : vector<16xi32> to vector<16xi32>
      tpu.vector_store %arg7[%swap3A_347], %swap3A_350 {strides = array<i32>} : memref<128xi32, #tpu.memory_space<vmem>>, vector<16xi32>,
      %get3A_351 = arith.constant 96 : index
      %get3A_352 = tpu.vector_load %arg7[%get3A_351] {strides = array<i32>} : memref<128xi32, #tpu.memory_space<vmem>>, vector<16xi32>,
      %get3A_353 = vector.shape_cast %get3A_352 : vector<16xi32> to vector<16xi32>
      %add3A_354 = vector.broadcast %mul3A_3 : i32 to vector<16xi32>
      %add3A_355 = arith.addi %get3A_353, %add3A_354 : vector<16xi32>
      %swap3A_356 = arith.constant 96 : index
      %swap3A_357 = tpu.vector_load %arg7[%swap3A_356] {strides = array<i32>} : memref<128xi32, #tpu.memory_space<vmem>>, vector<16xi32>,
      %swap3A_358 = vector.shape_cast %swap3A_357 : vector<16xi32> to vector<16xi32>
      %swap3A_359 = vector.shape_cast %add3A_355 : vector<16xi32> to vector<16xi32>
      tpu.vector_store %arg7[%swap3A_356], %swap3A_359 {strides = array<i32>} : memref<128xi32, #tpu.memory_space<vmem>>, vector<16xi32>,
      %get3A_360 = arith.constant 112 : index
      %get3A_361 = tpu.vector_load %arg7[%get3A_360] {strides = array<i32>} : memref<128xi32, #tpu.memory_space<vmem>>, vector<16xi32>,
      %get3A_362 = vector.shape_cast %get3A_361 : vector<16xi32> to vector<16xi32>
      %add3A_363 = vector.broadcast %mul3A_3 : i32 to vector<16xi32>
      %add3A_364 = arith.addi %get3A_362, %add3A_363 : vector<16xi32>
      %swap3A_365 = arith.constant 112 : index
      %swap3A_366 = tpu.vector_load %arg7[%swap3A_365] {strides = array<i32>} : memref<128xi32, #tpu.memory_space<vmem>>, vector<16xi32>,
      %swap3A_367 = vector.shape_cast %swap3A_366 : vector<16xi32> to vector<16xi32>
      %swap3A_368 = vector.shape_cast %add3A_364 : vector<16xi32> to vector<16xi32>
      tpu.vector_store %arg7[%swap3A_365], %swap3A_368 {strides = array<i32>} : memref<128xi32, #tpu.memory_space<vmem>>, vector<16xi32>,
      %dma_start3A_369 = arith.constant 0 : i32
      %dma_start3A_370 = arith.constant 0 : i32
      %dma_start3A_371 = tpu.memref_slice %arg2[%dma_start3A_369, %dma_start3A_370] : memref<40960x128xf32, #tpu.memory_space<hbm>> -> memref<40960x128xf32, #tpu.memory_space<hbm>>
      tpu.enqueue_indirect_dma source(%dma_start3A_371 : memref<40960x128xf32, #tpu.memory_space<hbm>>) target(%arg11 : memref<128x128xf32, #tpu.memory_space<vmem>>) offsets(%arg7 : memref<128xi32, #tpu.memory_space<vmem>>) semaphore(%arg14 : memref<!tpu.dma_semaphore, #tpu.memory_space<semaphore_mem>>)
      %dma_wait3A_372 = arith.constant 0 : i32
      %dma_wait3A_373 = arith.constant 0 : i32
      %dma_wait3A_374 = tpu.memref_slice %arg2[%dma_wait3A_372, %dma_wait3A_373] : memref<40960x128xf32, #tpu.memory_space<hbm>> -> memref<128x128xf32, #tpu.memory_space<hbm>>
      %dma_wait3A_375 = arith.constant 0 : i32
      %dma_wait3A_376 = arith.constant 0 : i32
      %dma_wait3A_377 = tpu.memref_slice %arg2[%dma_wait3A_375, %dma_wait3A_376] : memref<40960x128xf32, #tpu.memory_space<hbm>> -> memref<128x128xf32, #tpu.memory_space<hbm>>
      tpu.wait_dma2 semaphore(%arg13 : memref<!tpu.dma_semaphore, #tpu.memory_space<semaphore_mem>>) src(%dma_wait3A_377 : memref<128x128xf32, #tpu.memory_space<hbm>>) dst(%arg10 : memref<128x128xf32, #tpu.memory_space<vmem>>)
      "tpu.region"() ({
        %run_scoped3A = tpu.sem_alloc : memref<!tpu.dma_semaphore, #tpu.memory_space<semaphore_mem>>
        %dma_start3A_404 = arith.constant 0 : i32
        %dma_start3A_405 = arith.constant 0 : i32
        %dma_start3A_406 = tpu.memref_slice %arg12[%dma_start3A_404, %dma_start3A_405] : memref<10240x128xf32, #tpu.memory_space<vmem_shared>> -> memref<10240x128xf32, #tpu.memory_space<vmem_shared>>
        tpu.enqueue_indirect_dma source(%arg10 : memref<128x128xf32, #tpu.memory_space<vmem>>) target(%dma_start3A_406 : memref<10240x128xf32, #tpu.memory_space<vmem_shared>>) offsets(%arg8 : memref<128xi32, #tpu.memory_space<vmem>>) semaphore(%run_scoped3A : memref<!tpu.dma_semaphore, #tpu.memory_space<semaphore_mem>>) {add = true}
        %dma_wait3A_407 = arith.constant 0 : i32
        %dma_wait3A_408 = arith.constant 0 : i32
        %dma_wait3A_409 = tpu.memref_slice %arg12[%dma_wait3A_407, %dma_wait3A_408] : memref<10240x128xf32, #tpu.memory_space<vmem_shared>> -> memref<10240x128xf32, #tpu.memory_space<vmem_shared>>
        tpu.wait_indirect_dma semaphore(%run_scoped3A : memref<!tpu.dma_semaphore, #tpu.memory_space<semaphore_mem>>) src(%arg10 : memref<128x128xf32, #tpu.memory_space<vmem>>) dst(%dma_wait3A_409 : memref<10240x128xf32, #tpu.memory_space<vmem_shared>>)
        tpu.yield
      }) : () -> ()
      %add3A_378 = arith.constant 2 : i32
      %add3A_379 = arith.addi %add3A_288, %add3A_378 : i32
      %lt3A = arith.constant 80 : i32
      %lt3A_380 = arith.cmpi slt, %add3A_379, %lt3A : i32
      %convert_element_type3A = arith.extui %lt3A_380 : i1 to i32
      %cond3A = arith.constant 0 : i32
      %cond3A_381 = arith.cmpi ne, %convert_element_type3A, %cond3A : i32
      scf.if %cond3A_381 {
        %add3A_404 = arith.constant 2 : i32
        %add3A_405 = arith.addi %add3A_288, %add3A_404 : i32
        %mul3A_406 = arith.constant 128 : i32
        %mul3A_407 = arith.muli %add3A_405, %mul3A_406 : i32
        %add3A_408 = arith.addi %mul3A_0, %mul3A_407 : i32
        %dma_start3A_409 = tpu.memref_slice %arg3[%add3A_408] : memref<163840xi32, #tpu.memory_space<hbm>> -> memref<128xi32, #tpu.memory_space<hbm>>
        %dma_start3A_410 = tpu.memref_slice %arg3[%add3A_408] : memref<163840xi32, #tpu.memory_space<hbm>> -> memref<128xi32, #tpu.memory_space<hbm>>
        tpu.enqueue_dma source(%dma_start3A_410 : memref<128xi32, #tpu.memory_space<hbm>>) target(%arg6 : memref<128xi32, #tpu.memory_space<vmem>>) target_semaphore(%arg15 : memref<!tpu.dma_semaphore, #tpu.memory_space<semaphore_mem>>)
        %mul3A_411 = arith.constant 128 : i32
        %mul3A_412 = arith.muli %add3A_405, %mul3A_411 : i32
        %add3A_413 = arith.addi %mul3A_0, %mul3A_412 : i32
        %dma_start3A_414 = tpu.memref_slice %arg4[%add3A_413] : memref<163840xi32, #tpu.memory_space<hbm>> -> memref<128xi32, #tpu.memory_space<hbm>>
        %dma_start3A_415 = tpu.memref_slice %arg4[%add3A_413] : memref<163840xi32, #tpu.memory_space<hbm>> -> memref<128xi32, #tpu.memory_space<hbm>>
        tpu.enqueue_dma source(%dma_start3A_415 : memref<128xi32, #tpu.memory_space<hbm>>) target(%arg8 : memref<128xi32, #tpu.memory_space<vmem>>) target_semaphore(%arg15 : memref<!tpu.dma_semaphore, #tpu.memory_space<semaphore_mem>>)
      } else {
      }
      %mul3A_382 = arith.constant 2 : i32
      %mul3A_383 = arith.muli %mul3A_382, %scan3A_284 : i32
      %add3A_384 = arith.constant 1 : i32
      %add3A_385 = arith.addi %mul3A_383, %add3A_384 : i32
      %lt3A_386 = arith.constant 39 : i32
      %lt3A_387 = arith.cmpi slt, %scan3A_284, %lt3A_386 : i32
      %convert_element_type3A_388 = arith.extui %lt3A_387 : i1 to i32
      %cond3A_389 = arith.constant 0 : i32
      %cond3A_390 = arith.cmpi ne, %convert_element_type3A_388, %cond3A_389 : i32
      scf.if %cond3A_390 {
        %dma_wait3A_404 = arith.constant 0 : i32
        %dma_wait3A_405 = tpu.memref_slice %arg3[%dma_wait3A_404] : memref<163840xi32, #tpu.memory_space<hbm>> -> memref<128xi32, #tpu.memory_space<hbm>>
        %dma_wait3A_406 = arith.constant 0 : i32
        %dma_wait3A_407 = tpu.memref_slice %arg3[%dma_wait3A_406] : memref<163840xi32, #tpu.memory_space<hbm>> -> memref<128xi32, #tpu.memory_space<hbm>>
        tpu.wait_dma2 semaphore(%arg15 : memref<!tpu.dma_semaphore, #tpu.memory_space<semaphore_mem>>) src(%dma_wait3A_407 : memref<128xi32, #tpu.memory_space<hbm>>) dst(%arg6 : memref<128xi32, #tpu.memory_space<vmem>>)
        %dma_wait3A_408 = arith.constant 0 : i32
        %dma_wait3A_409 = tpu.memref_slice %arg4[%dma_wait3A_408] : memref<163840xi32, #tpu.memory_space<hbm>> -> memref<128xi32, #tpu.memory_space<hbm>>
        %dma_wait3A_410 = arith.constant 0 : i32
        %dma_wait3A_411 = tpu.memref_slice %arg4[%dma_wait3A_410] : memref<163840xi32, #tpu.memory_space<hbm>> -> memref<128xi32, #tpu.memory_space<hbm>>
        tpu.wait_dma2 semaphore(%arg15 : memref<!tpu.dma_semaphore, #tpu.memory_space<semaphore_mem>>) src(%dma_wait3A_411 : memref<128xi32, #tpu.memory_space<hbm>>) dst(%arg8 : memref<128xi32, #tpu.memory_space<vmem>>)
        %get3A_412 = arith.constant 0 : index
        %get3A_413 = tpu.vector_load %arg6[%get3A_412] {strides = array<i32>} : memref<128xi32, #tpu.memory_space<vmem>>, vector<16xi32>,
        %get3A_414 = vector.shape_cast %get3A_413 : vector<16xi32> to vector<16xi32>
        %add3A_415 = vector.broadcast %mul3A_3 : i32 to vector<16xi32>
        %add3A_416 = arith.addi %get3A_414, %add3A_415 : vector<16xi32>
        %swap3A_417 = arith.constant 0 : index
        %swap3A_418 = tpu.vector_load %arg6[%swap3A_417] {strides = array<i32>} : memref<128xi32, #tpu.memory_space<vmem>>, vector<16xi32>,
        %swap3A_419 = vector.shape_cast %swap3A_418 : vector<16xi32> to vector<16xi32>
        %swap3A_420 = vector.shape_cast %add3A_416 : vector<16xi32> to vector<16xi32>
        tpu.vector_store %arg6[%swap3A_417], %swap3A_420 {strides = array<i32>} : memref<128xi32, #tpu.memory_space<vmem>>, vector<16xi32>,
        %get3A_421 = arith.constant 16 : index
        %get3A_422 = tpu.vector_load %arg6[%get3A_421] {strides = array<i32>} : memref<128xi32, #tpu.memory_space<vmem>>, vector<16xi32>,
        %get3A_423 = vector.shape_cast %get3A_422 : vector<16xi32> to vector<16xi32>
        %add3A_424 = vector.broadcast %mul3A_3 : i32 to vector<16xi32>
        %add3A_425 = arith.addi %get3A_423, %add3A_424 : vector<16xi32>
        %swap3A_426 = arith.constant 16 : index
        %swap3A_427 = tpu.vector_load %arg6[%swap3A_426] {strides = array<i32>} : memref<128xi32, #tpu.memory_space<vmem>>, vector<16xi32>,
        %swap3A_428 = vector.shape_cast %swap3A_427 : vector<16xi32> to vector<16xi32>
        %swap3A_429 = vector.shape_cast %add3A_425 : vector<16xi32> to vector<16xi32>
        tpu.vector_store %arg6[%swap3A_426], %swap3A_429 {strides = array<i32>} : memref<128xi32, #tpu.memory_space<vmem>>, vector<16xi32>,
        %get3A_430 = arith.constant 32 : index
        %get3A_431 = tpu.vector_load %arg6[%get3A_430] {strides = array<i32>} : memref<128xi32, #tpu.memory_space<vmem>>, vector<16xi32>,
        %get3A_432 = vector.shape_cast %get3A_431 : vector<16xi32> to vector<16xi32>
        %add3A_433 = vector.broadcast %mul3A_3 : i32 to vector<16xi32>
        %add3A_434 = arith.addi %get3A_432, %add3A_433 : vector<16xi32>
        %swap3A_435 = arith.constant 32 : index
        %swap3A_436 = tpu.vector_load %arg6[%swap3A_435] {strides = array<i32>} : memref<128xi32, #tpu.memory_space<vmem>>, vector<16xi32>,
        %swap3A_437 = vector.shape_cast %swap3A_436 : vector<16xi32> to vector<16xi32>
        %swap3A_438 = vector.shape_cast %add3A_434 : vector<16xi32> to vector<16xi32>
        tpu.vector_store %arg6[%swap3A_435], %swap3A_438 {strides = array<i32>} : memref<128xi32, #tpu.memory_space<vmem>>, vector<16xi32>,
        %get3A_439 = arith.constant 48 : index
        %get3A_440 = tpu.vector_load %arg6[%get3A_439] {strides = array<i32>} : memref<128xi32, #tpu.memory_space<vmem>>, vector<16xi32>,
        %get3A_441 = vector.shape_cast %get3A_440 : vector<16xi32> to vector<16xi32>
        %add3A_442 = vector.broadcast %mul3A_3 : i32 to vector<16xi32>
        %add3A_443 = arith.addi %get3A_441, %add3A_442 : vector<16xi32>
        %swap3A_444 = arith.constant 48 : index
        %swap3A_445 = tpu.vector_load %arg6[%swap3A_444] {strides = array<i32>} : memref<128xi32, #tpu.memory_space<vmem>>, vector<16xi32>,
        %swap3A_446 = vector.shape_cast %swap3A_445 : vector<16xi32> to vector<16xi32>
        %swap3A_447 = vector.shape_cast %add3A_443 : vector<16xi32> to vector<16xi32>
        tpu.vector_store %arg6[%swap3A_444], %swap3A_447 {strides = array<i32>} : memref<128xi32, #tpu.memory_space<vmem>>, vector<16xi32>,
        %get3A_448 = arith.constant 64 : index
        %get3A_449 = tpu.vector_load %arg6[%get3A_448] {strides = array<i32>} : memref<128xi32, #tpu.memory_space<vmem>>, vector<16xi32>,
        %get3A_450 = vector.shape_cast %get3A_449 : vector<16xi32> to vector<16xi32>
        %add3A_451 = vector.broadcast %mul3A_3 : i32 to vector<16xi32>
        %add3A_452 = arith.addi %get3A_450, %add3A_451 : vector<16xi32>
        %swap3A_453 = arith.constant 64 : index
        %swap3A_454 = tpu.vector_load %arg6[%swap3A_453] {strides = array<i32>} : memref<128xi32, #tpu.memory_space<vmem>>, vector<16xi32>,
        %swap3A_455 = vector.shape_cast %swap3A_454 : vector<16xi32> to vector<16xi32>
        %swap3A_456 = vector.shape_cast %add3A_452 : vector<16xi32> to vector<16xi32>
        tpu.vector_store %arg6[%swap3A_453], %swap3A_456 {strides = array<i32>} : memref<128xi32, #tpu.memory_space<vmem>>, vector<16xi32>,
        %get3A_457 = arith.constant 80 : index
        %get3A_458 = tpu.vector_load %arg6[%get3A_457] {strides = array<i32>} : memref<128xi32, #tpu.memory_space<vmem>>, vector<16xi32>,
        %get3A_459 = vector.shape_cast %get3A_458 : vector<16xi32> to vector<16xi32>
        %add3A_460 = vector.broadcast %mul3A_3 : i32 to vector<16xi32>
        %add3A_461 = arith.addi %get3A_459, %add3A_460 : vector<16xi32>
        %swap3A_462 = arith.constant 80 : index
        %swap3A_463 = tpu.vector_load %arg6[%swap3A_462] {strides = array<i32>} : memref<128xi32, #tpu.memory_space<vmem>>, vector<16xi32>,
        %swap3A_464 = vector.shape_cast %swap3A_463 : vector<16xi32> to vector<16xi32>
        %swap3A_465 = vector.shape_cast %add3A_461 : vector<16xi32> to vector<16xi32>
        tpu.vector_store %arg6[%swap3A_462], %swap3A_465 {strides = array<i32>} : memref<128xi32, #tpu.memory_space<vmem>>, vector<16xi32>,
        %get3A_466 = arith.constant 96 : index
        %get3A_467 = tpu.vector_load %arg6[%get3A_466] {strides = array<i32>} : memref<128xi32, #tpu.memory_space<vmem>>, vector<16xi32>,
        %get3A_468 = vector.shape_cast %get3A_467 : vector<16xi32> to vector<16xi32>
        %add3A_469 = vector.broadcast %mul3A_3 : i32 to vector<16xi32>
        %add3A_470 = arith.addi %get3A_468, %add3A_469 : vector<16xi32>
        %swap3A_471 = arith.constant 96 : index
        %swap3A_472 = tpu.vector_load %arg6[%swap3A_471] {strides = array<i32>} : memref<128xi32, #tpu.memory_space<vmem>>, vector<16xi32>,
        %swap3A_473 = vector.shape_cast %swap3A_472 : vector<16xi32> to vector<16xi32>
        %swap3A_474 = vector.shape_cast %add3A_470 : vector<16xi32> to vector<16xi32>
        tpu.vector_store %arg6[%swap3A_471], %swap3A_474 {strides = array<i32>} : memref<128xi32, #tpu.memory_space<vmem>>, vector<16xi32>,
        %get3A_475 = arith.constant 112 : index
        %get3A_476 = tpu.vector_load %arg6[%get3A_475] {strides = array<i32>} : memref<128xi32, #tpu.memory_space<vmem>>, vector<16xi32>,
        %get3A_477 = vector.shape_cast %get3A_476 : vector<16xi32> to vector<16xi32>
        %add3A_478 = vector.broadcast %mul3A_3 : i32 to vector<16xi32>
        %add3A_479 = arith.addi %get3A_477, %add3A_478 : vector<16xi32>
        %swap3A_480 = arith.constant 112 : index
        %swap3A_481 = tpu.vector_load %arg6[%swap3A_480] {strides = array<i32>} : memref<128xi32, #tpu.memory_space<vmem>>, vector<16xi32>,
        %swap3A_482 = vector.shape_cast %swap3A_481 : vector<16xi32> to vector<16xi32>
        %swap3A_483 = vector.shape_cast %add3A_479 : vector<16xi32> to vector<16xi32>
        tpu.vector_store %arg6[%swap3A_480], %swap3A_483 {strides = array<i32>} : memref<128xi32, #tpu.memory_space<vmem>>, vector<16xi32>,
        %dma_start3A_484 = arith.constant 0 : i32
        %dma_start3A_485 = arith.constant 0 : i32
        %dma_start3A_486 = tpu.memref_slice %arg2[%dma_start3A_484, %dma_start3A_485] : memref<40960x128xf32, #tpu.memory_space<hbm>> -> memref<40960x128xf32, #tpu.memory_space<hbm>>
        tpu.enqueue_indirect_dma source(%dma_start3A_486 : memref<40960x128xf32, #tpu.memory_space<hbm>>) target(%arg10 : memref<128x128xf32, #tpu.memory_space<vmem>>) offsets(%arg6 : memref<128xi32, #tpu.memory_space<vmem>>) semaphore(%arg13 : memref<!tpu.dma_semaphore, #tpu.memory_space<semaphore_mem>>)
      } else {
      }
      %dma_wait3A_391 = arith.constant 0 : i32
      %dma_wait3A_392 = arith.constant 0 : i32
      %dma_wait3A_393 = tpu.memref_slice %arg2[%dma_wait3A_391, %dma_wait3A_392] : memref<40960x128xf32, #tpu.memory_space<hbm>> -> memref<128x128xf32, #tpu.memory_space<hbm>>
      %dma_wait3A_394 = arith.constant 0 : i32
      %dma_wait3A_395 = arith.constant 0 : i32
      %dma_wait3A_396 = tpu.memref_slice %arg2[%dma_wait3A_394, %dma_wait3A_395] : memref<40960x128xf32, #tpu.memory_space<hbm>> -> memref<128x128xf32, #tpu.memory_space<hbm>>
      tpu.wait_dma2 semaphore(%arg14 : memref<!tpu.dma_semaphore, #tpu.memory_space<semaphore_mem>>) src(%dma_wait3A_396 : memref<128x128xf32, #tpu.memory_space<hbm>>) dst(%arg11 : memref<128x128xf32, #tpu.memory_space<vmem>>)
      "tpu.region"() ({
        %run_scoped3A = tpu.sem_alloc : memref<!tpu.dma_semaphore, #tpu.memory_space<semaphore_mem>>
        %dma_start3A_404 = arith.constant 0 : i32
        %dma_start3A_405 = arith.constant 0 : i32
        %dma_start3A_406 = tpu.memref_slice %arg12[%dma_start3A_404, %dma_start3A_405] : memref<10240x128xf32, #tpu.memory_space<vmem_shared>> -> memref<10240x128xf32, #tpu.memory_space<vmem_shared>>
        tpu.enqueue_indirect_dma source(%arg11 : memref<128x128xf32, #tpu.memory_space<vmem>>) target(%dma_start3A_406 : memref<10240x128xf32, #tpu.memory_space<vmem_shared>>) offsets(%arg9 : memref<128xi32, #tpu.memory_space<vmem>>) semaphore(%run_scoped3A : memref<!tpu.dma_semaphore, #tpu.memory_space<semaphore_mem>>) {add = true}
        %dma_wait3A_407 = arith.constant 0 : i32
        %dma_wait3A_408 = arith.constant 0 : i32
        %dma_wait3A_409 = tpu.memref_slice %arg12[%dma_wait3A_407, %dma_wait3A_408] : memref<10240x128xf32, #tpu.memory_space<vmem_shared>> -> memref<10240x128xf32, #tpu.memory_space<vmem_shared>>
        tpu.wait_indirect_dma semaphore(%run_scoped3A : memref<!tpu.dma_semaphore, #tpu.memory_space<semaphore_mem>>) src(%arg11 : memref<128x128xf32, #tpu.memory_space<vmem>>) dst(%dma_wait3A_409 : memref<10240x128xf32, #tpu.memory_space<vmem_shared>>)
        tpu.yield
      }) : () -> ()
      %add3A_397 = arith.constant 2 : i32
      %add3A_398 = arith.addi %add3A_385, %add3A_397 : i32
      %lt3A_399 = arith.constant 80 : i32
      %lt3A_400 = arith.cmpi slt, %add3A_398, %lt3A_399 : i32
      %convert_element_type3A_401 = arith.extui %lt3A_400 : i1 to i32
      %cond3A_402 = arith.constant 0 : i32
      %cond3A_403 = arith.cmpi ne, %convert_element_type3A_401, %cond3A_402 : i32
      scf.if %cond3A_403 {
        %add3A_404 = arith.constant 2 : i32
        %add3A_405 = arith.addi %add3A_385, %add3A_404 : i32
        %mul3A_406 = arith.constant 128 : i32
        %mul3A_407 = arith.muli %add3A_405, %mul3A_406 : i32
        %add3A_408 = arith.addi %mul3A_0, %mul3A_407 : i32
        %dma_start3A_409 = tpu.memref_slice %arg3[%add3A_408] : memref<163840xi32, #tpu.memory_space<hbm>> -> memref<128xi32, #tpu.memory_space<hbm>>
        %dma_start3A_410 = tpu.memref_slice %arg3[%add3A_408] : memref<163840xi32, #tpu.memory_space<hbm>> -> memref<128xi32, #tpu.memory_space<hbm>>
        tpu.enqueue_dma source(%dma_start3A_410 : memref<128xi32, #tpu.memory_space<hbm>>) target(%arg7 : memref<128xi32, #tpu.memory_space<vmem>>) target_semaphore(%arg16 : memref<!tpu.dma_semaphore, #tpu.memory_space<semaphore_mem>>)
        %mul3A_411 = arith.constant 128 : i32
        %mul3A_412 = arith.muli %add3A_405, %mul3A_411 : i32
        %add3A_413 = arith.addi %mul3A_0, %mul3A_412 : i32
        %dma_start3A_414 = tpu.memref_slice %arg4[%add3A_413] : memref<163840xi32, #tpu.memory_space<hbm>> -> memref<128xi32, #tpu.memory_space<hbm>>
        %dma_start3A_415 = tpu.memref_slice %arg4[%add3A_413] : memref<163840xi32, #tpu.memory_space<hbm>> -> memref<128xi32, #tpu.memory_space<hbm>>
        tpu.enqueue_dma source(%dma_start3A_415 : memref<128xi32, #tpu.memory_space<hbm>>) target(%arg9 : memref<128xi32, #tpu.memory_space<vmem>>) target_semaphore(%arg16 : memref<!tpu.dma_semaphore, #tpu.memory_space<semaphore_mem>>)
      } else {
      }
    }
    %scan3A_129 = arith.constant 40 : i32
    %barrier3A_130 = arith.constant 0 : index
    tpu.barrier barrier_id(%barrier3A_130)
    %mul3A_131 = arith.constant 640 : i32
    %mul3A_132 = arith.muli %arg1, %mul3A_131 : i32
    %mul3A_133 = arith.constant 10240 : i32
    %mul3A_134 = arith.muli %add3A_1, %mul3A_133 : i32
    %mul3A_135 = arith.constant 640 : i32
    %mul3A_136 = arith.muli %arg1, %mul3A_135 : i32
    %add3A_137 = arith.addi %mul3A_134, %mul3A_136 : i32
    "tpu.region"() ({
      %run_scoped3A = tpu.sem_alloc : memref<!tpu.dma_semaphore, #tpu.memory_space<semaphore_mem>>
      %dma_start3A_284 = arith.constant 0 : i32
      %dma_start3A_285 = tpu.memref_slice %arg5[%add3A_137, %dma_start3A_284] : memref<40960x128xf32, #tpu.memory_space<hbm>> -> memref<640x128xf32, #tpu.memory_space<hbm>>
      %dma_start3A_286 = arith.constant 0 : i32
      %dma_start3A_287 = tpu.memref_slice %arg12[%mul3A_132, %dma_start3A_286] : memref<10240x128xf32, #tpu.memory_space<vmem_shared>> -> memref<640x128xf32, #tpu.memory_space<vmem_shared>>
      tpu.enqueue_dma source(%dma_start3A_287 : memref<640x128xf32, #tpu.memory_space<vmem_shared>>) target(%dma_start3A_285 : memref<640x128xf32, #tpu.memory_space<hbm>>) target_semaphore(%run_scoped3A : memref<!tpu.dma_semaphore, #tpu.memory_space<semaphore_mem>>)
      %dma_wait3A_288 = arith.constant 0 : i32
      %dma_wait3A_289 = tpu.memref_slice %arg5[%add3A_137, %dma_wait3A_288] : memref<40960x128xf32, #tpu.memory_space<hbm>> -> memref<640x128xf32, #tpu.memory_space<hbm>>
      %dma_wait3A_290 = arith.constant 0 : i32
      %dma_wait3A_291 = tpu.memref_slice %arg12[%mul3A_132, %dma_wait3A_290] : memref<10240x128xf32, #tpu.memory_space<vmem_shared>> -> memref<640x128xf32, #tpu.memory_space<vmem_shared>>
      tpu.wait_dma2 semaphore(%run_scoped3A : memref<!tpu.dma_semaphore, #tpu.memory_space<semaphore_mem>>) src(%dma_wait3A_291 : memref<640x128xf32, #tpu.memory_space<vmem_shared>>) dst(%dma_wait3A_289 : memref<640x128xf32, #tpu.memory_space<hbm>>)
      tpu.yield
    }) : () -> ()
    %barrier3A_138 = arith.constant 0 : index
    tpu.barrier barrier_id(%barrier3A_138)
    %add3A_139 = arith.constant 2 : i32
    %add3A_140 = arith.addi %add3A_139, %arg0 : i32
    %mul3A_141 = arith.constant 10240 : i32
    %mul3A_142 = arith.muli %add3A_140, %mul3A_141 : i32
    %scan3A_143 = arith.constant 0 : i32
    %scan3A_144 = arith.constant 0 : i32
    %scan3A_145 = arith.constant 128 : i32
    %scan3A_146 = arith.addi %scan3A_144, %scan3A_145 : i32
    %scan3A_147 = arith.constant 1 : i32
    scf.for %scan3A_284 = %scan3A_144 to %scan3A_146 step %scan3A_147  : i32 {
      %broadcast_in_dim3A = arith.constant 0.000000e+00 : f32
      %broadcast_in_dim3A_285 = vector.broadcast %broadcast_in_dim3A : f32 to vector<16xf32>
      %swap3A_286 = arith.index_cast %scan3A_284 : i32 to index
      %swap3A_287 = arith.constant 0 : index
      %swap3A_288 = tpu.vector_load %arg10[%swap3A_286, %swap3A_287] {strides = array<i32>} : memref<128x128xf32, #tpu.memory_space<vmem>>, vector<1x16xf32>,
      %swap3A_289 = vector.shape_cast %swap3A_288 : vector<1x16xf32> to vector<16xf32>
      %swap3A_290 = vector.shape_cast %broadcast_in_dim3A_285 : vector<16xf32> to vector<1x16xf32>
      tpu.vector_store %arg10[%swap3A_286, %swap3A_287], %swap3A_290 {strides = array<i32>} : memref<128x128xf32, #tpu.memory_space<vmem>>, vector<1x16xf32>,
      %broadcast_in_dim3A_291 = arith.constant 0.000000e+00 : f32
      %broadcast_in_dim3A_292 = vector.broadcast %broadcast_in_dim3A_291 : f32 to vector<16xf32>
      %swap3A_293 = arith.index_cast %scan3A_284 : i32 to index
      %swap3A_294 = arith.constant 16 : index
      %swap3A_295 = tpu.vector_load %arg10[%swap3A_293, %swap3A_294] {strides = array<i32>} : memref<128x128xf32, #tpu.memory_space<vmem>>, vector<1x16xf32>,
      %swap3A_296 = vector.shape_cast %swap3A_295 : vector<1x16xf32> to vector<16xf32>
      %swap3A_297 = vector.shape_cast %broadcast_in_dim3A_292 : vector<16xf32> to vector<1x16xf32>
      tpu.vector_store %arg10[%swap3A_293, %swap3A_294], %swap3A_297 {strides = array<i32>} : memref<128x128xf32, #tpu.memory_space<vmem>>, vector<1x16xf32>,
      %broadcast_in_dim3A_298 = arith.constant 0.000000e+00 : f32
      %broadcast_in_dim3A_299 = vector.broadcast %broadcast_in_dim3A_298 : f32 to vector<16xf32>
      %swap3A_300 = arith.index_cast %scan3A_284 : i32 to index
      %swap3A_301 = arith.constant 32 : index
      %swap3A_302 = tpu.vector_load %arg10[%swap3A_300, %swap3A_301] {strides = array<i32>} : memref<128x128xf32, #tpu.memory_space<vmem>>, vector<1x16xf32>,
      %swap3A_303 = vector.shape_cast %swap3A_302 : vector<1x16xf32> to vector<16xf32>
      %swap3A_304 = vector.shape_cast %broadcast_in_dim3A_299 : vector<16xf32> to vector<1x16xf32>
      tpu.vector_store %arg10[%swap3A_300, %swap3A_301], %swap3A_304 {strides = array<i32>} : memref<128x128xf32, #tpu.memory_space<vmem>>, vector<1x16xf32>,
      %broadcast_in_dim3A_305 = arith.constant 0.000000e+00 : f32
      %broadcast_in_dim3A_306 = vector.broadcast %broadcast_in_dim3A_305 : f32 to vector<16xf32>
      %swap3A_307 = arith.index_cast %scan3A_284 : i32 to index
      %swap3A_308 = arith.constant 48 : index
      %swap3A_309 = tpu.vector_load %arg10[%swap3A_307, %swap3A_308] {strides = array<i32>} : memref<128x128xf32, #tpu.memory_space<vmem>>, vector<1x16xf32>,
      %swap3A_310 = vector.shape_cast %swap3A_309 : vector<1x16xf32> to vector<16xf32>
      %swap3A_311 = vector.shape_cast %broadcast_in_dim3A_306 : vector<16xf32> to vector<1x16xf32>
      tpu.vector_store %arg10[%swap3A_307, %swap3A_308], %swap3A_311 {strides = array<i32>} : memref<128x128xf32, #tpu.memory_space<vmem>>, vector<1x16xf32>,
      %broadcast_in_dim3A_312 = arith.constant 0.000000e+00 : f32
      %broadcast_in_dim3A_313 = vector.broadcast %broadcast_in_dim3A_312 : f32 to vector<16xf32>
      %swap3A_314 = arith.index_cast %scan3A_284 : i32 to index
      %swap3A_315 = arith.constant 64 : index
      %swap3A_316 = tpu.vector_load %arg10[%swap3A_314, %swap3A_315] {strides = array<i32>} : memref<128x128xf32, #tpu.memory_space<vmem>>, vector<1x16xf32>,
      %swap3A_317 = vector.shape_cast %swap3A_316 : vector<1x16xf32> to vector<16xf32>
      %swap3A_318 = vector.shape_cast %broadcast_in_dim3A_313 : vector<16xf32> to vector<1x16xf32>
      tpu.vector_store %arg10[%swap3A_314, %swap3A_315], %swap3A_318 {strides = array<i32>} : memref<128x128xf32, #tpu.memory_space<vmem>>, vector<1x16xf32>,
      %broadcast_in_dim3A_319 = arith.constant 0.000000e+00 : f32
      %broadcast_in_dim3A_320 = vector.broadcast %broadcast_in_dim3A_319 : f32 to vector<16xf32>
      %swap3A_321 = arith.index_cast %scan3A_284 : i32 to index
      %swap3A_322 = arith.constant 80 : index
      %swap3A_323 = tpu.vector_load %arg10[%swap3A_321, %swap3A_322] {strides = array<i32>} : memref<128x128xf32, #tpu.memory_space<vmem>>, vector<1x16xf32>,
      %swap3A_324 = vector.shape_cast %swap3A_323 : vector<1x16xf32> to vector<16xf32>
      %swap3A_325 = vector.shape_cast %broadcast_in_dim3A_320 : vector<16xf32> to vector<1x16xf32>
      tpu.vector_store %arg10[%swap3A_321, %swap3A_322], %swap3A_325 {strides = array<i32>} : memref<128x128xf32, #tpu.memory_space<vmem>>, vector<1x16xf32>,
      %broadcast_in_dim3A_326 = arith.constant 0.000000e+00 : f32
      %broadcast_in_dim3A_327 = vector.broadcast %broadcast_in_dim3A_326 : f32 to vector<16xf32>
      %swap3A_328 = arith.index_cast %scan3A_284 : i32 to index
      %swap3A_329 = arith.constant 96 : index
      %swap3A_330 = tpu.vector_load %arg10[%swap3A_328, %swap3A_329] {strides = array<i32>} : memref<128x128xf32, #tpu.memory_space<vmem>>, vector<1x16xf32>,
      %swap3A_331 = vector.shape_cast %swap3A_330 : vector<1x16xf32> to vector<16xf32>
      %swap3A_332 = vector.shape_cast %broadcast_in_dim3A_327 : vector<16xf32> to vector<1x16xf32>
      tpu.vector_store %arg10[%swap3A_328, %swap3A_329], %swap3A_332 {strides = array<i32>} : memref<128x128xf32, #tpu.memory_space<vmem>>, vector<1x16xf32>,
      %broadcast_in_dim3A_333 = arith.constant 0.000000e+00 : f32
      %broadcast_in_dim3A_334 = vector.broadcast %broadcast_in_dim3A_333 : f32 to vector<16xf32>
      %swap3A_335 = arith.index_cast %scan3A_284 : i32 to index
      %swap3A_336 = arith.constant 112 : index
      %swap3A_337 = tpu.vector_load %arg10[%swap3A_335, %swap3A_336] {strides = array<i32>} : memref<128x128xf32, #tpu.memory_space<vmem>>, vector<1x16xf32>,
      %swap3A_338 = vector.shape_cast %swap3A_337 : vector<1x16xf32> to vector<16xf32>
      %swap3A_339 = vector.shape_cast %broadcast_in_dim3A_334 : vector<16xf32> to vector<1x16xf32>
      tpu.vector_store %arg10[%swap3A_335, %swap3A_336], %swap3A_339 {strides = array<i32>} : memref<128x128xf32, #tpu.memory_space<vmem>>, vector<1x16xf32>,
    }
    %scan3A_148 = arith.constant 128 : i32
    %mul3A_149 = arith.constant 640 : i32
    %mul3A_150 = arith.muli %arg1, %mul3A_149 : i32
    %add3A_151 = arith.constant 0 : i32
    %add3A_152 = arith.addi %mul3A_150, %add3A_151 : i32
    "tpu.region"() ({
      %run_scoped3A = tpu.sem_alloc : memref<!tpu.dma_semaphore, #tpu.memory_space<semaphore_mem>>
      %dma_start3A_284 = arith.constant 0 : i32
      %dma_start3A_285 = tpu.memref_slice %arg12[%add3A_152, %dma_start3A_284] : memref<10240x128xf32, #tpu.memory_space<vmem_shared>> -> memref<128x128xf32, #tpu.memory_space<vmem_shared>>
      %dma_start3A_286 = arith.constant 0 : i32
      %dma_start3A_287 = tpu.memref_slice %arg12[%add3A_152, %dma_start3A_286] : memref<10240x128xf32, #tpu.memory_space<vmem_shared>> -> memref<128x128xf32, #tpu.memory_space<vmem_shared>>
      tpu.enqueue_dma source(%arg10 : memref<128x128xf32, #tpu.memory_space<vmem>>) target(%dma_start3A_287 : memref<128x128xf32, #tpu.memory_space<vmem_shared>>) target_semaphore(%run_scoped3A : memref<!tpu.dma_semaphore, #tpu.memory_space<semaphore_mem>>)
      %dma_wait3A_288 = arith.constant 0 : i32
      %dma_wait3A_289 = tpu.memref_slice %arg12[%add3A_152, %dma_wait3A_288] : memref<10240x128xf32, #tpu.memory_space<vmem_shared>> -> memref<128x128xf32, #tpu.memory_space<vmem_shared>>
      %dma_wait3A_290 = arith.constant 0 : i32
      %dma_wait3A_291 = tpu.memref_slice %arg12[%add3A_152, %dma_wait3A_290] : memref<10240x128xf32, #tpu.memory_space<vmem_shared>> -> memref<128x128xf32, #tpu.memory_space<vmem_shared>>
      tpu.wait_dma2 semaphore(%run_scoped3A : memref<!tpu.dma_semaphore, #tpu.memory_space<semaphore_mem>>) src(%arg10 : memref<128x128xf32, #tpu.memory_space<vmem>>) dst(%dma_wait3A_291 : memref<128x128xf32, #tpu.memory_space<vmem_shared>>)
      tpu.yield
    }) : () -> ()
    %mul3A_153 = arith.constant 640 : i32
    %mul3A_154 = arith.muli %arg1, %mul3A_153 : i32
    %add3A_155 = arith.constant 128 : i32
    %add3A_156 = arith.addi %mul3A_154, %add3A_155 : i32
    "tpu.region"() ({
      %run_scoped3A = tpu.sem_alloc : memref<!tpu.dma_semaphore, #tpu.memory_space<semaphore_mem>>
      %dma_start3A_284 = arith.constant 0 : i32
      %dma_start3A_285 = tpu.memref_slice %arg12[%add3A_156, %dma_start3A_284] : memref<10240x128xf32, #tpu.memory_space<vmem_shared>> -> memref<128x128xf32, #tpu.memory_space<vmem_shared>>
      %dma_start3A_286 = arith.constant 0 : i32
      %dma_start3A_287 = tpu.memref_slice %arg12[%add3A_156, %dma_start3A_286] : memref<10240x128xf32, #tpu.memory_space<vmem_shared>> -> memref<128x128xf32, #tpu.memory_space<vmem_shared>>
      tpu.enqueue_dma source(%arg10 : memref<128x128xf32, #tpu.memory_space<vmem>>) target(%dma_start3A_287 : memref<128x128xf32, #tpu.memory_space<vmem_shared>>) target_semaphore(%run_scoped3A : memref<!tpu.dma_semaphore, #tpu.memory_space<semaphore_mem>>)
      %dma_wait3A_288 = arith.constant 0 : i32
      %dma_wait3A_289 = tpu.memref_slice %arg12[%add3A_156, %dma_wait3A_288] : memref<10240x128xf32, #tpu.memory_space<vmem_shared>> -> memref<128x128xf32, #tpu.memory_space<vmem_shared>>
      %dma_wait3A_290 = arith.constant 0 : i32
      %dma_wait3A_291 = tpu.memref_slice %arg12[%add3A_156, %dma_wait3A_290] : memref<10240x128xf32, #tpu.memory_space<vmem_shared>> -> memref<128x128xf32, #tpu.memory_space<vmem_shared>>
      tpu.wait_dma2 semaphore(%run_scoped3A : memref<!tpu.dma_semaphore, #tpu.memory_space<semaphore_mem>>) src(%arg10 : memref<128x128xf32, #tpu.memory_space<vmem>>) dst(%dma_wait3A_291 : memref<128x128xf32, #tpu.memory_space<vmem_shared>>)
      tpu.yield
    }) : () -> ()
    %mul3A_157 = arith.constant 640 : i32
    %mul3A_158 = arith.muli %arg1, %mul3A_157 : i32
    %add3A_159 = arith.constant 256 : i32
    %add3A_160 = arith.addi %mul3A_158, %add3A_159 : i32
    "tpu.region"() ({
      %run_scoped3A = tpu.sem_alloc : memref<!tpu.dma_semaphore, #tpu.memory_space<semaphore_mem>>
      %dma_start3A_284 = arith.constant 0 : i32
      %dma_start3A_285 = tpu.memref_slice %arg12[%add3A_160, %dma_start3A_284] : memref<10240x128xf32, #tpu.memory_space<vmem_shared>> -> memref<128x128xf32, #tpu.memory_space<vmem_shared>>
      %dma_start3A_286 = arith.constant 0 : i32
      %dma_start3A_287 = tpu.memref_slice %arg12[%add3A_160, %dma_start3A_286] : memref<10240x128xf32, #tpu.memory_space<vmem_shared>> -> memref<128x128xf32, #tpu.memory_space<vmem_shared>>
      tpu.enqueue_dma source(%arg10 : memref<128x128xf32, #tpu.memory_space<vmem>>) target(%dma_start3A_287 : memref<128x128xf32, #tpu.memory_space<vmem_shared>>) target_semaphore(%run_scoped3A : memref<!tpu.dma_semaphore, #tpu.memory_space<semaphore_mem>>)
      %dma_wait3A_288 = arith.constant 0 : i32
      %dma_wait3A_289 = tpu.memref_slice %arg12[%add3A_160, %dma_wait3A_288] : memref<10240x128xf32, #tpu.memory_space<vmem_shared>> -> memref<128x128xf32, #tpu.memory_space<vmem_shared>>
      %dma_wait3A_290 = arith.constant 0 : i32
      %dma_wait3A_291 = tpu.memref_slice %arg12[%add3A_160, %dma_wait3A_290] : memref<10240x128xf32, #tpu.memory_space<vmem_shared>> -> memref<128x128xf32, #tpu.memory_space<vmem_shared>>
      tpu.wait_dma2 semaphore(%run_scoped3A : memref<!tpu.dma_semaphore, #tpu.memory_space<semaphore_mem>>) src(%arg10 : memref<128x128xf32, #tpu.memory_space<vmem>>) dst(%dma_wait3A_291 : memref<128x128xf32, #tpu.memory_space<vmem_shared>>)
      tpu.yield
    }) : () -> ()
    %mul3A_161 = arith.constant 640 : i32
    %mul3A_162 = arith.muli %arg1, %mul3A_161 : i32
    %add3A_163 = arith.constant 384 : i32
    %add3A_164 = arith.addi %mul3A_162, %add3A_163 : i32
    "tpu.region"() ({
      %run_scoped3A = tpu.sem_alloc : memref<!tpu.dma_semaphore, #tpu.memory_space<semaphore_mem>>
      %dma_start3A_284 = arith.constant 0 : i32
      %dma_start3A_285 = tpu.memref_slice %arg12[%add3A_164, %dma_start3A_284] : memref<10240x128xf32, #tpu.memory_space<vmem_shared>> -> memref<128x128xf32, #tpu.memory_space<vmem_shared>>
      %dma_start3A_286 = arith.constant 0 : i32
      %dma_start3A_287 = tpu.memref_slice %arg12[%add3A_164, %dma_start3A_286] : memref<10240x128xf32, #tpu.memory_space<vmem_shared>> -> memref<128x128xf32, #tpu.memory_space<vmem_shared>>
      tpu.enqueue_dma source(%arg10 : memref<128x128xf32, #tpu.memory_space<vmem>>) target(%dma_start3A_287 : memref<128x128xf32, #tpu.memory_space<vmem_shared>>) target_semaphore(%run_scoped3A : memref<!tpu.dma_semaphore, #tpu.memory_space<semaphore_mem>>)
      %dma_wait3A_288 = arith.constant 0 : i32
      %dma_wait3A_289 = tpu.memref_slice %arg12[%add3A_164, %dma_wait3A_288] : memref<10240x128xf32, #tpu.memory_space<vmem_shared>> -> memref<128x128xf32, #tpu.memory_space<vmem_shared>>
      %dma_wait3A_290 = arith.constant 0 : i32
      %dma_wait3A_291 = tpu.memref_slice %arg12[%add3A_164, %dma_wait3A_290] : memref<10240x128xf32, #tpu.memory_space<vmem_shared>> -> memref<128x128xf32, #tpu.memory_space<vmem_shared>>
      tpu.wait_dma2 semaphore(%run_scoped3A : memref<!tpu.dma_semaphore, #tpu.memory_space<semaphore_mem>>) src(%arg10 : memref<128x128xf32, #tpu.memory_space<vmem>>) dst(%dma_wait3A_291 : memref<128x128xf32, #tpu.memory_space<vmem_shared>>)
      tpu.yield
    }) : () -> ()
    %mul3A_165 = arith.constant 640 : i32
    %mul3A_166 = arith.muli %arg1, %mul3A_165 : i32
    %add3A_167 = arith.constant 512 : i32
    %add3A_168 = arith.addi %mul3A_166, %add3A_167 : i32
    "tpu.region"() ({
      %run_scoped3A = tpu.sem_alloc : memref<!tpu.dma_semaphore, #tpu.memory_space<semaphore_mem>>
      %dma_start3A_284 = arith.constant 0 : i32
      %dma_start3A_285 = tpu.memref_slice %arg12[%add3A_168, %dma_start3A_284] : memref<10240x128xf32, #tpu.memory_space<vmem_shared>> -> memref<128x128xf32, #tpu.memory_space<vmem_shared>>
      %dma_start3A_286 = arith.constant 0 : i32
      %dma_start3A_287 = tpu.memref_slice %arg12[%add3A_168, %dma_start3A_286] : memref<10240x128xf32, #tpu.memory_space<vmem_shared>> -> memref<128x128xf32, #tpu.memory_space<vmem_shared>>
      tpu.enqueue_dma source(%arg10 : memref<128x128xf32, #tpu.memory_space<vmem>>) target(%dma_start3A_287 : memref<128x128xf32, #tpu.memory_space<vmem_shared>>) target_semaphore(%run_scoped3A : memref<!tpu.dma_semaphore, #tpu.memory_space<semaphore_mem>>)
      %dma_wait3A_288 = arith.constant 0 : i32
      %dma_wait3A_289 = tpu.memref_slice %arg12[%add3A_168, %dma_wait3A_288] : memref<10240x128xf32, #tpu.memory_space<vmem_shared>> -> memref<128x128xf32, #tpu.memory_space<vmem_shared>>
      %dma_wait3A_290 = arith.constant 0 : i32
      %dma_wait3A_291 = tpu.memref_slice %arg12[%add3A_168, %dma_wait3A_290] : memref<10240x128xf32, #tpu.memory_space<vmem_shared>> -> memref<128x128xf32, #tpu.memory_space<vmem_shared>>
      tpu.wait_dma2 semaphore(%run_scoped3A : memref<!tpu.dma_semaphore, #tpu.memory_space<semaphore_mem>>) src(%arg10 : memref<128x128xf32, #tpu.memory_space<vmem>>) dst(%dma_wait3A_291 : memref<128x128xf32, #tpu.memory_space<vmem_shared>>)
      tpu.yield
    }) : () -> ()
    %barrier3A_169 = arith.constant 0 : index
    tpu.barrier barrier_id(%barrier3A_169)
    %add3A_170 = arith.constant 0 : i32
    %add3A_171 = arith.addi %mul3A_0, %add3A_170 : i32
    %dma_start3A_172 = tpu.memref_slice %arg3[%add3A_171] : memref<163840xi32, #tpu.memory_space<hbm>> -> memref<128xi32, #tpu.memory_space<hbm>>
    %dma_start3A_173 = tpu.memref_slice %arg3[%add3A_171] : memref<163840xi32, #tpu.memory_space<hbm>> -> memref<128xi32, #tpu.memory_space<hbm>>
    tpu.enqueue_dma source(%dma_start3A_173 : memref<128xi32, #tpu.memory_space<hbm>>) target(%arg6 : memref<128xi32, #tpu.memory_space<vmem>>) target_semaphore(%arg15 : memref<!tpu.dma_semaphore, #tpu.memory_space<semaphore_mem>>)
    %add3A_174 = arith.constant 0 : i32
    %add3A_175 = arith.addi %mul3A_0, %add3A_174 : i32
    %dma_start3A_176 = tpu.memref_slice %arg4[%add3A_175] : memref<163840xi32, #tpu.memory_space<hbm>> -> memref<128xi32, #tpu.memory_space<hbm>>
    %dma_start3A_177 = tpu.memref_slice %arg4[%add3A_175] : memref<163840xi32, #tpu.memory_space<hbm>> -> memref<128xi32, #tpu.memory_space<hbm>>
    tpu.enqueue_dma source(%dma_start3A_177 : memref<128xi32, #tpu.memory_space<hbm>>) target(%arg8 : memref<128xi32, #tpu.memory_space<vmem>>) target_semaphore(%arg15 : memref<!tpu.dma_semaphore, #tpu.memory_space<semaphore_mem>>)
    %add3A_178 = arith.constant 128 : i32
    %add3A_179 = arith.addi %mul3A_0, %add3A_178 : i32
    %dma_start3A_180 = tpu.memref_slice %arg3[%add3A_179] : memref<163840xi32, #tpu.memory_space<hbm>> -> memref<128xi32, #tpu.memory_space<hbm>>
    %dma_start3A_181 = tpu.memref_slice %arg3[%add3A_179] : memref<163840xi32, #tpu.memory_space<hbm>> -> memref<128xi32, #tpu.memory_space<hbm>>
    tpu.enqueue_dma source(%dma_start3A_181 : memref<128xi32, #tpu.memory_space<hbm>>) target(%arg7 : memref<128xi32, #tpu.memory_space<vmem>>) target_semaphore(%arg16 : memref<!tpu.dma_semaphore, #tpu.memory_space<semaphore_mem>>)
    %add3A_182 = arith.constant 128 : i32
    %add3A_183 = arith.addi %mul3A_0, %add3A_182 : i32
    %dma_start3A_184 = tpu.memref_slice %arg4[%add3A_183] : memref<163840xi32, #tpu.memory_space<hbm>> -> memref<128xi32, #tpu.memory_space<hbm>>
    %dma_start3A_185 = tpu.memref_slice %arg4[%add3A_183] : memref<163840xi32, #tpu.memory_space<hbm>> -> memref<128xi32, #tpu.memory_space<hbm>>
    tpu.enqueue_dma source(%dma_start3A_185 : memref<128xi32, #tpu.memory_space<hbm>>) target(%arg9 : memref<128xi32, #tpu.memory_space<vmem>>) target_semaphore(%arg16 : memref<!tpu.dma_semaphore, #tpu.memory_space<semaphore_mem>>)
    %dma_wait3A_186 = arith.constant 0 : i32
    %dma_wait3A_187 = tpu.memref_slice %arg3[%dma_wait3A_186] : memref<163840xi32, #tpu.memory_space<hbm>> -> memref<128xi32, #tpu.memory_space<hbm>>
    %dma_wait3A_188 = arith.constant 0 : i32
    %dma_wait3A_189 = tpu.memref_slice %arg3[%dma_wait3A_188] : memref<163840xi32, #tpu.memory_space<hbm>> -> memref<128xi32, #tpu.memory_space<hbm>>
    tpu.wait_dma2 semaphore(%arg15 : memref<!tpu.dma_semaphore, #tpu.memory_space<semaphore_mem>>) src(%dma_wait3A_189 : memref<128xi32, #tpu.memory_space<hbm>>) dst(%arg6 : memref<128xi32, #tpu.memory_space<vmem>>)
    %dma_wait3A_190 = arith.constant 0 : i32
    %dma_wait3A_191 = tpu.memref_slice %arg4[%dma_wait3A_190] : memref<163840xi32, #tpu.memory_space<hbm>> -> memref<128xi32, #tpu.memory_space<hbm>>
    %dma_wait3A_192 = arith.constant 0 : i32
    %dma_wait3A_193 = tpu.memref_slice %arg4[%dma_wait3A_192] : memref<163840xi32, #tpu.memory_space<hbm>> -> memref<128xi32, #tpu.memory_space<hbm>>
    tpu.wait_dma2 semaphore(%arg15 : memref<!tpu.dma_semaphore, #tpu.memory_space<semaphore_mem>>) src(%dma_wait3A_193 : memref<128xi32, #tpu.memory_space<hbm>>) dst(%arg8 : memref<128xi32, #tpu.memory_space<vmem>>)
    %get3A_194 = arith.constant 0 : index
    %get3A_195 = tpu.vector_load %arg6[%get3A_194] {strides = array<i32>} : memref<128xi32, #tpu.memory_space<vmem>>, vector<16xi32>,
    %get3A_196 = vector.shape_cast %get3A_195 : vector<16xi32> to vector<16xi32>
    %add3A_197 = vector.broadcast %mul3A_142 : i32 to vector<16xi32>
    %add3A_198 = arith.addi %get3A_196, %add3A_197 : vector<16xi32>
    %swap3A_199 = arith.constant 0 : index
    %swap3A_200 = tpu.vector_load %arg6[%swap3A_199] {strides = array<i32>} : memref<128xi32, #tpu.memory_space<vmem>>, vector<16xi32>,
    %swap3A_201 = vector.shape_cast %swap3A_200 : vector<16xi32> to vector<16xi32>
    %swap3A_202 = vector.shape_cast %add3A_198 : vector<16xi32> to vector<16xi32>
    tpu.vector_store %arg6[%swap3A_199], %swap3A_202 {strides = array<i32>} : memref<128xi32, #tpu.memory_space<vmem>>, vector<16xi32>,
    %get3A_203 = arith.constant 16 : index
    %get3A_204 = tpu.vector_load %arg6[%get3A_203] {strides = array<i32>} : memref<128xi32, #tpu.memory_space<vmem>>, vector<16xi32>,
    %get3A_205 = vector.shape_cast %get3A_204 : vector<16xi32> to vector<16xi32>
    %add3A_206 = vector.broadcast %mul3A_142 : i32 to vector<16xi32>
    %add3A_207 = arith.addi %get3A_205, %add3A_206 : vector<16xi32>
    %swap3A_208 = arith.constant 16 : index
    %swap3A_209 = tpu.vector_load %arg6[%swap3A_208] {strides = array<i32>} : memref<128xi32, #tpu.memory_space<vmem>>, vector<16xi32>,
    %swap3A_210 = vector.shape_cast %swap3A_209 : vector<16xi32> to vector<16xi32>
    %swap3A_211 = vector.shape_cast %add3A_207 : vector<16xi32> to vector<16xi32>
    tpu.vector_store %arg6[%swap3A_208], %swap3A_211 {strides = array<i32>} : memref<128xi32, #tpu.memory_space<vmem>>, vector<16xi32>,
    %get3A_212 = arith.constant 32 : index
    %get3A_213 = tpu.vector_load %arg6[%get3A_212] {strides = array<i32>} : memref<128xi32, #tpu.memory_space<vmem>>, vector<16xi32>,
    %get3A_214 = vector.shape_cast %get3A_213 : vector<16xi32> to vector<16xi32>
    %add3A_215 = vector.broadcast %mul3A_142 : i32 to vector<16xi32>
    %add3A_216 = arith.addi %get3A_214, %add3A_215 : vector<16xi32>
    %swap3A_217 = arith.constant 32 : index
    %swap3A_218 = tpu.vector_load %arg6[%swap3A_217] {strides = array<i32>} : memref<128xi32, #tpu.memory_space<vmem>>, vector<16xi32>,
    %swap3A_219 = vector.shape_cast %swap3A_218 : vector<16xi32> to vector<16xi32>
    %swap3A_220 = vector.shape_cast %add3A_216 : vector<16xi32> to vector<16xi32>
    tpu.vector_store %arg6[%swap3A_217], %swap3A_220 {strides = array<i32>} : memref<128xi32, #tpu.memory_space<vmem>>, vector<16xi32>,
    %get3A_221 = arith.constant 48 : index
    %get3A_222 = tpu.vector_load %arg6[%get3A_221] {strides = array<i32>} : memref<128xi32, #tpu.memory_space<vmem>>, vector<16xi32>,
    %get3A_223 = vector.shape_cast %get3A_222 : vector<16xi32> to vector<16xi32>
    %add3A_224 = vector.broadcast %mul3A_142 : i32 to vector<16xi32>
    %add3A_225 = arith.addi %get3A_223, %add3A_224 : vector<16xi32>
    %swap3A_226 = arith.constant 48 : index
    %swap3A_227 = tpu.vector_load %arg6[%swap3A_226] {strides = array<i32>} : memref<128xi32, #tpu.memory_space<vmem>>, vector<16xi32>,
    %swap3A_228 = vector.shape_cast %swap3A_227 : vector<16xi32> to vector<16xi32>
    %swap3A_229 = vector.shape_cast %add3A_225 : vector<16xi32> to vector<16xi32>
    tpu.vector_store %arg6[%swap3A_226], %swap3A_229 {strides = array<i32>} : memref<128xi32, #tpu.memory_space<vmem>>, vector<16xi32>,
    %get3A_230 = arith.constant 64 : index
    %get3A_231 = tpu.vector_load %arg6[%get3A_230] {strides = array<i32>} : memref<128xi32, #tpu.memory_space<vmem>>, vector<16xi32>,
    %get3A_232 = vector.shape_cast %get3A_231 : vector<16xi32> to vector<16xi32>
    %add3A_233 = vector.broadcast %mul3A_142 : i32 to vector<16xi32>
    %add3A_234 = arith.addi %get3A_232, %add3A_233 : vector<16xi32>
    %swap3A_235 = arith.constant 64 : index
    %swap3A_236 = tpu.vector_load %arg6[%swap3A_235] {strides = array<i32>} : memref<128xi32, #tpu.memory_space<vmem>>, vector<16xi32>,
    %swap3A_237 = vector.shape_cast %swap3A_236 : vector<16xi32> to vector<16xi32>
    %swap3A_238 = vector.shape_cast %add3A_234 : vector<16xi32> to vector<16xi32>
    tpu.vector_store %arg6[%swap3A_235], %swap3A_238 {strides = array<i32>} : memref<128xi32, #tpu.memory_space<vmem>>, vector<16xi32>,
    %get3A_239 = arith.constant 80 : index
    %get3A_240 = tpu.vector_load %arg6[%get3A_239] {strides = array<i32>} : memref<128xi32, #tpu.memory_space<vmem>>, vector<16xi32>,
    %get3A_241 = vector.shape_cast %get3A_240 : vector<16xi32> to vector<16xi32>
    %add3A_242 = vector.broadcast %mul3A_142 : i32 to vector<16xi32>
    %add3A_243 = arith.addi %get3A_241, %add3A_242 : vector<16xi32>
    %swap3A_244 = arith.constant 80 : index
    %swap3A_245 = tpu.vector_load %arg6[%swap3A_244] {strides = array<i32>} : memref<128xi32, #tpu.memory_space<vmem>>, vector<16xi32>,
    %swap3A_246 = vector.shape_cast %swap3A_245 : vector<16xi32> to vector<16xi32>
    %swap3A_247 = vector.shape_cast %add3A_243 : vector<16xi32> to vector<16xi32>
    tpu.vector_store %arg6[%swap3A_244], %swap3A_247 {strides = array<i32>} : memref<128xi32, #tpu.memory_space<vmem>>, vector<16xi32>,
    %get3A_248 = arith.constant 96 : index
    %get3A_249 = tpu.vector_load %arg6[%get3A_248] {strides = array<i32>} : memref<128xi32, #tpu.memory_space<vmem>>, vector<16xi32>,
    %get3A_250 = vector.shape_cast %get3A_249 : vector<16xi32> to vector<16xi32>
    %add3A_251 = vector.broadcast %mul3A_142 : i32 to vector<16xi32>
    %add3A_252 = arith.addi %get3A_250, %add3A_251 : vector<16xi32>
    %swap3A_253 = arith.constant 96 : index
    %swap3A_254 = tpu.vector_load %arg6[%swap3A_253] {strides = array<i32>} : memref<128xi32, #tpu.memory_space<vmem>>, vector<16xi32>,
    %swap3A_255 = vector.shape_cast %swap3A_254 : vector<16xi32> to vector<16xi32>
    %swap3A_256 = vector.shape_cast %add3A_252 : vector<16xi32> to vector<16xi32>
    tpu.vector_store %arg6[%swap3A_253], %swap3A_256 {strides = array<i32>} : memref<128xi32, #tpu.memory_space<vmem>>, vector<16xi32>,
    %get3A_257 = arith.constant 112 : index
    %get3A_258 = tpu.vector_load %arg6[%get3A_257] {strides = array<i32>} : memref<128xi32, #tpu.memory_space<vmem>>, vector<16xi32>,
    %get3A_259 = vector.shape_cast %get3A_258 : vector<16xi32> to vector<16xi32>
    %add3A_260 = vector.broadcast %mul3A_142 : i32 to vector<16xi32>
    %add3A_261 = arith.addi %get3A_259, %add3A_260 : vector<16xi32>
    %swap3A_262 = arith.constant 112 : index
    %swap3A_263 = tpu.vector_load %arg6[%swap3A_262] {strides = array<i32>} : memref<128xi32, #tpu.memory_space<vmem>>, vector<16xi32>,
    %swap3A_264 = vector.shape_cast %swap3A_263 : vector<16xi32> to vector<16xi32>
    %swap3A_265 = vector.shape_cast %add3A_261 : vector<16xi32> to vector<16xi32>
    tpu.vector_store %arg6[%swap3A_262], %swap3A_265 {strides = array<i32>} : memref<128xi32, #tpu.memory_space<vmem>>, vector<16xi32>,
    %dma_start3A_266 = arith.constant 0 : i32
    %dma_start3A_267 = arith.constant 0 : i32
    %dma_start3A_268 = tpu.memref_slice %arg2[%dma_start3A_266, %dma_start3A_267] : memref<40960x128xf32, #tpu.memory_space<hbm>> -> memref<40960x128xf32, #tpu.memory_space<hbm>>
    tpu.enqueue_indirect_dma source(%dma_start3A_268 : memref<40960x128xf32, #tpu.memory_space<hbm>>) target(%arg10 : memref<128x128xf32, #tpu.memory_space<vmem>>) offsets(%arg6 : memref<128xi32, #tpu.memory_space<vmem>>) semaphore(%arg13 : memref<!tpu.dma_semaphore, #tpu.memory_space<semaphore_mem>>)
    %scan3A_269 = arith.constant 0 : i32
    %scan3A_270 = arith.constant 0 : i32
    %scan3A_271 = arith.constant 40 : i32
    %scan3A_272 = arith.addi %scan3A_270, %scan3A_271 : i32
    %scan3A_273 = arith.constant 1 : i32
    scf.for %scan3A_284 = %scan3A_270 to %scan3A_272 step %scan3A_273  : i32 {
      %mul3A_285 = arith.constant 2 : i32
      %mul3A_286 = arith.muli %mul3A_285, %scan3A_284 : i32
      %add3A_287 = arith.constant 0 : i32
      %add3A_288 = arith.addi %mul3A_286, %add3A_287 : i32
      %dma_wait3A_289 = arith.constant 0 : i32
      %dma_wait3A_290 = tpu.memref_slice %arg3[%dma_wait3A_289] : memref<163840xi32, #tpu.memory_space<hbm>> -> memref<128xi32, #tpu.memory_space<hbm>>
      %dma_wait3A_291 = arith.constant 0 : i32
      %dma_wait3A_292 = tpu.memref_slice %arg3[%dma_wait3A_291] : memref<163840xi32, #tpu.memory_space<hbm>> -> memref<128xi32, #tpu.memory_space<hbm>>
      tpu.wait_dma2 semaphore(%arg16 : memref<!tpu.dma_semaphore, #tpu.memory_space<semaphore_mem>>) src(%dma_wait3A_292 : memref<128xi32, #tpu.memory_space<hbm>>) dst(%arg7 : memref<128xi32, #tpu.memory_space<vmem>>)
      %dma_wait3A_293 = arith.constant 0 : i32
      %dma_wait3A_294 = tpu.memref_slice %arg4[%dma_wait3A_293] : memref<163840xi32, #tpu.memory_space<hbm>> -> memref<128xi32, #tpu.memory_space<hbm>>
      %dma_wait3A_295 = arith.constant 0 : i32
      %dma_wait3A_296 = tpu.memref_slice %arg4[%dma_wait3A_295] : memref<163840xi32, #tpu.memory_space<hbm>> -> memref<128xi32, #tpu.memory_space<hbm>>
      tpu.wait_dma2 semaphore(%arg16 : memref<!tpu.dma_semaphore, #tpu.memory_space<semaphore_mem>>) src(%dma_wait3A_296 : memref<128xi32, #tpu.memory_space<hbm>>) dst(%arg9 : memref<128xi32, #tpu.memory_space<vmem>>)
      %get3A_297 = arith.constant 0 : index
      %get3A_298 = tpu.vector_load %arg7[%get3A_297] {strides = array<i32>} : memref<128xi32, #tpu.memory_space<vmem>>, vector<16xi32>,
      %get3A_299 = vector.shape_cast %get3A_298 : vector<16xi32> to vector<16xi32>
      %add3A_300 = vector.broadcast %mul3A_142 : i32 to vector<16xi32>
      %add3A_301 = arith.addi %get3A_299, %add3A_300 : vector<16xi32>
      %swap3A_302 = arith.constant 0 : index
      %swap3A_303 = tpu.vector_load %arg7[%swap3A_302] {strides = array<i32>} : memref<128xi32, #tpu.memory_space<vmem>>, vector<16xi32>,
      %swap3A_304 = vector.shape_cast %swap3A_303 : vector<16xi32> to vector<16xi32>
      %swap3A_305 = vector.shape_cast %add3A_301 : vector<16xi32> to vector<16xi32>
      tpu.vector_store %arg7[%swap3A_302], %swap3A_305 {strides = array<i32>} : memref<128xi32, #tpu.memory_space<vmem>>, vector<16xi32>,
      %get3A_306 = arith.constant 16 : index
      %get3A_307 = tpu.vector_load %arg7[%get3A_306] {strides = array<i32>} : memref<128xi32, #tpu.memory_space<vmem>>, vector<16xi32>,
      %get3A_308 = vector.shape_cast %get3A_307 : vector<16xi32> to vector<16xi32>
      %add3A_309 = vector.broadcast %mul3A_142 : i32 to vector<16xi32>
      %add3A_310 = arith.addi %get3A_308, %add3A_309 : vector<16xi32>
      %swap3A_311 = arith.constant 16 : index
      %swap3A_312 = tpu.vector_load %arg7[%swap3A_311] {strides = array<i32>} : memref<128xi32, #tpu.memory_space<vmem>>, vector<16xi32>,
      %swap3A_313 = vector.shape_cast %swap3A_312 : vector<16xi32> to vector<16xi32>
      %swap3A_314 = vector.shape_cast %add3A_310 : vector<16xi32> to vector<16xi32>
      tpu.vector_store %arg7[%swap3A_311], %swap3A_314 {strides = array<i32>} : memref<128xi32, #tpu.memory_space<vmem>>, vector<16xi32>,
      %get3A_315 = arith.constant 32 : index
      %get3A_316 = tpu.vector_load %arg7[%get3A_315] {strides = array<i32>} : memref<128xi32, #tpu.memory_space<vmem>>, vector<16xi32>,
      %get3A_317 = vector.shape_cast %get3A_316 : vector<16xi32> to vector<16xi32>
      %add3A_318 = vector.broadcast %mul3A_142 : i32 to vector<16xi32>
      %add3A_319 = arith.addi %get3A_317, %add3A_318 : vector<16xi32>
      %swap3A_320 = arith.constant 32 : index
      %swap3A_321 = tpu.vector_load %arg7[%swap3A_320] {strides = array<i32>} : memref<128xi32, #tpu.memory_space<vmem>>, vector<16xi32>,
      %swap3A_322 = vector.shape_cast %swap3A_321 : vector<16xi32> to vector<16xi32>
      %swap3A_323 = vector.shape_cast %add3A_319 : vector<16xi32> to vector<16xi32>
      tpu.vector_store %arg7[%swap3A_320], %swap3A_323 {strides = array<i32>} : memref<128xi32, #tpu.memory_space<vmem>>, vector<16xi32>,
      %get3A_324 = arith.constant 48 : index
      %get3A_325 = tpu.vector_load %arg7[%get3A_324] {strides = array<i32>} : memref<128xi32, #tpu.memory_space<vmem>>, vector<16xi32>,
      %get3A_326 = vector.shape_cast %get3A_325 : vector<16xi32> to vector<16xi32>
      %add3A_327 = vector.broadcast %mul3A_142 : i32 to vector<16xi32>
      %add3A_328 = arith.addi %get3A_326, %add3A_327 : vector<16xi32>
      %swap3A_329 = arith.constant 48 : index
      %swap3A_330 = tpu.vector_load %arg7[%swap3A_329] {strides = array<i32>} : memref<128xi32, #tpu.memory_space<vmem>>, vector<16xi32>,
      %swap3A_331 = vector.shape_cast %swap3A_330 : vector<16xi32> to vector<16xi32>
      %swap3A_332 = vector.shape_cast %add3A_328 : vector<16xi32> to vector<16xi32>
      tpu.vector_store %arg7[%swap3A_329], %swap3A_332 {strides = array<i32>} : memref<128xi32, #tpu.memory_space<vmem>>, vector<16xi32>,
      %get3A_333 = arith.constant 64 : index
      %get3A_334 = tpu.vector_load %arg7[%get3A_333] {strides = array<i32>} : memref<128xi32, #tpu.memory_space<vmem>>, vector<16xi32>,
      %get3A_335 = vector.shape_cast %get3A_334 : vector<16xi32> to vector<16xi32>
      %add3A_336 = vector.broadcast %mul3A_142 : i32 to vector<16xi32>
      %add3A_337 = arith.addi %get3A_335, %add3A_336 : vector<16xi32>
      %swap3A_338 = arith.constant 64 : index
      %swap3A_339 = tpu.vector_load %arg7[%swap3A_338] {strides = array<i32>} : memref<128xi32, #tpu.memory_space<vmem>>, vector<16xi32>,
      %swap3A_340 = vector.shape_cast %swap3A_339 : vector<16xi32> to vector<16xi32>
      %swap3A_341 = vector.shape_cast %add3A_337 : vector<16xi32> to vector<16xi32>
      tpu.vector_store %arg7[%swap3A_338], %swap3A_341 {strides = array<i32>} : memref<128xi32, #tpu.memory_space<vmem>>, vector<16xi32>,
      %get3A_342 = arith.constant 80 : index
      %get3A_343 = tpu.vector_load %arg7[%get3A_342] {strides = array<i32>} : memref<128xi32, #tpu.memory_space<vmem>>, vector<16xi32>,
      %get3A_344 = vector.shape_cast %get3A_343 : vector<16xi32> to vector<16xi32>
      %add3A_345 = vector.broadcast %mul3A_142 : i32 to vector<16xi32>
      %add3A_346 = arith.addi %get3A_344, %add3A_345 : vector<16xi32>
      %swap3A_347 = arith.constant 80 : index
      %swap3A_348 = tpu.vector_load %arg7[%swap3A_347] {strides = array<i32>} : memref<128xi32, #tpu.memory_space<vmem>>, vector<16xi32>,
      %swap3A_349 = vector.shape_cast %swap3A_348 : vector<16xi32> to vector<16xi32>
      %swap3A_350 = vector.shape_cast %add3A_346 : vector<16xi32> to vector<16xi32>
      tpu.vector_store %arg7[%swap3A_347], %swap3A_350 {strides = array<i32>} : memref<128xi32, #tpu.memory_space<vmem>>, vector<16xi32>,
      %get3A_351 = arith.constant 96 : index
      %get3A_352 = tpu.vector_load %arg7[%get3A_351] {strides = array<i32>} : memref<128xi32, #tpu.memory_space<vmem>>, vector<16xi32>,
      %get3A_353 = vector.shape_cast %get3A_352 : vector<16xi32> to vector<16xi32>
      %add3A_354 = vector.broadcast %mul3A_142 : i32 to vector<16xi32>
      %add3A_355 = arith.addi %get3A_353, %add3A_354 : vector<16xi32>
      %swap3A_356 = arith.constant 96 : index
      %swap3A_357 = tpu.vector_load %arg7[%swap3A_356] {strides = array<i32>} : memref<128xi32, #tpu.memory_space<vmem>>, vector<16xi32>,
      %swap3A_358 = vector.shape_cast %swap3A_357 : vector<16xi32> to vector<16xi32>
      %swap3A_359 = vector.shape_cast %add3A_355 : vector<16xi32> to vector<16xi32>
      tpu.vector_store %arg7[%swap3A_356], %swap3A_359 {strides = array<i32>} : memref<128xi32, #tpu.memory_space<vmem>>, vector<16xi32>,
      %get3A_360 = arith.constant 112 : index
      %get3A_361 = tpu.vector_load %arg7[%get3A_360] {strides = array<i32>} : memref<128xi32, #tpu.memory_space<vmem>>, vector<16xi32>,
      %get3A_362 = vector.shape_cast %get3A_361 : vector<16xi32> to vector<16xi32>
      %add3A_363 = vector.broadcast %mul3A_142 : i32 to vector<16xi32>
      %add3A_364 = arith.addi %get3A_362, %add3A_363 : vector<16xi32>
      %swap3A_365 = arith.constant 112 : index
      %swap3A_366 = tpu.vector_load %arg7[%swap3A_365] {strides = array<i32>} : memref<128xi32, #tpu.memory_space<vmem>>, vector<16xi32>,
      %swap3A_367 = vector.shape_cast %swap3A_366 : vector<16xi32> to vector<16xi32>
      %swap3A_368 = vector.shape_cast %add3A_364 : vector<16xi32> to vector<16xi32>
      tpu.vector_store %arg7[%swap3A_365], %swap3A_368 {strides = array<i32>} : memref<128xi32, #tpu.memory_space<vmem>>, vector<16xi32>,
      %dma_start3A_369 = arith.constant 0 : i32
      %dma_start3A_370 = arith.constant 0 : i32
      %dma_start3A_371 = tpu.memref_slice %arg2[%dma_start3A_369, %dma_start3A_370] : memref<40960x128xf32, #tpu.memory_space<hbm>> -> memref<40960x128xf32, #tpu.memory_space<hbm>>
      tpu.enqueue_indirect_dma source(%dma_start3A_371 : memref<40960x128xf32, #tpu.memory_space<hbm>>) target(%arg11 : memref<128x128xf32, #tpu.memory_space<vmem>>) offsets(%arg7 : memref<128xi32, #tpu.memory_space<vmem>>) semaphore(%arg14 : memref<!tpu.dma_semaphore, #tpu.memory_space<semaphore_mem>>)
      %dma_wait3A_372 = arith.constant 0 : i32
      %dma_wait3A_373 = arith.constant 0 : i32
      %dma_wait3A_374 = tpu.memref_slice %arg2[%dma_wait3A_372, %dma_wait3A_373] : memref<40960x128xf32, #tpu.memory_space<hbm>> -> memref<128x128xf32, #tpu.memory_space<hbm>>
      %dma_wait3A_375 = arith.constant 0 : i32
      %dma_wait3A_376 = arith.constant 0 : i32
      %dma_wait3A_377 = tpu.memref_slice %arg2[%dma_wait3A_375, %dma_wait3A_376] : memref<40960x128xf32, #tpu.memory_space<hbm>> -> memref<128x128xf32, #tpu.memory_space<hbm>>
      tpu.wait_dma2 semaphore(%arg13 : memref<!tpu.dma_semaphore, #tpu.memory_space<semaphore_mem>>) src(%dma_wait3A_377 : memref<128x128xf32, #tpu.memory_space<hbm>>) dst(%arg10 : memref<128x128xf32, #tpu.memory_space<vmem>>)
      "tpu.region"() ({
        %run_scoped3A = tpu.sem_alloc : memref<!tpu.dma_semaphore, #tpu.memory_space<semaphore_mem>>
        %dma_start3A_404 = arith.constant 0 : i32
        %dma_start3A_405 = arith.constant 0 : i32
        %dma_start3A_406 = tpu.memref_slice %arg12[%dma_start3A_404, %dma_start3A_405] : memref<10240x128xf32, #tpu.memory_space<vmem_shared>> -> memref<10240x128xf32, #tpu.memory_space<vmem_shared>>
        tpu.enqueue_indirect_dma source(%arg10 : memref<128x128xf32, #tpu.memory_space<vmem>>) target(%dma_start3A_406 : memref<10240x128xf32, #tpu.memory_space<vmem_shared>>) offsets(%arg8 : memref<128xi32, #tpu.memory_space<vmem>>) semaphore(%run_scoped3A : memref<!tpu.dma_semaphore, #tpu.memory_space<semaphore_mem>>) {add = true}
        %dma_wait3A_407 = arith.constant 0 : i32
        %dma_wait3A_408 = arith.constant 0 : i32
        %dma_wait3A_409 = tpu.memref_slice %arg12[%dma_wait3A_407, %dma_wait3A_408] : memref<10240x128xf32, #tpu.memory_space<vmem_shared>> -> memref<10240x128xf32, #tpu.memory_space<vmem_shared>>
        tpu.wait_indirect_dma semaphore(%run_scoped3A : memref<!tpu.dma_semaphore, #tpu.memory_space<semaphore_mem>>) src(%arg10 : memref<128x128xf32, #tpu.memory_space<vmem>>) dst(%dma_wait3A_409 : memref<10240x128xf32, #tpu.memory_space<vmem_shared>>)
        tpu.yield
      }) : () -> ()
      %add3A_378 = arith.constant 2 : i32
      %add3A_379 = arith.addi %add3A_288, %add3A_378 : i32
      %lt3A = arith.constant 80 : i32
      %lt3A_380 = arith.cmpi slt, %add3A_379, %lt3A : i32
      %convert_element_type3A = arith.extui %lt3A_380 : i1 to i32
      %cond3A = arith.constant 0 : i32
      %cond3A_381 = arith.cmpi ne, %convert_element_type3A, %cond3A : i32
      scf.if %cond3A_381 {
        %add3A_404 = arith.constant 2 : i32
        %add3A_405 = arith.addi %add3A_288, %add3A_404 : i32
        %mul3A_406 = arith.constant 128 : i32
        %mul3A_407 = arith.muli %add3A_405, %mul3A_406 : i32
        %add3A_408 = arith.addi %mul3A_0, %mul3A_407 : i32
        %dma_start3A_409 = tpu.memref_slice %arg3[%add3A_408] : memref<163840xi32, #tpu.memory_space<hbm>> -> memref<128xi32, #tpu.memory_space<hbm>>
        %dma_start3A_410 = tpu.memref_slice %arg3[%add3A_408] : memref<163840xi32, #tpu.memory_space<hbm>> -> memref<128xi32, #tpu.memory_space<hbm>>
        tpu.enqueue_dma source(%dma_start3A_410 : memref<128xi32, #tpu.memory_space<hbm>>) target(%arg6 : memref<128xi32, #tpu.memory_space<vmem>>) target_semaphore(%arg15 : memref<!tpu.dma_semaphore, #tpu.memory_space<semaphore_mem>>)
        %mul3A_411 = arith.constant 128 : i32
        %mul3A_412 = arith.muli %add3A_405, %mul3A_411 : i32
        %add3A_413 = arith.addi %mul3A_0, %mul3A_412 : i32
        %dma_start3A_414 = tpu.memref_slice %arg4[%add3A_413] : memref<163840xi32, #tpu.memory_space<hbm>> -> memref<128xi32, #tpu.memory_space<hbm>>
        %dma_start3A_415 = tpu.memref_slice %arg4[%add3A_413] : memref<163840xi32, #tpu.memory_space<hbm>> -> memref<128xi32, #tpu.memory_space<hbm>>
        tpu.enqueue_dma source(%dma_start3A_415 : memref<128xi32, #tpu.memory_space<hbm>>) target(%arg8 : memref<128xi32, #tpu.memory_space<vmem>>) target_semaphore(%arg15 : memref<!tpu.dma_semaphore, #tpu.memory_space<semaphore_mem>>)
      } else {
      }
      %mul3A_382 = arith.constant 2 : i32
      %mul3A_383 = arith.muli %mul3A_382, %scan3A_284 : i32
      %add3A_384 = arith.constant 1 : i32
      %add3A_385 = arith.addi %mul3A_383, %add3A_384 : i32
      %lt3A_386 = arith.constant 39 : i32
      %lt3A_387 = arith.cmpi slt, %scan3A_284, %lt3A_386 : i32
      %convert_element_type3A_388 = arith.extui %lt3A_387 : i1 to i32
      %cond3A_389 = arith.constant 0 : i32
      %cond3A_390 = arith.cmpi ne, %convert_element_type3A_388, %cond3A_389 : i32
      scf.if %cond3A_390 {
        %dma_wait3A_404 = arith.constant 0 : i32
        %dma_wait3A_405 = tpu.memref_slice %arg3[%dma_wait3A_404] : memref<163840xi32, #tpu.memory_space<hbm>> -> memref<128xi32, #tpu.memory_space<hbm>>
        %dma_wait3A_406 = arith.constant 0 : i32
        %dma_wait3A_407 = tpu.memref_slice %arg3[%dma_wait3A_406] : memref<163840xi32, #tpu.memory_space<hbm>> -> memref<128xi32, #tpu.memory_space<hbm>>
        tpu.wait_dma2 semaphore(%arg15 : memref<!tpu.dma_semaphore, #tpu.memory_space<semaphore_mem>>) src(%dma_wait3A_407 : memref<128xi32, #tpu.memory_space<hbm>>) dst(%arg6 : memref<128xi32, #tpu.memory_space<vmem>>)
        %dma_wait3A_408 = arith.constant 0 : i32
        %dma_wait3A_409 = tpu.memref_slice %arg4[%dma_wait3A_408] : memref<163840xi32, #tpu.memory_space<hbm>> -> memref<128xi32, #tpu.memory_space<hbm>>
        %dma_wait3A_410 = arith.constant 0 : i32
        %dma_wait3A_411 = tpu.memref_slice %arg4[%dma_wait3A_410] : memref<163840xi32, #tpu.memory_space<hbm>> -> memref<128xi32, #tpu.memory_space<hbm>>
        tpu.wait_dma2 semaphore(%arg15 : memref<!tpu.dma_semaphore, #tpu.memory_space<semaphore_mem>>) src(%dma_wait3A_411 : memref<128xi32, #tpu.memory_space<hbm>>) dst(%arg8 : memref<128xi32, #tpu.memory_space<vmem>>)
        %get3A_412 = arith.constant 0 : index
        %get3A_413 = tpu.vector_load %arg6[%get3A_412] {strides = array<i32>} : memref<128xi32, #tpu.memory_space<vmem>>, vector<16xi32>,
        %get3A_414 = vector.shape_cast %get3A_413 : vector<16xi32> to vector<16xi32>
        %add3A_415 = vector.broadcast %mul3A_142 : i32 to vector<16xi32>
        %add3A_416 = arith.addi %get3A_414, %add3A_415 : vector<16xi32>
        %swap3A_417 = arith.constant 0 : index
        %swap3A_418 = tpu.vector_load %arg6[%swap3A_417] {strides = array<i32>} : memref<128xi32, #tpu.memory_space<vmem>>, vector<16xi32>,
        %swap3A_419 = vector.shape_cast %swap3A_418 : vector<16xi32> to vector<16xi32>
        %swap3A_420 = vector.shape_cast %add3A_416 : vector<16xi32> to vector<16xi32>
        tpu.vector_store %arg6[%swap3A_417], %swap3A_420 {strides = array<i32>} : memref<128xi32, #tpu.memory_space<vmem>>, vector<16xi32>,
        %get3A_421 = arith.constant 16 : index
        %get3A_422 = tpu.vector_load %arg6[%get3A_421] {strides = array<i32>} : memref<128xi32, #tpu.memory_space<vmem>>, vector<16xi32>,
        %get3A_423 = vector.shape_cast %get3A_422 : vector<16xi32> to vector<16xi32>
        %add3A_424 = vector.broadcast %mul3A_142 : i32 to vector<16xi32>
        %add3A_425 = arith.addi %get3A_423, %add3A_424 : vector<16xi32>
        %swap3A_426 = arith.constant 16 : index
        %swap3A_427 = tpu.vector_load %arg6[%swap3A_426] {strides = array<i32>} : memref<128xi32, #tpu.memory_space<vmem>>, vector<16xi32>,
        %swap3A_428 = vector.shape_cast %swap3A_427 : vector<16xi32> to vector<16xi32>
        %swap3A_429 = vector.shape_cast %add3A_425 : vector<16xi32> to vector<16xi32>
        tpu.vector_store %arg6[%swap3A_426], %swap3A_429 {strides = array<i32>} : memref<128xi32, #tpu.memory_space<vmem>>, vector<16xi32>,
        %get3A_430 = arith.constant 32 : index
        %get3A_431 = tpu.vector_load %arg6[%get3A_430] {strides = array<i32>} : memref<128xi32, #tpu.memory_space<vmem>>, vector<16xi32>,
        %get3A_432 = vector.shape_cast %get3A_431 : vector<16xi32> to vector<16xi32>
        %add3A_433 = vector.broadcast %mul3A_142 : i32 to vector<16xi32>
        %add3A_434 = arith.addi %get3A_432, %add3A_433 : vector<16xi32>
        %swap3A_435 = arith.constant 32 : index
        %swap3A_436 = tpu.vector_load %arg6[%swap3A_435] {strides = array<i32>} : memref<128xi32, #tpu.memory_space<vmem>>, vector<16xi32>,
        %swap3A_437 = vector.shape_cast %swap3A_436 : vector<16xi32> to vector<16xi32>
        %swap3A_438 = vector.shape_cast %add3A_434 : vector<16xi32> to vector<16xi32>
        tpu.vector_store %arg6[%swap3A_435], %swap3A_438 {strides = array<i32>} : memref<128xi32, #tpu.memory_space<vmem>>, vector<16xi32>,
        %get3A_439 = arith.constant 48 : index
        %get3A_440 = tpu.vector_load %arg6[%get3A_439] {strides = array<i32>} : memref<128xi32, #tpu.memory_space<vmem>>, vector<16xi32>,
        %get3A_441 = vector.shape_cast %get3A_440 : vector<16xi32> to vector<16xi32>
        %add3A_442 = vector.broadcast %mul3A_142 : i32 to vector<16xi32>
        %add3A_443 = arith.addi %get3A_441, %add3A_442 : vector<16xi32>
        %swap3A_444 = arith.constant 48 : index
        %swap3A_445 = tpu.vector_load %arg6[%swap3A_444] {strides = array<i32>} : memref<128xi32, #tpu.memory_space<vmem>>, vector<16xi32>,
        %swap3A_446 = vector.shape_cast %swap3A_445 : vector<16xi32> to vector<16xi32>
        %swap3A_447 = vector.shape_cast %add3A_443 : vector<16xi32> to vector<16xi32>
        tpu.vector_store %arg6[%swap3A_444], %swap3A_447 {strides = array<i32>} : memref<128xi32, #tpu.memory_space<vmem>>, vector<16xi32>,
        %get3A_448 = arith.constant 64 : index
        %get3A_449 = tpu.vector_load %arg6[%get3A_448] {strides = array<i32>} : memref<128xi32, #tpu.memory_space<vmem>>, vector<16xi32>,
        %get3A_450 = vector.shape_cast %get3A_449 : vector<16xi32> to vector<16xi32>
        %add3A_451 = vector.broadcast %mul3A_142 : i32 to vector<16xi32>
        %add3A_452 = arith.addi %get3A_450, %add3A_451 : vector<16xi32>
        %swap3A_453 = arith.constant 64 : index
        %swap3A_454 = tpu.vector_load %arg6[%swap3A_453] {strides = array<i32>} : memref<128xi32, #tpu.memory_space<vmem>>, vector<16xi32>,
        %swap3A_455 = vector.shape_cast %swap3A_454 : vector<16xi32> to vector<16xi32>
        %swap3A_456 = vector.shape_cast %add3A_452 : vector<16xi32> to vector<16xi32>
        tpu.vector_store %arg6[%swap3A_453], %swap3A_456 {strides = array<i32>} : memref<128xi32, #tpu.memory_space<vmem>>, vector<16xi32>,
        %get3A_457 = arith.constant 80 : index
        %get3A_458 = tpu.vector_load %arg6[%get3A_457] {strides = array<i32>} : memref<128xi32, #tpu.memory_space<vmem>>, vector<16xi32>,
        %get3A_459 = vector.shape_cast %get3A_458 : vector<16xi32> to vector<16xi32>
        %add3A_460 = vector.broadcast %mul3A_142 : i32 to vector<16xi32>
        %add3A_461 = arith.addi %get3A_459, %add3A_460 : vector<16xi32>
        %swap3A_462 = arith.constant 80 : index
        %swap3A_463 = tpu.vector_load %arg6[%swap3A_462] {strides = array<i32>} : memref<128xi32, #tpu.memory_space<vmem>>, vector<16xi32>,
        %swap3A_464 = vector.shape_cast %swap3A_463 : vector<16xi32> to vector<16xi32>
        %swap3A_465 = vector.shape_cast %add3A_461 : vector<16xi32> to vector<16xi32>
        tpu.vector_store %arg6[%swap3A_462], %swap3A_465 {strides = array<i32>} : memref<128xi32, #tpu.memory_space<vmem>>, vector<16xi32>,
        %get3A_466 = arith.constant 96 : index
        %get3A_467 = tpu.vector_load %arg6[%get3A_466] {strides = array<i32>} : memref<128xi32, #tpu.memory_space<vmem>>, vector<16xi32>,
        %get3A_468 = vector.shape_cast %get3A_467 : vector<16xi32> to vector<16xi32>
        %add3A_469 = vector.broadcast %mul3A_142 : i32 to vector<16xi32>
        %add3A_470 = arith.addi %get3A_468, %add3A_469 : vector<16xi32>
        %swap3A_471 = arith.constant 96 : index
        %swap3A_472 = tpu.vector_load %arg6[%swap3A_471] {strides = array<i32>} : memref<128xi32, #tpu.memory_space<vmem>>, vector<16xi32>,
        %swap3A_473 = vector.shape_cast %swap3A_472 : vector<16xi32> to vector<16xi32>
        %swap3A_474 = vector.shape_cast %add3A_470 : vector<16xi32> to vector<16xi32>
        tpu.vector_store %arg6[%swap3A_471], %swap3A_474 {strides = array<i32>} : memref<128xi32, #tpu.memory_space<vmem>>, vector<16xi32>,
        %get3A_475 = arith.constant 112 : index
        %get3A_476 = tpu.vector_load %arg6[%get3A_475] {strides = array<i32>} : memref<128xi32, #tpu.memory_space<vmem>>, vector<16xi32>,
        %get3A_477 = vector.shape_cast %get3A_476 : vector<16xi32> to vector<16xi32>
        %add3A_478 = vector.broadcast %mul3A_142 : i32 to vector<16xi32>
        %add3A_479 = arith.addi %get3A_477, %add3A_478 : vector<16xi32>
        %swap3A_480 = arith.constant 112 : index
        %swap3A_481 = tpu.vector_load %arg6[%swap3A_480] {strides = array<i32>} : memref<128xi32, #tpu.memory_space<vmem>>, vector<16xi32>,
        %swap3A_482 = vector.shape_cast %swap3A_481 : vector<16xi32> to vector<16xi32>
        %swap3A_483 = vector.shape_cast %add3A_479 : vector<16xi32> to vector<16xi32>
        tpu.vector_store %arg6[%swap3A_480], %swap3A_483 {strides = array<i32>} : memref<128xi32, #tpu.memory_space<vmem>>, vector<16xi32>,
        %dma_start3A_484 = arith.constant 0 : i32
        %dma_start3A_485 = arith.constant 0 : i32
        %dma_start3A_486 = tpu.memref_slice %arg2[%dma_start3A_484, %dma_start3A_485] : memref<40960x128xf32, #tpu.memory_space<hbm>> -> memref<40960x128xf32, #tpu.memory_space<hbm>>
        tpu.enqueue_indirect_dma source(%dma_start3A_486 : memref<40960x128xf32, #tpu.memory_space<hbm>>) target(%arg10 : memref<128x128xf32, #tpu.memory_space<vmem>>) offsets(%arg6 : memref<128xi32, #tpu.memory_space<vmem>>) semaphore(%arg13 : memref<!tpu.dma_semaphore, #tpu.memory_space<semaphore_mem>>)
      } else {
      }
      %dma_wait3A_391 = arith.constant 0 : i32
      %dma_wait3A_392 = arith.constant 0 : i32
      %dma_wait3A_393 = tpu.memref_slice %arg2[%dma_wait3A_391, %dma_wait3A_392] : memref<40960x128xf32, #tpu.memory_space<hbm>> -> memref<128x128xf32, #tpu.memory_space<hbm>>
      %dma_wait3A_394 = arith.constant 0 : i32
      %dma_wait3A_395 = arith.constant 0 : i32
      %dma_wait3A_396 = tpu.memref_slice %arg2[%dma_wait3A_394, %dma_wait3A_395] : memref<40960x128xf32, #tpu.memory_space<hbm>> -> memref<128x128xf32, #tpu.memory_space<hbm>>
      tpu.wait_dma2 semaphore(%arg14 : memref<!tpu.dma_semaphore, #tpu.memory_space<semaphore_mem>>) src(%dma_wait3A_396 : memref<128x128xf32, #tpu.memory_space<hbm>>) dst(%arg11 : memref<128x128xf32, #tpu.memory_space<vmem>>)
      "tpu.region"() ({
        %run_scoped3A = tpu.sem_alloc : memref<!tpu.dma_semaphore, #tpu.memory_space<semaphore_mem>>
        %dma_start3A_404 = arith.constant 0 : i32
        %dma_start3A_405 = arith.constant 0 : i32
        %dma_start3A_406 = tpu.memref_slice %arg12[%dma_start3A_404, %dma_start3A_405] : memref<10240x128xf32, #tpu.memory_space<vmem_shared>> -> memref<10240x128xf32, #tpu.memory_space<vmem_shared>>
        tpu.enqueue_indirect_dma source(%arg11 : memref<128x128xf32, #tpu.memory_space<vmem>>) target(%dma_start3A_406 : memref<10240x128xf32, #tpu.memory_space<vmem_shared>>) offsets(%arg9 : memref<128xi32, #tpu.memory_space<vmem>>) semaphore(%run_scoped3A : memref<!tpu.dma_semaphore, #tpu.memory_space<semaphore_mem>>) {add = true}
        %dma_wait3A_407 = arith.constant 0 : i32
        %dma_wait3A_408 = arith.constant 0 : i32
        %dma_wait3A_409 = tpu.memref_slice %arg12[%dma_wait3A_407, %dma_wait3A_408] : memref<10240x128xf32, #tpu.memory_space<vmem_shared>> -> memref<10240x128xf32, #tpu.memory_space<vmem_shared>>
        tpu.wait_indirect_dma semaphore(%run_scoped3A : memref<!tpu.dma_semaphore, #tpu.memory_space<semaphore_mem>>) src(%arg11 : memref<128x128xf32, #tpu.memory_space<vmem>>) dst(%dma_wait3A_409 : memref<10240x128xf32, #tpu.memory_space<vmem_shared>>)
        tpu.yield
      }) : () -> ()
      %add3A_397 = arith.constant 2 : i32
      %add3A_398 = arith.addi %add3A_385, %add3A_397 : i32
      %lt3A_399 = arith.constant 80 : i32
      %lt3A_400 = arith.cmpi slt, %add3A_398, %lt3A_399 : i32
      %convert_element_type3A_401 = arith.extui %lt3A_400 : i1 to i32
      %cond3A_402 = arith.constant 0 : i32
      %cond3A_403 = arith.cmpi ne, %convert_element_type3A_401, %cond3A_402 : i32
      scf.if %cond3A_403 {
        %add3A_404 = arith.constant 2 : i32
        %add3A_405 = arith.addi %add3A_385, %add3A_404 : i32
        %mul3A_406 = arith.constant 128 : i32
        %mul3A_407 = arith.muli %add3A_405, %mul3A_406 : i32
        %add3A_408 = arith.addi %mul3A_0, %mul3A_407 : i32
        %dma_start3A_409 = tpu.memref_slice %arg3[%add3A_408] : memref<163840xi32, #tpu.memory_space<hbm>> -> memref<128xi32, #tpu.memory_space<hbm>>
        %dma_start3A_410 = tpu.memref_slice %arg3[%add3A_408] : memref<163840xi32, #tpu.memory_space<hbm>> -> memref<128xi32, #tpu.memory_space<hbm>>
        tpu.enqueue_dma source(%dma_start3A_410 : memref<128xi32, #tpu.memory_space<hbm>>) target(%arg7 : memref<128xi32, #tpu.memory_space<vmem>>) target_semaphore(%arg16 : memref<!tpu.dma_semaphore, #tpu.memory_space<semaphore_mem>>)
        %mul3A_411 = arith.constant 128 : i32
        %mul3A_412 = arith.muli %add3A_405, %mul3A_411 : i32
        %add3A_413 = arith.addi %mul3A_0, %mul3A_412 : i32
        %dma_start3A_414 = tpu.memref_slice %arg4[%add3A_413] : memref<163840xi32, #tpu.memory_space<hbm>> -> memref<128xi32, #tpu.memory_space<hbm>>
        %dma_start3A_415 = tpu.memref_slice %arg4[%add3A_413] : memref<163840xi32, #tpu.memory_space<hbm>> -> memref<128xi32, #tpu.memory_space<hbm>>
        tpu.enqueue_dma source(%dma_start3A_415 : memref<128xi32, #tpu.memory_space<hbm>>) target(%arg9 : memref<128xi32, #tpu.memory_space<vmem>>) target_semaphore(%arg16 : memref<!tpu.dma_semaphore, #tpu.memory_space<semaphore_mem>>)
      } else {
      }
    }
    %scan3A_274 = arith.constant 40 : i32
    %barrier3A_275 = arith.constant 0 : index
    tpu.barrier barrier_id(%barrier3A_275)
    %mul3A_276 = arith.constant 640 : i32
    %mul3A_277 = arith.muli %arg1, %mul3A_276 : i32
    %mul3A_278 = arith.constant 10240 : i32
    %mul3A_279 = arith.muli %add3A_140, %mul3A_278 : i32
    %mul3A_280 = arith.constant 640 : i32
    %mul3A_281 = arith.muli %arg1, %mul3A_280 : i32
    %add3A_282 = arith.addi %mul3A_279, %mul3A_281 : i32
    "tpu.region"() ({
      %run_scoped3A = tpu.sem_alloc : memref<!tpu.dma_semaphore, #tpu.memory_space<semaphore_mem>>
      %dma_start3A_284 = arith.constant 0 : i32
      %dma_start3A_285 = tpu.memref_slice %arg5[%add3A_282, %dma_start3A_284] : memref<40960x128xf32, #tpu.memory_space<hbm>> -> memref<640x128xf32, #tpu.memory_space<hbm>>
      %dma_start3A_286 = arith.constant 0 : i32
      %dma_start3A_287 = tpu.memref_slice %arg12[%mul3A_277, %dma_start3A_286] : memref<10240x128xf32, #tpu.memory_space<vmem_shared>> -> memref<640x128xf32, #tpu.memory_space<vmem_shared>>
      tpu.enqueue_dma source(%dma_start3A_287 : memref<640x128xf32, #tpu.memory_space<vmem_shared>>) target(%dma_start3A_285 : memref<640x128xf32, #tpu.memory_space<hbm>>) target_semaphore(%run_scoped3A : memref<!tpu.dma_semaphore, #tpu.memory_space<semaphore_mem>>)
      %dma_wait3A_288 = arith.constant 0 : i32
      %dma_wait3A_289 = tpu.memref_slice %arg5[%add3A_282, %dma_wait3A_288] : memref<40960x128xf32, #tpu.memory_space<hbm>> -> memref<640x128xf32, #tpu.memory_space<hbm>>
      %dma_wait3A_290 = arith.constant 0 : i32
      %dma_wait3A_291 = tpu.memref_slice %arg12[%mul3A_277, %dma_wait3A_290] : memref<10240x128xf32, #tpu.memory_space<vmem_shared>> -> memref<640x128xf32, #tpu.memory_space<vmem_shared>>
      tpu.wait_dma2 semaphore(%run_scoped3A : memref<!tpu.dma_semaphore, #tpu.memory_space<semaphore_mem>>) src(%dma_wait3A_291 : memref<640x128xf32, #tpu.memory_space<vmem_shared>>) dst(%dma_wait3A_289 : memref<640x128xf32, #tpu.memory_space<hbm>>)
      tpu.yield
    }) : () -> ()
    %barrier3A_283 = arith.constant 0 : index
    tpu.barrier barrier_id(%barrier3A_283)
    return
  }
}

module attributes {stable_mosaic.version = 14 : i64} {
  func.func @_mm1_body(%arg0: i32, %arg1: memref<512x256xf32, #tpu.memory_space<vmem>>, %arg2: memref<256x512xf32, #tpu.memory_space<vmem>>, %arg3: memref<512x2xf32, #tpu.memory_space<vmem>>, %arg4: memref<4x512x128xf32, #tpu.memory_space<vmem>>, %arg5: memref<512x1xf32, #tpu.memory_space<vmem>>) attributes {dimension_semantics = [#tpu.dimension_semantics<arbitrary>], iteration_bounds = array<i64: 20>, scalar_prefetch = 0 : i64, scratch_operands = 0 : i64, tpu.core_type = #tpu.core_type<tc>, window_params = [{transform_indices = @transform_0, window_bounds = array<i64: 512, 256>}, {pipeline_mode = #tpu.pipeline_mode<synchronous>, transform_indices = @transform_1, window_bounds = array<i64: 256, 512>}, {transform_indices = @transform_2, window_bounds = array<i64: 512, 2>}, {transform_indices = @transform_3, window_bounds = array<i64: 4, 512, 128>}, {transform_indices = @transform_4, window_bounds = array<i64: 512, 1>}]} {
    %get3A = arith.constant 0 : index
    %get3A_0 = arith.constant 0 : index
    %get3A_1 = vector.load %arg3[%get3A, %get3A_0] : memref<512x2xf32, #tpu.memory_space<vmem>>, vector<512x1xf32>
    %add3A = arith.constant 1.000000e+00 : f32
    %add3A_2 = vector.broadcast %add3A : f32 to vector<512x1xf32>
    %add3A_3 = arith.addf %add3A_2, %get3A_1 : vector<512x1xf32>
    %get3A_4 = arith.constant 0 : index
    %get3A_5 = arith.constant 1 : index
    %get3A_6 = vector.load %arg3[%get3A_4, %get3A_5] : memref<512x2xf32, #tpu.memory_space<vmem>>, vector<512x1xf32>
    %add3A_7 = arith.addf %add3A_3, %get3A_6 : vector<512x1xf32>
    %rsqrt3A = math.rsqrt %add3A_7 : vector<512x1xf32>
    %swap3A = arith.constant 0 : index
    %swap3A_8 = arith.constant 0 : index
    %swap3A_9 = vector.load %arg5[%swap3A, %swap3A_8] : memref<512x1xf32, #tpu.memory_space<vmem>>, vector<512x1xf32>
    tpu.vector_store %arg5[%swap3A, %swap3A_8], %rsqrt3A {strides = array<i32>} : memref<512x1xf32, #tpu.memory_space<vmem>>, vector<512x1xf32>,
    %get3A_10 = arith.constant 0 : index
    %get3A_11 = arith.constant 0 : index
    %get3A_12 = vector.load %arg1[%get3A_10, %get3A_11] : memref<512x256xf32, #tpu.memory_space<vmem>>, vector<512x256xf32>
    %convert_element_type3A = arith.truncf %get3A_12 : vector<512x256xf32> to vector<512x256xbf16>
    %get3A_13 = arith.constant 0 : index
    %get3A_14 = arith.constant 0 : index
    %get3A_15 = vector.load %arg2[%get3A_13, %get3A_14] : memref<256x512xf32, #tpu.memory_space<vmem>>, vector<256x512xf32>
    %convert_element_type3A_16 = arith.truncf %get3A_15 : vector<256x512xf32> to vector<256x512xbf16>
    %dot_general3A = arith.constant dense<0.000000e+00> : vector<512x512xf32>
    %dot_general3A_17 = tpu.matmul %convert_element_type3A, %convert_element_type3A_16, %dot_general3A {dimension_numbers = #tpu.dot_dimension_numbers<[1], [0], [0], [1], [0, 0, 1, 1], [], []>, transpose_lhs_hint = false} : vector<512x256xbf16>, vector<256x512xbf16>, vector<512x512xf32> -> vector<512x512xf32>
    %mul3A = vector.broadcast %rsqrt3A : vector<512x1xf32> to vector<512x512xf32>
    %mul3A_18 = arith.mulf %mul3A, %dot_general3A_17 : vector<512x512xf32>
    %slice3A = vector.extract_strided_slice %mul3A_18 {offsets = [0, 0], sizes = [512, 128], strides = [1, 1]} : vector<512x512xf32> to vector<512x128xf32>
    %swap3A_19 = arith.constant 0 : index
    %swap3A_20 = arith.constant 0 : index
    %swap3A_21 = arith.constant 0 : index
    %swap3A_22 = vector.load %arg4[%swap3A_19, %swap3A_20, %swap3A_21] : memref<4x512x128xf32, #tpu.memory_space<vmem>>, vector<1x512x128xf32>
    %swap3A_23 = vector.shape_cast %swap3A_22 : vector<1x512x128xf32> to vector<512x128xf32>
    %swap3A_24 = vector.shape_cast %slice3A : vector<512x128xf32> to vector<1x512x128xf32>
    tpu.vector_store %arg4[%swap3A_19, %swap3A_20, %swap3A_21], %swap3A_24 {strides = array<i32>} : memref<4x512x128xf32, #tpu.memory_space<vmem>>, vector<1x512x128xf32>,
    %slice3A_25 = vector.extract_strided_slice %mul3A_18 {offsets = [0, 128], sizes = [512, 128], strides = [1, 1]} : vector<512x512xf32> to vector<512x128xf32>
    %swap3A_26 = arith.constant 1 : index
    %swap3A_27 = arith.constant 0 : index
    %swap3A_28 = arith.constant 0 : index
    %swap3A_29 = vector.load %arg4[%swap3A_26, %swap3A_27, %swap3A_28] : memref<4x512x128xf32, #tpu.memory_space<vmem>>, vector<1x512x128xf32>
    %swap3A_30 = vector.shape_cast %swap3A_29 : vector<1x512x128xf32> to vector<512x128xf32>
    %swap3A_31 = vector.shape_cast %slice3A_25 : vector<512x128xf32> to vector<1x512x128xf32>
    tpu.vector_store %arg4[%swap3A_26, %swap3A_27, %swap3A_28], %swap3A_31 {strides = array<i32>} : memref<4x512x128xf32, #tpu.memory_space<vmem>>, vector<1x512x128xf32>,
    %slice3A_32 = vector.extract_strided_slice %mul3A_18 {offsets = [0, 256], sizes = [512, 128], strides = [1, 1]} : vector<512x512xf32> to vector<512x128xf32>
    %swap3A_33 = arith.constant 2 : index
    %swap3A_34 = arith.constant 0 : index
    %swap3A_35 = arith.constant 0 : index
    %swap3A_36 = vector.load %arg4[%swap3A_33, %swap3A_34, %swap3A_35] : memref<4x512x128xf32, #tpu.memory_space<vmem>>, vector<1x512x128xf32>
    %swap3A_37 = vector.shape_cast %swap3A_36 : vector<1x512x128xf32> to vector<512x128xf32>
    %swap3A_38 = vector.shape_cast %slice3A_32 : vector<512x128xf32> to vector<1x512x128xf32>
    tpu.vector_store %arg4[%swap3A_33, %swap3A_34, %swap3A_35], %swap3A_38 {strides = array<i32>} : memref<4x512x128xf32, #tpu.memory_space<vmem>>, vector<1x512x128xf32>,
    %slice3A_39 = vector.extract_strided_slice %mul3A_18 {offsets = [0, 384], sizes = [512, 128], strides = [1, 1]} : vector<512x512xf32> to vector<512x128xf32>
    %swap3A_40 = arith.constant 3 : index
    %swap3A_41 = arith.constant 0 : index
    %swap3A_42 = arith.constant 0 : index
    %swap3A_43 = vector.load %arg4[%swap3A_40, %swap3A_41, %swap3A_42] : memref<4x512x128xf32, #tpu.memory_space<vmem>>, vector<1x512x128xf32>
    %swap3A_44 = vector.shape_cast %swap3A_43 : vector<1x512x128xf32> to vector<512x128xf32>
    %swap3A_45 = vector.shape_cast %slice3A_39 : vector<512x128xf32> to vector<1x512x128xf32>
    tpu.vector_store %arg4[%swap3A_40, %swap3A_41, %swap3A_42], %swap3A_45 {strides = array<i32>} : memref<4x512x128xf32, #tpu.memory_space<vmem>>, vector<1x512x128xf32>,
    return
  }
  func.func @transform_0(%arg0: i32) -> (i32, i32) {
    %c0_i32 = arith.constant 0 : i32
    %c0_i32_0 = arith.constant 0 : i32
    return %arg0, %c0_i32 : i32, i32
  }
  func.func @transform_1(%arg0: i32) -> (i32, i32) {
    %c0_i32 = arith.constant 0 : i32
    %c0_i32_0 = arith.constant 0 : i32
    %c0_i32_1 = arith.constant 0 : i32
    return %c0_i32, %c0_i32_0 : i32, i32
  }
  func.func @transform_2(%arg0: i32) -> (i32, i32) {
    %c0_i32 = arith.constant 0 : i32
    %c0_i32_0 = arith.constant 0 : i32
    return %arg0, %c0_i32 : i32, i32
  }
  func.func @transform_3(%arg0: i32) -> (i32, i32, i32) {
    %c0_i32 = arith.constant 0 : i32
    %c0_i32_0 = arith.constant 0 : i32
    %c0_i32_1 = arith.constant 0 : i32
    return %c0_i32, %arg0, %c0_i32_0 : i32, i32, i32
  }
  func.func @transform_4(%arg0: i32) -> (i32, i32) {
    %c0_i32 = arith.constant 0 : i32
    %c0_i32_0 = arith.constant 0 : i32
    return %arg0, %c0_i32 : i32, i32
  }
}

module attributes {stable_mosaic.version = 14 : i64} {
  func.func @_mm2_body(%arg0: i32, %arg1: i32, %arg2: memref<1x512x128xf32, #tpu.memory_space<vmem>>, %arg3: memref<1x512x128xf32, #tpu.memory_space<vmem>>, %arg4: memref<512x1xf32, #tpu.memory_space<vmem>>, %arg5: memref<1x1x128xf32, #tpu.memory_space<vmem>>, %arg6: memref<128x512xf32, #tpu.memory_space<vmem>>, %arg7: memref<4x512x128xf32, #tpu.memory_space<vmem>>) attributes {dimension_semantics = [#tpu.dimension_semantics<arbitrary>, #tpu.dimension_semantics<arbitrary>], iteration_bounds = array<i64: 20, 4>, scalar_prefetch = 0 : i64, scratch_operands = 0 : i64, tpu.core_type = #tpu.core_type<tc>, window_params = [{transform_indices = @transform_0, window_bounds = array<i64: 1, 512, 128>}, {transform_indices = @transform_1, window_bounds = array<i64: 1, 512, 128>}, {transform_indices = @transform_2, window_bounds = array<i64: 512, 1>}, {transform_indices = @transform_3, window_bounds = array<i64: 1, 1, 128>}, {transform_indices = @transform_4, window_bounds = array<i64: 128, 512>}, {transform_indices = @transform_5, window_bounds = array<i64: 4, 512, 128>}]} {
    %get3A = arith.constant 0 : index
    %get3A_0 = arith.constant 0 : index
    %get3A_1 = vector.load %arg4[%get3A, %get3A_0] : memref<512x1xf32, #tpu.memory_space<vmem>>, vector<512x1xf32>
    %get3A_2 = arith.constant 0 : index
    %get3A_3 = arith.constant 0 : index
    %get3A_4 = arith.constant 0 : index
    %get3A_5 = vector.load %arg2[%get3A_2, %get3A_3, %get3A_4] : memref<1x512x128xf32, #tpu.memory_space<vmem>>, vector<1x512x128xf32>
    %get3A_6 = vector.shape_cast %get3A_5 : vector<1x512x128xf32> to vector<512x128xf32>
    %get3A_7 = arith.constant 0 : index
    %get3A_8 = arith.constant 0 : index
    %get3A_9 = arith.constant 0 : index
    %get3A_10 = vector.load %arg3[%get3A_7, %get3A_8, %get3A_9] : memref<1x512x128xf32, #tpu.memory_space<vmem>>, vector<1x512x128xf32>
    %get3A_11 = vector.shape_cast %get3A_10 : vector<1x512x128xf32> to vector<512x128xf32>
    %add3A = arith.addf %get3A_6, %get3A_11 : vector<512x128xf32>
    %mul3A = vector.broadcast %get3A_1 : vector<512x1xf32> to vector<512x128xf32>
    %mul3A_12 = arith.mulf %mul3A, %add3A : vector<512x128xf32>
    %get3A_13 = arith.constant 0 : index
    %get3A_14 = arith.constant 0 : index
    %get3A_15 = arith.constant 0 : index
    %get3A_16 = vector.load %arg5[%get3A_13, %get3A_14, %get3A_15] : memref<1x1x128xf32, #tpu.memory_space<vmem>>, vector<1x1x128xf32>
    %get3A_17 = vector.shape_cast %get3A_16 : vector<1x1x128xf32> to vector<1x128xf32>
    %add3A_18 = vector.broadcast %get3A_17 : vector<1x128xf32> to vector<512x128xf32>
    %add3A_19 = arith.addf %mul3A_12, %add3A_18 : vector<512x128xf32>
    %max3A = arith.constant 0.000000e+00 : f32
    %max3A_20 = vector.broadcast %max3A : f32 to vector<512x128xf32>
    %max3A_21 = arith.maximumf %add3A_19, %max3A_20 : vector<512x128xf32>
    %convert_element_type3A = arith.truncf %max3A_21 : vector<512x128xf32> to vector<512x128xbf16>
    %eq3A = arith.constant 0 : i32
    %eq3A_22 = arith.cmpi eq, %arg1, %eq3A : i32
    %convert_element_type3A_23 = arith.extui %eq3A_22 : i1 to i32
    %cond3A = arith.constant 0 : i32
    %cond3A_24 = arith.cmpi ne, %convert_element_type3A_23, %cond3A : i32
    scf.if %cond3A_24 {
      %broadcast_in_dim3A = arith.constant 0.000000e+00 : f32
      %broadcast_in_dim3A_91 = vector.broadcast %broadcast_in_dim3A : f32 to vector<4x512x128xf32>
      %swap3A_92 = arith.constant 0 : index
      %swap3A_93 = arith.constant 0 : index
      %swap3A_94 = arith.constant 0 : index
      %swap3A_95 = vector.load %arg7[%swap3A_92, %swap3A_93, %swap3A_94] : memref<4x512x128xf32, #tpu.memory_space<vmem>>, vector<4x512x128xf32>
      tpu.vector_store %arg7[%swap3A_92, %swap3A_93, %swap3A_94], %broadcast_in_dim3A_91 {strides = array<i32>} : memref<4x512x128xf32, #tpu.memory_space<vmem>>, vector<4x512x128xf32>,
    } else {
    }
    %get3A_25 = arith.constant 0 : index
    %get3A_26 = arith.constant 0 : index
    %get3A_27 = vector.load %arg6[%get3A_25, %get3A_26] : memref<128x512xf32, #tpu.memory_space<vmem>>, vector<128x512xf32>
    %convert_element_type3A_28 = arith.truncf %get3A_27 : vector<128x512xf32> to vector<128x512xbf16>
    %get3A_29 = arith.constant 0 : index
    %get3A_30 = arith.constant 0 : index
    %get3A_31 = arith.constant 0 : index
    %get3A_32 = vector.load %arg7[%get3A_29, %get3A_30, %get3A_31] : memref<4x512x128xf32, #tpu.memory_space<vmem>>, vector<1x512x128xf32>
    %get3A_33 = vector.shape_cast %get3A_32 : vector<1x512x128xf32> to vector<512x128xf32>
    %slice3A = vector.extract_strided_slice %convert_element_type3A_28 {offsets = [0, 0], sizes = [128, 128], strides = [1, 1]} : vector<128x512xbf16> to vector<128x128xbf16>
    %dot_general3A = arith.constant dense<0.000000e+00> : vector<512x128xf32>
    %dot_general3A_34 = tpu.matmul %convert_element_type3A, %slice3A, %dot_general3A {dimension_numbers = #tpu.dot_dimension_numbers<[1], [0], [0], [1], [0, 0, 1, 1], [], []>, transpose_lhs_hint = false} : vector<512x128xbf16>, vector<128x128xbf16>, vector<512x128xf32> -> vector<512x128xf32>
    %add3A_35 = arith.addf %get3A_33, %dot_general3A_34 : vector<512x128xf32>
    %swap3A = arith.constant 0 : index
    %swap3A_36 = arith.constant 0 : index
    %swap3A_37 = arith.constant 0 : index
    %swap3A_38 = vector.load %arg7[%swap3A, %swap3A_36, %swap3A_37] : memref<4x512x128xf32, #tpu.memory_space<vmem>>, vector<1x512x128xf32>
    %swap3A_39 = vector.shape_cast %swap3A_38 : vector<1x512x128xf32> to vector<512x128xf32>
    %swap3A_40 = vector.shape_cast %add3A_35 : vector<512x128xf32> to vector<1x512x128xf32>
    tpu.vector_store %arg7[%swap3A, %swap3A_36, %swap3A_37], %swap3A_40 {strides = array<i32>} : memref<4x512x128xf32, #tpu.memory_space<vmem>>, vector<1x512x128xf32>,
    %get3A_41 = arith.constant 1 : index
    %get3A_42 = arith.constant 0 : index
    %get3A_43 = arith.constant 0 : index
    %get3A_44 = vector.load %arg7[%get3A_41, %get3A_42, %get3A_43] : memref<4x512x128xf32, #tpu.memory_space<vmem>>, vector<1x512x128xf32>
    %get3A_45 = vector.shape_cast %get3A_44 : vector<1x512x128xf32> to vector<512x128xf32>
    %slice3A_46 = vector.extract_strided_slice %convert_element_type3A_28 {offsets = [0, 128], sizes = [128, 128], strides = [1, 1]} : vector<128x512xbf16> to vector<128x128xbf16>
    %dot_general3A_47 = arith.constant dense<0.000000e+00> : vector<512x128xf32>
    %dot_general3A_48 = tpu.matmul %convert_element_type3A, %slice3A_46, %dot_general3A_47 {dimension_numbers = #tpu.dot_dimension_numbers<[1], [0], [0], [1], [0, 0, 1, 1], [], []>, transpose_lhs_hint = false} : vector<512x128xbf16>, vector<128x128xbf16>, vector<512x128xf32> -> vector<512x128xf32>
    %add3A_49 = arith.addf %get3A_45, %dot_general3A_48 : vector<512x128xf32>
    %swap3A_50 = arith.constant 1 : index
    %swap3A_51 = arith.constant 0 : index
    %swap3A_52 = arith.constant 0 : index
    %swap3A_53 = vector.load %arg7[%swap3A_50, %swap3A_51, %swap3A_52] : memref<4x512x128xf32, #tpu.memory_space<vmem>>, vector<1x512x128xf32>
    %swap3A_54 = vector.shape_cast %swap3A_53 : vector<1x512x128xf32> to vector<512x128xf32>
    %swap3A_55 = vector.shape_cast %add3A_49 : vector<512x128xf32> to vector<1x512x128xf32>
    tpu.vector_store %arg7[%swap3A_50, %swap3A_51, %swap3A_52], %swap3A_55 {strides = array<i32>} : memref<4x512x128xf32, #tpu.memory_space<vmem>>, vector<1x512x128xf32>,
    %get3A_56 = arith.constant 2 : index
    %get3A_57 = arith.constant 0 : index
    %get3A_58 = arith.constant 0 : index
    %get3A_59 = vector.load %arg7[%get3A_56, %get3A_57, %get3A_58] : memref<4x512x128xf32, #tpu.memory_space<vmem>>, vector<1x512x128xf32>
    %get3A_60 = vector.shape_cast %get3A_59 : vector<1x512x128xf32> to vector<512x128xf32>
    %slice3A_61 = vector.extract_strided_slice %convert_element_type3A_28 {offsets = [0, 256], sizes = [128, 128], strides = [1, 1]} : vector<128x512xbf16> to vector<128x128xbf16>
    %dot_general3A_62 = arith.constant dense<0.000000e+00> : vector<512x128xf32>
    %dot_general3A_63 = tpu.matmul %convert_element_type3A, %slice3A_61, %dot_general3A_62 {dimension_numbers = #tpu.dot_dimension_numbers<[1], [0], [0], [1], [0, 0, 1, 1], [], []>, transpose_lhs_hint = false} : vector<512x128xbf16>, vector<128x128xbf16>, vector<512x128xf32> -> vector<512x128xf32>
    %add3A_64 = arith.addf %get3A_60, %dot_general3A_63 : vector<512x128xf32>
    %swap3A_65 = arith.constant 2 : index
    %swap3A_66 = arith.constant 0 : index
    %swap3A_67 = arith.constant 0 : index
    %swap3A_68 = vector.load %arg7[%swap3A_65, %swap3A_66, %swap3A_67] : memref<4x512x128xf32, #tpu.memory_space<vmem>>, vector<1x512x128xf32>
    %swap3A_69 = vector.shape_cast %swap3A_68 : vector<1x512x128xf32> to vector<512x128xf32>
    %swap3A_70 = vector.shape_cast %add3A_64 : vector<512x128xf32> to vector<1x512x128xf32>
    tpu.vector_store %arg7[%swap3A_65, %swap3A_66, %swap3A_67], %swap3A_70 {strides = array<i32>} : memref<4x512x128xf32, #tpu.memory_space<vmem>>, vector<1x512x128xf32>,
    %get3A_71 = arith.constant 3 : index
    %get3A_72 = arith.constant 0 : index
    %get3A_73 = arith.constant 0 : index
    %get3A_74 = vector.load %arg7[%get3A_71, %get3A_72, %get3A_73] : memref<4x512x128xf32, #tpu.memory_space<vmem>>, vector<1x512x128xf32>
    %get3A_75 = vector.shape_cast %get3A_74 : vector<1x512x128xf32> to vector<512x128xf32>
    %slice3A_76 = vector.extract_strided_slice %convert_element_type3A_28 {offsets = [0, 384], sizes = [128, 128], strides = [1, 1]} : vector<128x512xbf16> to vector<128x128xbf16>
    %dot_general3A_77 = arith.constant dense<0.000000e+00> : vector<512x128xf32>
    %dot_general3A_78 = tpu.matmul %convert_element_type3A, %slice3A_76, %dot_general3A_77 {dimension_numbers = #tpu.dot_dimension_numbers<[1], [0], [0], [1], [0, 0, 1, 1], [], []>, transpose_lhs_hint = false} : vector<512x128xbf16>, vector<128x128xbf16>, vector<512x128xf32> -> vector<512x128xf32>
    %add3A_79 = arith.addf %get3A_75, %dot_general3A_78 : vector<512x128xf32>
    %swap3A_80 = arith.constant 3 : index
    %swap3A_81 = arith.constant 0 : index
    %swap3A_82 = arith.constant 0 : index
    %swap3A_83 = vector.load %arg7[%swap3A_80, %swap3A_81, %swap3A_82] : memref<4x512x128xf32, #tpu.memory_space<vmem>>, vector<1x512x128xf32>
    %swap3A_84 = vector.shape_cast %swap3A_83 : vector<1x512x128xf32> to vector<512x128xf32>
    %swap3A_85 = vector.shape_cast %add3A_79 : vector<512x128xf32> to vector<1x512x128xf32>
    tpu.vector_store %arg7[%swap3A_80, %swap3A_81, %swap3A_82], %swap3A_85 {strides = array<i32>} : memref<4x512x128xf32, #tpu.memory_space<vmem>>, vector<1x512x128xf32>,
    %eq3A_86 = arith.constant 3 : i32
    %eq3A_87 = arith.cmpi eq, %arg1, %eq3A_86 : i32
    %convert_element_type3A_88 = arith.extui %eq3A_87 : i1 to i32
    %cond3A_89 = arith.constant 0 : i32
    %cond3A_90 = arith.cmpi ne, %convert_element_type3A_88, %cond3A_89 : i32
    scf.if %cond3A_90 {
      %get3A_91 = arith.constant 0 : index
      %get3A_92 = arith.constant 0 : index
      %get3A_93 = arith.constant 0 : index
      %get3A_94 = vector.load %arg7[%get3A_91, %get3A_92, %get3A_93] : memref<4x512x128xf32, #tpu.memory_space<vmem>>, vector<4x512x128xf32>
      %broadcast_in_dim3A = vector.shape_cast %get3A_1 : vector<512x1xf32> to vector<1x512x1xf32>
      %mul3A_95 = vector.broadcast %broadcast_in_dim3A : vector<1x512x1xf32> to vector<4x512x128xf32>
      %mul3A_96 = arith.mulf %get3A_94, %mul3A_95 : vector<4x512x128xf32>
      %swap3A_97 = arith.constant 0 : index
      %swap3A_98 = arith.constant 0 : index
      %swap3A_99 = arith.constant 0 : index
      %swap3A_100 = vector.load %arg7[%swap3A_97, %swap3A_98, %swap3A_99] : memref<4x512x128xf32, #tpu.memory_space<vmem>>, vector<4x512x128xf32>
      tpu.vector_store %arg7[%swap3A_97, %swap3A_98, %swap3A_99], %mul3A_96 {strides = array<i32>} : memref<4x512x128xf32, #tpu.memory_space<vmem>>, vector<4x512x128xf32>,
    } else {
    }
    return
  }
  func.func @transform_0(%arg0: i32, %arg1: i32) -> (i32, i32, i32) {
    %c0_i32 = arith.constant 0 : i32
    %c0_i32_0 = arith.constant 0 : i32
    return %arg1, %arg0, %c0_i32 : i32, i32, i32
  }
  func.func @transform_1(%arg0: i32, %arg1: i32) -> (i32, i32, i32) {
    %c0_i32 = arith.constant 0 : i32
    %c0_i32_0 = arith.constant 0 : i32
    return %arg1, %arg0, %c0_i32 : i32, i32, i32
  }
  func.func @transform_2(%arg0: i32, %arg1: i32) -> (i32, i32) {
    %c0_i32 = arith.constant 0 : i32
    %c0_i32_0 = arith.constant 0 : i32
    return %arg0, %c0_i32 : i32, i32
  }
  func.func @transform_3(%arg0: i32, %arg1: i32) -> (i32, i32, i32) {
    %c0_i32 = arith.constant 0 : i32
    %c0_i32_0 = arith.constant 0 : i32
    %c0_i32_1 = arith.constant 0 : i32
    return %arg1, %c0_i32, %c0_i32_0 : i32, i32, i32
  }
  func.func @transform_4(%arg0: i32, %arg1: i32) -> (i32, i32) {
    %c0_i32 = arith.constant 0 : i32
    %c0_i32_0 = arith.constant 0 : i32
    return %arg1, %c0_i32 : i32, i32
  }
  func.func @transform_5(%arg0: i32, %arg1: i32) -> (i32, i32, i32) {
    %c0_i32 = arith.constant 0 : i32
    %c0_i32_0 = arith.constant 0 : i32
    %c0_i32_1 = arith.constant 0 : i32
    return %c0_i32, %arg0, %c0_i32_0 : i32, i32, i32
  }
}

module attributes {stable_mosaic.version = 14 : i64} {
  func.func @_mm4_body(%arg0: i32, %arg1: memref<4x400x128xf32, #tpu.memory_space<vmem>>, %arg2: memref<4x400x128xf32, #tpu.memory_space<vmem>>, %arg3: memref<400x1xf32, #tpu.memory_space<vmem>>, %arg4: memref<4x1x128xf32, #tpu.memory_space<vmem>>, %arg5: memref<512x512xf32, #tpu.memory_space<vmem>>, %arg6: memref<16x16xf32, #tpu.memory_space<vmem>>, %arg7: memref<16x512xf32, #tpu.memory_space<vmem>>, %arg8: memref<1x512xf32, #tpu.memory_space<vmem>>, %arg9: memref<512x512xf32, #tpu.memory_space<vmem>>, %arg10: memref<1x512xf32, #tpu.memory_space<vmem>>, %arg11: memref<400x1xi32, #tpu.memory_space<vmem>>, %arg12: memref<512x4xf32, #tpu.memory_space<vmem>>, %arg13: memref<1x4xf32, #tpu.memory_space<vmem>>, %arg14: memref<400x4xf32, #tpu.memory_space<vmem>>) attributes {dimension_semantics = [#tpu.dimension_semantics<arbitrary>], iteration_bounds = array<i64: 25>, scalar_prefetch = 0 : i64, scratch_operands = 0 : i64, tpu.core_type = #tpu.core_type<tc>, window_params = [{transform_indices = @transform_0, window_bounds = array<i64: 4, 400, 128>}, {transform_indices = @transform_1, window_bounds = array<i64: 4, 400, 128>}, {transform_indices = @transform_2, window_bounds = array<i64: 400, 1>}, {pipeline_mode = #tpu.pipeline_mode<synchronous>, transform_indices = @transform_3, window_bounds = array<i64: 4, 1, 128>}, {pipeline_mode = #tpu.pipeline_mode<synchronous>, transform_indices = @transform_4, window_bounds = array<i64: 512, 512>}, {pipeline_mode = #tpu.pipeline_mode<synchronous>, transform_indices = @transform_5, window_bounds = array<i64: 16, 16>}, {pipeline_mode = #tpu.pipeline_mode<synchronous>, transform_indices = @transform_6, window_bounds = array<i64: 16, 512>}, {pipeline_mode = #tpu.pipeline_mode<synchronous>, transform_indices = @transform_7, window_bounds = array<i64: 1, 512>}, {pipeline_mode = #tpu.pipeline_mode<synchronous>, transform_indices = @transform_8, window_bounds = array<i64: 512, 512>}, {pipeline_mode = #tpu.pipeline_mode<synchronous>, transform_indices = @transform_9, window_bounds = array<i64: 1, 512>}, {transform_indices = @transform_10, window_bounds = array<i64: 400, 1>}, {pipeline_mode = #tpu.pipeline_mode<synchronous>, transform_indices = @transform_11, window_bounds = array<i64: 512, 4>}, {pipeline_mode = #tpu.pipeline_mode<synchronous>, transform_indices = @transform_12, window_bounds = array<i64: 1, 4>}, {transform_indices = @transform_13, window_bounds = array<i64: 400, 4>}]} {
    %get3A = arith.constant 0 : index
    %get3A_0 = arith.constant 0 : index
    %get3A_1 = vector.load %arg3[%get3A, %get3A_0] : memref<400x1xf32, #tpu.memory_space<vmem>>, vector<400x1xf32>
    %broadcast_in_dim3A = arith.constant 0.000000e+00 : f32
    %broadcast_in_dim3A_2 = vector.broadcast %broadcast_in_dim3A : f32 to vector<400x512xf32>
    %get3A_3 = arith.constant 0 : index
    %get3A_4 = arith.constant 0 : index
    %get3A_5 = arith.constant 0 : index
    %get3A_6 = vector.load %arg1[%get3A_3, %get3A_4, %get3A_5] : memref<4x400x128xf32, #tpu.memory_space<vmem>>, vector<1x400x128xf32>
    %get3A_7 = vector.shape_cast %get3A_6 : vector<1x400x128xf32> to vector<400x128xf32>
    %get3A_8 = arith.constant 0 : index
    %get3A_9 = arith.constant 0 : index
    %get3A_10 = arith.constant 0 : index
    %get3A_11 = vector.load %arg2[%get3A_8, %get3A_9, %get3A_10] : memref<4x400x128xf32, #tpu.memory_space<vmem>>, vector<1x400x128xf32>
    %get3A_12 = vector.shape_cast %get3A_11 : vector<1x400x128xf32> to vector<400x128xf32>
    %add3A = arith.addf %get3A_7, %get3A_12 : vector<400x128xf32>
    %mul3A = vector.broadcast %get3A_1 : vector<400x1xf32> to vector<400x128xf32>
    %mul3A_13 = arith.mulf %mul3A, %add3A : vector<400x128xf32>
    %get3A_14 = arith.constant 0 : index
    %get3A_15 = arith.constant 0 : index
    %get3A_16 = arith.constant 0 : index
    %get3A_17 = vector.load %arg4[%get3A_14, %get3A_15, %get3A_16] : memref<4x1x128xf32, #tpu.memory_space<vmem>>, vector<1x1x128xf32>
    %get3A_18 = vector.shape_cast %get3A_17 : vector<1x1x128xf32> to vector<1x128xf32>
    %add3A_19 = vector.broadcast %get3A_18 : vector<1x128xf32> to vector<400x128xf32>
    %add3A_20 = arith.addf %mul3A_13, %add3A_19 : vector<400x128xf32>
    %max3A = arith.constant 0.000000e+00 : f32
    %max3A_21 = vector.broadcast %max3A : f32 to vector<400x128xf32>
    %max3A_22 = arith.maximumf %add3A_20, %max3A_21 : vector<400x128xf32>
    %convert_element_type3A = arith.truncf %max3A_22 : vector<400x128xf32> to vector<400x128xbf16>
    %get3A_23 = arith.constant 0 : index
    %get3A_24 = arith.constant 0 : index
    %get3A_25 = vector.load %arg5[%get3A_23, %get3A_24] : memref<512x512xf32, #tpu.memory_space<vmem>>, vector<128x512xf32>
    %convert_element_type3A_26 = arith.truncf %get3A_25 : vector<128x512xf32> to vector<128x512xbf16>
    %dot_general3A = arith.constant dense<0.000000e+00> : vector<400x512xf32>
    %dot_general3A_27 = tpu.matmul %convert_element_type3A, %convert_element_type3A_26, %dot_general3A {dimension_numbers = #tpu.dot_dimension_numbers<[1], [0], [0], [1], [0, 0, 1, 1], [], []>, transpose_lhs_hint = false} : vector<400x128xbf16>, vector<128x512xbf16>, vector<400x512xf32> -> vector<400x512xf32>
    %add3A_28 = arith.addf %broadcast_in_dim3A_2, %dot_general3A_27 : vector<400x512xf32>
    %get3A_29 = arith.constant 1 : index
    %get3A_30 = arith.constant 0 : index
    %get3A_31 = arith.constant 0 : index
    %get3A_32 = vector.load %arg1[%get3A_29, %get3A_30, %get3A_31] : memref<4x400x128xf32, #tpu.memory_space<vmem>>, vector<1x400x128xf32>
    %get3A_33 = vector.shape_cast %get3A_32 : vector<1x400x128xf32> to vector<400x128xf32>
    %get3A_34 = arith.constant 1 : index
    %get3A_35 = arith.constant 0 : index
    %get3A_36 = arith.constant 0 : index
    %get3A_37 = vector.load %arg2[%get3A_34, %get3A_35, %get3A_36] : memref<4x400x128xf32, #tpu.memory_space<vmem>>, vector<1x400x128xf32>
    %get3A_38 = vector.shape_cast %get3A_37 : vector<1x400x128xf32> to vector<400x128xf32>
    %add3A_39 = arith.addf %get3A_33, %get3A_38 : vector<400x128xf32>
    %mul3A_40 = vector.broadcast %get3A_1 : vector<400x1xf32> to vector<400x128xf32>
    %mul3A_41 = arith.mulf %mul3A_40, %add3A_39 : vector<400x128xf32>
    %get3A_42 = arith.constant 1 : index
    %get3A_43 = arith.constant 0 : index
    %get3A_44 = arith.constant 0 : index
    %get3A_45 = vector.load %arg4[%get3A_42, %get3A_43, %get3A_44] : memref<4x1x128xf32, #tpu.memory_space<vmem>>, vector<1x1x128xf32>
    %get3A_46 = vector.shape_cast %get3A_45 : vector<1x1x128xf32> to vector<1x128xf32>
    %add3A_47 = vector.broadcast %get3A_46 : vector<1x128xf32> to vector<400x128xf32>
    %add3A_48 = arith.addf %mul3A_41, %add3A_47 : vector<400x128xf32>
    %max3A_49 = arith.constant 0.000000e+00 : f32
    %max3A_50 = vector.broadcast %max3A_49 : f32 to vector<400x128xf32>
    %max3A_51 = arith.maximumf %add3A_48, %max3A_50 : vector<400x128xf32>
    %convert_element_type3A_52 = arith.truncf %max3A_51 : vector<400x128xf32> to vector<400x128xbf16>
    %get3A_53 = arith.constant 128 : index
    %get3A_54 = arith.constant 0 : index
    %get3A_55 = vector.load %arg5[%get3A_53, %get3A_54] : memref<512x512xf32, #tpu.memory_space<vmem>>, vector<128x512xf32>
    %convert_element_type3A_56 = arith.truncf %get3A_55 : vector<128x512xf32> to vector<128x512xbf16>
    %dot_general3A_57 = arith.constant dense<0.000000e+00> : vector<400x512xf32>
    %dot_general3A_58 = tpu.matmul %convert_element_type3A_52, %convert_element_type3A_56, %dot_general3A_57 {dimension_numbers = #tpu.dot_dimension_numbers<[1], [0], [0], [1], [0, 0, 1, 1], [], []>, transpose_lhs_hint = false} : vector<400x128xbf16>, vector<128x512xbf16>, vector<400x512xf32> -> vector<400x512xf32>
    %add3A_59 = arith.addf %add3A_28, %dot_general3A_58 : vector<400x512xf32>
    %get3A_60 = arith.constant 2 : index
    %get3A_61 = arith.constant 0 : index
    %get3A_62 = arith.constant 0 : index
    %get3A_63 = vector.load %arg1[%get3A_60, %get3A_61, %get3A_62] : memref<4x400x128xf32, #tpu.memory_space<vmem>>, vector<1x400x128xf32>
    %get3A_64 = vector.shape_cast %get3A_63 : vector<1x400x128xf32> to vector<400x128xf32>
    %get3A_65 = arith.constant 2 : index
    %get3A_66 = arith.constant 0 : index
    %get3A_67 = arith.constant 0 : index
    %get3A_68 = vector.load %arg2[%get3A_65, %get3A_66, %get3A_67] : memref<4x400x128xf32, #tpu.memory_space<vmem>>, vector<1x400x128xf32>
    %get3A_69 = vector.shape_cast %get3A_68 : vector<1x400x128xf32> to vector<400x128xf32>
    %add3A_70 = arith.addf %get3A_64, %get3A_69 : vector<400x128xf32>
    %mul3A_71 = vector.broadcast %get3A_1 : vector<400x1xf32> to vector<400x128xf32>
    %mul3A_72 = arith.mulf %mul3A_71, %add3A_70 : vector<400x128xf32>
    %get3A_73 = arith.constant 2 : index
    %get3A_74 = arith.constant 0 : index
    %get3A_75 = arith.constant 0 : index
    %get3A_76 = vector.load %arg4[%get3A_73, %get3A_74, %get3A_75] : memref<4x1x128xf32, #tpu.memory_space<vmem>>, vector<1x1x128xf32>
    %get3A_77 = vector.shape_cast %get3A_76 : vector<1x1x128xf32> to vector<1x128xf32>
    %add3A_78 = vector.broadcast %get3A_77 : vector<1x128xf32> to vector<400x128xf32>
    %add3A_79 = arith.addf %mul3A_72, %add3A_78 : vector<400x128xf32>
    %max3A_80 = arith.constant 0.000000e+00 : f32
    %max3A_81 = vector.broadcast %max3A_80 : f32 to vector<400x128xf32>
    %max3A_82 = arith.maximumf %add3A_79, %max3A_81 : vector<400x128xf32>
    %convert_element_type3A_83 = arith.truncf %max3A_82 : vector<400x128xf32> to vector<400x128xbf16>
    %get3A_84 = arith.constant 256 : index
    %get3A_85 = arith.constant 0 : index
    %get3A_86 = vector.load %arg5[%get3A_84, %get3A_85] : memref<512x512xf32, #tpu.memory_space<vmem>>, vector<128x512xf32>
    %convert_element_type3A_87 = arith.truncf %get3A_86 : vector<128x512xf32> to vector<128x512xbf16>
    %dot_general3A_88 = arith.constant dense<0.000000e+00> : vector<400x512xf32>
    %dot_general3A_89 = tpu.matmul %convert_element_type3A_83, %convert_element_type3A_87, %dot_general3A_88 {dimension_numbers = #tpu.dot_dimension_numbers<[1], [0], [0], [1], [0, 0, 1, 1], [], []>, transpose_lhs_hint = false} : vector<400x128xbf16>, vector<128x512xbf16>, vector<400x512xf32> -> vector<400x512xf32>
    %add3A_90 = arith.addf %add3A_59, %dot_general3A_89 : vector<400x512xf32>
    %get3A_91 = arith.constant 3 : index
    %get3A_92 = arith.constant 0 : index
    %get3A_93 = arith.constant 0 : index
    %get3A_94 = vector.load %arg1[%get3A_91, %get3A_92, %get3A_93] : memref<4x400x128xf32, #tpu.memory_space<vmem>>, vector<1x400x128xf32>
    %get3A_95 = vector.shape_cast %get3A_94 : vector<1x400x128xf32> to vector<400x128xf32>
    %get3A_96 = arith.constant 3 : index
    %get3A_97 = arith.constant 0 : index
    %get3A_98 = arith.constant 0 : index
    %get3A_99 = vector.load %arg2[%get3A_96, %get3A_97, %get3A_98] : memref<4x400x128xf32, #tpu.memory_space<vmem>>, vector<1x400x128xf32>
    %get3A_100 = vector.shape_cast %get3A_99 : vector<1x400x128xf32> to vector<400x128xf32>
    %add3A_101 = arith.addf %get3A_95, %get3A_100 : vector<400x128xf32>
    %mul3A_102 = vector.broadcast %get3A_1 : vector<400x1xf32> to vector<400x128xf32>
    %mul3A_103 = arith.mulf %mul3A_102, %add3A_101 : vector<400x128xf32>
    %get3A_104 = arith.constant 3 : index
    %get3A_105 = arith.constant 0 : index
    %get3A_106 = arith.constant 0 : index
    %get3A_107 = vector.load %arg4[%get3A_104, %get3A_105, %get3A_106] : memref<4x1x128xf32, #tpu.memory_space<vmem>>, vector<1x1x128xf32>
    %get3A_108 = vector.shape_cast %get3A_107 : vector<1x1x128xf32> to vector<1x128xf32>
    %add3A_109 = vector.broadcast %get3A_108 : vector<1x128xf32> to vector<400x128xf32>
    %add3A_110 = arith.addf %mul3A_103, %add3A_109 : vector<400x128xf32>
    %max3A_111 = arith.constant 0.000000e+00 : f32
    %max3A_112 = vector.broadcast %max3A_111 : f32 to vector<400x128xf32>
    %max3A_113 = arith.maximumf %add3A_110, %max3A_112 : vector<400x128xf32>
    %convert_element_type3A_114 = arith.truncf %max3A_113 : vector<400x128xf32> to vector<400x128xbf16>
    %get3A_115 = arith.constant 384 : index
    %get3A_116 = arith.constant 0 : index
    %get3A_117 = vector.load %arg5[%get3A_115, %get3A_116] : memref<512x512xf32, #tpu.memory_space<vmem>>, vector<128x512xf32>
    %convert_element_type3A_118 = arith.truncf %get3A_117 : vector<128x512xf32> to vector<128x512xbf16>
    %dot_general3A_119 = arith.constant dense<0.000000e+00> : vector<400x512xf32>
    %dot_general3A_120 = tpu.matmul %convert_element_type3A_114, %convert_element_type3A_118, %dot_general3A_119 {dimension_numbers = #tpu.dot_dimension_numbers<[1], [0], [0], [1], [0, 0, 1, 1], [], []>, transpose_lhs_hint = false} : vector<400x128xbf16>, vector<128x512xbf16>, vector<400x512xf32> -> vector<400x512xf32>
    %add3A_121 = arith.addf %add3A_90, %dot_general3A_120 : vector<400x512xf32>
    %get3A_122 = arith.constant 0 : index
    %get3A_123 = arith.constant 0 : index
    %get3A_124 = vector.load %arg6[%get3A_122, %get3A_123] : memref<16x16xf32, #tpu.memory_space<vmem>>, vector<16x16xf32>
    %get3A_125 = arith.constant 0 : index
    %get3A_126 = arith.constant 0 : index
    %get3A_127 = vector.load %arg7[%get3A_125, %get3A_126] : memref<16x512xf32, #tpu.memory_space<vmem>>, vector<16x512xf32>
    %dot_general3A_128 = arith.constant dense<0.000000e+00> : vector<16x512xf32>
    %dot_general3A_129 = tpu.matmul %get3A_124, %get3A_127, %dot_general3A_128 {dimension_numbers = #tpu.dot_dimension_numbers<[1], [0], [0], [1], [0, 0, 1, 1], [], []>, transpose_lhs_hint = false} : vector<16x16xf32>, vector<16x512xf32>, vector<16x512xf32> -> vector<16x512xf32>
    %get3A_130 = arith.constant 0 : index
    %get3A_131 = arith.constant 0 : index
    %get3A_132 = vector.load %arg8[%get3A_130, %get3A_131] : memref<1x512xf32, #tpu.memory_space<vmem>>, vector<1x512xf32>
    %add3A_133 = vector.broadcast %get3A_132 : vector<1x512xf32> to vector<16x512xf32>
    %add3A_134 = arith.addf %dot_general3A_129, %add3A_133 : vector<16x512xf32>
    %convert_element_type3A_135 = arith.truncf %add3A_134 : vector<16x512xf32> to vector<16x512xbf16>
    %get3A_136 = arith.constant 0 : index
    %get3A_137 = arith.constant 0 : index
    %get3A_138 = vector.load %arg9[%get3A_136, %get3A_137] : memref<512x512xf32, #tpu.memory_space<vmem>>, vector<512x512xf32>
    %convert_element_type3A_139 = arith.truncf %get3A_138 : vector<512x512xf32> to vector<512x512xbf16>
    %dot_general3A_140 = arith.constant dense<0.000000e+00> : vector<16x512xf32>
    %dot_general3A_141 = tpu.matmul %convert_element_type3A_135, %convert_element_type3A_139, %dot_general3A_140 {dimension_numbers = #tpu.dot_dimension_numbers<[1], [0], [0], [1], [0, 0, 1, 1], [], []>, transpose_lhs_hint = false} : vector<16x512xbf16>, vector<512x512xbf16>, vector<16x512xf32> -> vector<16x512xf32>
    %get3A_142 = arith.constant 0 : index
    %get3A_143 = arith.constant 0 : index
    %get3A_144 = vector.load %arg10[%get3A_142, %get3A_143] : memref<1x512xf32, #tpu.memory_space<vmem>>, vector<1x512xf32>
    %add3A_145 = vector.broadcast %get3A_144 : vector<1x512xf32> to vector<16x512xf32>
    %add3A_146 = arith.addf %dot_general3A_141, %add3A_145 : vector<16x512xf32>
    %iota3A = tpu.iota {dimensions = array<i32: 1>} : vector<400x16xi32>
    %get3A_147 = arith.constant 0 : index
    %get3A_148 = arith.constant 0 : index
    %get3A_149 = vector.load %arg11[%get3A_147, %get3A_148] : memref<400x1xi32, #tpu.memory_space<vmem>>, vector<400x1xi32>
    %eq3A = vector.broadcast %get3A_149 : vector<400x1xi32> to vector<400x16xi32>
    %eq3A_150 = arith.cmpi eq, %eq3A, %iota3A : vector<400x16xi32>
    %convert_element_type3A_151 = arith.extui %eq3A_150 : vector<400x16xi1> to vector<400x16xi32>
    %convert_element_type3A_152 = arith.sitofp %convert_element_type3A_151 : vector<400x16xi32> to vector<400x16xf32>
    %dot_general3A_153 = arith.constant dense<0.000000e+00> : vector<400x512xf32>
    %dot_general3A_154 = tpu.matmul %convert_element_type3A_152, %add3A_146, %dot_general3A_153 {dimension_numbers = #tpu.dot_dimension_numbers<[1], [0], [0], [1], [0, 0, 1, 1], [], []>, transpose_lhs_hint = false} : vector<400x16xf32>, vector<16x512xf32>, vector<400x512xf32> -> vector<400x512xf32>
    %add3A_155 = arith.addf %add3A_121, %dot_general3A_154 : vector<400x512xf32>
    %max3A_156 = arith.constant 0.000000e+00 : f32
    %max3A_157 = vector.broadcast %max3A_156 : f32 to vector<400x512xf32>
    %max3A_158 = arith.maximumf %add3A_155, %max3A_157 : vector<400x512xf32>
    %convert_element_type3A_159 = arith.truncf %max3A_158 : vector<400x512xf32> to vector<400x512xbf16>
    %get3A_160 = arith.constant 0 : index
    %get3A_161 = arith.constant 0 : index
    %get3A_162 = vector.load %arg12[%get3A_160, %get3A_161] : memref<512x4xf32, #tpu.memory_space<vmem>>, vector<512x4xf32>
    %convert_element_type3A_163 = arith.truncf %get3A_162 : vector<512x4xf32> to vector<512x4xbf16>
    %dot_general3A_164 = arith.constant dense<0.000000e+00> : vector<400x4xf32>
    %dot_general3A_165 = tpu.matmul %convert_element_type3A_159, %convert_element_type3A_163, %dot_general3A_164 {dimension_numbers = #tpu.dot_dimension_numbers<[1], [0], [0], [1], [0, 0, 1, 1], [], []>, transpose_lhs_hint = false} : vector<400x512xbf16>, vector<512x4xbf16>, vector<400x4xf32> -> vector<400x4xf32>
    %get3A_166 = arith.constant 0 : index
    %get3A_167 = arith.constant 0 : index
    %get3A_168 = vector.load %arg13[%get3A_166, %get3A_167] : memref<1x4xf32, #tpu.memory_space<vmem>>, vector<1x4xf32>
    %add3A_169 = vector.broadcast %get3A_168 : vector<1x4xf32> to vector<400x4xf32>
    %add3A_170 = arith.addf %dot_general3A_165, %add3A_169 : vector<400x4xf32>
    %swap3A = arith.constant 0 : index
    %swap3A_171 = arith.constant 0 : index
    %swap3A_172 = vector.load %arg14[%swap3A, %swap3A_171] : memref<400x4xf32, #tpu.memory_space<vmem>>, vector<400x4xf32>
    tpu.vector_store %arg14[%swap3A, %swap3A_171], %add3A_170 {strides = array<i32>} : memref<400x4xf32, #tpu.memory_space<vmem>>, vector<400x4xf32>,
    return
  }
  func.func @transform_0(%arg0: i32) -> (i32, i32, i32) {
    %c0_i32 = arith.constant 0 : i32
    %c0_i32_0 = arith.constant 0 : i32
    %c0_i32_1 = arith.constant 0 : i32
    return %c0_i32, %arg0, %c0_i32_0 : i32, i32, i32
  }
  func.func @transform_1(%arg0: i32) -> (i32, i32, i32) {
    %c0_i32 = arith.constant 0 : i32
    %c0_i32_0 = arith.constant 0 : i32
    %c0_i32_1 = arith.constant 0 : i32
    return %c0_i32, %arg0, %c0_i32_0 : i32, i32, i32
  }
  func.func @transform_2(%arg0: i32) -> (i32, i32) {
    %c0_i32 = arith.constant 0 : i32
    %c0_i32_0 = arith.constant 0 : i32
    return %arg0, %c0_i32 : i32, i32
  }
  func.func @transform_3(%arg0: i32) -> (i32, i32, i32) {
    %c0_i32 = arith.constant 0 : i32
    %c0_i32_0 = arith.constant 0 : i32
    %c0_i32_1 = arith.constant 0 : i32
    %c0_i32_2 = arith.constant 0 : i32
    return %c0_i32, %c0_i32_0, %c0_i32_1 : i32, i32, i32
  }
  func.func @transform_4(%arg0: i32) -> (i32, i32) {
    %c0_i32 = arith.constant 0 : i32
    %c0_i32_0 = arith.constant 0 : i32
    %c0_i32_1 = arith.constant 0 : i32
    return %c0_i32, %c0_i32_0 : i32, i32
  }
  func.func @transform_5(%arg0: i32) -> (i32, i32) {
    %c0_i32 = arith.constant 0 : i32
    %c0_i32_0 = arith.constant 0 : i32
    %c0_i32_1 = arith.constant 0 : i32
    return %c0_i32, %c0_i32_0 : i32, i32
  }
  func.func @transform_6(%arg0: i32) -> (i32, i32) {
    %c0_i32 = arith.constant 0 : i32
    %c0_i32_0 = arith.constant 0 : i32
    %c0_i32_1 = arith.constant 0 : i32
    return %c0_i32, %c0_i32_0 : i32, i32
  }
  func.func @transform_7(%arg0: i32) -> (i32, i32) {
    %c0_i32 = arith.constant 0 : i32
    %c0_i32_0 = arith.constant 0 : i32
    %c0_i32_1 = arith.constant 0 : i32
    return %c0_i32, %c0_i32_0 : i32, i32
  }
  func.func @transform_8(%arg0: i32) -> (i32, i32) {
    %c0_i32 = arith.constant 0 : i32
    %c0_i32_0 = arith.constant 0 : i32
    %c0_i32_1 = arith.constant 0 : i32
    return %c0_i32, %c0_i32_0 : i32, i32
  }
  func.func @transform_9(%arg0: i32) -> (i32, i32) {
    %c0_i32 = arith.constant 0 : i32
    %c0_i32_0 = arith.constant 0 : i32
    %c0_i32_1 = arith.constant 0 : i32
    return %c0_i32, %c0_i32_0 : i32, i32
  }
  func.func @transform_10(%arg0: i32) -> (i32, i32) {
    %c0_i32 = arith.constant 0 : i32
    %c0_i32_0 = arith.constant 0 : i32
    return %arg0, %c0_i32 : i32, i32
  }
  func.func @transform_11(%arg0: i32) -> (i32, i32) {
    %c0_i32 = arith.constant 0 : i32
    %c0_i32_0 = arith.constant 0 : i32
    %c0_i32_1 = arith.constant 0 : i32
    return %c0_i32, %c0_i32_0 : i32, i32
  }
  func.func @transform_12(%arg0: i32) -> (i32, i32) {
    %c0_i32 = arith.constant 0 : i32
    %c0_i32_0 = arith.constant 0 : i32
    %c0_i32_1 = arith.constant 0 : i32
    return %c0_i32, %c0_i32_0 : i32, i32
  }
  func.func @transform_13(%arg0: i32) -> (i32, i32) {
    %c0_i32 = arith.constant 0 : i32
    %c0_i32_0 = arith.constant 0 : i32
    return %arg0, %c0_i32 : i32, i32
  }
}

</mosaic_0001>

<sc_bundles>
// kernel: kernel.11.cloned.1.call-start
scs
__scs_entry_jumppad:
0x0: {  	(pc) =	sbr.rel $0x88, $3  }
0x1: {  	(tag) =	ssettag $0x0;
	lr =	simm.s32 $0x1  }
0x2: {  	[smem:$0x3F93] =	sst lr;
	_ =	strace $0xD0000000  }
0x3: {  	_ = 	snop  }
0x4: {  	_ = 	snop  }
0x5: {  	_ = 	snop  }
0x6: {  	_ = 	snop  }
0x7: {  	_ = 	snop  }
__scs_overlays_trampoline_lowered:
0x8: {  	[smem:$0x3FA2] =	sst s0  }
0x9: {  	[smem:$0x3FA3] =	sst s1  }
0xa: {  	[smem:$0x3FA4] =	sst s2  }
0xb: {  	[smem:$0x3FA5] =	sst s3  }
0xc: {  	[smem:$0x3FA6] =	sst s4  }
0xd: {  	[smem:$0x3FA7] =	sst s5  }
0xe: {  	[smem:$0x3FA8] =	sst s6  }
0xf: {  	[smem:$0x3FA9] =	sst s7  }
0x10: {  	[smem:$0x3FAA] =	sst s8  }
0x11: {  	[smem:$0x3FAB] =	sst s9;
	s0 =	simm.s32 @!p0 $0x0  }
0x12: {  	s1 =	sld [smem:$0x3F91];
	s0 =	simm.s32 @p0 $0x1  }
0x13: {  	[smem:$0x3FAC] =	sst s0;
	s0 =	simm.s32 @!p1 $0x0  }
0x14: {  	s2 =	sld [smem:$0x3F90];
	s0 =	simm.s32 @p1 $0x1  }
0x15: {  	[smem:$0x3FAD] =	sst s0;
	s0 =	simm.s32 @!p2 $0x0  }
0x16: {  	s3 =	sld [smem:$0x3FDB];
	s0 =	simm.s32 @p2 $0x1  }
0x17: {  	s4 =	simm.s32 $0x1BF5;
	[smem:$0x3FAF] =	sst s0  }
0x18: {  	s0 =	sld [smem:$0x3F92];
	_ =	swait.ge [sflag:s4], $0x0  }
0x19: {  	s7 =	sld [smem:$0x3F93]  }
0x1a: {  	s8 =	sadd.s32 $0xFFFFE003, lr  }
0x1b: {  	s9 =	sadd.s32 $0xFFFFFEF7, lr;
	s5 =	simm.s32 $0xFFFFFFFF;
	p2 =	slt.u32 s8, $0xFFFFF086  }
0x1c: {  	p1 =	slt.u32 s9, $0xF7A;
	s5 =	simm.s32 @!p2 $0x0  }
0x1d: {  	s5 =	simm.s32 @p1 $0x1;
	p0 =	seq.s32 s7, s2  }
0x1e: {  	s7 =	smul.u32 @!p0 $0xF7A, s2;
	p2 =	seq.s32 @!p0 s5, $0x0  }
0x1f: {  	s9 =	smul.u32 $0xF7A, s1;
	s8 =	simm.s32 @!p0 $0x1BF5;
	p2 =	por !p2, p0  }
0x20: {  	[sflag:s8] =	ssyncset.s32 @!p0 $0xFFFFF086;
	s6 =	sadd.s32 @!p0 s3, s7;
	s7 =	simm.s32 @!p0 $0x108  }
0x21: {  	s3 =	sadd.s32 s3, s9;
	s6 =	sadd.s32 @!p0 $0x88, s6;
	s7 =	simm.s32 @p2 $0x1082  }
0x22: {  	[simem:s7], [sflag:s8] =	dma.local @!p0 [hbm:s6], $0xF7A  }
0x23: {  	s9 =	sor.u32 $0xD0000000, s2;
	s6 =	simm.s32 $0x108;
	_ =	swait.ge @!p0 [sflag:s8], $0x0  }
0x24: {  	s3 =	sadd.s32 $0x88, s3;
	s6 =	simm.s32 @!p1 $0x1082;
	[sflag:s4] =	ssyncset.s32 $0xFFFFF086  }
0x25: {  	[simem:s6], [sflag:s4] =	dma.local [hbm:s3], $0xF7A  }
0x26: {  	[smem:$0x3F93] =	sst s1;
	(tag) =	ssettag s2;
	_ =	strace s9  }
0x27: {  	s1 =	sld [smem:$0x3FA3]  }
0x28: {  	s2 =	sld [smem:$0x3FA4]  }
0x29: {  	s4 =	sld [smem:$0x3FA6]  }
0x2a: {  	p0 =	seq.s32 s5, $0x0;
	s5 =	sld [smem:$0x3FA7]  }
0x2b: {  	s6 =	sld [smem:$0x3FA8]  }
0x2c: {  	s7 =	sld [smem:$0x3FA9]  }
0x2d: {  	s3 =	simm.s32 $0x108;
	s8 =	sld [smem:$0x3FAA]  }
0x2e: {  	s3 =	simm.s32 @!p0 $0x1082;
	s9 =	sld [smem:$0x3FAB]  }
0x2f: {  	lr =	sadd.s32 s0, s3;
	s0 =	sld [smem:$0x3FA2]  }
0x30: {  	s3 =	sld [smem:$0x3FA5]  }
0x31: {  	[smem:$0x3FAE] =	sst s10  }
0x32: {  	s10 =	sld [smem:$0x3FAC];
	_ =	sdelay $0x3  }
0x33: {  	p0 =	seq.s32 s10, $0x1;
	s10 =	sld [smem:$0x3FAE];
	_ =	sdelay $0x3  }
0x34: {  	[smem:$0x3FAE] =	sst s10  }
0x35: {  	s10 =	sld [smem:$0x3FAD];
	_ =	sdelay $0x3  }
0x36: {  	p1 =	seq.s32 s10, $0x1;
	s10 =	sld [smem:$0x3FAE];
	_ =	sdelay $0x3  }
0x37: {  	[smem:$0x3FAE] =	sst s10  }
0x38: {  	s10 =	sld [smem:$0x3FAF]  }
0x39: {  	_ = 	snop;
	(pc) =	sbr.ind lr, $3  }
0x3a: {  	_ = 	snop  }
0x3b: {  	_ = 	snop  }
0x3c: {  	p2 =	seq.s32 s10, $0x1;
	s10 =	sld [smem:$0x3FAE]  }
0x3d: {  	_ =	shalt  }
0x3e: {  	_ =	shalt  }
0x3f: {  	_ =	shalt  }
0x40: {  	_ =	shalt  }
0x41: {  	_ =	shalt  }
0x42: {  	_ =	shalt  }
0x43: {  	_ =	shalt  }
0x44: {  	_ =	shalt  }
0x45: {  	_ =	shalt  }
0x46: {  	_ =	shalt  }
0x47: {  	_ =	shalt  }
0x48: {  	_ =	shalt  }
0x49: {  	_ =	shalt  }
0x4a: {  	_ =	shalt  }
0x4b: {  	_ =	shalt  }
0x4c: {  	_ =	shalt  }
0x4d: {  	_ =	shalt  }
0x4e: {  	_ =	shalt  }
0x4f: {  	_ =	shalt  }
0x50: {  	_ =	shalt  }
0x51: {  	_ =	shalt  }
0x52: {  	_ =	shalt  }
0x53: {  	_ =	shalt  }
0x54: {  	_ =	shalt  }
0x55: {  	_ =	shalt  }
0x56: {  	_ =	shalt  }
0x57: {  	_ =	shalt  }
0x58: {  	_ =	shalt  }
0x59: {  	_ =	shalt  }
0x5a: {  	_ =	shalt  }
0x5b: {  	_ =	shalt  }
0x5c: {  	_ =	shalt  }
0x5d: {  	_ =	shalt  }
0x5e: {  	_ =	shalt  }
0x5f: {  	_ =	shalt  }
0x60: {  	_ =	shalt  }
0x61: {  	_ =	shalt  }
0x62: {  	_ =	shalt  }
0x63: {  	_ =	shalt  }
0x64: {  	_ =	shalt  }
0x65: {  	_ =	shalt  }
0x66: {  	_ =	shalt  }
0x67: {  	_ =	shalt  }
0x68: {  	_ =	shalt  }
0x69: {  	_ =	shalt  }
0x6a: {  	_ =	shalt  }
0x6b: {  	_ =	shalt  }
0x6c: {  	_ =	shalt  }
0x6d: {  	_ =	shalt  }
0x6e: {  	_ =	shalt  }
0x6f: {  	_ =	shalt  }
0x70: {  	_ =	shalt  }
0x71: {  	_ =	shalt  }
0x72: {  	_ =	shalt  }
0x73: {  	_ =	shalt  }
0x74: {  	_ =	shalt  }
0x75: {  	_ =	shalt  }
0x76: {  	_ =	shalt  }
0x77: {  	_ =	shalt  }
0x78: {  	_ =	shalt  }
0x79: {  	_ =	shalt  }
0x7a: {  	_ =	shalt  }
0x7b: {  	_ =	shalt  }
0x7c: {  	_ =	shalt  }
0x7d: {  	_ =	shalt  }
0x7e: {  	_ =	shalt  }
0x7f: {  	_ =	shalt  }
0x80: {  	_ =	shalt  }
0x81: {  	_ =	shalt  }
0x82: {  	_ =	shalt  }
0x83: {  	_ =	shalt  }
0x84: {  	_ =	shalt  }
0x85: {  	_ =	shalt  }
0x86: {  	_ =	shalt  }
0x87: {  	_ =	shalt  }
.Lfunc_end0:
.L_simem_size_0:
called_computation.1_lowered:
.L_overlay_start_0:
0x88: {  	s2 =	sld [smem:$0x3FD9]  }
0x89: {  	s3 =	sld [smem:$0x3FFE];
	_ =	sdelay $0x1  }
0x8a: {  	s1 =	srdreg.scid  }
0x8b: {  	s0 =	sand.u32 $0x1, s1  }
0x8c: {  	s16 =	sshll.u32 s0, $0xA;
	s2 =	sadd.s32 s3, s2  }
0x8d: {  	s2 =	sadd.s32 s2, s16  }
0x8e: {  	[smem:$0x3FBA] =	sst s2  }
0x8f: {  	_ = 	snop  }
0x90: {  	(tm) =	ssettm $0x1  }
0x91: {  	s17 =	sld [smem:$0x3FFB];
	_ =	sdelay $0x3  }
0x92: {  	_ =	strace s17  }
0x93: {  	s2 =	sld [smem:$0x3FFC];
	_ =	sdelay $0x3  }
0x94: {  	_ =	strace s2  }
0x95: {  	s2 =	sld [smem:$0x3FFD];
	_ =	sdelay $0x3  }
0x96: {  	_ =	strace s2  }
0x97: {  	_ =	strace $0x8FFFFFFF  }
0x98: {  	s18 =	sld [smem:$0x3FDB];
	_ =	sdelay $0x1  }
0x99: {  	s19 =	simm.s32 $_scs_section_size  }
0x9a: {  	s4 =	simm.s32 $_size__tile_overlayer_lowered;
	s5 =	simm.s32 $_tile_overlayer_lowered  }
0x9b: {  	s22 =	simm.s32 $0x1BFF;
	s21 =	sshll.u32 s5, $0x1;
	s2 =	sadd.s32 s19, s18  }
0x9c: {  	s6 =	simm.s32 $0x0;
	s20 =	sshll.u32 s4, $0x1;
	s4 =	sadd.s32 s21, s2  }
0x9d: {  	[timem:s6], [sflag:s22] =	dma.local [hbm:s4], s20  }
0x9e: {  	_ =	swait.ge [sflag:s22], s20  }
0x9f: {  	s3 =	ssub.s32 $0x0, s20;
	[sflag:s22] =	ssyncset.done $0x0  }
0xa0: {  	[sflag:s22] =	ssyncadd.s32 s3;
	_ =	sdelay $0x1  }
0xa1: {  	s23 =	simm.s32 $0x1B8B  }
0xa2: {  	_ =	swait.ge [sflag:s23], $0x1  }
0xa3: {  	[sflag:s23] =	ssyncset.done $0x0  }
0xa4: {  	s25 =	simm.s32 $0x1B8E;
	s24 =	sld [smem:$0x3FFE];
	[sflag:s23] =	ssyncadd.s32 $0xFFFFFFFF  }
0xa5: {  	s26 =	simm.s32 $execute0_lowered;
	[smem:$0x3FD2] =	sst s25  }
0xa6: {  	s4 =	sshll.u32 s26, $0x1;
	_ =	strace $0x80000049;
	[dreg:$0x1] =	wrdreg $0xFFFFFFFF  }
0xa7: {  	s28 =	simm.s32 $_size_execute0_lowered;
	s2 =	sadd.s32 s2, s4;
	[dreg:$0x0] =	wrdreg $0x0  }
0xa8: {  	s4 =	sshll.u32 s28, $0x1;
	[dreg:$0x2] =	wrdreg s2  }
0xa9: {  	[dreg:$0x3] =	wrdreg s4  }
0xaa: {  	[dreg:$0x4] =	wrdreg $0xC0  }
0xab: {  	_ =	task [dreg:s6], $0x5FFFF  }
0xac: {  	[dreg:$0x1] =	wrdreg $0xFFFFFFFF  }
0xad: {  	[dreg:$0x0] =	wrdreg $0x60  }
0xae: {  	[dreg:$0x2] =	wrdreg s24  }
0xaf: {  	[dreg:$0x3] =	wrdreg $0x82000  }
0xb0: {  	[dreg:$0x4] =	wrdreg $0x9  }
0xb1: {  	_ =	task.clear_ibuf [dreg:s6], $0x5FFFF;
	_ =	strace $0x90000049  }
0xb2: {  	s29 =	simm.s32 $0x9;
	_ =	strace $0x8000004B  }
0xb3: {  	_ =	swait.ge [sflag:s29], $0x1  }
0xb4: {  	[sflag:s29] =	ssyncadd.s32 $0xFFFFFFFF  }
0xb5: {  	_ =	strace $0x9000004B  }
0xb6: {  	_ =	sfence  }
0xb7: {  	s30 =	sld [smem:$0x0];
	_ =	sdelay $0x2  }
0xb8: {  	s31 =	sshll.u32 s1, $0xD;
	s1 =	sshrl.u32 s1, $0x2  }
0xb9: {  	s3 =	sand.u32 $0x4000, s31;
	s1 =	sadd.s32 s1, s30  }
0xba: {  	s0 =	sor.u32 s3, s0;
	s1 =	sshll.u32 s1, $0x11  }
0xbb: {  	s0 =	sor.u32 s1, s0  }
0xbc: {  	s0 =	sadd.s32 $0x8F2B, s0  }
0xbd: {  	[sflag:s0] =	ssyncadd.remote.s32 $0x1  }
0xbe: {  	_ =	sfence.sel $0xFFFF  }
0xbf: {  	[dreg:$0x0] =	wrdreg $0xFFFFFFFF;
	(pc) =	sbr.abs _section_cstart, $3  }
0xc0: {  	[dreg:$0x1] =	wrdreg $0xFFFFFFFF  }
0xc1: {  	_ =	task.clear_ibuf [dreg:s6], $0x2FFFF;
	_ =	strace $0x9FFFFFFF  }
0xc2: {  	(tm) =	ssettm $0x7FFFFFFF  }
0xc3: {  	_ =	shalt  }
tec
execute0_lowered:
.L_overlay_start_1:
0x0: {  	(tag) =	ssettag $0x1  }
0x1: {  	s0 =	rddreg [dreg:$0x0]  }
0x2: {  	s1 =	rddreg [dreg:$0x1];
	s2 =	simm.s32 $0x0  }
0x3: {  	s3 =	srdreg.scid;
	s20 =	stileid.u32;
	s21 =	simm.s32 $0x100  }
0x4: {  	s22 =	simm.s32 $0x80;
	s23 =	simm.s32 $0x180;
	s24 =	simm.s32 $0x3  }
0x5: {  	s29 =	simm.s32 $0x2;
	s30 =	simm.s32 $0x0;
	s5 =	smul.u32 $0x50000, s20  }
0x6: {  	[smem:$0x7FF] =	sst s2;
	s4 =	sadd.s32 $0xC200, s0;
	s10 =	smul.u32 $0x2800, s20  }
0x7: {  	s14 =	sadd.s32 $0x7200, s0;
	s3 =	sand.u32 $0x1, s3;
	s13 =	smul.u32 $0x280, s20  }
0x8: {  	s17 =	sadd.s32 $0x2200, s0;
	s0 =	sadd.s32 $0xAC200, s0;
	s20 =	smul.u32 $0x500, s20  }
0x9: {  	_ =	strace $0x8000004A;
	s6 =	ssub.s32 $0x2, s3;
	s3 =	smul.u32 $0x2800, s3  }
0xa: {  	s7 =	sshrl.u32 s6, $0x1;
	s5 =	sshrl.u32 s5, $0x2;
	s12 =	sshrl.u32 s10, $0x3  }
0xb: {  	s16 =	ssub.s32 s6, s7;
	s5 =	sadd.s32 s5, s1;
	s10 =	sadd.s32 s14, s12  }
0xc: {  	s11 =	sadd.s32 s17, s12;
	s15 =	sor.u32 $0x10, s12;
	s18 =	sadd.s32 s13, s3  }
0xd: {  	s28 =	sadd.s32 $0x5000, s3;
	s6 =	sadd.s32 $0x4000, s5;
	s7 =	sadd.s32 $0x8000, s5  }
0xe: {  	s8 =	sadd.s32 $0xC000, s5;
	s9 =	sadd.s32 $0x10000, s5;
	s12 =	sadd.s32 s14, s15  }
0xf: {  	s18 =	sshll.u32 s18, $0x4;
	s19 =	sadd.s32 s13, s28;
	s13 =	sadd.s32 s17, s15  }
.Ltmp0:
0x10: {  	s31 =	smax.u32 s16, $0x1;
	s17 =	sadd.s32 s20, s17;
	(pc) =	sbr.rel .LBB2_1-.Ltmp0, $4  }
0x11: {  	v1 =	vmov s28;
	s28 =	simm.s32 $0x1;
	s25 =	sadd.s32 s0, s18;
	s26 =	sshll.u32 s19, $0x4  }
0x12: {  	[dreg:$0x5] =	wrdreg s31;
	s18 =	sadd.s32 s20, s14;
	s19 =	simm.s32 $0x200  }
0x13: {  	s20 =	simm.s32 $0x5;
	[dreg:$0x3] =	wrdreg s25;
	s0 =	sadd.s32 s0, s26  }
0x14: {  	v2 =	vimm.f32 $0.0e+00;
	v0 =	vmov s3;
	s25 =	simm.s32 $0x4;
	s26 =	simm.s32 $0x4200;
	[dreg:$0x4] =	wrdreg s0  }
.LBB2_11:
0x15: {  	_ =	swait.ge [sflag:s29], $0x4000  }
0x16: {  	[sflag:s29] =	ssyncset.done $0x0  }
0x17: {  	[sflag:s29] =	ssyncadd.s32 $0xFFFFC000  }
0x18: {  	[spmem:s1] =	stream.indirect.scatter.add.f32 [tilespmem:s26], [sflag:$0x5], $0x80, s23, s22, $0xb8;
	[tilespmem:$0x1C200] =	vst v63  }
0x19: {  	_ =	swait.ge [sflag:s20], $0x4000  }
0x1a: {  	[sflag:s20] =	ssyncset.done $0x0  }
0x1b: {  	[sflag:s20] =	ssyncadd.s32 $0xFFFFC000  }
0x1c: {  	[bflag:$0x0] =	sbarrier.arrive $0xFFFF  }
0x1d: {  	s3 =	rddreg [dreg:$0x4]  }
0x1e: {  	[hbm:s3], [sflag:s31] =	dma.local [spmem:s0], $0x2800  }
0x1f: {  	_ =	swait.ge [sflag:s20], $0x2800  }
0x20: {  	s30 =	sadd.s32 $0x1, s30;
	s31 =	rddreg [dreg:$0x5]  }
0x21: {  	p0 =	sne.s32 s30, s31  }
.Ltmp1:
0x22: {  	_ = 	snop;
	(pc) =	sbr.rel @!p0 .LBB2_12-.Ltmp1, $3  }
0x23: {  	[sflag:s20] =	ssyncset.done $0x0  }
0x24: {  	[sflag:s20] =	ssyncadd.s32 $0xFFFFD800  }
0x25: {  	[bflag:$0x0] =	sbarrier.arrive $0xFFFF;
	_ =	sdelay $0x1  }
.LBB2_1:
0x26: {  	s0 =	simm.s32 $0x0;
	s3 =	simm.s32 $0x200  }
.LBB2_2:
0x27: {  	p0 =	sne.s32 s3, $0xFE00;
	[tilespmem:s0+$0x270] =	vst v2  }
0x28: {  	[tilespmem:s0+$0x200] =	vst v2  }
0x29: {  	[tilespmem:s0+$0x210] =	vst v2  }
.Ltmp2:
0x2a: {  	[tilespmem:s0+$0x220] =	vst v2;
	(pc) =	sbr.rel @p0 .LBB2_2-.Ltmp2, $4  }
0x2b: {  	[tilespmem:s0+$0x230] =	vst v2  }
0x2c: {  	[tilespmem:s0+$0x240] =	vst v2  }
0x2d: {  	[tilespmem:s0+$0x250] =	vst v2  }
0x2e: {  	[tilespmem:s0+$0x260] =	vst v2;
	s0 =	sshra.s32 s3, $0x2;
	s3 =	sadd.s32 $0x200, s3  }
0x2f: {  	[tilespmem:s0+$0x270] =	vst v2  }
0x30: {  	[tilespmem:s0+$0x200] =	vst v2  }
0x31: {  	[tilespmem:s0+$0x210] =	vst v2  }
0x32: {  	[tilespmem:s0+$0x220] =	vst v2  }
0x33: {  	[tilespmem:s0+$0x230] =	vst v2  }
0x34: {  	[tilespmem:s0+$0x240] =	vst v2  }
0x35: {  	[tilespmem:s0+$0x250] =	vst v2  }
0x36: {  	[tilespmem:s0+$0x260] =	vst v2  }
0x37: {  	[spmem:s5] =	stream.linear.scatter [tilespmem:s19], [sflag:$0x5], $0x4000, $0x38;
	[tilespmem:$0x1C200] =	vst v63  }
0x38: {  	_ =	swait.ge [sflag:s20], $0x4000  }
0x39: {  	[sflag:s20] =	ssyncset.done $0x0  }
0x3a: {  	[sflag:s20] =	ssyncadd.s32 $0xFFFFC000  }
0x3b: {  	[spmem:s6] =	stream.linear.scatter [tilespmem:s19], [sflag:$0x5], $0x4000, $0x38;
	[tilespmem:$0x1C200] =	vst v63  }
0x3c: {  	_ =	swait.ge [sflag:s20], $0x4000  }
0x3d: {  	[sflag:s20] =	ssyncset.done $0x0  }
0x3e: {  	[sflag:s20] =	ssyncadd.s32 $0xFFFFC000  }
0x3f: {  	[spmem:s7] =	stream.linear.scatter [tilespmem:s19], [sflag:$0x5], $0x4000, $0x38;
	[tilespmem:$0x1C200] =	vst v63  }
0x40: {  	_ =	swait.ge [sflag:s20], $0x4000  }
0x41: {  	[sflag:s20] =	ssyncset.done $0x0  }
0x42: {  	[sflag:s20] =	ssyncadd.s32 $0xFFFFC000  }
0x43: {  	[spmem:s8] =	stream.linear.scatter [tilespmem:s19], [sflag:$0x5], $0x4000, $0x38;
	[tilespmem:$0x1C200] =	vst v63  }
0x44: {  	_ =	swait.ge [sflag:s20], $0x4000  }
0x45: {  	[sflag:s20] =	ssyncset.done $0x0  }
0x46: {  	[sflag:s20] =	ssyncadd.s32 $0xFFFFC000  }
0x47: {  	[spmem:s9] =	stream.linear.scatter [tilespmem:s19], [sflag:$0x5], $0x4000, $0x38;
	[tilespmem:$0x1C200] =	vst v63  }
0x48: {  	_ =	swait.ge [sflag:s20], $0x4000  }
0x49: {  	[sflag:s20] =	ssyncset.done $0x0  }
0x4a: {  	[sflag:s20] =	ssyncadd.s32 $0xFFFFC000  }
0x4b: {  	[bflag:$0x0] =	sbarrier.arrive $0xFFFF  }
0x4c: {  	[tilespmem:s2], [sflag:$0x3] =	stream.linear.gather [hbm4b:s10+s2], $0x80, $0x38;
	[tilespmem:$0x1C200] =	vst v63  }
0x4d: {  	_ = 	snop  }
0x4e: {  	[tilespmem:s21], [sflag:$0x3] =	stream.linear.gather [hbm4b:s11+s2], $0x80, $0x38;
	[tilespmem:$0x1C200] =	vst v63  }
0x4f: {  	_ = 	snop  }
0x50: {  	[tilespmem:s22], [sflag:$0x4] =	stream.linear.gather [hbm4b:s12+s2], $0x80, $0x38;
	[tilespmem:$0x1C200] =	vst v63  }
0x51: {  	_ = 	snop  }
0x52: {  	[tilespmem:s23], [sflag:$0x4] =	stream.linear.gather [hbm4b:s13+s2], $0x80, $0x38;
	[tilespmem:$0x1C200] =	vst v63  }
0x53: {  	_ =	swait.ge [sflag:s24], $0x80  }
0x54: {  	[sflag:s24] =	ssyncset.done $0x0  }
0x55: {  	[sflag:s24] =	ssyncadd.s32 $0xFFFFFF80  }
0x56: {  	_ =	swait.ge [sflag:s24], $0x80  }
0x57: {  	[sflag:s24] =	ssyncset.done $0x0  }
0x58: {  	[sflag:s24] =	ssyncadd.s32 $0xFFFFFF80  }
0x59: {  	v3 =	vld [tilespmem:$0x0]  }
0x5a: {  	v4 =	vld [tilespmem:$0x10]  }
0x5b: {  	v5 =	vld [tilespmem:$0x20]  }
0x5c: {  	v6 =	vld [tilespmem:$0x30]  }
0x5d: {  	v7 =	vld [tilespmem:$0x40]  }
0x5e: {  	v8 =	vld [tilespmem:$0x50];
	v3 =	vadd.s32 v0, v3  }
0x5f: {  	v62 =	vld [tilespmem:$0x60];
	[tilespmem:$0x0] =	vst v3;
	v3 =	vadd.s32 v0, v4  }
0x60: {  	v63 =	vld [tilespmem:$0x70];
	[tilespmem:$0x10] =	vst v3;
	v3 =	vadd.s32 v0, v5  }
0x61: {  	[tilespmem:$0x20] =	vst v3;
	v3 =	vadd.s32 v0, v6  }
0x62: {  	[tilespmem:$0x30] =	vst v3;
	v3 =	vadd.s32 v0, v7  }
0x63: {  	[tilespmem:$0x40] =	vst v3;
	v3 =	vadd.s32 v0, v8  }
0x64: {  	[tilespmem:$0x50] =	vst v3;
	v3 =	vadd.s32 v0, v62  }
0x65: {  	[tilespmem:$0x60] =	vst v3;
	v3 =	vadd.s32 v0, v63  }
0x66: {  	s0 =	simm.s32 $0xFFFFFB20;
	[tilespmem:$0x70] =	vst v3  }
0x67: {  	[tilespmem:s19], [sflag:$0x1] =	stream.indirect.gather [hbm4b:s4+s22], $0x80, s2, s22, $0xb8;
	[tilespmem:$0x1C200] =	vst v63  }
.LBB2_4:
0x68: {  	_ =	swait.ge [sflag:s25], $0x80  }
0x69: {  	[sflag:s25] =	ssyncset.done $0x0  }
0x6a: {  	[sflag:s25] =	ssyncadd.s32 $0xFFFFFF80  }
0x6b: {  	_ =	swait.ge [sflag:s25], $0x80  }
0x6c: {  	[sflag:s25] =	ssyncset.done $0x0  }
0x6d: {  	[sflag:s25] =	ssyncadd.s32 $0xFFFFFF80  }
0x6e: {  	v3 =	vld [tilespmem:$0x80]  }
0x6f: {  	v4 =	vld [tilespmem:$0x90]  }
0x70: {  	v5 =	vld [tilespmem:$0xA0]  }
0x71: {  	v6 =	vld [tilespmem:$0xB0]  }
0x72: {  	v7 =	vld [tilespmem:$0xC0]  }
0x73: {  	v8 =	vld [tilespmem:$0xD0];
	v3 =	vadd.s32 v0, v3  }
0x74: {  	v62 =	vld [tilespmem:$0xE0];
	[tilespmem:$0x80] =	vst v3;
	v3 =	vadd.s32 v0, v4  }
0x75: {  	v63 =	vld [tilespmem:$0xF0];
	[tilespmem:$0x90] =	vst v3;
	v3 =	vadd.s32 v0, v5  }
0x76: {  	[tilespmem:$0xA0] =	vst v3;
	v3 =	vadd.s32 v0, v6  }
0x77: {  	[tilespmem:$0xB0] =	vst v3;
	v3 =	vadd.s32 v0, v7  }
0x78: {  	[tilespmem:$0xC0] =	vst v3;
	v3 =	vadd.s32 v0, v8  }
0x79: {  	[tilespmem:$0xD0] =	vst v3;
	v3 =	vadd.s32 v0, v62  }
0x7a: {  	[tilespmem:$0xE0] =	vst v3;
	v3 =	vadd.s32 v0, v63  }
0x7b: {  	[tilespmem:$0xF0] =	vst v3  }
0x7c: {  	[tilespmem:s26], [sflag:$0x2] =	stream.indirect.gather [hbm4b:s4+s22], $0x80, s22, s22, $0xb8;
	[tilespmem:$0x1C200] =	vst v63  }
0x7d: {  	_ =	swait.ge [sflag:s28], $0x4000  }
0x7e: {  	p0 =	seq.s32 s0, $0x0;
	[sflag:s28] =	ssyncset.done $0x0  }
.Ltmp3:
0x7f: {  	[sflag:s28] =	ssyncadd.s32 $0xFFFFC000;
	(pc) =	sbr.rel @p0 .LBB2_6-.Ltmp3, $4  }
0x80: {  	[spmem:s1] =	stream.indirect.scatter.add.f32 [tilespmem:s19], [sflag:$0x5], $0x80, s21, s22, $0xb8;
	[tilespmem:$0x1C200] =	vst v63  }
0x81: {  	_ =	swait.ge [sflag:s20], $0x4000  }
0x82: {  	[sflag:s20] =	ssyncset.done $0x0  }
0x83: {  	[sflag:s20] =	ssyncadd.s32 $0xFFFFC000  }
0x84: {  	s3 =	sadd.s32 s0, s18  }
0x85: {  	s16 =	sadd.s32 s0, s17;
	s14 =	sadd.s32 $0x500, s3  }
0x86: {  	[tilespmem:s2], [sflag:$0x3] =	stream.linear.gather [hbm4b:s14+s2], $0x80, $0x38;
	[tilespmem:$0x1C200] =	vst v63  }
0x87: {  	s31 =	sadd.s32 $0x500, s16  }
0x88: {  	[tilespmem:s21], [sflag:$0x3] =	stream.linear.gather [hbm4b:s31+s2], $0x80, $0x38;
	[tilespmem:$0x1C200] =	vst v63  }
0x89: {  	_ =	swait.ge [sflag:s24], $0x80  }
0x8a: {  	[sflag:s24] =	ssyncset.done $0x0  }
0x8b: {  	[sflag:s24] =	ssyncadd.s32 $0xFFFFFF80  }
0x8c: {  	_ =	swait.ge [sflag:s24], $0x80  }
0x8d: {  	[sflag:s24] =	ssyncset.done $0x0  }
0x8e: {  	[sflag:s24] =	ssyncadd.s32 $0xFFFFFF80  }
0x8f: {  	v3 =	vld [tilespmem:$0x0]  }
0x90: {  	v4 =	vld [tilespmem:$0x10]  }
0x91: {  	v5 =	vld [tilespmem:$0x20]  }
0x92: {  	v6 =	vld [tilespmem:$0x30]  }
0x93: {  	v7 =	vld [tilespmem:$0x40]  }
0x94: {  	v8 =	vld [tilespmem:$0x50];
	v3 =	vadd.s32 v0, v3  }
0x95: {  	v62 =	vld [tilespmem:$0x60];
	[tilespmem:$0x0] =	vst v3;
	v3 =	vadd.s32 v0, v4  }
0x96: {  	v63 =	vld [tilespmem:$0x70];
	[tilespmem:$0x10] =	vst v3;
	v3 =	vadd.s32 v0, v5  }
0x97: {  	[tilespmem:$0x20] =	vst v3;
	v3 =	vadd.s32 v0, v6  }
0x98: {  	[tilespmem:$0x30] =	vst v3;
	v3 =	vadd.s32 v0, v7  }
0x99: {  	[tilespmem:$0x40] =	vst v3;
	v3 =	vadd.s32 v0, v8  }
0x9a: {  	[tilespmem:$0x50] =	vst v3;
	v3 =	vadd.s32 v0, v62  }
0x9b: {  	[tilespmem:$0x60] =	vst v3;
	v3 =	vadd.s32 v0, v63  }
0x9c: {  	[tilespmem:$0x70] =	vst v3  }
0x9d: {  	[tilespmem:s19], [sflag:$0x1] =	stream.indirect.gather [hbm4b:s4+s22], $0x80, s2, s22, $0xb8;
	[tilespmem:$0x1C200] =	vst v63  }
0x9e: {  	_ =	swait.ge [sflag:s29], $0x4000  }
0x9f: {  	[sflag:s29] =	ssyncset.done $0x0  }
0xa0: {  	[sflag:s29] =	ssyncadd.s32 $0xFFFFC000  }
0xa1: {  	[spmem:s1] =	stream.indirect.scatter.add.f32 [tilespmem:s26], [sflag:$0x5], $0x80, s23, s22, $0xb8;
	[tilespmem:$0x1C200] =	vst v63  }
0xa2: {  	_ =	swait.ge [sflag:s20], $0x4000  }
.Ltmp4:
0xa3: {  	[sflag:s20] =	ssyncset.done $0x0;
	(pc) =	sbr.rel .LBB2_4-.Ltmp4, $4  }
0xa4: {  	s3 =	sadd.s32 $0x510, s3;
	[sflag:s20] =	ssyncadd.s32 $0xFFFFC000  }
0xa5: {  	[tilespmem:s22], [sflag:$0x4] =	stream.linear.gather [hbm4b:s3+s2], $0x80, $0x38;
	[tilespmem:$0x1C200] =	vst v63  }
0xa6: {  	s0 =	sadd.s32 $0x20, s0;
	s31 =	sadd.s32 $0x510, s16  }
0xa7: {  	[tilespmem:s23], [sflag:$0x4] =	stream.linear.gather [hbm4b:s31+s2], $0x80, $0x38;
	[tilespmem:$0x1C200] =	vst v63  }
.LBB2_6:
0xa8: {  	_ =	swait.ge [sflag:s29], $0x4000  }
0xa9: {  	[sflag:s29] =	ssyncset.done $0x0  }
0xaa: {  	[sflag:s29] =	ssyncadd.s32 $0xFFFFC000  }
0xab: {  	[spmem:s1] =	stream.indirect.scatter.add.f32 [tilespmem:s26], [sflag:$0x5], $0x80, s23, s22, $0xb8;
	[tilespmem:$0x1C200] =	vst v63  }
0xac: {  	_ =	swait.ge [sflag:s20], $0x4000  }
0xad: {  	[sflag:s20] =	ssyncset.done $0x0  }
0xae: {  	s0 =	stileid.u32;
	[sflag:s20] =	ssyncadd.s32 $0xFFFFC000  }
0xaf: {  	s0 =	sshll.u32 s0, $0x6;
	[bflag:$0x0] =	sbarrier.arrive $0xFFFF  }
0xb0: {  	s31 =	sor.u32 $0x1C05, s0;
	s0 =	sshrl.u32 s5, $0x3;
	s3 =	rddreg [dreg:$0x3]  }
0xb1: {  	[hbm:s3], [sflag:s31] =	dma.local [spmem:s0], $0x2800  }
0xb2: {  	_ =	swait.ge [sflag:s20], $0x2800  }
0xb3: {  	[sflag:s20] =	ssyncset.done $0x0  }
0xb4: {  	[sflag:s20] =	ssyncadd.s32 $0xFFFFD800  }
0xb5: {  	s14 =	simm.s32 $0x200;
	s3 =	simm.s32 $0x0;
	[bflag:$0x0] =	sbarrier.arrive $0xFFFF  }
.LBB2_7:
0xb6: {  	p0 =	sne.s32 s14, $0xFE00;
	[tilespmem:s3+$0x270] =	vst v2  }
0xb7: {  	[tilespmem:s3+$0x200] =	vst v2  }
0xb8: {  	[tilespmem:s3+$0x210] =	vst v2  }
.Ltmp5:
0xb9: {  	[tilespmem:s3+$0x220] =	vst v2;
	(pc) =	sbr.rel @p0 .LBB2_7-.Ltmp5, $4  }
0xba: {  	[tilespmem:s3+$0x230] =	vst v2  }
0xbb: {  	[tilespmem:s3+$0x240] =	vst v2  }
0xbc: {  	[tilespmem:s3+$0x250] =	vst v2  }
0xbd: {  	[tilespmem:s3+$0x260] =	vst v2;
	s3 =	sshra.s32 s14, $0x2;
	s14 =	sadd.s32 $0x200, s14  }
0xbe: {  	[tilespmem:s3+$0x270] =	vst v2  }
0xbf: {  	[tilespmem:s3+$0x200] =	vst v2  }
0xc0: {  	[tilespmem:s3+$0x210] =	vst v2  }
0xc1: {  	[tilespmem:s3+$0x220] =	vst v2  }
0xc2: {  	[tilespmem:s3+$0x230] =	vst v2  }
0xc3: {  	[tilespmem:s3+$0x240] =	vst v2  }
0xc4: {  	[tilespmem:s3+$0x250] =	vst v2  }
0xc5: {  	[tilespmem:s3+$0x260] =	vst v2  }
0xc6: {  	[spmem:s5] =	stream.linear.scatter [tilespmem:s19], [sflag:$0x5], $0x4000, $0x38;
	[tilespmem:$0x1C200] =	vst v63  }
0xc7: {  	_ =	swait.ge [sflag:s20], $0x4000  }
0xc8: {  	[sflag:s20] =	ssyncset.done $0x0  }
0xc9: {  	[sflag:s20] =	ssyncadd.s32 $0xFFFFC000  }
0xca: {  	[spmem:s6] =	stream.linear.scatter [tilespmem:s19], [sflag:$0x5], $0x4000, $0x38;
	[tilespmem:$0x1C200] =	vst v63  }
0xcb: {  	_ =	swait.ge [sflag:s20], $0x4000  }
0xcc: {  	[sflag:s20] =	ssyncset.done $0x0  }
0xcd: {  	[sflag:s20] =	ssyncadd.s32 $0xFFFFC000  }
0xce: {  	[spmem:s7] =	stream.linear.scatter [tilespmem:s19], [sflag:$0x5], $0x4000, $0x38;
	[tilespmem:$0x1C200] =	vst v63  }
0xcf: {  	_ =	swait.ge [sflag:s20], $0x4000  }
0xd0: {  	[sflag:s20] =	ssyncset.done $0x0  }
0xd1: {  	[sflag:s20] =	ssyncadd.s32 $0xFFFFC000  }
0xd2: {  	[spmem:s8] =	stream.linear.scatter [tilespmem:s19], [sflag:$0x5], $0x4000, $0x38;
	[tilespmem:$0x1C200] =	vst v63  }
0xd3: {  	_ =	swait.ge [sflag:s20], $0x4000  }
0xd4: {  	[sflag:s20] =	ssyncset.done $0x0  }
0xd5: {  	[sflag:s20] =	ssyncadd.s32 $0xFFFFC000  }
0xd6: {  	[spmem:s9] =	stream.linear.scatter [tilespmem:s19], [sflag:$0x5], $0x4000, $0x38;
	[tilespmem:$0x1C200] =	vst v63  }
0xd7: {  	_ =	swait.ge [sflag:s20], $0x4000  }
0xd8: {  	[sflag:s20] =	ssyncset.done $0x0  }
0xd9: {  	[sflag:s20] =	ssyncadd.s32 $0xFFFFC000  }
0xda: {  	[bflag:$0x0] =	sbarrier.arrive $0xFFFF  }
0xdb: {  	[tilespmem:s2], [sflag:$0x3] =	stream.linear.gather [hbm4b:s10+s2], $0x80, $0x38;
	[tilespmem:$0x1C200] =	vst v63  }
0xdc: {  	_ = 	snop  }
0xdd: {  	[tilespmem:s21], [sflag:$0x3] =	stream.linear.gather [hbm4b:s11+s2], $0x80, $0x38;
	[tilespmem:$0x1C200] =	vst v63  }
0xde: {  	_ = 	snop  }
0xdf: {  	[tilespmem:s22], [sflag:$0x4] =	stream.linear.gather [hbm4b:s12+s2], $0x80, $0x38;
	[tilespmem:$0x1C200] =	vst v63  }
0xe0: {  	_ = 	snop  }
0xe1: {  	[tilespmem:s23], [sflag:$0x4] =	stream.linear.gather [hbm4b:s13+s2], $0x80, $0x38;
	[tilespmem:$0x1C200] =	vst v63  }
0xe2: {  	_ =	swait.ge [sflag:s24], $0x80  }
0xe3: {  	[sflag:s24] =	ssyncset.done $0x0  }
0xe4: {  	[sflag:s24] =	ssyncadd.s32 $0xFFFFFF80  }
0xe5: {  	_ =	swait.ge [sflag:s24], $0x80  }
0xe6: {  	[sflag:s24] =	ssyncset.done $0x0  }
0xe7: {  	[sflag:s24] =	ssyncadd.s32 $0xFFFFFF80  }
0xe8: {  	v3 =	vld [tilespmem:$0x0]  }
0xe9: {  	v4 =	vld [tilespmem:$0x10]  }
0xea: {  	v5 =	vld [tilespmem:$0x20]  }
0xeb: {  	v6 =	vld [tilespmem:$0x30]  }
0xec: {  	v7 =	vld [tilespmem:$0x40]  }
0xed: {  	v8 =	vld [tilespmem:$0x50];
	v3 =	vadd.s32 v1, v3  }
0xee: {  	v62 =	vld [tilespmem:$0x60];
	[tilespmem:$0x0] =	vst v3;
	v3 =	vadd.s32 v1, v4  }
0xef: {  	v63 =	vld [tilespmem:$0x70];
	[tilespmem:$0x10] =	vst v3;
	v3 =	vadd.s32 v1, v5  }
0xf0: {  	[tilespmem:$0x20] =	vst v3;
	v3 =	vadd.s32 v1, v6  }
0xf1: {  	[tilespmem:$0x30] =	vst v3;
	v3 =	vadd.s32 v1, v7  }
0xf2: {  	[tilespmem:$0x40] =	vst v3;
	v3 =	vadd.s32 v1, v8  }
0xf3: {  	[tilespmem:$0x50] =	vst v3;
	v3 =	vadd.s32 v1, v62  }
0xf4: {  	[tilespmem:$0x60] =	vst v3;
	v3 =	vadd.s32 v1, v63  }
0xf5: {  	s3 =	simm.s32 $0xFFFFFB20;
	[tilespmem:$0x70] =	vst v3  }
0xf6: {  	[tilespmem:s19], [sflag:$0x1] =	stream.indirect.gather [hbm4b:s4+s22], $0x80, s2, s22, $0xb8;
	[tilespmem:$0x1C200] =	vst v63  }
.LBB2_9:
0xf7: {  	_ =	swait.ge [sflag:s25], $0x80  }
0xf8: {  	[sflag:s25] =	ssyncset.done $0x0  }
0xf9: {  	[sflag:s25] =	ssyncadd.s32 $0xFFFFFF80  }
0xfa: {  	_ =	swait.ge [sflag:s25], $0x80  }
0xfb: {  	[sflag:s25] =	ssyncset.done $0x0  }
0xfc: {  	[sflag:s25] =	ssyncadd.s32 $0xFFFFFF80  }
0xfd: {  	v3 =	vld [tilespmem:$0x80]  }
0xfe: {  	v4 =	vld [tilespmem:$0x90]  }
0xff: {  	v5 =	vld [tilespmem:$0xA0]  }
0x100: {  	v6 =	vld [tilespmem:$0xB0]  }
0x101: {  	v7 =	vld [tilespmem:$0xC0]  }
0x102: {  	v8 =	vld [tilespmem:$0xD0];
	v3 =	vadd.s32 v1, v3  }
0x103: {  	v62 =	vld [tilespmem:$0xE0];
	[tilespmem:$0x80] =	vst v3;
	v3 =	vadd.s32 v1, v4  }
0x104: {  	v63 =	vld [tilespmem:$0xF0];
	[tilespmem:$0x90] =	vst v3;
	v3 =	vadd.s32 v1, v5  }
0x105: {  	[tilespmem:$0xA0] =	vst v3;
	v3 =	vadd.s32 v1, v6  }
0x106: {  	[tilespmem:$0xB0] =	vst v3;
	v3 =	vadd.s32 v1, v7  }
0x107: {  	[tilespmem:$0xC0] =	vst v3;
	v3 =	vadd.s32 v1, v8  }
0x108: {  	[tilespmem:$0xD0] =	vst v3;
	v3 =	vadd.s32 v1, v62  }
0x109: {  	[tilespmem:$0xE0] =	vst v3;
	v3 =	vadd.s32 v1, v63  }
0x10a: {  	[tilespmem:$0xF0] =	vst v3  }
0x10b: {  	[tilespmem:s26], [sflag:$0x2] =	stream.indirect.gather [hbm4b:s4+s22], $0x80, s22, s22, $0xb8;
	[tilespmem:$0x1C200] =	vst v63  }
0x10c: {  	_ =	swait.ge [sflag:s28], $0x4000  }
0x10d: {  	p0 =	seq.s32 s3, $0x0;
	[sflag:s28] =	ssyncset.done $0x0  }
.Ltmp6:
0x10e: {  	[sflag:s28] =	ssyncadd.s32 $0xFFFFC000;
	(pc) =	sbr.rel @p0 .LBB2_11-.Ltmp6, $4  }
0x10f: {  	[spmem:s1] =	stream.indirect.scatter.add.f32 [tilespmem:s19], [sflag:$0x5], $0x80, s21, s22, $0xb8;
	[tilespmem:$0x1C200] =	vst v63  }
0x110: {  	_ =	swait.ge [sflag:s20], $0x4000  }
0x111: {  	[sflag:s20] =	ssyncset.done $0x0  }
0x112: {  	[sflag:s20] =	ssyncadd.s32 $0xFFFFC000  }
0x113: {  	s14 =	sadd.s32 s3, s18  }
0x114: {  	s15 =	sadd.s32 $0x500, s14  }
0x115: {  	[tilespmem:s2], [sflag:$0x3] =	stream.linear.gather [hbm4b:s15+s2], $0x80, $0x38;
	[tilespmem:$0x1C200] =	vst v63  }
0x116: {  	s15 =	sadd.s32 s3, s17  }
0x117: {  	s16 =	sadd.s32 $0x500, s15  }
0x118: {  	[tilespmem:s21], [sflag:$0x3] =	stream.linear.gather [hbm4b:s16+s2], $0x80, $0x38;
	[tilespmem:$0x1C200] =	vst v63  }
0x119: {  	_ =	swait.ge [sflag:s24], $0x80  }
0x11a: {  	[sflag:s24] =	ssyncset.done $0x0  }
0x11b: {  	[sflag:s24] =	ssyncadd.s32 $0xFFFFFF80  }
0x11c: {  	_ =	swait.ge [sflag:s24], $0x80  }
0x11d: {  	[sflag:s24] =	ssyncset.done $0x0  }
0x11e: {  	[sflag:s24] =	ssyncadd.s32 $0xFFFFFF80  }
0x11f: {  	v3 =	vld [tilespmem:$0x0]  }
0x120: {  	v4 =	vld [tilespmem:$0x10]  }
0x121: {  	v5 =	vld [tilespmem:$0x20]  }
0x122: {  	v6 =	vld [tilespmem:$0x30]  }
0x123: {  	v7 =	vld [tilespmem:$0x40]  }
0x124: {  	v8 =	vld [tilespmem:$0x50];
	v3 =	vadd.s32 v1, v3  }
0x125: {  	v62 =	vld [tilespmem:$0x60];
	[tilespmem:$0x0] =	vst v3;
	v3 =	vadd.s32 v1, v4  }
0x126: {  	v63 =	vld [tilespmem:$0x70];
	[tilespmem:$0x10] =	vst v3;
	v3 =	vadd.s32 v1, v5  }
0x127: {  	[tilespmem:$0x20] =	vst v3;
	v3 =	vadd.s32 v1, v6  }
0x128: {  	[tilespmem:$0x30] =	vst v3;
	v3 =	vadd.s32 v1, v7  }
0x129: {  	[tilespmem:$0x40] =	vst v3;
	v3 =	vadd.s32 v1, v8  }
0x12a: {  	[tilespmem:$0x50] =	vst v3;
	v3 =	vadd.s32 v1, v62  }
0x12b: {  	[tilespmem:$0x60] =	vst v3;
	v3 =	vadd.s32 v1, v63  }
0x12c: {  	[tilespmem:$0x70] =	vst v3  }
0x12d: {  	[tilespmem:s19], [sflag:$0x1] =	stream.indirect.gather [hbm4b:s4+s22], $0x80, s2, s22, $0xb8;
	[tilespmem:$0x1C200] =	vst v63  }
0x12e: {  	_ =	swait.ge [sflag:s29], $0x4000  }
0x12f: {  	[sflag:s29] =	ssyncset.done $0x0  }
0x130: {  	[sflag:s29] =	ssyncadd.s32 $0xFFFFC000  }
0x131: {  	[spmem:s1] =	stream.indirect.scatter.add.f32 [tilespmem:s26], [sflag:$0x5], $0x80, s23, s22, $0xb8;
	[tilespmem:$0x1C200] =	vst v63  }
0x132: {  	_ =	swait.ge [sflag:s20], $0x4000  }
.Ltmp7:
0x133: {  	[sflag:s20] =	ssyncset.done $0x0;
	(pc) =	sbr.rel .LBB2_9-.Ltmp7, $4  }
0x134: {  	s14 =	sadd.s32 $0x510, s14;
	[sflag:s20] =	ssyncadd.s32 $0xFFFFC000  }
0x135: {  	[tilespmem:s22], [sflag:$0x4] =	stream.linear.gather [hbm4b:s14+s2], $0x80, $0x38;
	[tilespmem:$0x1C200] =	vst v63  }
0x136: {  	s3 =	sadd.s32 $0x20, s3;
	s16 =	sadd.s32 $0x510, s15  }
0x137: {  	[tilespmem:s23], [sflag:$0x4] =	stream.linear.gather [hbm4b:s16+s2], $0x80, $0x38;
	[tilespmem:$0x1C200] =	vst v63  }
.LBB2_12:
0x138: {  	_ =	sfence.sel $0x180000  }
0x139: {  	[bflag:$0x0] =	sbarrier.arrive $0xFFFF  }
0x13a: {  	_ =	strace $0x9000004A  }
0x13b: {  	s0 =	stileid.u32;
	[bflag:$0x2] =	sbarrier.arrive $0xFFFF  }
0x13c: {  	p0 =	sne.s32 s0, $0x0;
	s0 =	rddreg [dreg:$0x2]  }
0x13d: {  	s0 =	sadd.s32 @!p0 $0x100000, s0  }
0x13e: {  	[sflag:s0] =	ssyncadd.tile.s32 @!p0 $0x1;
	_ =	shalt  }
.Lfunc_end2:
_tile_overlayer_lowered:
.L_overlay_start_2:
0x13f: {  	(tag) =	ssettag $0x2  }
0x140: {  	s0 =	rddreg [dreg:$0x0];
	s2 =	stileid.u32  }
0x141: {  	s1 =	rddreg [dreg:$0x1];
	p0 =	sne.s32 s2, $0x0  }
0x142: {  	s3 =	rddreg [dreg:$0x2];
	[bflag:$0x3] =	sbarrier.arrive $0xFFFF;
	s2 =	simm.s32 @!p0 $0x1C05  }
0x143: {  	[timem:s3], [sflag:s2] =	dma.local @!p0 [hbm:s0], s1  }
0x144: {  	s0 =	simm.s32 @!p0 $0x5  }
0x145: {  	_ =	swait.ge @!p0 [sflag:s0], s1  }
0x146: {  	s1 =	ssub.s32 @!p0 $0x0, s1;
	[sflag:s0] =	ssyncset.done @!p0 $0x0  }
0x147: {  	[sflag:s0] =	ssyncadd.s32 @!p0 s1  }
0x148: {  	[bflag:$0x3] =	sbarrier.arrive $0xFFFF  }
0x149: {  	_ =	shalt  }

// kernel: kernel.14.cloned.1.call-start
scs
__scs_entry_jumppad:
0x0: {  	(pc) =	sbr.rel $0x88, $3  }
0x1: {  	(tag) =	ssettag $0x0;
	lr =	simm.s32 $0x1  }
0x2: {  	[smem:$0x3F93] =	sst lr;
	_ =	strace $0xD0000000  }
0x3: {  	_ = 	snop  }
0x4: {  	_ = 	snop  }
0x5: {  	_ = 	snop  }
0x6: {  	_ = 	snop  }
0x7: {  	_ = 	snop  }
__scs_overlays_trampoline_lowered:
0x8: {  	[smem:$0x3FA2] =	sst s0  }
0x9: {  	[smem:$0x3FA3] =	sst s1  }
0xa: {  	[smem:$0x3FA4] =	sst s2  }
0xb: {  	[smem:$0x3FA5] =	sst s3  }
0xc: {  	[smem:$0x3FA6] =	sst s4  }
0xd: {  	[smem:$0x3FA7] =	sst s5  }
0xe: {  	[smem:$0x3FA8] =	sst s6  }
0xf: {  	[smem:$0x3FA9] =	sst s7  }
0x10: {  	[smem:$0x3FAA] =	sst s8  }
0x11: {  	[smem:$0x3FAB] =	sst s9;
	s0 =	simm.s32 @!p0 $0x0  }
0x12: {  	s1 =	sld [smem:$0x3F91];
	s0 =	simm.s32 @p0 $0x1  }
0x13: {  	[smem:$0x3FAC] =	sst s0;
	s0 =	simm.s32 @!p1 $0x0  }
0x14: {  	s2 =	sld [smem:$0x3F90];
	s0 =	simm.s32 @p1 $0x1  }
0x15: {  	[smem:$0x3FAD] =	sst s0;
	s0 =	simm.s32 @!p2 $0x0  }
0x16: {  	s3 =	sld [smem:$0x3FDB];
	s0 =	simm.s32 @p2 $0x1  }
0x17: {  	s4 =	simm.s32 $0x1BF5;
	[smem:$0x3FAF] =	sst s0  }
0x18: {  	s0 =	sld [smem:$0x3F92];
	_ =	swait.ge [sflag:s4], $0x0  }
0x19: {  	s7 =	sld [smem:$0x3F93]  }
0x1a: {  	s8 =	sadd.s32 $0xFFFFE003, lr  }
0x1b: {  	s9 =	sadd.s32 $0xFFFFFEF7, lr;
	s5 =	simm.s32 $0xFFFFFFFF;
	p2 =	slt.u32 s8, $0xFFFFF086  }
0x1c: {  	p1 =	slt.u32 s9, $0xF7A;
	s5 =	simm.s32 @!p2 $0x0  }
0x1d: {  	s5 =	simm.s32 @p1 $0x1;
	p0 =	seq.s32 s7, s2  }
0x1e: {  	s7 =	smul.u32 @!p0 $0xF7A, s2;
	p2 =	seq.s32 @!p0 s5, $0x0  }
0x1f: {  	s9 =	smul.u32 $0xF7A, s1;
	s8 =	simm.s32 @!p0 $0x1BF5;
	p2 =	por !p2, p0  }
0x20: {  	[sflag:s8] =	ssyncset.s32 @!p0 $0xFFFFF086;
	s6 =	sadd.s32 @!p0 s3, s7;
	s7 =	simm.s32 @!p0 $0x108  }
0x21: {  	s3 =	sadd.s32 s3, s9;
	s6 =	sadd.s32 @!p0 $0x88, s6;
	s7 =	simm.s32 @p2 $0x1082  }
0x22: {  	[simem:s7], [sflag:s8] =	dma.local @!p0 [hbm:s6], $0xF7A  }
0x23: {  	s9 =	sor.u32 $0xD0000000, s2;
	s6 =	simm.s32 $0x108;
	_ =	swait.ge @!p0 [sflag:s8], $0x0  }
0x24: {  	s3 =	sadd.s32 $0x88, s3;
	s6 =	simm.s32 @!p1 $0x1082;
	[sflag:s4] =	ssyncset.s32 $0xFFFFF086  }
0x25: {  	[simem:s6], [sflag:s4] =	dma.local [hbm:s3], $0xF7A  }
0x26: {  	[smem:$0x3F93] =	sst s1;
	(tag) =	ssettag s2;
	_ =	strace s9  }
0x27: {  	s1 =	sld [smem:$0x3FA3]  }
0x28: {  	s2 =	sld [smem:$0x3FA4]  }
0x29: {  	s4 =	sld [smem:$0x3FA6]  }
0x2a: {  	p0 =	seq.s32 s5, $0x0;
	s5 =	sld [smem:$0x3FA7]  }
0x2b: {  	s6 =	sld [smem:$0x3FA8]  }
0x2c: {  	s7 =	sld [smem:$0x3FA9]  }
0x2d: {  	s3 =	simm.s32 $0x108;
	s8 =	sld [smem:$0x3FAA]  }
0x2e: {  	s3 =	simm.s32 @!p0 $0x1082;
	s9 =	sld [smem:$0x3FAB]  }
0x2f: {  	lr =	sadd.s32 s0, s3;
	s0 =	sld [smem:$0x3FA2]  }
0x30: {  	s3 =	sld [smem:$0x3FA5]  }
0x31: {  	[smem:$0x3FAE] =	sst s10  }
0x32: {  	s10 =	sld [smem:$0x3FAC];
	_ =	sdelay $0x3  }
0x33: {  	p0 =	seq.s32 s10, $0x1;
	s10 =	sld [smem:$0x3FAE];
	_ =	sdelay $0x3  }
0x34: {  	[smem:$0x3FAE] =	sst s10  }
0x35: {  	s10 =	sld [smem:$0x3FAD];
	_ =	sdelay $0x3  }
0x36: {  	p1 =	seq.s32 s10, $0x1;
	s10 =	sld [smem:$0x3FAE];
	_ =	sdelay $0x3  }
0x37: {  	[smem:$0x3FAE] =	sst s10  }
0x38: {  	s10 =	sld [smem:$0x3FAF]  }
0x39: {  	_ = 	snop;
	(pc) =	sbr.ind lr, $3  }
0x3a: {  	_ = 	snop  }
0x3b: {  	_ = 	snop  }
0x3c: {  	p2 =	seq.s32 s10, $0x1;
	s10 =	sld [smem:$0x3FAE]  }
0x3d: {  	_ =	shalt  }
0x3e: {  	_ =	shalt  }
0x3f: {  	_ =	shalt  }
0x40: {  	_ =	shalt  }
0x41: {  	_ =	shalt  }
0x42: {  	_ =	shalt  }
0x43: {  	_ =	shalt  }
0x44: {  	_ =	shalt  }
0x45: {  	_ =	shalt  }
0x46: {  	_ =	shalt  }
0x47: {  	_ =	shalt  }
0x48: {  	_ =	shalt  }
0x49: {  	_ =	shalt  }
0x4a: {  	_ =	shalt  }
0x4b: {  	_ =	shalt  }
0x4c: {  	_ =	shalt  }
0x4d: {  	_ =	shalt  }
0x4e: {  	_ =	shalt  }
0x4f: {  	_ =	shalt  }
0x50: {  	_ =	shalt  }
0x51: {  	_ =	shalt  }
0x52: {  	_ =	shalt  }
0x53: {  	_ =	shalt  }
0x54: {  	_ =	shalt  }
0x55: {  	_ =	shalt  }
0x56: {  	_ =	shalt  }
0x57: {  	_ =	shalt  }
0x58: {  	_ =	shalt  }
0x59: {  	_ =	shalt  }
0x5a: {  	_ =	shalt  }
0x5b: {  	_ =	shalt  }
0x5c: {  	_ =	shalt  }
0x5d: {  	_ =	shalt  }
0x5e: {  	_ =	shalt  }
0x5f: {  	_ =	shalt  }
0x60: {  	_ =	shalt  }
0x61: {  	_ =	shalt  }
0x62: {  	_ =	shalt  }
0x63: {  	_ =	shalt  }
0x64: {  	_ =	shalt  }
0x65: {  	_ =	shalt  }
0x66: {  	_ =	shalt  }
0x67: {  	_ =	shalt  }
0x68: {  	_ =	shalt  }
0x69: {  	_ =	shalt  }
0x6a: {  	_ =	shalt  }
0x6b: {  	_ =	shalt  }
0x6c: {  	_ =	shalt  }
0x6d: {  	_ =	shalt  }
0x6e: {  	_ =	shalt  }
0x6f: {  	_ =	shalt  }
0x70: {  	_ =	shalt  }
0x71: {  	_ =	shalt  }
0x72: {  	_ =	shalt  }
0x73: {  	_ =	shalt  }
0x74: {  	_ =	shalt  }
0x75: {  	_ =	shalt  }
0x76: {  	_ =	shalt  }
0x77: {  	_ =	shalt  }
0x78: {  	_ =	shalt  }
0x79: {  	_ =	shalt  }
0x7a: {  	_ =	shalt  }
0x7b: {  	_ =	shalt  }
0x7c: {  	_ =	shalt  }
0x7d: {  	_ =	shalt  }
0x7e: {  	_ =	shalt  }
0x7f: {  	_ =	shalt  }
0x80: {  	_ =	shalt  }
0x81: {  	_ =	shalt  }
0x82: {  	_ =	shalt  }
0x83: {  	_ =	shalt  }
0x84: {  	_ =	shalt  }
0x85: {  	_ =	shalt  }
0x86: {  	_ =	shalt  }
0x87: {  	_ =	shalt  }
.Lfunc_end0:
.L_simem_size_0:
called_computation.2_lowered:
.L_overlay_start_0:
0x88: {  	s2 =	sld [smem:$0x3FD9]  }
0x89: {  	s3 =	sld [smem:$0x3FFE];
	_ =	sdelay $0x1  }
0x8a: {  	s1 =	srdreg.scid  }
0x8b: {  	s0 =	sand.u32 $0x1, s1  }
0x8c: {  	s16 =	sshll.u32 s0, $0xA;
	s2 =	sadd.s32 s3, s2  }
0x8d: {  	s2 =	sadd.s32 s2, s16  }
0x8e: {  	[smem:$0x3FBA] =	sst s2  }
0x8f: {  	_ = 	snop  }
0x90: {  	(tm) =	ssettm $0x1  }
0x91: {  	s17 =	sld [smem:$0x3FFB];
	_ =	sdelay $0x3  }
0x92: {  	_ =	strace s17  }
0x93: {  	s2 =	sld [smem:$0x3FFC];
	_ =	sdelay $0x3  }
0x94: {  	_ =	strace s2  }
0x95: {  	s2 =	sld [smem:$0x3FFD];
	_ =	sdelay $0x3  }
0x96: {  	_ =	strace s2  }
0x97: {  	_ =	strace $0x8FFFFFFF  }
0x98: {  	s18 =	sld [smem:$0x3FDB];
	_ =	sdelay $0x1  }
0x99: {  	s19 =	simm.s32 $_scs_section_size  }
0x9a: {  	s4 =	simm.s32 $_size__tile_overlayer_lowered;
	s5 =	simm.s32 $_tile_overlayer_lowered  }
0x9b: {  	s22 =	simm.s32 $0x1BFF;
	s21 =	sshll.u32 s5, $0x1;
	s2 =	sadd.s32 s19, s18  }
0x9c: {  	s6 =	simm.s32 $0x0;
	s20 =	sshll.u32 s4, $0x1;
	s4 =	sadd.s32 s21, s2  }
0x9d: {  	[timem:s6], [sflag:s22] =	dma.local [hbm:s4], s20  }
0x9e: {  	_ =	swait.ge [sflag:s22], s20  }
0x9f: {  	s3 =	ssub.s32 $0x0, s20;
	[sflag:s22] =	ssyncset.done $0x0  }
0xa0: {  	[sflag:s22] =	ssyncadd.s32 s3;
	_ =	sdelay $0x1  }
0xa1: {  	s23 =	simm.s32 $0x1B8B  }
0xa2: {  	_ =	swait.ge [sflag:s23], $0x1  }
0xa3: {  	[sflag:s23] =	ssyncset.done $0x0  }
0xa4: {  	s25 =	simm.s32 $0x1B8E;
	s24 =	sld [smem:$0x3FFE];
	[sflag:s23] =	ssyncadd.s32 $0xFFFFFFFF  }
0xa5: {  	s26 =	simm.s32 $execute0_lowered;
	[smem:$0x3FD2] =	sst s25  }
0xa6: {  	s4 =	sshll.u32 s26, $0x1;
	_ =	strace $0x8000004C;
	[dreg:$0x1] =	wrdreg $0xFFFFFFFF  }
0xa7: {  	s28 =	simm.s32 $_size_execute0_lowered;
	s2 =	sadd.s32 s2, s4;
	[dreg:$0x0] =	wrdreg $0x0  }
0xa8: {  	s4 =	sshll.u32 s28, $0x1;
	[dreg:$0x2] =	wrdreg s2  }
0xa9: {  	[dreg:$0x3] =	wrdreg s4  }
0xaa: {  	[dreg:$0x4] =	wrdreg $0xC0  }
0xab: {  	_ =	task [dreg:s6], $0x5FFFF  }
0xac: {  	[dreg:$0x1] =	wrdreg $0xFFFFFFFF  }
0xad: {  	[dreg:$0x0] =	wrdreg $0x60  }
0xae: {  	[dreg:$0x2] =	wrdreg s24  }
0xaf: {  	[dreg:$0x3] =	wrdreg $0x82000  }
0xb0: {  	[dreg:$0x4] =	wrdreg $0x9  }
0xb1: {  	_ =	task.clear_ibuf [dreg:s6], $0x5FFFF;
	_ =	strace $0x9000004C  }
0xb2: {  	s29 =	simm.s32 $0x9;
	_ =	strace $0x8000004E  }
0xb3: {  	_ =	swait.ge [sflag:s29], $0x1  }
0xb4: {  	[sflag:s29] =	ssyncadd.s32 $0xFFFFFFFF  }
0xb5: {  	_ =	strace $0x9000004E  }
0xb6: {  	_ =	sfence  }
0xb7: {  	s30 =	sld [smem:$0x0];
	_ =	sdelay $0x2  }
0xb8: {  	s31 =	sshll.u32 s1, $0xD;
	s1 =	sshrl.u32 s1, $0x2  }
0xb9: {  	s3 =	sand.u32 $0x4000, s31;
	s1 =	sadd.s32 s1, s30  }
0xba: {  	s0 =	sor.u32 s3, s0;
	s1 =	sshll.u32 s1, $0x11  }
0xbb: {  	s0 =	sor.u32 s1, s0  }
0xbc: {  	s0 =	sadd.s32 $0x8F2B, s0  }
0xbd: {  	[sflag:s0] =	ssyncadd.remote.s32 $0x1  }
0xbe: {  	_ =	sfence.sel $0xFFFF  }
0xbf: {  	[dreg:$0x0] =	wrdreg $0xFFFFFFFF;
	(pc) =	sbr.abs _section_cstart, $3  }
0xc0: {  	[dreg:$0x1] =	wrdreg $0xFFFFFFFF  }
0xc1: {  	_ =	task.clear_ibuf [dreg:s6], $0x2FFFF;
	_ =	strace $0x9FFFFFFF  }
0xc2: {  	(tm) =	ssettm $0x7FFFFFFF  }
0xc3: {  	_ =	shalt  }
tec
execute0_lowered:
.L_overlay_start_1:
0x0: {  	(tag) =	ssettag $0x1  }
0x1: {  	s0 =	rddreg [dreg:$0x0]  }
0x2: {  	s1 =	rddreg [dreg:$0x1];
	s2 =	simm.s32 $0x0  }
0x3: {  	s3 =	srdreg.scid;
	s20 =	stileid.u32;
	s21 =	simm.s32 $0x100  }
0x4: {  	s22 =	simm.s32 $0x80;
	s23 =	simm.s32 $0x180;
	s24 =	simm.s32 $0x3  }
0x5: {  	s29 =	simm.s32 $0x2;
	s30 =	simm.s32 $0x0;
	s5 =	smul.u32 $0x50000, s20  }
0x6: {  	[smem:$0x7FF] =	sst s2;
	s4 =	sadd.s32 $0x14C200, s0;
	s10 =	smul.u32 $0x2800, s20  }
0x7: {  	s14 =	sadd.s32 $0x7200, s0;
	s3 =	sand.u32 $0x1, s3;
	s13 =	smul.u32 $0x280, s20  }
0x8: {  	s17 =	sadd.s32 $0x2200, s0;
	s0 =	sadd.s32 $0xC200, s0;
	s20 =	smul.u32 $0x500, s20  }
0x9: {  	_ =	strace $0x8000004D;
	s6 =	ssub.s32 $0x2, s3;
	s3 =	smul.u32 $0x2800, s3  }
0xa: {  	s7 =	sshrl.u32 s6, $0x1;
	s5 =	sshrl.u32 s5, $0x2;
	s12 =	sshrl.u32 s10, $0x3  }
0xb: {  	s16 =	ssub.s32 s6, s7;
	s5 =	sadd.s32 s5, s1;
	s10 =	sadd.s32 s14, s12  }
0xc: {  	s11 =	sadd.s32 s17, s12;
	s15 =	sor.u32 $0x10, s12;
	s18 =	sadd.s32 s13, s3  }
0xd: {  	s28 =	sadd.s32 $0x5000, s3;
	s6 =	sadd.s32 $0x4000, s5;
	s7 =	sadd.s32 $0x8000, s5  }
0xe: {  	s8 =	sadd.s32 $0xC000, s5;
	s9 =	sadd.s32 $0x10000, s5;
	s12 =	sadd.s32 s14, s15  }
0xf: {  	s18 =	sshll.u32 s18, $0x4;
	s19 =	sadd.s32 s13, s28;
	s13 =	sadd.s32 s17, s15  }
.Ltmp0:
0x10: {  	s31 =	smax.u32 s16, $0x1;
	s17 =	sadd.s32 s20, s17;
	(pc) =	sbr.rel .LBB2_1-.Ltmp0, $4  }
0x11: {  	v1 =	vmov s28;
	s28 =	simm.s32 $0x1;
	s25 =	sadd.s32 s0, s18;
	s26 =	sshll.u32 s19, $0x4  }
0x12: {  	[dreg:$0x5] =	wrdreg s31;
	s18 =	sadd.s32 s20, s14;
	s19 =	simm.s32 $0x200  }
0x13: {  	s20 =	simm.s32 $0x5;
	[dreg:$0x3] =	wrdreg s25;
	s0 =	sadd.s32 s0, s26  }
0x14: {  	v2 =	vimm.f32 $0.0e+00;
	v0 =	vmov s3;
	s25 =	simm.s32 $0x4;
	s26 =	simm.s32 $0x4200;
	[dreg:$0x4] =	wrdreg s0  }
.LBB2_11:
0x15: {  	_ =	swait.ge [sflag:s29], $0x4000  }
0x16: {  	[sflag:s29] =	ssyncset.done $0x0  }
0x17: {  	[sflag:s29] =	ssyncadd.s32 $0xFFFFC000  }
0x18: {  	[spmem:s1] =	stream.indirect.scatter.add.f32 [tilespmem:s26], [sflag:$0x5], $0x80, s23, s22, $0xb8;
	[tilespmem:$0x1C200] =	vst v63  }
0x19: {  	_ =	swait.ge [sflag:s20], $0x4000  }
0x1a: {  	[sflag:s20] =	ssyncset.done $0x0  }
0x1b: {  	[sflag:s20] =	ssyncadd.s32 $0xFFFFC000  }
0x1c: {  	[bflag:$0x0] =	sbarrier.arrive $0xFFFF  }
0x1d: {  	s3 =	rddreg [dreg:$0x4]  }
0x1e: {  	[hbm:s3], [sflag:s31] =	dma.local [spmem:s0], $0x2800  }
0x1f: {  	_ =	swait.ge [sflag:s20], $0x2800  }
0x20: {  	s30 =	sadd.s32 $0x1, s30;
	s31 =	rddreg [dreg:$0x5]  }
0x21: {  	p0 =	sne.s32 s30, s31  }
.Ltmp1:
0x22: {  	_ = 	snop;
	(pc) =	sbr.rel @!p0 .LBB2_12-.Ltmp1, $3  }
0x23: {  	[sflag:s20] =	ssyncset.done $0x0  }
0x24: {  	[sflag:s20] =	ssyncadd.s32 $0xFFFFD800  }
0x25: {  	[bflag:$0x0] =	sbarrier.arrive $0xFFFF;
	_ =	sdelay $0x1  }
.LBB2_1:
0x26: {  	s0 =	simm.s32 $0x0;
	s3 =	simm.s32 $0x200  }
.LBB2_2:
0x27: {  	p0 =	sne.s32 s3, $0xFE00;
	[tilespmem:s0+$0x270] =	vst v2  }
0x28: {  	[tilespmem:s0+$0x200] =	vst v2  }
0x29: {  	[tilespmem:s0+$0x210] =	vst v2  }
.Ltmp2:
0x2a: {  	[tilespmem:s0+$0x220] =	vst v2;
	(pc) =	sbr.rel @p0 .LBB2_2-.Ltmp2, $4  }
0x2b: {  	[tilespmem:s0+$0x230] =	vst v2  }
0x2c: {  	[tilespmem:s0+$0x240] =	vst v2  }
0x2d: {  	[tilespmem:s0+$0x250] =	vst v2  }
0x2e: {  	[tilespmem:s0+$0x260] =	vst v2;
	s0 =	sshra.s32 s3, $0x2;
	s3 =	sadd.s32 $0x200, s3  }
0x2f: {  	[tilespmem:s0+$0x270] =	vst v2  }
0x30: {  	[tilespmem:s0+$0x200] =	vst v2  }
0x31: {  	[tilespmem:s0+$0x210] =	vst v2  }
0x32: {  	[tilespmem:s0+$0x220] =	vst v2  }
0x33: {  	[tilespmem:s0+$0x230] =	vst v2  }
0x34: {  	[tilespmem:s0+$0x240] =	vst v2  }
0x35: {  	[tilespmem:s0+$0x250] =	vst v2  }
0x36: {  	[tilespmem:s0+$0x260] =	vst v2  }
0x37: {  	[spmem:s5] =	stream.linear.scatter [tilespmem:s19], [sflag:$0x5], $0x4000, $0x38;
	[tilespmem:$0x1C200] =	vst v63  }
0x38: {  	_ =	swait.ge [sflag:s20], $0x4000  }
0x39: {  	[sflag:s20] =	ssyncset.done $0x0  }
0x3a: {  	[sflag:s20] =	ssyncadd.s32 $0xFFFFC000  }
0x3b: {  	[spmem:s6] =	stream.linear.scatter [tilespmem:s19], [sflag:$0x5], $0x4000, $0x38;
	[tilespmem:$0x1C200] =	vst v63  }
0x3c: {  	_ =	swait.ge [sflag:s20], $0x4000  }
0x3d: {  	[sflag:s20] =	ssyncset.done $0x0  }
0x3e: {  	[sflag:s20] =	ssyncadd.s32 $0xFFFFC000  }
0x3f: {  	[spmem:s7] =	stream.linear.scatter [tilespmem:s19], [sflag:$0x5], $0x4000, $0x38;
	[tilespmem:$0x1C200] =	vst v63  }
0x40: {  	_ =	swait.ge [sflag:s20], $0x4000  }
0x41: {  	[sflag:s20] =	ssyncset.done $0x0  }
0x42: {  	[sflag:s20] =	ssyncadd.s32 $0xFFFFC000  }
0x43: {  	[spmem:s8] =	stream.linear.scatter [tilespmem:s19], [sflag:$0x5], $0x4000, $0x38;
	[tilespmem:$0x1C200] =	vst v63  }
0x44: {  	_ =	swait.ge [sflag:s20], $0x4000  }
0x45: {  	[sflag:s20] =	ssyncset.done $0x0  }
0x46: {  	[sflag:s20] =	ssyncadd.s32 $0xFFFFC000  }
0x47: {  	[spmem:s9] =	stream.linear.scatter [tilespmem:s19], [sflag:$0x5], $0x4000, $0x38;
	[tilespmem:$0x1C200] =	vst v63  }
0x48: {  	_ =	swait.ge [sflag:s20], $0x4000  }
0x49: {  	[sflag:s20] =	ssyncset.done $0x0  }
0x4a: {  	[sflag:s20] =	ssyncadd.s32 $0xFFFFC000  }
0x4b: {  	[bflag:$0x0] =	sbarrier.arrive $0xFFFF  }
0x4c: {  	[tilespmem:s2], [sflag:$0x3] =	stream.linear.gather [hbm4b:s10+s2], $0x80, $0x38;
	[tilespmem:$0x1C200] =	vst v63  }
0x4d: {  	_ = 	snop  }
0x4e: {  	[tilespmem:s21], [sflag:$0x3] =	stream.linear.gather [hbm4b:s11+s2], $0x80, $0x38;
	[tilespmem:$0x1C200] =	vst v63  }
0x4f: {  	_ = 	snop  }
0x50: {  	[tilespmem:s22], [sflag:$0x4] =	stream.linear.gather [hbm4b:s12+s2], $0x80, $0x38;
	[tilespmem:$0x1C200] =	vst v63  }
0x51: {  	_ = 	snop  }
0x52: {  	[tilespmem:s23], [sflag:$0x4] =	stream.linear.gather [hbm4b:s13+s2], $0x80, $0x38;
	[tilespmem:$0x1C200] =	vst v63  }
0x53: {  	_ =	swait.ge [sflag:s24], $0x80  }
0x54: {  	[sflag:s24] =	ssyncset.done $0x0  }
0x55: {  	[sflag:s24] =	ssyncadd.s32 $0xFFFFFF80  }
0x56: {  	_ =	swait.ge [sflag:s24], $0x80  }
0x57: {  	[sflag:s24] =	ssyncset.done $0x0  }
0x58: {  	[sflag:s24] =	ssyncadd.s32 $0xFFFFFF80  }
0x59: {  	v3 =	vld [tilespmem:$0x0]  }
0x5a: {  	v4 =	vld [tilespmem:$0x10]  }
0x5b: {  	v5 =	vld [tilespmem:$0x20]  }
0x5c: {  	v6 =	vld [tilespmem:$0x30]  }
0x5d: {  	v7 =	vld [tilespmem:$0x40]  }
0x5e: {  	v8 =	vld [tilespmem:$0x50];
	v3 =	vadd.s32 v0, v3  }
0x5f: {  	v62 =	vld [tilespmem:$0x60];
	[tilespmem:$0x0] =	vst v3;
	v3 =	vadd.s32 v0, v4  }
0x60: {  	v63 =	vld [tilespmem:$0x70];
	[tilespmem:$0x10] =	vst v3;
	v3 =	vadd.s32 v0, v5  }
0x61: {  	[tilespmem:$0x20] =	vst v3;
	v3 =	vadd.s32 v0, v6  }
0x62: {  	[tilespmem:$0x30] =	vst v3;
	v3 =	vadd.s32 v0, v7  }
0x63: {  	[tilespmem:$0x40] =	vst v3;
	v3 =	vadd.s32 v0, v8  }
0x64: {  	[tilespmem:$0x50] =	vst v3;
	v3 =	vadd.s32 v0, v62  }
0x65: {  	[tilespmem:$0x60] =	vst v3;
	v3 =	vadd.s32 v0, v63  }
0x66: {  	s0 =	simm.s32 $0xFFFFFB20;
	[tilespmem:$0x70] =	vst v3  }
0x67: {  	[tilespmem:s19], [sflag:$0x1] =	stream.indirect.gather [hbm4b:s4+s22], $0x80, s2, s22, $0xb8;
	[tilespmem:$0x1C200] =	vst v63  }
.LBB2_4:
0x68: {  	_ =	swait.ge [sflag:s25], $0x80  }
0x69: {  	[sflag:s25] =	ssyncset.done $0x0  }
0x6a: {  	[sflag:s25] =	ssyncadd.s32 $0xFFFFFF80  }
0x6b: {  	_ =	swait.ge [sflag:s25], $0x80  }
0x6c: {  	[sflag:s25] =	ssyncset.done $0x0  }
0x6d: {  	[sflag:s25] =	ssyncadd.s32 $0xFFFFFF80  }
0x6e: {  	v3 =	vld [tilespmem:$0x80]  }
0x6f: {  	v4 =	vld [tilespmem:$0x90]  }
0x70: {  	v5 =	vld [tilespmem:$0xA0]  }
0x71: {  	v6 =	vld [tilespmem:$0xB0]  }
0x72: {  	v7 =	vld [tilespmem:$0xC0]  }
0x73: {  	v8 =	vld [tilespmem:$0xD0];
	v3 =	vadd.s32 v0, v3  }
0x74: {  	v62 =	vld [tilespmem:$0xE0];
	[tilespmem:$0x80] =	vst v3;
	v3 =	vadd.s32 v0, v4  }
0x75: {  	v63 =	vld [tilespmem:$0xF0];
	[tilespmem:$0x90] =	vst v3;
	v3 =	vadd.s32 v0, v5  }
0x76: {  	[tilespmem:$0xA0] =	vst v3;
	v3 =	vadd.s32 v0, v6  }
0x77: {  	[tilespmem:$0xB0] =	vst v3;
	v3 =	vadd.s32 v0, v7  }
0x78: {  	[tilespmem:$0xC0] =	vst v3;
	v3 =	vadd.s32 v0, v8  }
0x79: {  	[tilespmem:$0xD0] =	vst v3;
	v3 =	vadd.s32 v0, v62  }
0x7a: {  	[tilespmem:$0xE0] =	vst v3;
	v3 =	vadd.s32 v0, v63  }
0x7b: {  	[tilespmem:$0xF0] =	vst v3  }
0x7c: {  	[tilespmem:s26], [sflag:$0x2] =	stream.indirect.gather [hbm4b:s4+s22], $0x80, s22, s22, $0xb8;
	[tilespmem:$0x1C200] =	vst v63  }
0x7d: {  	_ =	swait.ge [sflag:s28], $0x4000  }
0x7e: {  	p0 =	seq.s32 s0, $0x0;
	[sflag:s28] =	ssyncset.done $0x0  }
.Ltmp3:
0x7f: {  	[sflag:s28] =	ssyncadd.s32 $0xFFFFC000;
	(pc) =	sbr.rel @p0 .LBB2_6-.Ltmp3, $4  }
0x80: {  	[spmem:s1] =	stream.indirect.scatter.add.f32 [tilespmem:s19], [sflag:$0x5], $0x80, s21, s22, $0xb8;
	[tilespmem:$0x1C200] =	vst v63  }
0x81: {  	_ =	swait.ge [sflag:s20], $0x4000  }
0x82: {  	[sflag:s20] =	ssyncset.done $0x0  }
0x83: {  	[sflag:s20] =	ssyncadd.s32 $0xFFFFC000  }
0x84: {  	s3 =	sadd.s32 s0, s18  }
0x85: {  	s16 =	sadd.s32 s0, s17;
	s14 =	sadd.s32 $0x500, s3  }
0x86: {  	[tilespmem:s2], [sflag:$0x3] =	stream.linear.gather [hbm4b:s14+s2], $0x80, $0x38;
	[tilespmem:$0x1C200] =	vst v63  }
0x87: {  	s31 =	sadd.s32 $0x500, s16  }
0x88: {  	[tilespmem:s21], [sflag:$0x3] =	stream.linear.gather [hbm4b:s31+s2], $0x80, $0x38;
	[tilespmem:$0x1C200] =	vst v63  }
0x89: {  	_ =	swait.ge [sflag:s24], $0x80  }
0x8a: {  	[sflag:s24] =	ssyncset.done $0x0  }
0x8b: {  	[sflag:s24] =	ssyncadd.s32 $0xFFFFFF80  }
0x8c: {  	_ =	swait.ge [sflag:s24], $0x80  }
0x8d: {  	[sflag:s24] =	ssyncset.done $0x0  }
0x8e: {  	[sflag:s24] =	ssyncadd.s32 $0xFFFFFF80  }
0x8f: {  	v3 =	vld [tilespmem:$0x0]  }
0x90: {  	v4 =	vld [tilespmem:$0x10]  }
0x91: {  	v5 =	vld [tilespmem:$0x20]  }
0x92: {  	v6 =	vld [tilespmem:$0x30]  }
0x93: {  	v7 =	vld [tilespmem:$0x40]  }
0x94: {  	v8 =	vld [tilespmem:$0x50];
	v3 =	vadd.s32 v0, v3  }
0x95: {  	v62 =	vld [tilespmem:$0x60];
	[tilespmem:$0x0] =	vst v3;
	v3 =	vadd.s32 v0, v4  }
0x96: {  	v63 =	vld [tilespmem:$0x70];
	[tilespmem:$0x10] =	vst v3;
	v3 =	vadd.s32 v0, v5  }
0x97: {  	[tilespmem:$0x20] =	vst v3;
	v3 =	vadd.s32 v0, v6  }
0x98: {  	[tilespmem:$0x30] =	vst v3;
	v3 =	vadd.s32 v0, v7  }
0x99: {  	[tilespmem:$0x40] =	vst v3;
	v3 =	vadd.s32 v0, v8  }
0x9a: {  	[tilespmem:$0x50] =	vst v3;
	v3 =	vadd.s32 v0, v62  }
0x9b: {  	[tilespmem:$0x60] =	vst v3;
	v3 =	vadd.s32 v0, v63  }
0x9c: {  	[tilespmem:$0x70] =	vst v3  }
0x9d: {  	[tilespmem:s19], [sflag:$0x1] =	stream.indirect.gather [hbm4b:s4+s22], $0x80, s2, s22, $0xb8;
	[tilespmem:$0x1C200] =	vst v63  }
0x9e: {  	_ =	swait.ge [sflag:s29], $0x4000  }
0x9f: {  	[sflag:s29] =	ssyncset.done $0x0  }
0xa0: {  	[sflag:s29] =	ssyncadd.s32 $0xFFFFC000  }
0xa1: {  	[spmem:s1] =	stream.indirect.scatter.add.f32 [tilespmem:s26], [sflag:$0x5], $0x80, s23, s22, $0xb8;
	[tilespmem:$0x1C200] =	vst v63  }
0xa2: {  	_ =	swait.ge [sflag:s20], $0x4000  }
.Ltmp4:
0xa3: {  	[sflag:s20] =	ssyncset.done $0x0;
	(pc) =	sbr.rel .LBB2_4-.Ltmp4, $4  }
0xa4: {  	s3 =	sadd.s32 $0x510, s3;
	[sflag:s20] =	ssyncadd.s32 $0xFFFFC000  }
0xa5: {  	[tilespmem:s22], [sflag:$0x4] =	stream.linear.gather [hbm4b:s3+s2], $0x80, $0x38;
	[tilespmem:$0x1C200] =	vst v63  }
0xa6: {  	s0 =	sadd.s32 $0x20, s0;
	s31 =	sadd.s32 $0x510, s16  }
0xa7: {  	[tilespmem:s23], [sflag:$0x4] =	stream.linear.gather [hbm4b:s31+s2], $0x80, $0x38;
	[tilespmem:$0x1C200] =	vst v63  }
.LBB2_6:
0xa8: {  	_ =	swait.ge [sflag:s29], $0x4000  }
0xa9: {  	[sflag:s29] =	ssyncset.done $0x0  }
0xaa: {  	[sflag:s29] =	ssyncadd.s32 $0xFFFFC000  }
0xab: {  	[spmem:s1] =	stream.indirect.scatter.add.f32 [tilespmem:s26], [sflag:$0x5], $0x80, s23, s22, $0xb8;
	[tilespmem:$0x1C200] =	vst v63  }
0xac: {  	_ =	swait.ge [sflag:s20], $0x4000  }
0xad: {  	[sflag:s20] =	ssyncset.done $0x0  }
0xae: {  	s0 =	stileid.u32;
	[sflag:s20] =	ssyncadd.s32 $0xFFFFC000  }
0xaf: {  	s0 =	sshll.u32 s0, $0x6;
	[bflag:$0x0] =	sbarrier.arrive $0xFFFF  }
0xb0: {  	s31 =	sor.u32 $0x1C05, s0;
	s0 =	sshrl.u32 s5, $0x3;
	s3 =	rddreg [dreg:$0x3]  }
0xb1: {  	[hbm:s3], [sflag:s31] =	dma.local [spmem:s0], $0x2800  }
0xb2: {  	_ =	swait.ge [sflag:s20], $0x2800  }
0xb3: {  	[sflag:s20] =	ssyncset.done $0x0  }
0xb4: {  	[sflag:s20] =	ssyncadd.s32 $0xFFFFD800  }
0xb5: {  	s14 =	simm.s32 $0x200;
	s3 =	simm.s32 $0x0;
	[bflag:$0x0] =	sbarrier.arrive $0xFFFF  }
.LBB2_7:
0xb6: {  	p0 =	sne.s32 s14, $0xFE00;
	[tilespmem:s3+$0x270] =	vst v2  }
0xb7: {  	[tilespmem:s3+$0x200] =	vst v2  }
0xb8: {  	[tilespmem:s3+$0x210] =	vst v2  }
.Ltmp5:
0xb9: {  	[tilespmem:s3+$0x220] =	vst v2;
	(pc) =	sbr.rel @p0 .LBB2_7-.Ltmp5, $4  }
0xba: {  	[tilespmem:s3+$0x230] =	vst v2  }
0xbb: {  	[tilespmem:s3+$0x240] =	vst v2  }
0xbc: {  	[tilespmem:s3+$0x250] =	vst v2  }
0xbd: {  	[tilespmem:s3+$0x260] =	vst v2;
	s3 =	sshra.s32 s14, $0x2;
	s14 =	sadd.s32 $0x200, s14  }
0xbe: {  	[tilespmem:s3+$0x270] =	vst v2  }
0xbf: {  	[tilespmem:s3+$0x200] =	vst v2  }
0xc0: {  	[tilespmem:s3+$0x210] =	vst v2  }
0xc1: {  	[tilespmem:s3+$0x220] =	vst v2  }
0xc2: {  	[tilespmem:s3+$0x230] =	vst v2  }
0xc3: {  	[tilespmem:s3+$0x240] =	vst v2  }
0xc4: {  	[tilespmem:s3+$0x250] =	vst v2  }
0xc5: {  	[tilespmem:s3+$0x260] =	vst v2  }
0xc6: {  	[spmem:s5] =	stream.linear.scatter [tilespmem:s19], [sflag:$0x5], $0x4000, $0x38;
	[tilespmem:$0x1C200] =	vst v63  }
0xc7: {  	_ =	swait.ge [sflag:s20], $0x4000  }
0xc8: {  	[sflag:s20] =	ssyncset.done $0x0  }
0xc9: {  	[sflag:s20] =	ssyncadd.s32 $0xFFFFC000  }
0xca: {  	[spmem:s6] =	stream.linear.scatter [tilespmem:s19], [sflag:$0x5], $0x4000, $0x38;
	[tilespmem:$0x1C200] =	vst v63  }
0xcb: {  	_ =	swait.ge [sflag:s20], $0x4000  }
0xcc: {  	[sflag:s20] =	ssyncset.done $0x0  }
0xcd: {  	[sflag:s20] =	ssyncadd.s32 $0xFFFFC000  }
0xce: {  	[spmem:s7] =	stream.linear.scatter [tilespmem:s19], [sflag:$0x5], $0x4000, $0x38;
	[tilespmem:$0x1C200] =	vst v63  }
0xcf: {  	_ =	swait.ge [sflag:s20], $0x4000  }
0xd0: {  	[sflag:s20] =	ssyncset.done $0x0  }
0xd1: {  	[sflag:s20] =	ssyncadd.s32 $0xFFFFC000  }
0xd2: {  	[spmem:s8] =	stream.linear.scatter [tilespmem:s19], [sflag:$0x5], $0x4000, $0x38;
	[tilespmem:$0x1C200] =	vst v63  }
0xd3: {  	_ =	swait.ge [sflag:s20], $0x4000  }
0xd4: {  	[sflag:s20] =	ssyncset.done $0x0  }
0xd5: {  	[sflag:s20] =	ssyncadd.s32 $0xFFFFC000  }
0xd6: {  	[spmem:s9] =	stream.linear.scatter [tilespmem:s19], [sflag:$0x5], $0x4000, $0x38;
	[tilespmem:$0x1C200] =	vst v63  }
0xd7: {  	_ =	swait.ge [sflag:s20], $0x4000  }
0xd8: {  	[sflag:s20] =	ssyncset.done $0x0  }
0xd9: {  	[sflag:s20] =	ssyncadd.s32 $0xFFFFC000  }
0xda: {  	[bflag:$0x0] =	sbarrier.arrive $0xFFFF  }
0xdb: {  	[tilespmem:s2], [sflag:$0x3] =	stream.linear.gather [hbm4b:s10+s2], $0x80, $0x38;
	[tilespmem:$0x1C200] =	vst v63  }
0xdc: {  	_ = 	snop  }
0xdd: {  	[tilespmem:s21], [sflag:$0x3] =	stream.linear.gather [hbm4b:s11+s2], $0x80, $0x38;
	[tilespmem:$0x1C200] =	vst v63  }
0xde: {  	_ = 	snop  }
0xdf: {  	[tilespmem:s22], [sflag:$0x4] =	stream.linear.gather [hbm4b:s12+s2], $0x80, $0x38;
	[tilespmem:$0x1C200] =	vst v63  }
0xe0: {  	_ = 	snop  }
0xe1: {  	[tilespmem:s23], [sflag:$0x4] =	stream.linear.gather [hbm4b:s13+s2], $0x80, $0x38;
	[tilespmem:$0x1C200] =	vst v63  }
0xe2: {  	_ =	swait.ge [sflag:s24], $0x80  }
0xe3: {  	[sflag:s24] =	ssyncset.done $0x0  }
0xe4: {  	[sflag:s24] =	ssyncadd.s32 $0xFFFFFF80  }
0xe5: {  	_ =	swait.ge [sflag:s24], $0x80  }
0xe6: {  	[sflag:s24] =	ssyncset.done $0x0  }
0xe7: {  	[sflag:s24] =	ssyncadd.s32 $0xFFFFFF80  }
0xe8: {  	v3 =	vld [tilespmem:$0x0]  }
0xe9: {  	v4 =	vld [tilespmem:$0x10]  }
0xea: {  	v5 =	vld [tilespmem:$0x20]  }
0xeb: {  	v6 =	vld [tilespmem:$0x30]  }
0xec: {  	v7 =	vld [tilespmem:$0x40]  }
0xed: {  	v8 =	vld [tilespmem:$0x50];
	v3 =	vadd.s32 v1, v3  }
0xee: {  	v62 =	vld [tilespmem:$0x60];
	[tilespmem:$0x0] =	vst v3;
	v3 =	vadd.s32 v1, v4  }
0xef: {  	v63 =	vld [tilespmem:$0x70];
	[tilespmem:$0x10] =	vst v3;
	v3 =	vadd.s32 v1, v5  }
0xf0: {  	[tilespmem:$0x20] =	vst v3;
	v3 =	vadd.s32 v1, v6  }
0xf1: {  	[tilespmem:$0x30] =	vst v3;
	v3 =	vadd.s32 v1, v7  }
0xf2: {  	[tilespmem:$0x40] =	vst v3;
	v3 =	vadd.s32 v1, v8  }
0xf3: {  	[tilespmem:$0x50] =	vst v3;
	v3 =	vadd.s32 v1, v62  }
0xf4: {  	[tilespmem:$0x60] =	vst v3;
	v3 =	vadd.s32 v1, v63  }
0xf5: {  	s3 =	simm.s32 $0xFFFFFB20;
	[tilespmem:$0x70] =	vst v3  }
0xf6: {  	[tilespmem:s19], [sflag:$0x1] =	stream.indirect.gather [hbm4b:s4+s22], $0x80, s2, s22, $0xb8;
	[tilespmem:$0x1C200] =	vst v63  }
.LBB2_9:
0xf7: {  	_ =	swait.ge [sflag:s25], $0x80  }
0xf8: {  	[sflag:s25] =	ssyncset.done $0x0  }
0xf9: {  	[sflag:s25] =	ssyncadd.s32 $0xFFFFFF80  }
0xfa: {  	_ =	swait.ge [sflag:s25], $0x80  }
0xfb: {  	[sflag:s25] =	ssyncset.done $0x0  }
0xfc: {  	[sflag:s25] =	ssyncadd.s32 $0xFFFFFF80  }
0xfd: {  	v3 =	vld [tilespmem:$0x80]  }
0xfe: {  	v4 =	vld [tilespmem:$0x90]  }
0xff: {  	v5 =	vld [tilespmem:$0xA0]  }
0x100: {  	v6 =	vld [tilespmem:$0xB0]  }
0x101: {  	v7 =	vld [tilespmem:$0xC0]  }
0x102: {  	v8 =	vld [tilespmem:$0xD0];
	v3 =	vadd.s32 v1, v3  }
0x103: {  	v62 =	vld [tilespmem:$0xE0];
	[tilespmem:$0x80] =	vst v3;
	v3 =	vadd.s32 v1, v4  }
0x104: {  	v63 =	vld [tilespmem:$0xF0];
	[tilespmem:$0x90] =	vst v3;
	v3 =	vadd.s32 v1, v5  }
0x105: {  	[tilespmem:$0xA0] =	vst v3;
	v3 =	vadd.s32 v1, v6  }
0x106: {  	[tilespmem:$0xB0] =	vst v3;
	v3 =	vadd.s32 v1, v7  }
0x107: {  	[tilespmem:$0xC0] =	vst v3;
	v3 =	vadd.s32 v1, v8  }
0x108: {  	[tilespmem:$0xD0] =	vst v3;
	v3 =	vadd.s32 v1, v62  }
0x109: {  	[tilespmem:$0xE0] =	vst v3;
	v3 =	vadd.s32 v1, v63  }
0x10a: {  	[tilespmem:$0xF0] =	vst v3  }
0x10b: {  	[tilespmem:s26], [sflag:$0x2] =	stream.indirect.gather [hbm4b:s4+s22], $0x80, s22, s22, $0xb8;
	[tilespmem:$0x1C200] =	vst v63  }
0x10c: {  	_ =	swait.ge [sflag:s28], $0x4000  }
0x10d: {  	p0 =	seq.s32 s3, $0x0;
	[sflag:s28] =	ssyncset.done $0x0  }
.Ltmp6:
0x10e: {  	[sflag:s28] =	ssyncadd.s32 $0xFFFFC000;
	(pc) =	sbr.rel @p0 .LBB2_11-.Ltmp6, $4  }
0x10f: {  	[spmem:s1] =	stream.indirect.scatter.add.f32 [tilespmem:s19], [sflag:$0x5], $0x80, s21, s22, $0xb8;
	[tilespmem:$0x1C200] =	vst v63  }
0x110: {  	_ =	swait.ge [sflag:s20], $0x4000  }
0x111: {  	[sflag:s20] =	ssyncset.done $0x0  }
0x112: {  	[sflag:s20] =	ssyncadd.s32 $0xFFFFC000  }
0x113: {  	s14 =	sadd.s32 s3, s18  }
0x114: {  	s15 =	sadd.s32 $0x500, s14  }
0x115: {  	[tilespmem:s2], [sflag:$0x3] =	stream.linear.gather [hbm4b:s15+s2], $0x80, $0x38;
	[tilespmem:$0x1C200] =	vst v63  }
0x116: {  	s15 =	sadd.s32 s3, s17  }
0x117: {  	s16 =	sadd.s32 $0x500, s15  }
0x118: {  	[tilespmem:s21], [sflag:$0x3] =	stream.linear.gather [hbm4b:s16+s2], $0x80, $0x38;
	[tilespmem:$0x1C200] =	vst v63  }
0x119: {  	_ =	swait.ge [sflag:s24], $0x80  }
0x11a: {  	[sflag:s24] =	ssyncset.done $0x0  }
0x11b: {  	[sflag:s24] =	ssyncadd.s32 $0xFFFFFF80  }
0x11c: {  	_ =	swait.ge [sflag:s24], $0x80  }
0x11d: {  	[sflag:s24] =	ssyncset.done $0x0  }
0x11e: {  	[sflag:s24] =	ssyncadd.s32 $0xFFFFFF80  }
0x11f: {  	v3 =	vld [tilespmem:$0x0]  }
0x120: {  	v4 =	vld [tilespmem:$0x10]  }
0x121: {  	v5 =	vld [tilespmem:$0x20]  }
0x122: {  	v6 =	vld [tilespmem:$0x30]  }
0x123: {  	v7 =	vld [tilespmem:$0x40]  }
0x124: {  	v8 =	vld [tilespmem:$0x50];
	v3 =	vadd.s32 v1, v3  }
0x125: {  	v62 =	vld [tilespmem:$0x60];
	[tilespmem:$0x0] =	vst v3;
	v3 =	vadd.s32 v1, v4  }
0x126: {  	v63 =	vld [tilespmem:$0x70];
	[tilespmem:$0x10] =	vst v3;
	v3 =	vadd.s32 v1, v5  }
0x127: {  	[tilespmem:$0x20] =	vst v3;
	v3 =	vadd.s32 v1, v6  }
0x128: {  	[tilespmem:$0x30] =	vst v3;
	v3 =	vadd.s32 v1, v7  }
0x129: {  	[tilespmem:$0x40] =	vst v3;
	v3 =	vadd.s32 v1, v8  }
0x12a: {  	[tilespmem:$0x50] =	vst v3;
	v3 =	vadd.s32 v1, v62  }
0x12b: {  	[tilespmem:$0x60] =	vst v3;
	v3 =	vadd.s32 v1, v63  }
0x12c: {  	[tilespmem:$0x70] =	vst v3  }
0x12d: {  	[tilespmem:s19], [sflag:$0x1] =	stream.indirect.gather [hbm4b:s4+s22], $0x80, s2, s22, $0xb8;
	[tilespmem:$0x1C200] =	vst v63  }
0x12e: {  	_ =	swait.ge [sflag:s29], $0x4000  }
0x12f: {  	[sflag:s29] =	ssyncset.done $0x0  }
0x130: {  	[sflag:s29] =	ssyncadd.s32 $0xFFFFC000  }
0x131: {  	[spmem:s1] =	stream.indirect.scatter.add.f32 [tilespmem:s26], [sflag:$0x5], $0x80, s23, s22, $0xb8;
	[tilespmem:$0x1C200] =	vst v63  }
0x132: {  	_ =	swait.ge [sflag:s20], $0x4000  }
.Ltmp7:
0x133: {  	[sflag:s20] =	ssyncset.done $0x0;
	(pc) =	sbr.rel .LBB2_9-.Ltmp7, $4  }
0x134: {  	s14 =	sadd.s32 $0x510, s14;
	[sflag:s20] =	ssyncadd.s32 $0xFFFFC000  }
0x135: {  	[tilespmem:s22], [sflag:$0x4] =	stream.linear.gather [hbm4b:s14+s2], $0x80, $0x38;
	[tilespmem:$0x1C200] =	vst v63  }
0x136: {  	s3 =	sadd.s32 $0x20, s3;
	s16 =	sadd.s32 $0x510, s15  }
0x137: {  	[tilespmem:s23], [sflag:$0x4] =	stream.linear.gather [hbm4b:s16+s2], $0x80, $0x38;
	[tilespmem:$0x1C200] =	vst v63  }
.LBB2_12:
0x138: {  	_ =	sfence.sel $0x180000  }
0x139: {  	[bflag:$0x0] =	sbarrier.arrive $0xFFFF  }
0x13a: {  	_ =	strace $0x9000004D  }
0x13b: {  	s0 =	stileid.u32;
	[bflag:$0x2] =	sbarrier.arrive $0xFFFF  }
0x13c: {  	p0 =	sne.s32 s0, $0x0;
	s0 =	rddreg [dreg:$0x2]  }
0x13d: {  	s0 =	sadd.s32 @!p0 $0x100000, s0  }
0x13e: {  	[sflag:s0] =	ssyncadd.tile.s32 @!p0 $0x1;
	_ =	shalt  }
.Lfunc_end2:
_tile_overlayer_lowered:
.L_overlay_start_2:
0x13f: {  	(tag) =	ssettag $0x2  }
0x140: {  	s0 =	rddreg [dreg:$0x0];
	s2 =	stileid.u32  }
0x141: {  	s1 =	rddreg [dreg:$0x1];
	p0 =	sne.s32 s2, $0x0  }
0x142: {  	s3 =	rddreg [dreg:$0x2];
	[bflag:$0x3] =	sbarrier.arrive $0xFFFF;
	s2 =	simm.s32 @!p0 $0x1C05  }
0x143: {  	[timem:s3], [sflag:s2] =	dma.local @!p0 [hbm:s0], s1  }
0x144: {  	s0 =	simm.s32 @!p0 $0x5  }
0x145: {  	_ =	swait.ge @!p0 [sflag:s0], s1  }
0x146: {  	s1 =	ssub.s32 @!p0 $0x0, s1;
	[sflag:s0] =	ssyncset.done @!p0 $0x0  }
0x147: {  	[sflag:s0] =	ssyncadd.s32 @!p0 s1  }
0x148: {  	[bflag:$0x3] =	sbarrier.arrive $0xFFFF  }
0x149: {  	_ =	shalt  }

// kernel: kernel.8.cloned.1.call-start
scs
__scs_entry_jumppad:
0x0: {  	(pc) =	sbr.rel $0x88, $3  }
0x1: {  	(tag) =	ssettag $0x0;
	lr =	simm.s32 $0x1  }
0x2: {  	[smem:$0x3F93] =	sst lr;
	_ =	strace $0xD0000000  }
0x3: {  	_ = 	snop  }
0x4: {  	_ = 	snop  }
0x5: {  	_ = 	snop  }
0x6: {  	_ = 	snop  }
0x7: {  	_ = 	snop  }
__scs_overlays_trampoline_lowered:
0x8: {  	[smem:$0x3FA2] =	sst s0  }
0x9: {  	[smem:$0x3FA3] =	sst s1  }
0xa: {  	[smem:$0x3FA4] =	sst s2  }
0xb: {  	[smem:$0x3FA5] =	sst s3  }
0xc: {  	[smem:$0x3FA6] =	sst s4  }
0xd: {  	[smem:$0x3FA7] =	sst s5  }
0xe: {  	[smem:$0x3FA8] =	sst s6  }
0xf: {  	[smem:$0x3FA9] =	sst s7  }
0x10: {  	[smem:$0x3FAA] =	sst s8  }
0x11: {  	[smem:$0x3FAB] =	sst s9;
	s0 =	simm.s32 @!p0 $0x0  }
0x12: {  	s1 =	sld [smem:$0x3F91];
	s0 =	simm.s32 @p0 $0x1  }
0x13: {  	[smem:$0x3FAC] =	sst s0;
	s0 =	simm.s32 @!p1 $0x0  }
0x14: {  	s2 =	sld [smem:$0x3F90];
	s0 =	simm.s32 @p1 $0x1  }
0x15: {  	[smem:$0x3FAD] =	sst s0;
	s0 =	simm.s32 @!p2 $0x0  }
0x16: {  	s3 =	sld [smem:$0x3FDB];
	s0 =	simm.s32 @p2 $0x1  }
0x17: {  	s4 =	simm.s32 $0x1BF5;
	[smem:$0x3FAF] =	sst s0  }
0x18: {  	s0 =	sld [smem:$0x3F92];
	_ =	swait.ge [sflag:s4], $0x0  }
0x19: {  	s7 =	sld [smem:$0x3F93]  }
0x1a: {  	s8 =	sadd.s32 $0xFFFFE003, lr  }
0x1b: {  	s9 =	sadd.s32 $0xFFFFFEF7, lr;
	s5 =	simm.s32 $0xFFFFFFFF;
	p2 =	slt.u32 s8, $0xFFFFF086  }
0x1c: {  	p1 =	slt.u32 s9, $0xF7A;
	s5 =	simm.s32 @!p2 $0x0  }
0x1d: {  	s5 =	simm.s32 @p1 $0x1;
	p0 =	seq.s32 s7, s2  }
0x1e: {  	s7 =	smul.u32 @!p0 $0xF7A, s2;
	p2 =	seq.s32 @!p0 s5, $0x0  }
0x1f: {  	s9 =	smul.u32 $0xF7A, s1;
	s8 =	simm.s32 @!p0 $0x1BF5;
	p2 =	por !p2, p0  }
0x20: {  	[sflag:s8] =	ssyncset.s32 @!p0 $0xFFFFF086;
	s6 =	sadd.s32 @!p0 s3, s7;
	s7 =	simm.s32 @!p0 $0x108  }
0x21: {  	s3 =	sadd.s32 s3, s9;
	s6 =	sadd.s32 @!p0 $0x88, s6;
	s7 =	simm.s32 @p2 $0x1082  }
0x22: {  	[simem:s7], [sflag:s8] =	dma.local @!p0 [hbm:s6], $0xF7A  }
0x23: {  	s9 =	sor.u32 $0xD0000000, s2;
	s6 =	simm.s32 $0x108;
	_ =	swait.ge @!p0 [sflag:s8], $0x0  }
0x24: {  	s3 =	sadd.s32 $0x88, s3;
	s6 =	simm.s32 @!p1 $0x1082;
	[sflag:s4] =	ssyncset.s32 $0xFFFFF086  }
0x25: {  	[simem:s6], [sflag:s4] =	dma.local [hbm:s3], $0xF7A  }
0x26: {  	[smem:$0x3F93] =	sst s1;
	(tag) =	ssettag s2;
	_ =	strace s9  }
0x27: {  	s1 =	sld [smem:$0x3FA3]  }
0x28: {  	s2 =	sld [smem:$0x3FA4]  }
0x29: {  	s4 =	sld [smem:$0x3FA6]  }
0x2a: {  	p0 =	seq.s32 s5, $0x0;
	s5 =	sld [smem:$0x3FA7]  }
0x2b: {  	s6 =	sld [smem:$0x3FA8]  }
0x2c: {  	s7 =	sld [smem:$0x3FA9]  }
0x2d: {  	s3 =	simm.s32 $0x108;
	s8 =	sld [smem:$0x3FAA]  }
0x2e: {  	s3 =	simm.s32 @!p0 $0x1082;
	s9 =	sld [smem:$0x3FAB]  }
0x2f: {  	lr =	sadd.s32 s0, s3;
	s0 =	sld [smem:$0x3FA2]  }
0x30: {  	s3 =	sld [smem:$0x3FA5]  }
0x31: {  	[smem:$0x3FAE] =	sst s10  }
0x32: {  	s10 =	sld [smem:$0x3FAC];
	_ =	sdelay $0x3  }
0x33: {  	p0 =	seq.s32 s10, $0x1;
	s10 =	sld [smem:$0x3FAE];
	_ =	sdelay $0x3  }
0x34: {  	[smem:$0x3FAE] =	sst s10  }
0x35: {  	s10 =	sld [smem:$0x3FAD];
	_ =	sdelay $0x3  }
0x36: {  	p1 =	seq.s32 s10, $0x1;
	s10 =	sld [smem:$0x3FAE];
	_ =	sdelay $0x3  }
0x37: {  	[smem:$0x3FAE] =	sst s10  }
0x38: {  	s10 =	sld [smem:$0x3FAF]  }
0x39: {  	_ = 	snop;
	(pc) =	sbr.ind lr, $3  }
0x3a: {  	_ = 	snop  }
0x3b: {  	_ = 	snop  }
0x3c: {  	p2 =	seq.s32 s10, $0x1;
	s10 =	sld [smem:$0x3FAE]  }
0x3d: {  	_ =	shalt  }
0x3e: {  	_ =	shalt  }
0x3f: {  	_ =	shalt  }
0x40: {  	_ =	shalt  }
0x41: {  	_ =	shalt  }
0x42: {  	_ =	shalt  }
0x43: {  	_ =	shalt  }
0x44: {  	_ =	shalt  }
0x45: {  	_ =	shalt  }
0x46: {  	_ =	shalt  }
0x47: {  	_ =	shalt  }
0x48: {  	_ =	shalt  }
0x49: {  	_ =	shalt  }
0x4a: {  	_ =	shalt  }
0x4b: {  	_ =	shalt  }
0x4c: {  	_ =	shalt  }
0x4d: {  	_ =	shalt  }
0x4e: {  	_ =	shalt  }
0x4f: {  	_ =	shalt  }
0x50: {  	_ =	shalt  }
0x51: {  	_ =	shalt  }
0x52: {  	_ =	shalt  }
0x53: {  	_ =	shalt  }
0x54: {  	_ =	shalt  }
0x55: {  	_ =	shalt  }
0x56: {  	_ =	shalt  }
0x57: {  	_ =	shalt  }
0x58: {  	_ =	shalt  }
0x59: {  	_ =	shalt  }
0x5a: {  	_ =	shalt  }
0x5b: {  	_ =	shalt  }
0x5c: {  	_ =	shalt  }
0x5d: {  	_ =	shalt  }
0x5e: {  	_ =	shalt  }
0x5f: {  	_ =	shalt  }
0x60: {  	_ =	shalt  }
0x61: {  	_ =	shalt  }
0x62: {  	_ =	shalt  }
0x63: {  	_ =	shalt  }
0x64: {  	_ =	shalt  }
0x65: {  	_ =	shalt  }
0x66: {  	_ =	shalt  }
0x67: {  	_ =	shalt  }
0x68: {  	_ =	shalt  }
0x69: {  	_ =	shalt  }
0x6a: {  	_ =	shalt  }
0x6b: {  	_ =	shalt  }
0x6c: {  	_ =	shalt  }
0x6d: {  	_ =	shalt  }
0x6e: {  	_ =	shalt  }
0x6f: {  	_ =	shalt  }
0x70: {  	_ =	shalt  }
0x71: {  	_ =	shalt  }
0x72: {  	_ =	shalt  }
0x73: {  	_ =	shalt  }
0x74: {  	_ =	shalt  }
0x75: {  	_ =	shalt  }
0x76: {  	_ =	shalt  }
0x77: {  	_ =	shalt  }
0x78: {  	_ =	shalt  }
0x79: {  	_ =	shalt  }
0x7a: {  	_ =	shalt  }
0x7b: {  	_ =	shalt  }
0x7c: {  	_ =	shalt  }
0x7d: {  	_ =	shalt  }
0x7e: {  	_ =	shalt  }
0x7f: {  	_ =	shalt  }
0x80: {  	_ =	shalt  }
0x81: {  	_ =	shalt  }
0x82: {  	_ =	shalt  }
0x83: {  	_ =	shalt  }
0x84: {  	_ =	shalt  }
0x85: {  	_ =	shalt  }
0x86: {  	_ =	shalt  }
0x87: {  	_ =	shalt  }
.Lfunc_end0:
.L_simem_size_0:
called_computation_lowered:
.L_overlay_start_0:
0x88: {  	s2 =	sld [smem:$0x3FD9]  }
0x89: {  	s3 =	sld [smem:$0x3FFE];
	_ =	sdelay $0x1  }
0x8a: {  	s1 =	srdreg.scid  }
0x8b: {  	s0 =	sand.u32 $0x1, s1  }
0x8c: {  	s17 =	sshll.u32 s0, $0xA;
	s2 =	sadd.s32 s3, s2  }
0x8d: {  	s2 =	sadd.s32 s2, s17  }
0x8e: {  	[smem:$0x3FBA] =	sst s2  }
0x8f: {  	_ = 	snop  }
0x90: {  	s2 =	sld [smem:$0x3FD0];
	(tm) =	ssettm $0x1  }
0x91: {  	s18 =	sld [smem:$0x3FFB];
	_ =	sdelay $0x3  }
0x92: {  	_ =	strace s18  }
0x93: {  	s3 =	sld [smem:$0x3FFC];
	_ =	sdelay $0x3  }
0x94: {  	_ =	strace s3  }
0x95: {  	s3 =	sld [smem:$0x3FFD];
	_ =	sdelay $0x3  }
0x96: {  	_ =	strace s3  }
0x97: {  	_ =	strace $0x8FFFFFFF  }
0x98: {  	s19 =	sld [smem:$0x3FDB];
	_ =	sdelay $0x1  }
0x99: {  	s4 =	simm.s32 $_scs_section_size  }
0x9a: {  	s5 =	simm.s32 $_size__tile_overlayer_lowered;
	s6 =	simm.s32 $_tile_overlayer_lowered  }
0x9b: {  	s22 =	simm.s32 $0x1BFF;
	s21 =	sshll.u32 s6, $0x1;
	s3 =	sadd.s32 s4, s19  }
0x9c: {  	s7 =	simm.s32 $0x0;
	s20 =	sshll.u32 s5, $0x1;
	s5 =	sadd.s32 s21, s3  }
0x9d: {  	[timem:s7], [sflag:s22] =	dma.local [hbm:s5], s20  }
0x9e: {  	_ =	swait.ge [sflag:s22], s20  }
0x9f: {  	s4 =	ssub.s32 $0x0, s20;
	[sflag:s22] =	ssyncset.done $0x0  }
0xa0: {  	[sflag:s22] =	ssyncadd.s32 s4;
	_ =	sdelay $0x1  }
0xa1: {  	s23 =	simm.s32 $0x1B8B  }
0xa2: {  	_ =	swait.ge [sflag:s23], $0x1  }
0xa3: {  	[sflag:s23] =	ssyncset.done $0x0  }
0xa4: {  	s25 =	simm.s32 $0x1B8E;
	s24 =	sld [smem:$0x3FFE];
	[sflag:s23] =	ssyncadd.s32 $0xFFFFFFFF  }
0xa5: {  	s26 =	simm.s32 $execute0_lowered;
	[smem:$0x3FD2] =	sst s25  }
0xa6: {  	s5 =	sshll.u32 s26, $0x1;
	_ =	strace $0x80000046;
	[dreg:$0x1] =	wrdreg $0xFFFFFFFF  }
0xa7: {  	s28 =	simm.s32 $_size_execute0_lowered;
	s3 =	sadd.s32 s3, s5;
	[dreg:$0x0] =	wrdreg $0x0  }
0xa8: {  	s5 =	sshll.u32 s28, $0x1;
	[dreg:$0x2] =	wrdreg s3  }
0xa9: {  	[dreg:$0x3] =	wrdreg s5  }
0xaa: {  	[dreg:$0x4] =	wrdreg $0xC0  }
0xab: {  	_ =	task [dreg:s7], $0x5FFFF  }
0xac: {  	[dreg:$0x1] =	wrdreg $0xFFFFFFFF  }
0xad: {  	[dreg:$0x0] =	wrdreg $0x60  }
0xae: {  	[dreg:$0x2] =	wrdreg s24  }
0xaf: {  	[dreg:$0x3] =	wrdreg s2  }
0xb0: {  	[dreg:$0x4] =	wrdreg $0x17000  }
0xb1: {  	[dreg:$0x5] =	wrdreg $0x9  }
0xb2: {  	_ =	task.clear_ibuf [dreg:s7], $0x6FFFF;
	_ =	strace $0x90000046  }
0xb3: {  	s29 =	simm.s32 $0x9;
	_ =	strace $0x80000048  }
0xb4: {  	_ =	swait.ge [sflag:s29], $0x1  }
0xb5: {  	[sflag:s29] =	ssyncadd.s32 $0xFFFFFFFF  }
0xb6: {  	_ =	strace $0x90000048  }
0xb7: {  	_ =	sfence  }
0xb8: {  	s30 =	sld [smem:$0x0];
	_ =	sdelay $0x2  }
0xb9: {  	s31 =	sshll.u32 s1, $0xD;
	s1 =	sshrl.u32 s1, $0x2  }
0xba: {  	s3 =	sand.u32 $0x4000, s31;
	s1 =	sadd.s32 s1, s30  }
0xbb: {  	s0 =	sor.u32 s3, s0;
	s1 =	sshll.u32 s1, $0x11  }
0xbc: {  	s0 =	sor.u32 s1, s0  }
0xbd: {  	s0 =	sadd.s32 $0x8F2B, s0  }
0xbe: {  	[sflag:s0] =	ssyncadd.remote.s32 $0x1  }
0xbf: {  	_ =	sfence.sel $0xFFFF  }
0xc0: {  	[dreg:$0x0] =	wrdreg $0xFFFFFFFF;
	(pc) =	sbr.abs _section_cstart, $3  }
0xc1: {  	[dreg:$0x1] =	wrdreg $0xFFFFFFFF  }
0xc2: {  	_ =	task.clear_ibuf [dreg:s7], $0x2FFFF;
	_ =	strace $0x9FFFFFFF  }
0xc3: {  	(tm) =	ssettm $0x7FFFFFFF  }
tec
execute0_lowered:
.L_overlay_start_1:
0x0: {  	(tag) =	ssettag $0x1  }
0x1: {  	s4 =	rddreg [dreg:$0x0]  }
0x2: {  	s6 =	rddreg [dreg:$0x1]  }
0x3: {  	s2 =	rddreg [dreg:$0x2]  }
0x4: {  	s0 =	rddreg [dreg:$0x3]  }
0x5: {  	s3 =	srdreg.scid;
	s1 =	stileid.u32  }
0x6: {  	s11 =	simm.s32 $0x1400;
	s14 =	simm.s32 $0x0;
	s5 =	sand.u32 $0x1, s3  }
0x7: {  	s7 =	sshll.u32 s1, $0x1;
	s8 =	smul.u32 $0x280, s1;
	s3 =	simm.s32 $0x0  }
0x8: {  	s12 =	sshll.u32 s1, $0x6;
	s7 =	sor.u32 s5, s7;
	s9 =	smul.u32 $0x2800, s5  }
0x9: {  	[smem:$0x7FF] =	sst s3;
	s5 =	ssub.s32 $0x2, s5;
	s7 =	smul.u32 $0x280, s7  }
0xa: {  	s12 =	sor.u32 $0x1C01, s12;
	_ =	strace $0x80000047;
	s10 =	sshrl.u32 s5, $0x1  }
0xb: {  	s9 =	sadd.s32 s8, s9;
	s10 =	ssub.s32 s5, s10;
	s7 =	sadd.s32 s7, s4  }
0xc: {  	s9 =	sshrl.u32 s9, $0x3;
	s4 =	sadd.s32 s8, s2;
	s8 =	simm.s32 $0x1480  }
0xd: {  	s5 =	sadd.s32 $0x2200, s7;
	s6 =	sadd.s32 s6, s9;
	s7 =	smax.u32 s10, $0x1  }
0xe: {  	v0 =	vimm.f32 $1.000000000e+00;
	v1 =	vimm.f32 $0.0e+00;
	s9 =	simm.s32 $0x1;
	s10 =	simm.s32 $0x80;
	s13 =	sshrl.u32 s4, $0x3  }
.LBB2_1:
0xf: {  	[tilespmem:$0x1400] =	vst v0  }
0x10: {  	[tilespmem:$0x1410] =	vst v0  }
0x11: {  	[tilespmem:$0x1420] =	vst v0  }
0x12: {  	[tilespmem:$0x1430] =	vst v0  }
0x13: {  	[tilespmem:$0x1440] =	vst v0  }
0x14: {  	[tilespmem:$0x1450] =	vst v0  }
0x15: {  	[tilespmem:$0x1460] =	vst v0  }
0x16: {  	[tilespmem:$0x1470] =	vst v0  }
0x17: {  	[tilespmem:$0x1480] =	vst v1  }
0x18: {  	[tilespmem:$0x1490] =	vst v1  }
0x19: {  	[tilespmem:$0x14A0] =	vst v1  }
0x1a: {  	[tilespmem:$0x14B0] =	vst v1  }
0x1b: {  	[tilespmem:$0x14C0] =	vst v1  }
0x1c: {  	[tilespmem:$0x14D0] =	vst v1  }
0x1d: {  	[tilespmem:$0x14E0] =	vst v1  }
0x1e: {  	[tilespmem:$0x14F0] =	vst v1  }
0x1f: {  	[tilespmem:$0x1500] =	vst v1  }
0x20: {  	[tilespmem:$0x1510] =	vst v1  }
0x21: {  	[tilespmem:$0x1520] =	vst v1  }
0x22: {  	[tilespmem:$0x1530] =	vst v1  }
0x23: {  	[tilespmem:$0x1540] =	vst v1  }
0x24: {  	[tilespmem:$0x1550] =	vst v1  }
0x25: {  	[tilespmem:$0x1560] =	vst v1  }
0x26: {  	[tilespmem:$0x1570] =	vst v1  }
0x27: {  	[tilespmem:$0x1580] =	vst v1  }
0x28: {  	[tilespmem:$0x1590] =	vst v1  }
0x29: {  	[tilespmem:$0x15A0] =	vst v1  }
0x2a: {  	[tilespmem:$0x15B0] =	vst v1  }
0x2b: {  	[tilespmem:$0x15C0] =	vst v1  }
0x2c: {  	[tilespmem:$0x15D0] =	vst v1  }
0x2d: {  	[tilespmem:$0x15E0] =	vst v1  }
0x2e: {  	[tilespmem:$0x15F0] =	vst v1  }
0x2f: {  	[tilespmem:$0x1600] =	vst v1  }
0x30: {  	[tilespmem:$0x1610] =	vst v1  }
0x31: {  	[tilespmem:$0x1620] =	vst v1  }
0x32: {  	[tilespmem:$0x1630] =	vst v1  }
0x33: {  	[tilespmem:$0x1640] =	vst v1  }
0x34: {  	[tilespmem:$0x1650] =	vst v1  }
0x35: {  	[tilespmem:$0x1660] =	vst v1  }
0x36: {  	[tilespmem:$0x1670] =	vst v1  }
0x37: {  	[tilespmem:$0x1680] =	vst v1  }
0x38: {  	[tilespmem:$0x1690] =	vst v1  }
0x39: {  	[tilespmem:$0x16A0] =	vst v1  }
0x3a: {  	[tilespmem:$0x16B0] =	vst v1  }
0x3b: {  	[tilespmem:$0x16C0] =	vst v1  }
0x3c: {  	[tilespmem:$0x16D0] =	vst v1  }
0x3d: {  	[tilespmem:$0x16E0] =	vst v1  }
0x3e: {  	[tilespmem:$0x16F0] =	vst v1  }
0x3f: {  	[spmem:s4] =	stream.linear.scatter [tilespmem:s8], [sflag:$0x1], $0x280, $0x38;
	[tilespmem:$0x1980] =	vst v63  }
0x40: {  	_ =	swait.ge [sflag:s9], $0x280  }
0x41: {  	[sflag:s9] =	ssyncset.done $0x0  }
0x42: {  	[sflag:s9] =	ssyncadd.s32 $0xFFFFFD80  }
0x43: {  	[tilespmem:s3], [sflag:$0x1] =	stream.linear.gather [hbm4b:s5+s3], $0x1400, $0x38;
	[tilespmem:$0x1980] =	vst v63  }
0x44: {  	_ =	swait.ge [sflag:s9], $0x1400  }
0x45: {  	[sflag:s9] =	ssyncset.done $0x0  }
0x46: {  	[sflag:s9] =	ssyncadd.s32 $0xFFFFEC00  }
0x47: {  	s15 =	simm.s32 $0x0;
	[bflag:$0x0] =	sbarrier.arrive $0xFFFF  }
0x48: {  	[spmem:s2] =	stream.indirect.scatter.add.f32 [tilespmem:s11], [sflag:$0x1], $0x1, s15, s10, $0xb8;
	[tilespmem:$0x1980] =	vst v63  }
0x49: {  	_ =	swait.ge [sflag:s9], $0x80  }
0x4a: {  	s15 =	simm.s32 $0x200;
	[sflag:s9] =	ssyncset.done $0x0  }
.LBB2_2:
0x4b: {  	s16 =	sshra.s32 s15, $0x2;
	[sflag:s9] =	ssyncadd.s32 $0xFFFFFF80;
	p0 =	sne.s32 s15, $0x4E00  }
0x4c: {  	[spmem:s2] =	stream.indirect.scatter.add.f32 [tilespmem:s11], [sflag:$0x1], $0x1, s16, s10, $0xb8;
	[tilespmem:$0x1980] =	vst v63  }
.Ltmp0:
0x4d: {  	_ = 	snop;
	(pc) =	sbr.rel @p0 .LBB2_2-.Ltmp0, $4  }
0x4e: {  	_ = 	snop  }
0x4f: {  	s15 =	sadd.s32 $0x200, s15  }
0x50: {  	_ =	swait.ge [sflag:s9], $0x80  }
0x51: {  	[sflag:s9] =	ssyncset.done $0x0  }
0x52: {  	s14 =	sadd.s32 $0x1, s14  }
0x53: {  	[sflag:s9] =	ssyncadd.s32 $0xFFFFFF80;
	p0 =	sne.s32 s14, s7  }
.Ltmp1:
0x54: {  	[bflag:$0x0] =	sbarrier.arrive $0xFFFF;
	(pc) =	sbr.rel @p0 .LBB2_1-.Ltmp1, $4  }
0x55: {  	[hbm:s6], [sflag:s12] =	dma.local [spmem:s13], $0x50  }
0x56: {  	_ =	swait.ge [sflag:s9], $0x50  }
0x57: {  	[sflag:s9] =	ssyncset.done $0x0  }
0x58: {  	[sflag:s9] =	ssyncadd.s32 $0xFFFFFFB0  }
0x59: {  	_ =	sfence.sel $0x180000  }
0x5a: {  	[bflag:$0x0] =	sbarrier.arrive $0xFFFF  }
0x5b: {  	p0 =	sne.s32 s1, $0x0;
	_ =	strace $0x90000047  }
0x5c: {  	s0 =	sadd.s32 @!p0 $0x100000, s0;
	[bflag:$0x2] =	sbarrier.arrive $0xFFFF  }
0x5d: {  	[sflag:s0] =	ssyncadd.tile.s32 @!p0 $0x1;
	_ =	shalt  }
.Lfunc_end2:
_tile_overlayer_lowered:
.L_overlay_start_2:
0x5e: {  	(tag) =	ssettag $0x2  }
0x5f: {  	s0 =	rddreg [dreg:$0x0];
	s2 =	stileid.u32  }
0x60: {  	s1 =	rddreg [dreg:$0x1];
	p0 =	sne.s32 s2, $0x0  }
0x61: {  	s3 =	rddreg [dreg:$0x2];
	[bflag:$0x3] =	sbarrier.arrive $0xFFFF;
	s2 =	simm.s32 @!p0 $0x1C01  }
0x62: {  	[timem:s3], [sflag:s2] =	dma.local @!p0 [hbm:s0], s1  }
0x63: {  	s0 =	simm.s32 @!p0 $0x1  }
0x64: {  	_ =	swait.ge @!p0 [sflag:s0], s1  }
0x65: {  	s1 =	ssub.s32 @!p0 $0x0, s1;
	[sflag:s0] =	ssyncset.done @!p0 $0x0  }
0x66: {  	[sflag:s0] =	ssyncadd.s32 @!p0 s1  }
0x67: {  	[bflag:$0x3] =	sbarrier.arrive $0xFFFF  }
0x68: {  	_ =	shalt  }

</sc_bundles>
